<compile_context>
chip_gen: v7x
topology: tpu7x:2x2x1
jax: 0.10.2.dev20260603
libtpu: 0.0.44.dev20260713+nightly
codegen_flags: <defaults>
</compile_context>

<pallas_src>
import functools

import jax
import jax.numpy as jnp
from jax import lax
from jax.experimental import pallas as pl
from jax.experimental.pallas import tpu as pltpu
from jax.experimental.pallas import tpu_sc as plsc

NUM_ITEMS = 1000000
LATENT_DIM = 16
BATCH = 16384
HIST = 50

NC = 2
NS = 16
NW = NC * NS

TOTAL = BATCH * HIST
PER_W = TOTAL // NW
G = 128
CHUNK = 1024
GROUPS_PER_CHUNK = CHUNK // G
CHUNKS_PER_W = PER_W // CHUNK
GROUPS_PER_W = PER_W // G

BT = 16384
GB_PER_H = BATCH // G


def _tin_body(t_ref, o_ref):
  o_ref[...] = jnp.swapaxes(t_ref[...], 0, 1)


def _tc_transpose_in(table_t):
  grid = (pl.cdiv(NUM_ITEMS, BT),)
  return pl.pallas_call(
      _tin_body,
      grid=grid,
      in_specs=[pl.BlockSpec((LATENT_DIM, BT), lambda i: (0, i))],
      out_specs=pl.BlockSpec((BT, LATENT_DIM), lambda i: (i, 0)),
      out_shape=jax.ShapeDtypeStruct((NUM_ITEMS, LATENT_DIM), jnp.float32),
  )(table_t)


def _sc_gather(idx2d, table):
  mesh = plsc.VectorSubcoreMesh(core_axis_name="c", subcore_axis_name="s")

  @functools.partial(
      pl.kernel,
      out_type=jax.ShapeDtypeStruct((TOTAL * LATENT_DIM,), jnp.float32),
      mesh=mesh,
      compiler_params=pltpu.CompilerParams(
          use_tc_tiling_on_sc=False, needs_layout_passes=False),
      scratch_types=[
          pltpu.VMEM((GROUPS_PER_CHUNK, G), jnp.int32),
          pltpu.VMEM((CHUNK, LATENT_DIM), jnp.float32),
          pltpu.VMEM((CHUNK * LATENT_DIM,), jnp.float32),
          pltpu.SemaphoreType.DMA,
      ],
  )
  def k(idx_hbm, t_hbm, out_hbm, idx_v, buf, buft, sem):
    wid = lax.axis_index("s") * NC + lax.axis_index("c")
    wgbase = wid * GROUPS_PER_W
    wrbase = wid * PER_W
    ar16 = jnp.arange(LATENT_DIM, dtype=jnp.int32)

    def body(kk, carry):
      gbase = wgbase + kk * GROUPS_PER_CHUNK
      rbase = wrbase + kk * CHUNK
      pltpu.sync_copy(idx_hbm.at[pl.ds(gbase, GROUPS_PER_CHUNK)], idx_v)
      waits = []
      for j in range(GROUPS_PER_CHUNK):
        waits.append(
            pltpu.async_copy(t_hbm.at[idx_v.at[j]],
                             buf.at[pl.ds(j * G, G)], sem))
      for w in waits:
        w.wait()

      def tbody(g, carry2):
        rows0 = g * G
        base_g = g * G * LATENT_DIM
        rsels = [rows0 + j0 * LATENT_DIM + ar16
                 for j0 in range(G // LATENT_DIM)]
        for d in range(LATENT_DIM):
          dcol = jnp.full((LATENT_DIM,), d, dtype=jnp.int32)
          base_out = base_g + d * G
          for j0 in range(G // LATENT_DIM):
            v = plsc.load_gather(buf, [rsels[j0], dcol])
            buft[pl.ds(base_out + j0 * LATENT_DIM, LATENT_DIM)] = v
        return carry2

      lax.fori_loop(0, GROUPS_PER_CHUNK, tbody, 0)

      pltpu.sync_copy(buft,
                      out_hbm.at[pl.ds(rbase * LATENT_DIM,
                                       CHUNK * LATENT_DIM)])
      return carry

    lax.fori_loop(0, CHUNKS_PER_W, body, 0)

  return k(idx2d, table)


def _tout_body(gp_ref, gc_ref, w_ref, b_ref, op_ref, oc_ref, r_ref):
  p3 = gp_ref[...].reshape(GB_PER_H, LATENT_DIM, G)
  c3 = gc_ref[...].reshape(GB_PER_H, LATENT_DIM, G)
  op_ref[...] = jnp.transpose(p3, (1, 0, 2)).reshape(LATENT_DIM, BATCH)
  oc_ref[...] = jnp.transpose(c3, (1, 0, 2)).reshape(LATENT_DIM, BATCH)
  s3 = p3 + c3
  acc = jnp.zeros((GB_PER_H, G), dtype=jnp.float32)
  w = w_ref[...]
  for d in range(LATENT_DIM):
    acc = acc + s3[:, d, :] * w[0, d]
  r_ref[...] = jax.nn.sigmoid(acc + b_ref[0, 0]).reshape(1, GB_PER_H, G)


def _tc_transpose_out(gp2, gc2, w_t, b11):
  grid = (HIST,)
  return pl.pallas_call(
      _tout_body,
      grid=grid,
      in_specs=[
          pl.BlockSpec((GB_PER_H, LATENT_DIM * G), lambda h: (h, 0)),
          pl.BlockSpec((GB_PER_H, LATENT_DIM * G), lambda h: (h, 0)),
          pl.BlockSpec((1, LATENT_DIM), lambda h: (0, 0)),
          pl.BlockSpec((1, 1), lambda h: (0, 0)),
      ],
      out_specs=[
          pl.BlockSpec((LATENT_DIM, BATCH), lambda h: (h, 0)),
          pl.BlockSpec((LATENT_DIM, BATCH), lambda h: (h, 0)),
          pl.BlockSpec((1, GB_PER_H, G), lambda h: (h, 0, 0)),
      ],
      out_shape=[
          jax.ShapeDtypeStruct((HIST * LATENT_DIM, BATCH), jnp.float32),
          jax.ShapeDtypeStruct((HIST * LATENT_DIM, BATCH), jnp.float32),
          jax.ShapeDtypeStruct((HIST, GB_PER_H, G), jnp.float32),
      ],
  )(gp2, gc2, w_t, b11)


def kernel(item_indices, item_personality_table, item_commonality_table,
           affine_W, affine_b):
  idx2d = item_indices.astype(jnp.int32).T.reshape(TOTAL // G, G)
  gp_f = _sc_gather(idx2d, item_personality_table)
  gc_f = _sc_gather(idx2d, item_commonality_table)
  gp2 = gp_f.reshape(TOTAL // G, LATENT_DIM * G)
  gc2 = gc_f.reshape(TOTAL // G, LATENT_DIM * G)
  gp_t, gc_t, rating_h = _tc_transpose_out(
      gp2, gc2, affine_W.T, affine_b.reshape(1, 1))
  rating = rating_h.reshape(HIST, 1, BATCH).transpose(2, 0, 1)
  gp = gp_t.reshape(HIST, LATENT_DIM, BATCH).transpose(2, 0, 1)
  gc = gc_t.reshape(HIST, LATENT_DIM, BATCH).transpose(2, 0, 1)
  return (rating, gp, gc)

# --- scband reference (transcript-rebuilt; emitter-appended) ---
"""Pipeline reference for scband-fed-rap-36163624632719 (READ-ONLY COPY).

The authoritative reference and input builder live on the scoring server;
editing this copy changes nothing except your own understanding.
"""

import jax, jax.numpy as jnp
import numpy as np

NUM_ITEMS = 1000000
LATENT_DIM = 16
BATCH = 16384
HIST = 50


def setup_inputs(seed: int = 0) -> dict:
    key = jax.random.key(seed)
    k1, k2, k3, k4 = jax.random.split(key, 4)
    item_indices = jax.random.randint(k1, (BATCH, HIST), 0, NUM_ITEMS)
    item_personality_table = jax.random.normal(k2, (NUM_ITEMS, LATENT_DIM), dtype=jnp.float32)
    item_commonality_table = jax.random.normal(k3, (NUM_ITEMS, LATENT_DIM), dtype=jnp.float32)
    affine_W = jax.random.normal(k4, (LATENT_DIM, 1), dtype=jnp.float32) * 0.1
    affine_b = jnp.zeros((1,), dtype=jnp.float32)
    return {
        "item_indices": item_indices,
        "item_personality_table": item_personality_table,
        "item_commonality_table": item_commonality_table,
        "affine_W": affine_W,
        "affine_b": affine_b,
    }


def reference(item_indices, item_personality_table, item_commonality_table, affine_W, affine_b):
    # Embedding lookups (gather)
    item_personality = jnp.take(item_personality_table, item_indices, axis=0)
    item_commonality = jnp.take(item_commonality_table, item_indices, axis=0)
    # affine_output: Linear(latent_dim -> 1)
    pred = (item_personality + item_commonality) @ affine_W + affine_b
    rating = jax.nn.sigmoid(pred)
    return (rating, item_personality, item_commonality)

if __name__ == "__main__":
    import jax
    _d = setup_inputs()
    print(jax.jit(kernel)(*tuple(_d.values())))

</pallas_src>

<mosaic_0001>
#map = affine_map<(d0, d1) -> (0, 0)>
#map1 = affine_map<(d0, d1) -> (0)>
module attributes {stable_mosaic.version = 14 : i64} {
  func.func @k(%arg0: i32, %arg1: i32, %arg2: memref<6400x128xi32, #tpu.memory_space<hbm>>, %arg3: memref<1000000x16xf32, #tpu.memory_space<hbm>>, %arg4: memref<13107200xf32, #tpu.memory_space<hbm>>, %arg5: memref<8x128xi32, #tpu.memory_space<vmem>>, %arg6: memref<1024x16xf32, #tpu.memory_space<vmem>>, %arg7: memref<16384xf32, #tpu.memory_space<vmem>>, %arg8: memref<!tpu.dma_semaphore, #tpu.memory_space<semaphore_mem>>) attributes {dimension_semantics = [#tpu.dimension_semantics<core_parallel>, #tpu.dimension_semantics<subcore_parallel>], iteration_bounds = array<i64: 2, 16>, scalar_prefetch = 0 : i64, scratch_operands = 4 : i64, tpu.core_type = #tpu.core_type<sc_vector_subcore>, window_params = [{transform_indices = #map}, {transform_indices = #map}, {transform_indices = #map1}]} {
    %mul3A = arith.constant 2 : i32
    %mul3A_0 = arith.muli %arg1, %mul3A : i32
    %add3A = arith.addi %mul3A_0, %arg0 : i32
    %mul3A_1 = arith.constant 200 : i32
    %mul3A_2 = arith.muli %add3A, %mul3A_1 : i32
    %mul3A_3 = arith.constant 25600 : i32
    %mul3A_4 = arith.muli %add3A, %mul3A_3 : i32
    %iota3A = tpu.iota {dimensions = array<i32: 0>} : vector<16xi32>
    %scan3A = arith.constant 0 : i32
    %scan3A_5 = arith.constant 0 : i32
    %scan3A_6 = arith.constant 25 : i32
    %scan3A_7 = arith.addi %scan3A_5, %scan3A_6 : i32
    %scan3A_8 = arith.constant 1 : i32
    scf.for %scan3A_10 = %scan3A_5 to %scan3A_7 step %scan3A_8  : i32 {
      %mul3A_11 = arith.constant 8 : i32
      %mul3A_12 = arith.muli %scan3A_10, %mul3A_11 : i32
      %add3A_13 = arith.addi %mul3A_2, %mul3A_12 : i32
      %mul3A_14 = arith.constant 1024 : i32
      %mul3A_15 = arith.muli %scan3A_10, %mul3A_14 : i32
      %add3A_16 = arith.addi %mul3A_4, %mul3A_15 : i32
      "tpu.region"() ({
        %run_scoped3A = tpu.sem_alloc : memref<!tpu.dma_semaphore, #tpu.memory_space<semaphore_mem>>
        %dma_start3A_183 = arith.constant 0 : i32
        %dma_start3A_184 = tpu.memref_slice %arg2[%add3A_13, %dma_start3A_183] : memref<6400x128xi32, #tpu.memory_space<hbm>> -> memref<8x128xi32, #tpu.memory_space<hbm>>
        %dma_start3A_185 = arith.constant 0 : i32
        %dma_start3A_186 = tpu.memref_slice %arg2[%add3A_13, %dma_start3A_185] : memref<6400x128xi32, #tpu.memory_space<hbm>> -> memref<8x128xi32, #tpu.memory_space<hbm>>
        tpu.enqueue_dma source(%dma_start3A_186 : memref<8x128xi32, #tpu.memory_space<hbm>>) target(%arg5 : memref<8x128xi32, #tpu.memory_space<vmem>>) target_semaphore(%run_scoped3A : memref<!tpu.dma_semaphore, #tpu.memory_space<semaphore_mem>>)
        %dma_wait3A_187 = arith.constant 0 : i32
        %dma_wait3A_188 = tpu.memref_slice %arg2[%add3A_13, %dma_wait3A_187] : memref<6400x128xi32, #tpu.memory_space<hbm>> -> memref<8x128xi32, #tpu.memory_space<hbm>>
        %dma_wait3A_189 = arith.constant 0 : i32
        %dma_wait3A_190 = tpu.memref_slice %arg2[%add3A_13, %dma_wait3A_189] : memref<6400x128xi32, #tpu.memory_space<hbm>> -> memref<8x128xi32, #tpu.memory_space<hbm>>
        tpu.wait_dma2 semaphore(%run_scoped3A : memref<!tpu.dma_semaphore, #tpu.memory_space<semaphore_mem>>) src(%dma_wait3A_190 : memref<8x128xi32, #tpu.memory_space<hbm>>) dst(%arg5 : memref<8x128xi32, #tpu.memory_space<vmem>>)
        tpu.yield
      }) : () -> ()
      %dma_start3A = arith.constant 0 : i32
      %dma_start3A_17 = arith.constant 0 : i32
      %dma_start3A_18 = arith.constant 0 : i32
      %dma_start3A_19 = tpu.memref_slice %arg6[%dma_start3A_17, %dma_start3A_18] : memref<1024x16xf32, #tpu.memory_space<vmem>> -> memref<128x16xf32, #tpu.memory_space<vmem>>
      %dma_start3A_20 = arith.constant 0 : i32
      %dma_start3A_21 = tpu.memref_slice %arg5[%dma_start3A, %dma_start3A_20] : memref<8x128xi32, #tpu.memory_space<vmem>> -> memref<1x128xi32, #tpu.memory_space<vmem>>
      %dma_start3A_22 = tpu.memref_squeeze %dma_start3A_21 : memref<1x128xi32, #tpu.memory_space<vmem>> -> memref<128xi32, #tpu.memory_space<vmem>>
      %dma_start3A_23 = arith.constant 0 : i32
      %dma_start3A_24 = arith.constant 0 : i32
      %dma_start3A_25 = tpu.memref_slice %arg3[%dma_start3A_23, %dma_start3A_24] : memref<1000000x16xf32, #tpu.memory_space<hbm>> -> memref<1000000x16xf32, #tpu.memory_space<hbm>>
      tpu.enqueue_indirect_dma source(%dma_start3A_25 : memref<1000000x16xf32, #tpu.memory_space<hbm>>) target(%dma_start3A_19 : memref<128x16xf32, #tpu.memory_space<vmem>>) offsets(%dma_start3A_22 : memref<128xi32, #tpu.memory_space<vmem>>) semaphore(%arg8 : memref<!tpu.dma_semaphore, #tpu.memory_space<semaphore_mem>>)
      %dma_start3A_26 = arith.constant 1 : i32
      %dma_start3A_27 = arith.constant 128 : i32
      %dma_start3A_28 = arith.constant 0 : i32
      %dma_start3A_29 = tpu.memref_slice %arg6[%dma_start3A_27, %dma_start3A_28] : memref<1024x16xf32, #tpu.memory_space<vmem>> -> memref<128x16xf32, #tpu.memory_space<vmem>>
      %dma_start3A_30 = arith.constant 0 : i32
      %dma_start3A_31 = tpu.memref_slice %arg5[%dma_start3A_26, %dma_start3A_30] : memref<8x128xi32, #tpu.memory_space<vmem>> -> memref<1x128xi32, #tpu.memory_space<vmem>>
      %dma_start3A_32 = tpu.memref_squeeze %dma_start3A_31 : memref<1x128xi32, #tpu.memory_space<vmem>> -> memref<128xi32, #tpu.memory_space<vmem>>
      %dma_start3A_33 = arith.constant 0 : i32
      %dma_start3A_34 = arith.constant 0 : i32
      %dma_start3A_35 = tpu.memref_slice %arg3[%dma_start3A_33, %dma_start3A_34] : memref<1000000x16xf32, #tpu.memory_space<hbm>> -> memref<1000000x16xf32, #tpu.memory_space<hbm>>
      tpu.enqueue_indirect_dma source(%dma_start3A_35 : memref<1000000x16xf32, #tpu.memory_space<hbm>>) target(%dma_start3A_29 : memref<128x16xf32, #tpu.memory_space<vmem>>) offsets(%dma_start3A_32 : memref<128xi32, #tpu.memory_space<vmem>>) semaphore(%arg8 : memref<!tpu.dma_semaphore, #tpu.memory_space<semaphore_mem>>)
      %dma_start3A_36 = arith.constant 2 : i32
      %dma_start3A_37 = arith.constant 256 : i32
      %dma_start3A_38 = arith.constant 0 : i32
      %dma_start3A_39 = tpu.memref_slice %arg6[%dma_start3A_37, %dma_start3A_38] : memref<1024x16xf32, #tpu.memory_space<vmem>> -> memref<128x16xf32, #tpu.memory_space<vmem>>
      %dma_start3A_40 = arith.constant 0 : i32
      %dma_start3A_41 = tpu.memref_slice %arg5[%dma_start3A_36, %dma_start3A_40] : memref<8x128xi32, #tpu.memory_space<vmem>> -> memref<1x128xi32, #tpu.memory_space<vmem>>
      %dma_start3A_42 = tpu.memref_squeeze %dma_start3A_41 : memref<1x128xi32, #tpu.memory_space<vmem>> -> memref<128xi32, #tpu.memory_space<vmem>>
      %dma_start3A_43 = arith.constant 0 : i32
      %dma_start3A_44 = arith.constant 0 : i32
      %dma_start3A_45 = tpu.memref_slice %arg3[%dma_start3A_43, %dma_start3A_44] : memref<1000000x16xf32, #tpu.memory_space<hbm>> -> memref<1000000x16xf32, #tpu.memory_space<hbm>>
      tpu.enqueue_indirect_dma source(%dma_start3A_45 : memref<1000000x16xf32, #tpu.memory_space<hbm>>) target(%dma_start3A_39 : memref<128x16xf32, #tpu.memory_space<vmem>>) offsets(%dma_start3A_42 : memref<128xi32, #tpu.memory_space<vmem>>) semaphore(%arg8 : memref<!tpu.dma_semaphore, #tpu.memory_space<semaphore_mem>>)
      %dma_start3A_46 = arith.constant 3 : i32
      %dma_start3A_47 = arith.constant 384 : i32
      %dma_start3A_48 = arith.constant 0 : i32
      %dma_start3A_49 = tpu.memref_slice %arg6[%dma_start3A_47, %dma_start3A_48] : memref<1024x16xf32, #tpu.memory_space<vmem>> -> memref<128x16xf32, #tpu.memory_space<vmem>>
      %dma_start3A_50 = arith.constant 0 : i32
      %dma_start3A_51 = tpu.memref_slice %arg5[%dma_start3A_46, %dma_start3A_50] : memref<8x128xi32, #tpu.memory_space<vmem>> -> memref<1x128xi32, #tpu.memory_space<vmem>>
      %dma_start3A_52 = tpu.memref_squeeze %dma_start3A_51 : memref<1x128xi32, #tpu.memory_space<vmem>> -> memref<128xi32, #tpu.memory_space<vmem>>
      %dma_start3A_53 = arith.constant 0 : i32
      %dma_start3A_54 = arith.constant 0 : i32
      %dma_start3A_55 = tpu.memref_slice %arg3[%dma_start3A_53, %dma_start3A_54] : memref<1000000x16xf32, #tpu.memory_space<hbm>> -> memref<1000000x16xf32, #tpu.memory_space<hbm>>
      tpu.enqueue_indirect_dma source(%dma_start3A_55 : memref<1000000x16xf32, #tpu.memory_space<hbm>>) target(%dma_start3A_49 : memref<128x16xf32, #tpu.memory_space<vmem>>) offsets(%dma_start3A_52 : memref<128xi32, #tpu.memory_space<vmem>>) semaphore(%arg8 : memref<!tpu.dma_semaphore, #tpu.memory_space<semaphore_mem>>)
      %dma_start3A_56 = arith.constant 4 : i32
      %dma_start3A_57 = arith.constant 512 : i32
      %dma_start3A_58 = arith.constant 0 : i32
      %dma_start3A_59 = tpu.memref_slice %arg6[%dma_start3A_57, %dma_start3A_58] : memref<1024x16xf32, #tpu.memory_space<vmem>> -> memref<128x16xf32, #tpu.memory_space<vmem>>
      %dma_start3A_60 = arith.constant 0 : i32
      %dma_start3A_61 = tpu.memref_slice %arg5[%dma_start3A_56, %dma_start3A_60] : memref<8x128xi32, #tpu.memory_space<vmem>> -> memref<1x128xi32, #tpu.memory_space<vmem>>
      %dma_start3A_62 = tpu.memref_squeeze %dma_start3A_61 : memref<1x128xi32, #tpu.memory_space<vmem>> -> memref<128xi32, #tpu.memory_space<vmem>>
      %dma_start3A_63 = arith.constant 0 : i32
      %dma_start3A_64 = arith.constant 0 : i32
      %dma_start3A_65 = tpu.memref_slice %arg3[%dma_start3A_63, %dma_start3A_64] : memref<1000000x16xf32, #tpu.memory_space<hbm>> -> memref<1000000x16xf32, #tpu.memory_space<hbm>>
      tpu.enqueue_indirect_dma source(%dma_start3A_65 : memref<1000000x16xf32, #tpu.memory_space<hbm>>) target(%dma_start3A_59 : memref<128x16xf32, #tpu.memory_space<vmem>>) offsets(%dma_start3A_62 : memref<128xi32, #tpu.memory_space<vmem>>) semaphore(%arg8 : memref<!tpu.dma_semaphore, #tpu.memory_space<semaphore_mem>>)
      %dma_start3A_66 = arith.constant 5 : i32
      %dma_start3A_67 = arith.constant 640 : i32
      %dma_start3A_68 = arith.constant 0 : i32
      %dma_start3A_69 = tpu.memref_slice %arg6[%dma_start3A_67, %dma_start3A_68] : memref<1024x16xf32, #tpu.memory_space<vmem>> -> memref<128x16xf32, #tpu.memory_space<vmem>>
      %dma_start3A_70 = arith.constant 0 : i32
      %dma_start3A_71 = tpu.memref_slice %arg5[%dma_start3A_66, %dma_start3A_70] : memref<8x128xi32, #tpu.memory_space<vmem>> -> memref<1x128xi32, #tpu.memory_space<vmem>>
      %dma_start3A_72 = tpu.memref_squeeze %dma_start3A_71 : memref<1x128xi32, #tpu.memory_space<vmem>> -> memref<128xi32, #tpu.memory_space<vmem>>
      %dma_start3A_73 = arith.constant 0 : i32
      %dma_start3A_74 = arith.constant 0 : i32
      %dma_start3A_75 = tpu.memref_slice %arg3[%dma_start3A_73, %dma_start3A_74] : memref<1000000x16xf32, #tpu.memory_space<hbm>> -> memref<1000000x16xf32, #tpu.memory_space<hbm>>
      tpu.enqueue_indirect_dma source(%dma_start3A_75 : memref<1000000x16xf32, #tpu.memory_space<hbm>>) target(%dma_start3A_69 : memref<128x16xf32, #tpu.memory_space<vmem>>) offsets(%dma_start3A_72 : memref<128xi32, #tpu.memory_space<vmem>>) semaphore(%arg8 : memref<!tpu.dma_semaphore, #tpu.memory_space<semaphore_mem>>)
      %dma_start3A_76 = arith.constant 6 : i32
      %dma_start3A_77 = arith.constant 768 : i32
      %dma_start3A_78 = arith.constant 0 : i32
      %dma_start3A_79 = tpu.memref_slice %arg6[%dma_start3A_77, %dma_start3A_78] : memref<1024x16xf32, #tpu.memory_space<vmem>> -> memref<128x16xf32, #tpu.memory_space<vmem>>
      %dma_start3A_80 = arith.constant 0 : i32
      %dma_start3A_81 = tpu.memref_slice %arg5[%dma_start3A_76, %dma_start3A_80] : memref<8x128xi32, #tpu.memory_space<vmem>> -> memref<1x128xi32, #tpu.memory_space<vmem>>
      %dma_start3A_82 = tpu.memref_squeeze %dma_start3A_81 : memref<1x128xi32, #tpu.memory_space<vmem>> -> memref<128xi32, #tpu.memory_space<vmem>>
      %dma_start3A_83 = arith.constant 0 : i32
      %dma_start3A_84 = arith.constant 0 : i32
      %dma_start3A_85 = tpu.memref_slice %arg3[%dma_start3A_83, %dma_start3A_84] : memref<1000000x16xf32, #tpu.memory_space<hbm>> -> memref<1000000x16xf32, #tpu.memory_space<hbm>>
      tpu.enqueue_indirect_dma source(%dma_start3A_85 : memref<1000000x16xf32, #tpu.memory_space<hbm>>) target(%dma_start3A_79 : memref<128x16xf32, #tpu.memory_space<vmem>>) offsets(%dma_start3A_82 : memref<128xi32, #tpu.memory_space<vmem>>) semaphore(%arg8 : memref<!tpu.dma_semaphore, #tpu.memory_space<semaphore_mem>>)
      %dma_start3A_86 = arith.constant 7 : i32
      %dma_start3A_87 = arith.constant 896 : i32
      %dma_start3A_88 = arith.constant 0 : i32
      %dma_start3A_89 = tpu.memref_slice %arg6[%dma_start3A_87, %dma_start3A_88] : memref<1024x16xf32, #tpu.memory_space<vmem>> -> memref<128x16xf32, #tpu.memory_space<vmem>>
      %dma_start3A_90 = arith.constant 0 : i32
      %dma_start3A_91 = tpu.memref_slice %arg5[%dma_start3A_86, %dma_start3A_90] : memref<8x128xi32, #tpu.memory_space<vmem>> -> memref<1x128xi32, #tpu.memory_space<vmem>>
      %dma_start3A_92 = tpu.memref_squeeze %dma_start3A_91 : memref<1x128xi32, #tpu.memory_space<vmem>> -> memref<128xi32, #tpu.memory_space<vmem>>
      %dma_start3A_93 = arith.constant 0 : i32
      %dma_start3A_94 = arith.constant 0 : i32
      %dma_start3A_95 = tpu.memref_slice %arg3[%dma_start3A_93, %dma_start3A_94] : memref<1000000x16xf32, #tpu.memory_space<hbm>> -> memref<1000000x16xf32, #tpu.memory_space<hbm>>
      tpu.enqueue_indirect_dma source(%dma_start3A_95 : memref<1000000x16xf32, #tpu.memory_space<hbm>>) target(%dma_start3A_89 : memref<128x16xf32, #tpu.memory_space<vmem>>) offsets(%dma_start3A_92 : memref<128xi32, #tpu.memory_space<vmem>>) semaphore(%arg8 : memref<!tpu.dma_semaphore, #tpu.memory_space<semaphore_mem>>)
      %dma_wait3A = arith.constant 0 : i32
      %dma_wait3A_96 = arith.constant 0 : i32
      %dma_wait3A_97 = arith.constant 0 : i32
      %dma_wait3A_98 = tpu.memref_slice %arg6[%dma_wait3A_96, %dma_wait3A_97] : memref<1024x16xf32, #tpu.memory_space<vmem>> -> memref<128x16xf32, #tpu.memory_space<vmem>>
      %dma_wait3A_99 = arith.constant 0 : i32
      %dma_wait3A_100 = tpu.memref_slice %arg5[%dma_wait3A, %dma_wait3A_99] : memref<8x128xi32, #tpu.memory_space<vmem>> -> memref<1x128xi32, #tpu.memory_space<vmem>>
      %dma_wait3A_101 = tpu.memref_squeeze %dma_wait3A_100 : memref<1x128xi32, #tpu.memory_space<vmem>> -> memref<128xi32, #tpu.memory_space<vmem>>
      %dma_wait3A_102 = arith.constant 0 : i32
      %dma_wait3A_103 = arith.constant 0 : i32
      %dma_wait3A_104 = tpu.memref_slice %arg3[%dma_wait3A_102, %dma_wait3A_103] : memref<1000000x16xf32, #tpu.memory_space<hbm>> -> memref<1000000x16xf32, #tpu.memory_space<hbm>>
      tpu.wait_indirect_dma semaphore(%arg8 : memref<!tpu.dma_semaphore, #tpu.memory_space<semaphore_mem>>) src(%dma_wait3A_104 : memref<1000000x16xf32, #tpu.memory_space<hbm>>) dst(%dma_wait3A_98 : memref<128x16xf32, #tpu.memory_space<vmem>>)
      %dma_wait3A_105 = arith.constant 1 : i32
      %dma_wait3A_106 = arith.constant 128 : i32
      %dma_wait3A_107 = arith.constant 0 : i32
      %dma_wait3A_108 = tpu.memref_slice %arg6[%dma_wait3A_106, %dma_wait3A_107] : memref<1024x16xf32, #tpu.memory_space<vmem>> -> memref<128x16xf32, #tpu.memory_space<vmem>>
      %dma_wait3A_109 = arith.constant 0 : i32
      %dma_wait3A_110 = tpu.memref_slice %arg5[%dma_wait3A_105, %dma_wait3A_109] : memref<8x128xi32, #tpu.memory_space<vmem>> -> memref<1x128xi32, #tpu.memory_space<vmem>>
      %dma_wait3A_111 = tpu.memref_squeeze %dma_wait3A_110 : memref<1x128xi32, #tpu.memory_space<vmem>> -> memref<128xi32, #tpu.memory_space<vmem>>
      %dma_wait3A_112 = arith.constant 0 : i32
      %dma_wait3A_113 = arith.constant 0 : i32
      %dma_wait3A_114 = tpu.memref_slice %arg3[%dma_wait3A_112, %dma_wait3A_113] : memref<1000000x16xf32, #tpu.memory_space<hbm>> -> memref<1000000x16xf32, #tpu.memory_space<hbm>>
      tpu.wait_indirect_dma semaphore(%arg8 : memref<!tpu.dma_semaphore, #tpu.memory_space<semaphore_mem>>) src(%dma_wait3A_114 : memref<1000000x16xf32, #tpu.memory_space<hbm>>) dst(%dma_wait3A_108 : memref<128x16xf32, #tpu.memory_space<vmem>>)
      %dma_wait3A_115 = arith.constant 2 : i32
      %dma_wait3A_116 = arith.constant 256 : i32
      %dma_wait3A_117 = arith.constant 0 : i32
      %dma_wait3A_118 = tpu.memref_slice %arg6[%dma_wait3A_116, %dma_wait3A_117] : memref<1024x16xf32, #tpu.memory_space<vmem>> -> memref<128x16xf32, #tpu.memory_space<vmem>>
      %dma_wait3A_119 = arith.constant 0 : i32
      %dma_wait3A_120 = tpu.memref_slice %arg5[%dma_wait3A_115, %dma_wait3A_119] : memref<8x128xi32, #tpu.memory_space<vmem>> -> memref<1x128xi32, #tpu.memory_space<vmem>>
      %dma_wait3A_121 = tpu.memref_squeeze %dma_wait3A_120 : memref<1x128xi32, #tpu.memory_space<vmem>> -> memref<128xi32, #tpu.memory_space<vmem>>
      %dma_wait3A_122 = arith.constant 0 : i32
      %dma_wait3A_123 = arith.constant 0 : i32
      %dma_wait3A_124 = tpu.memref_slice %arg3[%dma_wait3A_122, %dma_wait3A_123] : memref<1000000x16xf32, #tpu.memory_space<hbm>> -> memref<1000000x16xf32, #tpu.memory_space<hbm>>
      tpu.wait_indirect_dma semaphore(%arg8 : memref<!tpu.dma_semaphore, #tpu.memory_space<semaphore_mem>>) src(%dma_wait3A_124 : memref<1000000x16xf32, #tpu.memory_space<hbm>>) dst(%dma_wait3A_118 : memref<128x16xf32, #tpu.memory_space<vmem>>)
      %dma_wait3A_125 = arith.constant 3 : i32
      %dma_wait3A_126 = arith.constant 384 : i32
      %dma_wait3A_127 = arith.constant 0 : i32
      %dma_wait3A_128 = tpu.memref_slice %arg6[%dma_wait3A_126, %dma_wait3A_127] : memref<1024x16xf32, #tpu.memory_space<vmem>> -> memref<128x16xf32, #tpu.memory_space<vmem>>
      %dma_wait3A_129 = arith.constant 0 : i32
      %dma_wait3A_130 = tpu.memref_slice %arg5[%dma_wait3A_125, %dma_wait3A_129] : memref<8x128xi32, #tpu.memory_space<vmem>> -> memref<1x128xi32, #tpu.memory_space<vmem>>
      %dma_wait3A_131 = tpu.memref_squeeze %dma_wait3A_130 : memref<1x128xi32, #tpu.memory_space<vmem>> -> memref<128xi32, #tpu.memory_space<vmem>>
      %dma_wait3A_132 = arith.constant 0 : i32
      %dma_wait3A_133 = arith.constant 0 : i32
      %dma_wait3A_134 = tpu.memref_slice %arg3[%dma_wait3A_132, %dma_wait3A_133] : memref<1000000x16xf32, #tpu.memory_space<hbm>> -> memref<1000000x16xf32, #tpu.memory_space<hbm>>
      tpu.wait_indirect_dma semaphore(%arg8 : memref<!tpu.dma_semaphore, #tpu.memory_space<semaphore_mem>>) src(%dma_wait3A_134 : memref<1000000x16xf32, #tpu.memory_space<hbm>>) dst(%dma_wait3A_128 : memref<128x16xf32, #tpu.memory_space<vmem>>)
      %dma_wait3A_135 = arith.constant 4 : i32
      %dma_wait3A_136 = arith.constant 512 : i32
      %dma_wait3A_137 = arith.constant 0 : i32
      %dma_wait3A_138 = tpu.memref_slice %arg6[%dma_wait3A_136, %dma_wait3A_137] : memref<1024x16xf32, #tpu.memory_space<vmem>> -> memref<128x16xf32, #tpu.memory_space<vmem>>
      %dma_wait3A_139 = arith.constant 0 : i32
      %dma_wait3A_140 = tpu.memref_slice %arg5[%dma_wait3A_135, %dma_wait3A_139] : memref<8x128xi32, #tpu.memory_space<vmem>> -> memref<1x128xi32, #tpu.memory_space<vmem>>
      %dma_wait3A_141 = tpu.memref_squeeze %dma_wait3A_140 : memref<1x128xi32, #tpu.memory_space<vmem>> -> memref<128xi32, #tpu.memory_space<vmem>>
      %dma_wait3A_142 = arith.constant 0 : i32
      %dma_wait3A_143 = arith.constant 0 : i32
      %dma_wait3A_144 = tpu.memref_slice %arg3[%dma_wait3A_142, %dma_wait3A_143] : memref<1000000x16xf32, #tpu.memory_space<hbm>> -> memref<1000000x16xf32, #tpu.memory_space<hbm>>
      tpu.wait_indirect_dma semaphore(%arg8 : memref<!tpu.dma_semaphore, #tpu.memory_space<semaphore_mem>>) src(%dma_wait3A_144 : memref<1000000x16xf32, #tpu.memory_space<hbm>>) dst(%dma_wait3A_138 : memref<128x16xf32, #tpu.memory_space<vmem>>)
      %dma_wait3A_145 = arith.constant 5 : i32
      %dma_wait3A_146 = arith.constant 640 : i32
      %dma_wait3A_147 = arith.constant 0 : i32
      %dma_wait3A_148 = tpu.memref_slice %arg6[%dma_wait3A_146, %dma_wait3A_147] : memref<1024x16xf32, #tpu.memory_space<vmem>> -> memref<128x16xf32, #tpu.memory_space<vmem>>
      %dma_wait3A_149 = arith.constant 0 : i32
      %dma_wait3A_150 = tpu.memref_slice %arg5[%dma_wait3A_145, %dma_wait3A_149] : memref<8x128xi32, #tpu.memory_space<vmem>> -> memref<1x128xi32, #tpu.memory_space<vmem>>
      %dma_wait3A_151 = tpu.memref_squeeze %dma_wait3A_150 : memref<1x128xi32, #tpu.memory_space<vmem>> -> memref<128xi32, #tpu.memory_space<vmem>>
      %dma_wait3A_152 = arith.constant 0 : i32
      %dma_wait3A_153 = arith.constant 0 : i32
      %dma_wait3A_154 = tpu.memref_slice %arg3[%dma_wait3A_152, %dma_wait3A_153] : memref<1000000x16xf32, #tpu.memory_space<hbm>> -> memref<1000000x16xf32, #tpu.memory_space<hbm>>
      tpu.wait_indirect_dma semaphore(%arg8 : memref<!tpu.dma_semaphore, #tpu.memory_space<semaphore_mem>>) src(%dma_wait3A_154 : memref<1000000x16xf32, #tpu.memory_space<hbm>>) dst(%dma_wait3A_148 : memref<128x16xf32, #tpu.memory_space<vmem>>)
      %dma_wait3A_155 = arith.constant 6 : i32
      %dma_wait3A_156 = arith.constant 768 : i32
      %dma_wait3A_157 = arith.constant 0 : i32
      %dma_wait3A_158 = tpu.memref_slice %arg6[%dma_wait3A_156, %dma_wait3A_157] : memref<1024x16xf32, #tpu.memory_space<vmem>> -> memref<128x16xf32, #tpu.memory_space<vmem>>
      %dma_wait3A_159 = arith.constant 0 : i32
      %dma_wait3A_160 = tpu.memref_slice %arg5[%dma_wait3A_155, %dma_wait3A_159] : memref<8x128xi32, #tpu.memory_space<vmem>> -> memref<1x128xi32, #tpu.memory_space<vmem>>
      %dma_wait3A_161 = tpu.memref_squeeze %dma_wait3A_160 : memref<1x128xi32, #tpu.memory_space<vmem>> -> memref<128xi32, #tpu.memory_space<vmem>>
      %dma_wait3A_162 = arith.constant 0 : i32
      %dma_wait3A_163 = arith.constant 0 : i32
      %dma_wait3A_164 = tpu.memref_slice %arg3[%dma_wait3A_162, %dma_wait3A_163] : memref<1000000x16xf32, #tpu.memory_space<hbm>> -> memref<1000000x16xf32, #tpu.memory_space<hbm>>
      tpu.wait_indirect_dma semaphore(%arg8 : memref<!tpu.dma_semaphore, #tpu.memory_space<semaphore_mem>>) src(%dma_wait3A_164 : memref<1000000x16xf32, #tpu.memory_space<hbm>>) dst(%dma_wait3A_158 : memref<128x16xf32, #tpu.memory_space<vmem>>)
      %dma_wait3A_165 = arith.constant 7 : i32
      %dma_wait3A_166 = arith.constant 896 : i32
      %dma_wait3A_167 = arith.constant 0 : i32
      %dma_wait3A_168 = tpu.memref_slice %arg6[%dma_wait3A_166, %dma_wait3A_167] : memref<1024x16xf32, #tpu.memory_space<vmem>> -> memref<128x16xf32, #tpu.memory_space<vmem>>
      %dma_wait3A_169 = arith.constant 0 : i32
      %dma_wait3A_170 = tpu.memref_slice %arg5[%dma_wait3A_165, %dma_wait3A_169] : memref<8x128xi32, #tpu.memory_space<vmem>> -> memref<1x128xi32, #tpu.memory_space<vmem>>
      %dma_wait3A_171 = tpu.memref_squeeze %dma_wait3A_170 : memref<1x128xi32, #tpu.memory_space<vmem>> -> memref<128xi32, #tpu.memory_space<vmem>>
      %dma_wait3A_172 = arith.constant 0 : i32
      %dma_wait3A_173 = arith.constant 0 : i32
      %dma_wait3A_174 = tpu.memref_slice %arg3[%dma_wait3A_172, %dma_wait3A_173] : memref<1000000x16xf32, #tpu.memory_space<hbm>> -> memref<1000000x16xf32, #tpu.memory_space<hbm>>
      tpu.wait_indirect_dma semaphore(%arg8 : memref<!tpu.dma_semaphore, #tpu.memory_space<semaphore_mem>>) src(%dma_wait3A_174 : memref<1000000x16xf32, #tpu.memory_space<hbm>>) dst(%dma_wait3A_168 : memref<128x16xf32, #tpu.memory_space<vmem>>)
      %scan3A_175 = arith.constant 0 : i32
      %scan3A_176 = arith.constant 0 : i32
      %scan3A_177 = arith.constant 8 : i32
      %scan3A_178 = arith.addi %scan3A_176, %scan3A_177 : i32
      %scan3A_179 = arith.constant 1 : i32
      scf.for %scan3A_183 = %scan3A_176 to %scan3A_178 step %scan3A_179  : i32 {
        %mul3A_184 = arith.constant 128 : i32
        %mul3A_185 = arith.muli %scan3A_183, %mul3A_184 : i32
        %mul3A_186 = arith.constant 128 : i32
        %mul3A_187 = arith.muli %scan3A_183, %mul3A_186 : i32
        %mul3A_188 = arith.constant 16 : i32
        %mul3A_189 = arith.muli %mul3A_187, %mul3A_188 : i32
        %add3A_190 = arith.constant 0 : i32
        %add3A_191 = arith.addi %mul3A_185, %add3A_190 : i32
        %add3A_192 = vector.broadcast %add3A_191 : i32 to vector<16xi32>
        %add3A_193 = arith.addi %add3A_192, %iota3A : vector<16xi32>
        %add3A_194 = arith.constant 16 : i32
        %add3A_195 = arith.addi %mul3A_185, %add3A_194 : i32
        %add3A_196 = vector.broadcast %add3A_195 : i32 to vector<16xi32>
        %add3A_197 = arith.addi %add3A_196, %iota3A : vector<16xi32>
        %add3A_198 = arith.constant 32 : i32
        %add3A_199 = arith.addi %mul3A_185, %add3A_198 : i32
        %add3A_200 = vector.broadcast %add3A_199 : i32 to vector<16xi32>
        %add3A_201 = arith.addi %add3A_200, %iota3A : vector<16xi32>
        %add3A_202 = arith.constant 48 : i32
        %add3A_203 = arith.addi %mul3A_185, %add3A_202 : i32
        %add3A_204 = vector.broadcast %add3A_203 : i32 to vector<16xi32>
        %add3A_205 = arith.addi %add3A_204, %iota3A : vector<16xi32>
        %add3A_206 = arith.constant 64 : i32
        %add3A_207 = arith.addi %mul3A_185, %add3A_206 : i32
        %add3A_208 = vector.broadcast %add3A_207 : i32 to vector<16xi32>
        %add3A_209 = arith.addi %add3A_208, %iota3A : vector<16xi32>
        %add3A_210 = arith.constant 80 : i32
        %add3A_211 = arith.addi %mul3A_185, %add3A_210 : i32
        %add3A_212 = vector.broadcast %add3A_211 : i32 to vector<16xi32>
        %add3A_213 = arith.addi %add3A_212, %iota3A : vector<16xi32>
        %add3A_214 = arith.constant 96 : i32
        %add3A_215 = arith.addi %mul3A_185, %add3A_214 : i32
        %add3A_216 = vector.broadcast %add3A_215 : i32 to vector<16xi32>
        %add3A_217 = arith.addi %add3A_216, %iota3A : vector<16xi32>
        %add3A_218 = arith.constant 112 : i32
        %add3A_219 = arith.addi %mul3A_185, %add3A_218 : i32
        %add3A_220 = vector.broadcast %add3A_219 : i32 to vector<16xi32>
        %add3A_221 = arith.addi %add3A_220, %iota3A : vector<16xi32>
        %broadcast_in_dim3A = arith.constant 0 : i32
        %broadcast_in_dim3A_222 = vector.broadcast %broadcast_in_dim3A : i32 to vector<16xi32>
        %add3A_223 = arith.constant 0 : i32
        %add3A_224 = arith.addi %mul3A_189, %add3A_223 : i32
        %gather3A = tpu.vector_load_idx %arg6[%add3A_193, %broadcast_in_dim3A_222] : memref<1024x16xf32, #tpu.memory_space<vmem>>[vector<16xi32>, vector<16xi32>], vector<16xf32>,
        %add3A_225 = arith.constant 0 : i32
        %add3A_226 = arith.addi %add3A_224, %add3A_225 : i32
        %swap3A = arith.index_cast %add3A_226 : i32 to index
        %swap3A_227 = tpu.vector_load %arg7[%swap3A] {strides = array<i32>} : memref<16384xf32, #tpu.memory_space<vmem>>, vector<16xf32>,
        tpu.vector_store %arg7[%swap3A], %gather3A {strides = array<i32>} : memref<16384xf32, #tpu.memory_space<vmem>>, vector<16xf32>,
        %gather3A_228 = tpu.vector_load_idx %arg6[%add3A_197, %broadcast_in_dim3A_222] : memref<1024x16xf32, #tpu.memory_space<vmem>>[vector<16xi32>, vector<16xi32>], vector<16xf32>,
        %add3A_229 = arith.constant 16 : i32
        %add3A_230 = arith.addi %add3A_224, %add3A_229 : i32
        %swap3A_231 = arith.index_cast %add3A_230 : i32 to index
        %swap3A_232 = tpu.vector_load %arg7[%swap3A_231] {strides = array<i32>} : memref<16384xf32, #tpu.memory_space<vmem>>, vector<16xf32>,
        tpu.vector_store %arg7[%swap3A_231], %gather3A_228 {strides = array<i32>} : memref<16384xf32, #tpu.memory_space<vmem>>, vector<16xf32>,
        %gather3A_233 = tpu.vector_load_idx %arg6[%add3A_201, %broadcast_in_dim3A_222] : memref<1024x16xf32, #tpu.memory_space<vmem>>[vector<16xi32>, vector<16xi32>], vector<16xf32>,
        %add3A_234 = arith.constant 32 : i32
        %add3A_235 = arith.addi %add3A_224, %add3A_234 : i32
        %swap3A_236 = arith.index_cast %add3A_235 : i32 to index
        %swap3A_237 = tpu.vector_load %arg7[%swap3A_236] {strides = array<i32>} : memref<16384xf32, #tpu.memory_space<vmem>>, vector<16xf32>,
        tpu.vector_store %arg7[%swap3A_236], %gather3A_233 {strides = array<i32>} : memref<16384xf32, #tpu.memory_space<vmem>>, vector<16xf32>,
        %gather3A_238 = tpu.vector_load_idx %arg6[%add3A_205, %broadcast_in_dim3A_222] : memref<1024x16xf32, #tpu.memory_space<vmem>>[vector<16xi32>, vector<16xi32>], vector<16xf32>,
        %add3A_239 = arith.constant 48 : i32
        %add3A_240 = arith.addi %add3A_224, %add3A_239 : i32
        %swap3A_241 = arith.index_cast %add3A_240 : i32 to index
        %swap3A_242 = tpu.vector_load %arg7[%swap3A_241] {strides = array<i32>} : memref<16384xf32, #tpu.memory_space<vmem>>, vector<16xf32>,
        tpu.vector_store %arg7[%swap3A_241], %gather3A_238 {strides = array<i32>} : memref<16384xf32, #tpu.memory_space<vmem>>, vector<16xf32>,
        %gather3A_243 = tpu.vector_load_idx %arg6[%add3A_209, %broadcast_in_dim3A_222] : memref<1024x16xf32, #tpu.memory_space<vmem>>[vector<16xi32>, vector<16xi32>], vector<16xf32>,
        %add3A_244 = arith.constant 64 : i32
        %add3A_245 = arith.addi %add3A_224, %add3A_244 : i32
        %swap3A_246 = arith.index_cast %add3A_245 : i32 to index
        %swap3A_247 = tpu.vector_load %arg7[%swap3A_246] {strides = array<i32>} : memref<16384xf32, #tpu.memory_space<vmem>>, vector<16xf32>,
        tpu.vector_store %arg7[%swap3A_246], %gather3A_243 {strides = array<i32>} : memref<16384xf32, #tpu.memory_space<vmem>>, vector<16xf32>,
        %gather3A_248 = tpu.vector_load_idx %arg6[%add3A_213, %broadcast_in_dim3A_222] : memref<1024x16xf32, #tpu.memory_space<vmem>>[vector<16xi32>, vector<16xi32>], vector<16xf32>,
        %add3A_249 = arith.constant 80 : i32
        %add3A_250 = arith.addi %add3A_224, %add3A_249 : i32
        %swap3A_251 = arith.index_cast %add3A_250 : i32 to index
        %swap3A_252 = tpu.vector_load %arg7[%swap3A_251] {strides = array<i32>} : memref<16384xf32, #tpu.memory_space<vmem>>, vector<16xf32>,
        tpu.vector_store %arg7[%swap3A_251], %gather3A_248 {strides = array<i32>} : memref<16384xf32, #tpu.memory_space<vmem>>, vector<16xf32>,
        %gather3A_253 = tpu.vector_load_idx %arg6[%add3A_217, %broadcast_in_dim3A_222] : memref<1024x16xf32, #tpu.memory_space<vmem>>[vector<16xi32>, vector<16xi32>], vector<16xf32>,
        %add3A_254 = arith.constant 96 : i32
        %add3A_255 = arith.addi %add3A_224, %add3A_254 : i32
        %swap3A_256 = arith.index_cast %add3A_255 : i32 to index
        %swap3A_257 = tpu.vector_load %arg7[%swap3A_256] {strides = array<i32>} : memref<16384xf32, #tpu.memory_space<vmem>>, vector<16xf32>,
        tpu.vector_store %arg7[%swap3A_256], %gather3A_253 {strides = array<i32>} : memref<16384xf32, #tpu.memory_space<vmem>>, vector<16xf32>,
        %gather3A_258 = tpu.vector_load_idx %arg6[%add3A_221, %broadcast_in_dim3A_222] : memref<1024x16xf32, #tpu.memory_space<vmem>>[vector<16xi32>, vector<16xi32>], vector<16xf32>,
        %add3A_259 = arith.constant 112 : i32
        %add3A_260 = arith.addi %add3A_224, %add3A_259 : i32
        %swap3A_261 = arith.index_cast %add3A_260 : i32 to index
        %swap3A_262 = tpu.vector_load %arg7[%swap3A_261] {strides = array<i32>} : memref<16384xf32, #tpu.memory_space<vmem>>, vector<16xf32>,
        tpu.vector_store %arg7[%swap3A_261], %gather3A_258 {strides = array<i32>} : memref<16384xf32, #tpu.memory_space<vmem>>, vector<16xf32>,
        %broadcast_in_dim3A_263 = arith.constant 1 : i32
        %broadcast_in_dim3A_264 = vector.broadcast %broadcast_in_dim3A_263 : i32 to vector<16xi32>
        %add3A_265 = arith.constant 128 : i32
        %add3A_266 = arith.addi %mul3A_189, %add3A_265 : i32
        %gather3A_267 = tpu.vector_load_idx %arg6[%add3A_193, %broadcast_in_dim3A_264] : memref<1024x16xf32, #tpu.memory_space<vmem>>[vector<16xi32>, vector<16xi32>], vector<16xf32>,
        %add3A_268 = arith.constant 0 : i32
        %add3A_269 = arith.addi %add3A_266, %add3A_268 : i32
        %swap3A_270 = arith.index_cast %add3A_269 : i32 to index
        %swap3A_271 = tpu.vector_load %arg7[%swap3A_270] {strides = array<i32>} : memref<16384xf32, #tpu.memory_space<vmem>>, vector<16xf32>,
        tpu.vector_store %arg7[%swap3A_270], %gather3A_267 {strides = array<i32>} : memref<16384xf32, #tpu.memory_space<vmem>>, vector<16xf32>,
        %gather3A_272 = tpu.vector_load_idx %arg6[%add3A_197, %broadcast_in_dim3A_264] : memref<1024x16xf32, #tpu.memory_space<vmem>>[vector<16xi32>, vector<16xi32>], vector<16xf32>,
        %add3A_273 = arith.constant 16 : i32
        %add3A_274 = arith.addi %add3A_266, %add3A_273 : i32
        %swap3A_275 = arith.index_cast %add3A_274 : i32 to index
        %swap3A_276 = tpu.vector_load %arg7[%swap3A_275] {strides = array<i32>} : memref<16384xf32, #tpu.memory_space<vmem>>, vector<16xf32>,
        tpu.vector_store %arg7[%swap3A_275], %gather3A_272 {strides = array<i32>} : memref<16384xf32, #tpu.memory_space<vmem>>, vector<16xf32>,
        %gather3A_277 = tpu.vector_load_idx %arg6[%add3A_201, %broadcast_in_dim3A_264] : memref<1024x16xf32, #tpu.memory_space<vmem>>[vector<16xi32>, vector<16xi32>], vector<16xf32>,
        %add3A_278 = arith.constant 32 : i32
        %add3A_279 = arith.addi %add3A_266, %add3A_278 : i32
        %swap3A_280 = arith.index_cast %add3A_279 : i32 to index
        %swap3A_281 = tpu.vector_load %arg7[%swap3A_280] {strides = array<i32>} : memref<16384xf32, #tpu.memory_space<vmem>>, vector<16xf32>,
        tpu.vector_store %arg7[%swap3A_280], %gather3A_277 {strides = array<i32>} : memref<16384xf32, #tpu.memory_space<vmem>>, vector<16xf32>,
        %gather3A_282 = tpu.vector_load_idx %arg6[%add3A_205, %broadcast_in_dim3A_264] : memref<1024x16xf32, #tpu.memory_space<vmem>>[vector<16xi32>, vector<16xi32>], vector<16xf32>,
        %add3A_283 = arith.constant 48 : i32
        %add3A_284 = arith.addi %add3A_266, %add3A_283 : i32
        %swap3A_285 = arith.index_cast %add3A_284 : i32 to index
        %swap3A_286 = tpu.vector_load %arg7[%swap3A_285] {strides = array<i32>} : memref<16384xf32, #tpu.memory_space<vmem>>, vector<16xf32>,
        tpu.vector_store %arg7[%swap3A_285], %gather3A_282 {strides = array<i32>} : memref<16384xf32, #tpu.memory_space<vmem>>, vector<16xf32>,
        %gather3A_287 = tpu.vector_load_idx %arg6[%add3A_209, %broadcast_in_dim3A_264] : memref<1024x16xf32, #tpu.memory_space<vmem>>[vector<16xi32>, vector<16xi32>], vector<16xf32>,
        %add3A_288 = arith.constant 64 : i32
        %add3A_289 = arith.addi %add3A_266, %add3A_288 : i32
        %swap3A_290 = arith.index_cast %add3A_289 : i32 to index
        %swap3A_291 = tpu.vector_load %arg7[%swap3A_290] {strides = array<i32>} : memref<16384xf32, #tpu.memory_space<vmem>>, vector<16xf32>,
        tpu.vector_store %arg7[%swap3A_290], %gather3A_287 {strides = array<i32>} : memref<16384xf32, #tpu.memory_space<vmem>>, vector<16xf32>,
        %gather3A_292 = tpu.vector_load_idx %arg6[%add3A_213, %broadcast_in_dim3A_264] : memref<1024x16xf32, #tpu.memory_space<vmem>>[vector<16xi32>, vector<16xi32>], vector<16xf32>,
        %add3A_293 = arith.constant 80 : i32
        %add3A_294 = arith.addi %add3A_266, %add3A_293 : i32
        %swap3A_295 = arith.index_cast %add3A_294 : i32 to index
        %swap3A_296 = tpu.vector_load %arg7[%swap3A_295] {strides = array<i32>} : memref<16384xf32, #tpu.memory_space<vmem>>, vector<16xf32>,
        tpu.vector_store %arg7[%swap3A_295], %gather3A_292 {strides = array<i32>} : memref<16384xf32, #tpu.memory_space<vmem>>, vector<16xf32>,
        %gather3A_297 = tpu.vector_load_idx %arg6[%add3A_217, %broadcast_in_dim3A_264] : memref<1024x16xf32, #tpu.memory_space<vmem>>[vector<16xi32>, vector<16xi32>], vector<16xf32>,
        %add3A_298 = arith.constant 96 : i32
        %add3A_299 = arith.addi %add3A_266, %add3A_298 : i32
        %swap3A_300 = arith.index_cast %add3A_299 : i32 to index
        %swap3A_301 = tpu.vector_load %arg7[%swap3A_300] {strides = array<i32>} : memref<16384xf32, #tpu.memory_space<vmem>>, vector<16xf32>,
        tpu.vector_store %arg7[%swap3A_300], %gather3A_297 {strides = array<i32>} : memref<16384xf32, #tpu.memory_space<vmem>>, vector<16xf32>,
        %gather3A_302 = tpu.vector_load_idx %arg6[%add3A_221, %broadcast_in_dim3A_264] : memref<1024x16xf32, #tpu.memory_space<vmem>>[vector<16xi32>, vector<16xi32>], vector<16xf32>,
        %add3A_303 = arith.constant 112 : i32
        %add3A_304 = arith.addi %add3A_266, %add3A_303 : i32
        %swap3A_305 = arith.index_cast %add3A_304 : i32 to index
        %swap3A_306 = tpu.vector_load %arg7[%swap3A_305] {strides = array<i32>} : memref<16384xf32, #tpu.memory_space<vmem>>, vector<16xf32>,
        tpu.vector_store %arg7[%swap3A_305], %gather3A_302 {strides = array<i32>} : memref<16384xf32, #tpu.memory_space<vmem>>, vector<16xf32>,
        %broadcast_in_dim3A_307 = arith.constant 2 : i32
        %broadcast_in_dim3A_308 = vector.broadcast %broadcast_in_dim3A_307 : i32 to vector<16xi32>
        %add3A_309 = arith.constant 256 : i32
        %add3A_310 = arith.addi %mul3A_189, %add3A_309 : i32
        %gather3A_311 = tpu.vector_load_idx %arg6[%add3A_193, %broadcast_in_dim3A_308] : memref<1024x16xf32, #tpu.memory_space<vmem>>[vector<16xi32>, vector<16xi32>], vector<16xf32>,
        %add3A_312 = arith.constant 0 : i32
        %add3A_313 = arith.addi %add3A_310, %add3A_312 : i32
        %swap3A_314 = arith.index_cast %add3A_313 : i32 to index
        %swap3A_315 = tpu.vector_load %arg7[%swap3A_314] {strides = array<i32>} : memref<16384xf32, #tpu.memory_space<vmem>>, vector<16xf32>,
        tpu.vector_store %arg7[%swap3A_314], %gather3A_311 {strides = array<i32>} : memref<16384xf32, #tpu.memory_space<vmem>>, vector<16xf32>,
        %gather3A_316 = tpu.vector_load_idx %arg6[%add3A_197, %broadcast_in_dim3A_308] : memref<1024x16xf32, #tpu.memory_space<vmem>>[vector<16xi32>, vector<16xi32>], vector<16xf32>,
        %add3A_317 = arith.constant 16 : i32
        %add3A_318 = arith.addi %add3A_310, %add3A_317 : i32
        %swap3A_319 = arith.index_cast %add3A_318 : i32 to index
        %swap3A_320 = tpu.vector_load %arg7[%swap3A_319] {strides = array<i32>} : memref<16384xf32, #tpu.memory_space<vmem>>, vector<16xf32>,
        tpu.vector_store %arg7[%swap3A_319], %gather3A_316 {strides = array<i32>} : memref<16384xf32, #tpu.memory_space<vmem>>, vector<16xf32>,
        %gather3A_321 = tpu.vector_load_idx %arg6[%add3A_201, %broadcast_in_dim3A_308] : memref<1024x16xf32, #tpu.memory_space<vmem>>[vector<16xi32>, vector<16xi32>], vector<16xf32>,
        %add3A_322 = arith.constant 32 : i32
        %add3A_323 = arith.addi %add3A_310, %add3A_322 : i32
        %swap3A_324 = arith.index_cast %add3A_323 : i32 to index
        %swap3A_325 = tpu.vector_load %arg7[%swap3A_324] {strides = array<i32>} : memref<16384xf32, #tpu.memory_space<vmem>>, vector<16xf32>,
        tpu.vector_store %arg7[%swap3A_324], %gather3A_321 {strides = array<i32>} : memref<16384xf32, #tpu.memory_space<vmem>>, vector<16xf32>,
        %gather3A_326 = tpu.vector_load_idx %arg6[%add3A_205, %broadcast_in_dim3A_308] : memref<1024x16xf32, #tpu.memory_space<vmem>>[vector<16xi32>, vector<16xi32>], vector<16xf32>,
        %add3A_327 = arith.constant 48 : i32
        %add3A_328 = arith.addi %add3A_310, %add3A_327 : i32
        %swap3A_329 = arith.index_cast %add3A_328 : i32 to index
        %swap3A_330 = tpu.vector_load %arg7[%swap3A_329] {strides = array<i32>} : memref<16384xf32, #tpu.memory_space<vmem>>, vector<16xf32>,
        tpu.vector_store %arg7[%swap3A_329], %gather3A_326 {strides = array<i32>} : memref<16384xf32, #tpu.memory_space<vmem>>, vector<16xf32>,
        %gather3A_331 = tpu.vector_load_idx %arg6[%add3A_209, %broadcast_in_dim3A_308] : memref<1024x16xf32, #tpu.memory_space<vmem>>[vector<16xi32>, vector<16xi32>], vector<16xf32>,
        %add3A_332 = arith.constant 64 : i32
        %add3A_333 = arith.addi %add3A_310, %add3A_332 : i32
        %swap3A_334 = arith.index_cast %add3A_333 : i32 to index
        %swap3A_335 = tpu.vector_load %arg7[%swap3A_334] {strides = array<i32>} : memref<16384xf32, #tpu.memory_space<vmem>>, vector<16xf32>,
        tpu.vector_store %arg7[%swap3A_334], %gather3A_331 {strides = array<i32>} : memref<16384xf32, #tpu.memory_space<vmem>>, vector<16xf32>,
        %gather3A_336 = tpu.vector_load_idx %arg6[%add3A_213, %broadcast_in_dim3A_308] : memref<1024x16xf32, #tpu.memory_space<vmem>>[vector<16xi32>, vector<16xi32>], vector<16xf32>,
        %add3A_337 = arith.constant 80 : i32
        %add3A_338 = arith.addi %add3A_310, %add3A_337 : i32
        %swap3A_339 = arith.index_cast %add3A_338 : i32 to index
        %swap3A_340 = tpu.vector_load %arg7[%swap3A_339] {strides = array<i32>} : memref<16384xf32, #tpu.memory_space<vmem>>, vector<16xf32>,
        tpu.vector_store %arg7[%swap3A_339], %gather3A_336 {strides = array<i32>} : memref<16384xf32, #tpu.memory_space<vmem>>, vector<16xf32>,
        %gather3A_341 = tpu.vector_load_idx %arg6[%add3A_217, %broadcast_in_dim3A_308] : memref<1024x16xf32, #tpu.memory_space<vmem>>[vector<16xi32>, vector<16xi32>], vector<16xf32>,
        %add3A_342 = arith.constant 96 : i32
        %add3A_343 = arith.addi %add3A_310, %add3A_342 : i32
        %swap3A_344 = arith.index_cast %add3A_343 : i32 to index
        %swap3A_345 = tpu.vector_load %arg7[%swap3A_344] {strides = array<i32>} : memref<16384xf32, #tpu.memory_space<vmem>>, vector<16xf32>,
        tpu.vector_store %arg7[%swap3A_344], %gather3A_341 {strides = array<i32>} : memref<16384xf32, #tpu.memory_space<vmem>>, vector<16xf32>,
        %gather3A_346 = tpu.vector_load_idx %arg6[%add3A_221, %broadcast_in_dim3A_308] : memref<1024x16xf32, #tpu.memory_space<vmem>>[vector<16xi32>, vector<16xi32>], vector<16xf32>,
        %add3A_347 = arith.constant 112 : i32
        %add3A_348 = arith.addi %add3A_310, %add3A_347 : i32
        %swap3A_349 = arith.index_cast %add3A_348 : i32 to index
        %swap3A_350 = tpu.vector_load %arg7[%swap3A_349] {strides = array<i32>} : memref<16384xf32, #tpu.memory_space<vmem>>, vector<16xf32>,
        tpu.vector_store %arg7[%swap3A_349], %gather3A_346 {strides = array<i32>} : memref<16384xf32, #tpu.memory_space<vmem>>, vector<16xf32>,
        %broadcast_in_dim3A_351 = arith.constant 3 : i32
        %broadcast_in_dim3A_352 = vector.broadcast %broadcast_in_dim3A_351 : i32 to vector<16xi32>
        %add3A_353 = arith.constant 384 : i32
        %add3A_354 = arith.addi %mul3A_189, %add3A_353 : i32
        %gather3A_355 = tpu.vector_load_idx %arg6[%add3A_193, %broadcast_in_dim3A_352] : memref<1024x16xf32, #tpu.memory_space<vmem>>[vector<16xi32>, vector<16xi32>], vector<16xf32>,
        %add3A_356 = arith.constant 0 : i32
        %add3A_357 = arith.addi %add3A_354, %add3A_356 : i32
        %swap3A_358 = arith.index_cast %add3A_357 : i32 to index
        %swap3A_359 = tpu.vector_load %arg7[%swap3A_358] {strides = array<i32>} : memref<16384xf32, #tpu.memory_space<vmem>>, vector<16xf32>,
        tpu.vector_store %arg7[%swap3A_358], %gather3A_355 {strides = array<i32>} : memref<16384xf32, #tpu.memory_space<vmem>>, vector<16xf32>,
        %gather3A_360 = tpu.vector_load_idx %arg6[%add3A_197, %broadcast_in_dim3A_352] : memref<1024x16xf32, #tpu.memory_space<vmem>>[vector<16xi32>, vector<16xi32>], vector<16xf32>,
        %add3A_361 = arith.constant 16 : i32
        %add3A_362 = arith.addi %add3A_354, %add3A_361 : i32
        %swap3A_363 = arith.index_cast %add3A_362 : i32 to index
        %swap3A_364 = tpu.vector_load %arg7[%swap3A_363] {strides = array<i32>} : memref<16384xf32, #tpu.memory_space<vmem>>, vector<16xf32>,
        tpu.vector_store %arg7[%swap3A_363], %gather3A_360 {strides = array<i32>} : memref<16384xf32, #tpu.memory_space<vmem>>, vector<16xf32>,
        %gather3A_365 = tpu.vector_load_idx %arg6[%add3A_201, %broadcast_in_dim3A_352] : memref<1024x16xf32, #tpu.memory_space<vmem>>[vector<16xi32>, vector<16xi32>], vector<16xf32>,
        %add3A_366 = arith.constant 32 : i32
        %add3A_367 = arith.addi %add3A_354, %add3A_366 : i32
        %swap3A_368 = arith.index_cast %add3A_367 : i32 to index
        %swap3A_369 = tpu.vector_load %arg7[%swap3A_368] {strides = array<i32>} : memref<16384xf32, #tpu.memory_space<vmem>>, vector<16xf32>,
        tpu.vector_store %arg7[%swap3A_368], %gather3A_365 {strides = array<i32>} : memref<16384xf32, #tpu.memory_space<vmem>>, vector<16xf32>,
        %gather3A_370 = tpu.vector_load_idx %arg6[%add3A_205, %broadcast_in_dim3A_352] : memref<1024x16xf32, #tpu.memory_space<vmem>>[vector<16xi32>, vector<16xi32>], vector<16xf32>,
        %add3A_371 = arith.constant 48 : i32
        %add3A_372 = arith.addi %add3A_354, %add3A_371 : i32
        %swap3A_373 = arith.index_cast %add3A_372 : i32 to index
        %swap3A_374 = tpu.vector_load %arg7[%swap3A_373] {strides = array<i32>} : memref<16384xf32, #tpu.memory_space<vmem>>, vector<16xf32>,
        tpu.vector_store %arg7[%swap3A_373], %gather3A_370 {strides = array<i32>} : memref<16384xf32, #tpu.memory_space<vmem>>, vector<16xf32>,
        %gather3A_375 = tpu.vector_load_idx %arg6[%add3A_209, %broadcast_in_dim3A_352] : memref<1024x16xf32, #tpu.memory_space<vmem>>[vector<16xi32>, vector<16xi32>], vector<16xf32>,
        %add3A_376 = arith.constant 64 : i32
        %add3A_377 = arith.addi %add3A_354, %add3A_376 : i32
        %swap3A_378 = arith.index_cast %add3A_377 : i32 to index
        %swap3A_379 = tpu.vector_load %arg7[%swap3A_378] {strides = array<i32>} : memref<16384xf32, #tpu.memory_space<vmem>>, vector<16xf32>,
        tpu.vector_store %arg7[%swap3A_378], %gather3A_375 {strides = array<i32>} : memref<16384xf32, #tpu.memory_space<vmem>>, vector<16xf32>,
        %gather3A_380 = tpu.vector_load_idx %arg6[%add3A_213, %broadcast_in_dim3A_352] : memref<1024x16xf32, #tpu.memory_space<vmem>>[vector<16xi32>, vector<16xi32>], vector<16xf32>,
        %add3A_381 = arith.constant 80 : i32
        %add3A_382 = arith.addi %add3A_354, %add3A_381 : i32
        %swap3A_383 = arith.index_cast %add3A_382 : i32 to index
        %swap3A_384 = tpu.vector_load %arg7[%swap3A_383] {strides = array<i32>} : memref<16384xf32, #tpu.memory_space<vmem>>, vector<16xf32>,
        tpu.vector_store %arg7[%swap3A_383], %gather3A_380 {strides = array<i32>} : memref<16384xf32, #tpu.memory_space<vmem>>, vector<16xf32>,
        %gather3A_385 = tpu.vector_load_idx %arg6[%add3A_217, %broadcast_in_dim3A_352] : memref<1024x16xf32, #tpu.memory_space<vmem>>[vector<16xi32>, vector<16xi32>], vector<16xf32>,
        %add3A_386 = arith.constant 96 : i32
        %add3A_387 = arith.addi %add3A_354, %add3A_386 : i32
        %swap3A_388 = arith.index_cast %add3A_387 : i32 to index
        %swap3A_389 = tpu.vector_load %arg7[%swap3A_388] {strides = array<i32>} : memref<16384xf32, #tpu.memory_space<vmem>>, vector<16xf32>,
        tpu.vector_store %arg7[%swap3A_388], %gather3A_385 {strides = array<i32>} : memref<16384xf32, #tpu.memory_space<vmem>>, vector<16xf32>,
        %gather3A_390 = tpu.vector_load_idx %arg6[%add3A_221, %broadcast_in_dim3A_352] : memref<1024x16xf32, #tpu.memory_space<vmem>>[vector<16xi32>, vector<16xi32>], vector<16xf32>,
        %add3A_391 = arith.constant 112 : i32
        %add3A_392 = arith.addi %add3A_354, %add3A_391 : i32
        %swap3A_393 = arith.index_cast %add3A_392 : i32 to index
        %swap3A_394 = tpu.vector_load %arg7[%swap3A_393] {strides = array<i32>} : memref<16384xf32, #tpu.memory_space<vmem>>, vector<16xf32>,
        tpu.vector_store %arg7[%swap3A_393], %gather3A_390 {strides = array<i32>} : memref<16384xf32, #tpu.memory_space<vmem>>, vector<16xf32>,
        %broadcast_in_dim3A_395 = arith.constant 4 : i32
        %broadcast_in_dim3A_396 = vector.broadcast %broadcast_in_dim3A_395 : i32 to vector<16xi32>
        %add3A_397 = arith.constant 512 : i32
        %add3A_398 = arith.addi %mul3A_189, %add3A_397 : i32
        %gather3A_399 = tpu.vector_load_idx %arg6[%add3A_193, %broadcast_in_dim3A_396] : memref<1024x16xf32, #tpu.memory_space<vmem>>[vector<16xi32>, vector<16xi32>], vector<16xf32>,
        %add3A_400 = arith.constant 0 : i32
        %add3A_401 = arith.addi %add3A_398, %add3A_400 : i32
        %swap3A_402 = arith.index_cast %add3A_401 : i32 to index
        %swap3A_403 = tpu.vector_load %arg7[%swap3A_402] {strides = array<i32>} : memref<16384xf32, #tpu.memory_space<vmem>>, vector<16xf32>,
        tpu.vector_store %arg7[%swap3A_402], %gather3A_399 {strides = array<i32>} : memref<16384xf32, #tpu.memory_space<vmem>>, vector<16xf32>,
        %gather3A_404 = tpu.vector_load_idx %arg6[%add3A_197, %broadcast_in_dim3A_396] : memref<1024x16xf32, #tpu.memory_space<vmem>>[vector<16xi32>, vector<16xi32>], vector<16xf32>,
        %add3A_405 = arith.constant 16 : i32
        %add3A_406 = arith.addi %add3A_398, %add3A_405 : i32
        %swap3A_407 = arith.index_cast %add3A_406 : i32 to index
        %swap3A_408 = tpu.vector_load %arg7[%swap3A_407] {strides = array<i32>} : memref<16384xf32, #tpu.memory_space<vmem>>, vector<16xf32>,
        tpu.vector_store %arg7[%swap3A_407], %gather3A_404 {strides = array<i32>} : memref<16384xf32, #tpu.memory_space<vmem>>, vector<16xf32>,
        %gather3A_409 = tpu.vector_load_idx %arg6[%add3A_201, %broadcast_in_dim3A_396] : memref<1024x16xf32, #tpu.memory_space<vmem>>[vector<16xi32>, vector<16xi32>], vector<16xf32>,
        %add3A_410 = arith.constant 32 : i32
        %add3A_411 = arith.addi %add3A_398, %add3A_410 : i32
        %swap3A_412 = arith.index_cast %add3A_411 : i32 to index
        %swap3A_413 = tpu.vector_load %arg7[%swap3A_412] {strides = array<i32>} : memref<16384xf32, #tpu.memory_space<vmem>>, vector<16xf32>,
        tpu.vector_store %arg7[%swap3A_412], %gather3A_409 {strides = array<i32>} : memref<16384xf32, #tpu.memory_space<vmem>>, vector<16xf32>,
        %gather3A_414 = tpu.vector_load_idx %arg6[%add3A_205, %broadcast_in_dim3A_396] : memref<1024x16xf32, #tpu.memory_space<vmem>>[vector<16xi32>, vector<16xi32>], vector<16xf32>,
        %add3A_415 = arith.constant 48 : i32
        %add3A_416 = arith.addi %add3A_398, %add3A_415 : i32
        %swap3A_417 = arith.index_cast %add3A_416 : i32 to index
        %swap3A_418 = tpu.vector_load %arg7[%swap3A_417] {strides = array<i32>} : memref<16384xf32, #tpu.memory_space<vmem>>, vector<16xf32>,
        tpu.vector_store %arg7[%swap3A_417], %gather3A_414 {strides = array<i32>} : memref<16384xf32, #tpu.memory_space<vmem>>, vector<16xf32>,
        %gather3A_419 = tpu.vector_load_idx %arg6[%add3A_209, %broadcast_in_dim3A_396] : memref<1024x16xf32, #tpu.memory_space<vmem>>[vector<16xi32>, vector<16xi32>], vector<16xf32>,
        %add3A_420 = arith.constant 64 : i32
        %add3A_421 = arith.addi %add3A_398, %add3A_420 : i32
        %swap3A_422 = arith.index_cast %add3A_421 : i32 to index
        %swap3A_423 = tpu.vector_load %arg7[%swap3A_422] {strides = array<i32>} : memref<16384xf32, #tpu.memory_space<vmem>>, vector<16xf32>,
        tpu.vector_store %arg7[%swap3A_422], %gather3A_419 {strides = array<i32>} : memref<16384xf32, #tpu.memory_space<vmem>>, vector<16xf32>,
        %gather3A_424 = tpu.vector_load_idx %arg6[%add3A_213, %broadcast_in_dim3A_396] : memref<1024x16xf32, #tpu.memory_space<vmem>>[vector<16xi32>, vector<16xi32>], vector<16xf32>,
        %add3A_425 = arith.constant 80 : i32
        %add3A_426 = arith.addi %add3A_398, %add3A_425 : i32
        %swap3A_427 = arith.index_cast %add3A_426 : i32 to index
        %swap3A_428 = tpu.vector_load %arg7[%swap3A_427] {strides = array<i32>} : memref<16384xf32, #tpu.memory_space<vmem>>, vector<16xf32>,
        tpu.vector_store %arg7[%swap3A_427], %gather3A_424 {strides = array<i32>} : memref<16384xf32, #tpu.memory_space<vmem>>, vector<16xf32>,
        %gather3A_429 = tpu.vector_load_idx %arg6[%add3A_217, %broadcast_in_dim3A_396] : memref<1024x16xf32, #tpu.memory_space<vmem>>[vector<16xi32>, vector<16xi32>], vector<16xf32>,
        %add3A_430 = arith.constant 96 : i32
        %add3A_431 = arith.addi %add3A_398, %add3A_430 : i32
        %swap3A_432 = arith.index_cast %add3A_431 : i32 to index
        %swap3A_433 = tpu.vector_load %arg7[%swap3A_432] {strides = array<i32>} : memref<16384xf32, #tpu.memory_space<vmem>>, vector<16xf32>,
        tpu.vector_store %arg7[%swap3A_432], %gather3A_429 {strides = array<i32>} : memref<16384xf32, #tpu.memory_space<vmem>>, vector<16xf32>,
        %gather3A_434 = tpu.vector_load_idx %arg6[%add3A_221, %broadcast_in_dim3A_396] : memref<1024x16xf32, #tpu.memory_space<vmem>>[vector<16xi32>, vector<16xi32>], vector<16xf32>,
        %add3A_435 = arith.constant 112 : i32
        %add3A_436 = arith.addi %add3A_398, %add3A_435 : i32
        %swap3A_437 = arith.index_cast %add3A_436 : i32 to index
        %swap3A_438 = tpu.vector_load %arg7[%swap3A_437] {strides = array<i32>} : memref<16384xf32, #tpu.memory_space<vmem>>, vector<16xf32>,
        tpu.vector_store %arg7[%swap3A_437], %gather3A_434 {strides = array<i32>} : memref<16384xf32, #tpu.memory_space<vmem>>, vector<16xf32>,
        %broadcast_in_dim3A_439 = arith.constant 5 : i32
        %broadcast_in_dim3A_440 = vector.broadcast %broadcast_in_dim3A_439 : i32 to vector<16xi32>
        %add3A_441 = arith.constant 640 : i32
        %add3A_442 = arith.addi %mul3A_189, %add3A_441 : i32
        %gather3A_443 = tpu.vector_load_idx %arg6[%add3A_193, %broadcast_in_dim3A_440] : memref<1024x16xf32, #tpu.memory_space<vmem>>[vector<16xi32>, vector<16xi32>], vector<16xf32>,
        %add3A_444 = arith.constant 0 : i32
        %add3A_445 = arith.addi %add3A_442, %add3A_444 : i32
        %swap3A_446 = arith.index_cast %add3A_445 : i32 to index
        %swap3A_447 = tpu.vector_load %arg7[%swap3A_446] {strides = array<i32>} : memref<16384xf32, #tpu.memory_space<vmem>>, vector<16xf32>,
        tpu.vector_store %arg7[%swap3A_446], %gather3A_443 {strides = array<i32>} : memref<16384xf32, #tpu.memory_space<vmem>>, vector<16xf32>,
        %gather3A_448 = tpu.vector_load_idx %arg6[%add3A_197, %broadcast_in_dim3A_440] : memref<1024x16xf32, #tpu.memory_space<vmem>>[vector<16xi32>, vector<16xi32>], vector<16xf32>,
        %add3A_449 = arith.constant 16 : i32
        %add3A_450 = arith.addi %add3A_442, %add3A_449 : i32
        %swap3A_451 = arith.index_cast %add3A_450 : i32 to index
        %swap3A_452 = tpu.vector_load %arg7[%swap3A_451] {strides = array<i32>} : memref<16384xf32, #tpu.memory_space<vmem>>, vector<16xf32>,
        tpu.vector_store %arg7[%swap3A_451], %gather3A_448 {strides = array<i32>} : memref<16384xf32, #tpu.memory_space<vmem>>, vector<16xf32>,
        %gather3A_453 = tpu.vector_load_idx %arg6[%add3A_201, %broadcast_in_dim3A_440] : memref<1024x16xf32, #tpu.memory_space<vmem>>[vector<16xi32>, vector<16xi32>], vector<16xf32>,
        %add3A_454 = arith.constant 32 : i32
        %add3A_455 = arith.addi %add3A_442, %add3A_454 : i32
        %swap3A_456 = arith.index_cast %add3A_455 : i32 to index
        %swap3A_457 = tpu.vector_load %arg7[%swap3A_456] {strides = array<i32>} : memref<16384xf32, #tpu.memory_space<vmem>>, vector<16xf32>,
        tpu.vector_store %arg7[%swap3A_456], %gather3A_453 {strides = array<i32>} : memref<16384xf32, #tpu.memory_space<vmem>>, vector<16xf32>,
        %gather3A_458 = tpu.vector_load_idx %arg6[%add3A_205, %broadcast_in_dim3A_440] : memref<1024x16xf32, #tpu.memory_space<vmem>>[vector<16xi32>, vector<16xi32>], vector<16xf32>,
        %add3A_459 = arith.constant 48 : i32
        %add3A_460 = arith.addi %add3A_442, %add3A_459 : i32
        %swap3A_461 = arith.index_cast %add3A_460 : i32 to index
        %swap3A_462 = tpu.vector_load %arg7[%swap3A_461] {strides = array<i32>} : memref<16384xf32, #tpu.memory_space<vmem>>, vector<16xf32>,
        tpu.vector_store %arg7[%swap3A_461], %gather3A_458 {strides = array<i32>} : memref<16384xf32, #tpu.memory_space<vmem>>, vector<16xf32>,
        %gather3A_463 = tpu.vector_load_idx %arg6[%add3A_209, %broadcast_in_dim3A_440] : memref<1024x16xf32, #tpu.memory_space<vmem>>[vector<16xi32>, vector<16xi32>], vector<16xf32>,
        %add3A_464 = arith.constant 64 : i32
        %add3A_465 = arith.addi %add3A_442, %add3A_464 : i32
        %swap3A_466 = arith.index_cast %add3A_465 : i32 to index
        %swap3A_467 = tpu.vector_load %arg7[%swap3A_466] {strides = array<i32>} : memref<16384xf32, #tpu.memory_space<vmem>>, vector<16xf32>,
        tpu.vector_store %arg7[%swap3A_466], %gather3A_463 {strides = array<i32>} : memref<16384xf32, #tpu.memory_space<vmem>>, vector<16xf32>,
        %gather3A_468 = tpu.vector_load_idx %arg6[%add3A_213, %broadcast_in_dim3A_440] : memref<1024x16xf32, #tpu.memory_space<vmem>>[vector<16xi32>, vector<16xi32>], vector<16xf32>,
        %add3A_469 = arith.constant 80 : i32
        %add3A_470 = arith.addi %add3A_442, %add3A_469 : i32
        %swap3A_471 = arith.index_cast %add3A_470 : i32 to index
        %swap3A_472 = tpu.vector_load %arg7[%swap3A_471] {strides = array<i32>} : memref<16384xf32, #tpu.memory_space<vmem>>, vector<16xf32>,
        tpu.vector_store %arg7[%swap3A_471], %gather3A_468 {strides = array<i32>} : memref<16384xf32, #tpu.memory_space<vmem>>, vector<16xf32>,
        %gather3A_473 = tpu.vector_load_idx %arg6[%add3A_217, %broadcast_in_dim3A_440] : memref<1024x16xf32, #tpu.memory_space<vmem>>[vector<16xi32>, vector<16xi32>], vector<16xf32>,
        %add3A_474 = arith.constant 96 : i32
        %add3A_475 = arith.addi %add3A_442, %add3A_474 : i32
        %swap3A_476 = arith.index_cast %add3A_475 : i32 to index
        %swap3A_477 = tpu.vector_load %arg7[%swap3A_476] {strides = array<i32>} : memref<16384xf32, #tpu.memory_space<vmem>>, vector<16xf32>,
        tpu.vector_store %arg7[%swap3A_476], %gather3A_473 {strides = array<i32>} : memref<16384xf32, #tpu.memory_space<vmem>>, vector<16xf32>,
        %gather3A_478 = tpu.vector_load_idx %arg6[%add3A_221, %broadcast_in_dim3A_440] : memref<1024x16xf32, #tpu.memory_space<vmem>>[vector<16xi32>, vector<16xi32>], vector<16xf32>,
        %add3A_479 = arith.constant 112 : i32
        %add3A_480 = arith.addi %add3A_442, %add3A_479 : i32
        %swap3A_481 = arith.index_cast %add3A_480 : i32 to index
        %swap3A_482 = tpu.vector_load %arg7[%swap3A_481] {strides = array<i32>} : memref<16384xf32, #tpu.memory_space<vmem>>, vector<16xf32>,
        tpu.vector_store %arg7[%swap3A_481], %gather3A_478 {strides = array<i32>} : memref<16384xf32, #tpu.memory_space<vmem>>, vector<16xf32>,
        %broadcast_in_dim3A_483 = arith.constant 6 : i32
        %broadcast_in_dim3A_484 = vector.broadcast %broadcast_in_dim3A_483 : i32 to vector<16xi32>
        %add3A_485 = arith.constant 768 : i32
        %add3A_486 = arith.addi %mul3A_189, %add3A_485 : i32
        %gather3A_487 = tpu.vector_load_idx %arg6[%add3A_193, %broadcast_in_dim3A_484] : memref<1024x16xf32, #tpu.memory_space<vmem>>[vector<16xi32>, vector<16xi32>], vector<16xf32>,
        %add3A_488 = arith.constant 0 : i32
        %add3A_489 = arith.addi %add3A_486, %add3A_488 : i32
        %swap3A_490 = arith.index_cast %add3A_489 : i32 to index
        %swap3A_491 = tpu.vector_load %arg7[%swap3A_490] {strides = array<i32>} : memref<16384xf32, #tpu.memory_space<vmem>>, vector<16xf32>,
        tpu.vector_store %arg7[%swap3A_490], %gather3A_487 {strides = array<i32>} : memref<16384xf32, #tpu.memory_space<vmem>>, vector<16xf32>,
        %gather3A_492 = tpu.vector_load_idx %arg6[%add3A_197, %broadcast_in_dim3A_484] : memref<1024x16xf32, #tpu.memory_space<vmem>>[vector<16xi32>, vector<16xi32>], vector<16xf32>,
        %add3A_493 = arith.constant 16 : i32
        %add3A_494 = arith.addi %add3A_486, %add3A_493 : i32
        %swap3A_495 = arith.index_cast %add3A_494 : i32 to index
        %swap3A_496 = tpu.vector_load %arg7[%swap3A_495] {strides = array<i32>} : memref<16384xf32, #tpu.memory_space<vmem>>, vector<16xf32>,
        tpu.vector_store %arg7[%swap3A_495], %gather3A_492 {strides = array<i32>} : memref<16384xf32, #tpu.memory_space<vmem>>, vector<16xf32>,
        %gather3A_497 = tpu.vector_load_idx %arg6[%add3A_201, %broadcast_in_dim3A_484] : memref<1024x16xf32, #tpu.memory_space<vmem>>[vector<16xi32>, vector<16xi32>], vector<16xf32>,
        %add3A_498 = arith.constant 32 : i32
        %add3A_499 = arith.addi %add3A_486, %add3A_498 : i32
        %swap3A_500 = arith.index_cast %add3A_499 : i32 to index
        %swap3A_501 = tpu.vector_load %arg7[%swap3A_500] {strides = array<i32>} : memref<16384xf32, #tpu.memory_space<vmem>>, vector<16xf32>,
        tpu.vector_store %arg7[%swap3A_500], %gather3A_497 {strides = array<i32>} : memref<16384xf32, #tpu.memory_space<vmem>>, vector<16xf32>,
        %gather3A_502 = tpu.vector_load_idx %arg6[%add3A_205, %broadcast_in_dim3A_484] : memref<1024x16xf32, #tpu.memory_space<vmem>>[vector<16xi32>, vector<16xi32>], vector<16xf32>,
        %add3A_503 = arith.constant 48 : i32
        %add3A_504 = arith.addi %add3A_486, %add3A_503 : i32
        %swap3A_505 = arith.index_cast %add3A_504 : i32 to index
        %swap3A_506 = tpu.vector_load %arg7[%swap3A_505] {strides = array<i32>} : memref<16384xf32, #tpu.memory_space<vmem>>, vector<16xf32>,
        tpu.vector_store %arg7[%swap3A_505], %gather3A_502 {strides = array<i32>} : memref<16384xf32, #tpu.memory_space<vmem>>, vector<16xf32>,
        %gather3A_507 = tpu.vector_load_idx %arg6[%add3A_209, %broadcast_in_dim3A_484] : memref<1024x16xf32, #tpu.memory_space<vmem>>[vector<16xi32>, vector<16xi32>], vector<16xf32>,
        %add3A_508 = arith.constant 64 : i32
        %add3A_509 = arith.addi %add3A_486, %add3A_508 : i32
        %swap3A_510 = arith.index_cast %add3A_509 : i32 to index
        %swap3A_511 = tpu.vector_load %arg7[%swap3A_510] {strides = array<i32>} : memref<16384xf32, #tpu.memory_space<vmem>>, vector<16xf32>,
        tpu.vector_store %arg7[%swap3A_510], %gather3A_507 {strides = array<i32>} : memref<16384xf32, #tpu.memory_space<vmem>>, vector<16xf32>,
        %gather3A_512 = tpu.vector_load_idx %arg6[%add3A_213, %broadcast_in_dim3A_484] : memref<1024x16xf32, #tpu.memory_space<vmem>>[vector<16xi32>, vector<16xi32>], vector<16xf32>,
        %add3A_513 = arith.constant 80 : i32
        %add3A_514 = arith.addi %add3A_486, %add3A_513 : i32
        %swap3A_515 = arith.index_cast %add3A_514 : i32 to index
        %swap3A_516 = tpu.vector_load %arg7[%swap3A_515] {strides = array<i32>} : memref<16384xf32, #tpu.memory_space<vmem>>, vector<16xf32>,
        tpu.vector_store %arg7[%swap3A_515], %gather3A_512 {strides = array<i32>} : memref<16384xf32, #tpu.memory_space<vmem>>, vector<16xf32>,
        %gather3A_517 = tpu.vector_load_idx %arg6[%add3A_217, %broadcast_in_dim3A_484] : memref<1024x16xf32, #tpu.memory_space<vmem>>[vector<16xi32>, vector<16xi32>], vector<16xf32>,
        %add3A_518 = arith.constant 96 : i32
        %add3A_519 = arith.addi %add3A_486, %add3A_518 : i32
        %swap3A_520 = arith.index_cast %add3A_519 : i32 to index
        %swap3A_521 = tpu.vector_load %arg7[%swap3A_520] {strides = array<i32>} : memref<16384xf32, #tpu.memory_space<vmem>>, vector<16xf32>,
        tpu.vector_store %arg7[%swap3A_520], %gather3A_517 {strides = array<i32>} : memref<16384xf32, #tpu.memory_space<vmem>>, vector<16xf32>,
        %gather3A_522 = tpu.vector_load_idx %arg6[%add3A_221, %broadcast_in_dim3A_484] : memref<1024x16xf32, #tpu.memory_space<vmem>>[vector<16xi32>, vector<16xi32>], vector<16xf32>,
        %add3A_523 = arith.constant 112 : i32
        %add3A_524 = arith.addi %add3A_486, %add3A_523 : i32
        %swap3A_525 = arith.index_cast %add3A_524 : i32 to index
        %swap3A_526 = tpu.vector_load %arg7[%swap3A_525] {strides = array<i32>} : memref<16384xf32, #tpu.memory_space<vmem>>, vector<16xf32>,
        tpu.vector_store %arg7[%swap3A_525], %gather3A_522 {strides = array<i32>} : memref<16384xf32, #tpu.memory_space<vmem>>, vector<16xf32>,
        %broadcast_in_dim3A_527 = arith.constant 7 : i32
        %broadcast_in_dim3A_528 = vector.broadcast %broadcast_in_dim3A_527 : i32 to vector<16xi32>
        %add3A_529 = arith.constant 896 : i32
        %add3A_530 = arith.addi %mul3A_189, %add3A_529 : i32
        %gather3A_531 = tpu.vector_load_idx %arg6[%add3A_193, %broadcast_in_dim3A_528] : memref<1024x16xf32, #tpu.memory_space<vmem>>[vector<16xi32>, vector<16xi32>], vector<16xf32>,
        %add3A_532 = arith.constant 0 : i32
        %add3A_533 = arith.addi %add3A_530, %add3A_532 : i32
        %swap3A_534 = arith.index_cast %add3A_533 : i32 to index
        %swap3A_535 = tpu.vector_load %arg7[%swap3A_534] {strides = array<i32>} : memref<16384xf32, #tpu.memory_space<vmem>>, vector<16xf32>,
        tpu.vector_store %arg7[%swap3A_534], %gather3A_531 {strides = array<i32>} : memref<16384xf32, #tpu.memory_space<vmem>>, vector<16xf32>,
        %gather3A_536 = tpu.vector_load_idx %arg6[%add3A_197, %broadcast_in_dim3A_528] : memref<1024x16xf32, #tpu.memory_space<vmem>>[vector<16xi32>, vector<16xi32>], vector<16xf32>,
        %add3A_537 = arith.constant 16 : i32
        %add3A_538 = arith.addi %add3A_530, %add3A_537 : i32
        %swap3A_539 = arith.index_cast %add3A_538 : i32 to index
        %swap3A_540 = tpu.vector_load %arg7[%swap3A_539] {strides = array<i32>} : memref<16384xf32, #tpu.memory_space<vmem>>, vector<16xf32>,
        tpu.vector_store %arg7[%swap3A_539], %gather3A_536 {strides = array<i32>} : memref<16384xf32, #tpu.memory_space<vmem>>, vector<16xf32>,
        %gather3A_541 = tpu.vector_load_idx %arg6[%add3A_201, %broadcast_in_dim3A_528] : memref<1024x16xf32, #tpu.memory_space<vmem>>[vector<16xi32>, vector<16xi32>], vector<16xf32>,
        %add3A_542 = arith.constant 32 : i32
        %add3A_543 = arith.addi %add3A_530, %add3A_542 : i32
        %swap3A_544 = arith.index_cast %add3A_543 : i32 to index
        %swap3A_545 = tpu.vector_load %arg7[%swap3A_544] {strides = array<i32>} : memref<16384xf32, #tpu.memory_space<vmem>>, vector<16xf32>,
        tpu.vector_store %arg7[%swap3A_544], %gather3A_541 {strides = array<i32>} : memref<16384xf32, #tpu.memory_space<vmem>>, vector<16xf32>,
        %gather3A_546 = tpu.vector_load_idx %arg6[%add3A_205, %broadcast_in_dim3A_528] : memref<1024x16xf32, #tpu.memory_space<vmem>>[vector<16xi32>, vector<16xi32>], vector<16xf32>,
        %add3A_547 = arith.constant 48 : i32
        %add3A_548 = arith.addi %add3A_530, %add3A_547 : i32
        %swap3A_549 = arith.index_cast %add3A_548 : i32 to index
        %swap3A_550 = tpu.vector_load %arg7[%swap3A_549] {strides = array<i32>} : memref<16384xf32, #tpu.memory_space<vmem>>, vector<16xf32>,
        tpu.vector_store %arg7[%swap3A_549], %gather3A_546 {strides = array<i32>} : memref<16384xf32, #tpu.memory_space<vmem>>, vector<16xf32>,
        %gather3A_551 = tpu.vector_load_idx %arg6[%add3A_209, %broadcast_in_dim3A_528] : memref<1024x16xf32, #tpu.memory_space<vmem>>[vector<16xi32>, vector<16xi32>], vector<16xf32>,
        %add3A_552 = arith.constant 64 : i32
        %add3A_553 = arith.addi %add3A_530, %add3A_552 : i32
        %swap3A_554 = arith.index_cast %add3A_553 : i32 to index
        %swap3A_555 = tpu.vector_load %arg7[%swap3A_554] {strides = array<i32>} : memref<16384xf32, #tpu.memory_space<vmem>>, vector<16xf32>,
        tpu.vector_store %arg7[%swap3A_554], %gather3A_551 {strides = array<i32>} : memref<16384xf32, #tpu.memory_space<vmem>>, vector<16xf32>,
        %gather3A_556 = tpu.vector_load_idx %arg6[%add3A_213, %broadcast_in_dim3A_528] : memref<1024x16xf32, #tpu.memory_space<vmem>>[vector<16xi32>, vector<16xi32>], vector<16xf32>,
        %add3A_557 = arith.constant 80 : i32
        %add3A_558 = arith.addi %add3A_530, %add3A_557 : i32
        %swap3A_559 = arith.index_cast %add3A_558 : i32 to index
        %swap3A_560 = tpu.vector_load %arg7[%swap3A_559] {strides = array<i32>} : memref<16384xf32, #tpu.memory_space<vmem>>, vector<16xf32>,
        tpu.vector_store %arg7[%swap3A_559], %gather3A_556 {strides = array<i32>} : memref<16384xf32, #tpu.memory_space<vmem>>, vector<16xf32>,
        %gather3A_561 = tpu.vector_load_idx %arg6[%add3A_217, %broadcast_in_dim3A_528] : memref<1024x16xf32, #tpu.memory_space<vmem>>[vector<16xi32>, vector<16xi32>], vector<16xf32>,
        %add3A_562 = arith.constant 96 : i32
        %add3A_563 = arith.addi %add3A_530, %add3A_562 : i32
        %swap3A_564 = arith.index_cast %add3A_563 : i32 to index
        %swap3A_565 = tpu.vector_load %arg7[%swap3A_564] {strides = array<i32>} : memref<16384xf32, #tpu.memory_space<vmem>>, vector<16xf32>,
        tpu.vector_store %arg7[%swap3A_564], %gather3A_561 {strides = array<i32>} : memref<16384xf32, #tpu.memory_space<vmem>>, vector<16xf32>,
        %gather3A_566 = tpu.vector_load_idx %arg6[%add3A_221, %broadcast_in_dim3A_528] : memref<1024x16xf32, #tpu.memory_space<vmem>>[vector<16xi32>, vector<16xi32>], vector<16xf32>,
        %add3A_567 = arith.constant 112 : i32
        %add3A_568 = arith.addi %add3A_530, %add3A_567 : i32
        %swap3A_569 = arith.index_cast %add3A_568 : i32 to index
        %swap3A_570 = tpu.vector_load %arg7[%swap3A_569] {strides = array<i32>} : memref<16384xf32, #tpu.memory_space<vmem>>, vector<16xf32>,
        tpu.vector_store %arg7[%swap3A_569], %gather3A_566 {strides = array<i32>} : memref<16384xf32, #tpu.memory_space<vmem>>, vector<16xf32>,
        %broadcast_in_dim3A_571 = arith.constant 8 : i32
        %broadcast_in_dim3A_572 = vector.broadcast %broadcast_in_dim3A_571 : i32 to vector<16xi32>
        %add3A_573 = arith.constant 1024 : i32
        %add3A_574 = arith.addi %mul3A_189, %add3A_573 : i32
        %gather3A_575 = tpu.vector_load_idx %arg6[%add3A_193, %broadcast_in_dim3A_572] : memref<1024x16xf32, #tpu.memory_space<vmem>>[vector<16xi32>, vector<16xi32>], vector<16xf32>,
        %add3A_576 = arith.constant 0 : i32
        %add3A_577 = arith.addi %add3A_574, %add3A_576 : i32
        %swap3A_578 = arith.index_cast %add3A_577 : i32 to index
        %swap3A_579 = tpu.vector_load %arg7[%swap3A_578] {strides = array<i32>} : memref<16384xf32, #tpu.memory_space<vmem>>, vector<16xf32>,
        tpu.vector_store %arg7[%swap3A_578], %gather3A_575 {strides = array<i32>} : memref<16384xf32, #tpu.memory_space<vmem>>, vector<16xf32>,
        %gather3A_580 = tpu.vector_load_idx %arg6[%add3A_197, %broadcast_in_dim3A_572] : memref<1024x16xf32, #tpu.memory_space<vmem>>[vector<16xi32>, vector<16xi32>], vector<16xf32>,
        %add3A_581 = arith.constant 16 : i32
        %add3A_582 = arith.addi %add3A_574, %add3A_581 : i32
        %swap3A_583 = arith.index_cast %add3A_582 : i32 to index
        %swap3A_584 = tpu.vector_load %arg7[%swap3A_583] {strides = array<i32>} : memref<16384xf32, #tpu.memory_space<vmem>>, vector<16xf32>,
        tpu.vector_store %arg7[%swap3A_583], %gather3A_580 {strides = array<i32>} : memref<16384xf32, #tpu.memory_space<vmem>>, vector<16xf32>,
        %gather3A_585 = tpu.vector_load_idx %arg6[%add3A_201, %broadcast_in_dim3A_572] : memref<1024x16xf32, #tpu.memory_space<vmem>>[vector<16xi32>, vector<16xi32>], vector<16xf32>,
        %add3A_586 = arith.constant 32 : i32
        %add3A_587 = arith.addi %add3A_574, %add3A_586 : i32
        %swap3A_588 = arith.index_cast %add3A_587 : i32 to index
        %swap3A_589 = tpu.vector_load %arg7[%swap3A_588] {strides = array<i32>} : memref<16384xf32, #tpu.memory_space<vmem>>, vector<16xf32>,
        tpu.vector_store %arg7[%swap3A_588], %gather3A_585 {strides = array<i32>} : memref<16384xf32, #tpu.memory_space<vmem>>, vector<16xf32>,
        %gather3A_590 = tpu.vector_load_idx %arg6[%add3A_205, %broadcast_in_dim3A_572] : memref<1024x16xf32, #tpu.memory_space<vmem>>[vector<16xi32>, vector<16xi32>], vector<16xf32>,
        %add3A_591 = arith.constant 48 : i32
        %add3A_592 = arith.addi %add3A_574, %add3A_591 : i32
        %swap3A_593 = arith.index_cast %add3A_592 : i32 to index
        %swap3A_594 = tpu.vector_load %arg7[%swap3A_593] {strides = array<i32>} : memref<16384xf32, #tpu.memory_space<vmem>>, vector<16xf32>,
        tpu.vector_store %arg7[%swap3A_593], %gather3A_590 {strides = array<i32>} : memref<16384xf32, #tpu.memory_space<vmem>>, vector<16xf32>,
        %gather3A_595 = tpu.vector_load_idx %arg6[%add3A_209, %broadcast_in_dim3A_572] : memref<1024x16xf32, #tpu.memory_space<vmem>>[vector<16xi32>, vector<16xi32>], vector<16xf32>,
        %add3A_596 = arith.constant 64 : i32
        %add3A_597 = arith.addi %add3A_574, %add3A_596 : i32
        %swap3A_598 = arith.index_cast %add3A_597 : i32 to index
        %swap3A_599 = tpu.vector_load %arg7[%swap3A_598] {strides = array<i32>} : memref<16384xf32, #tpu.memory_space<vmem>>, vector<16xf32>,
        tpu.vector_store %arg7[%swap3A_598], %gather3A_595 {strides = array<i32>} : memref<16384xf32, #tpu.memory_space<vmem>>, vector<16xf32>,
        %gather3A_600 = tpu.vector_load_idx %arg6[%add3A_213, %broadcast_in_dim3A_572] : memref<1024x16xf32, #tpu.memory_space<vmem>>[vector<16xi32>, vector<16xi32>], vector<16xf32>,
        %add3A_601 = arith.constant 80 : i32
        %add3A_602 = arith.addi %add3A_574, %add3A_601 : i32
        %swap3A_603 = arith.index_cast %add3A_602 : i32 to index
        %swap3A_604 = tpu.vector_load %arg7[%swap3A_603] {strides = array<i32>} : memref<16384xf32, #tpu.memory_space<vmem>>, vector<16xf32>,
        tpu.vector_store %arg7[%swap3A_603], %gather3A_600 {strides = array<i32>} : memref<16384xf32, #tpu.memory_space<vmem>>, vector<16xf32>,
        %gather3A_605 = tpu.vector_load_idx %arg6[%add3A_217, %broadcast_in_dim3A_572] : memref<1024x16xf32, #tpu.memory_space<vmem>>[vector<16xi32>, vector<16xi32>], vector<16xf32>,
        %add3A_606 = arith.constant 96 : i32
        %add3A_607 = arith.addi %add3A_574, %add3A_606 : i32
        %swap3A_608 = arith.index_cast %add3A_607 : i32 to index
        %swap3A_609 = tpu.vector_load %arg7[%swap3A_608] {strides = array<i32>} : memref<16384xf32, #tpu.memory_space<vmem>>, vector<16xf32>,
        tpu.vector_store %arg7[%swap3A_608], %gather3A_605 {strides = array<i32>} : memref<16384xf32, #tpu.memory_space<vmem>>, vector<16xf32>,
        %gather3A_610 = tpu.vector_load_idx %arg6[%add3A_221, %broadcast_in_dim3A_572] : memref<1024x16xf32, #tpu.memory_space<vmem>>[vector<16xi32>, vector<16xi32>], vector<16xf32>,
        %add3A_611 = arith.constant 112 : i32
        %add3A_612 = arith.addi %add3A_574, %add3A_611 : i32
        %swap3A_613 = arith.index_cast %add3A_612 : i32 to index
        %swap3A_614 = tpu.vector_load %arg7[%swap3A_613] {strides = array<i32>} : memref<16384xf32, #tpu.memory_space<vmem>>, vector<16xf32>,
        tpu.vector_store %arg7[%swap3A_613], %gather3A_610 {strides = array<i32>} : memref<16384xf32, #tpu.memory_space<vmem>>, vector<16xf32>,
        %broadcast_in_dim3A_615 = arith.constant 9 : i32
        %broadcast_in_dim3A_616 = vector.broadcast %broadcast_in_dim3A_615 : i32 to vector<16xi32>
        %add3A_617 = arith.constant 1152 : i32
        %add3A_618 = arith.addi %mul3A_189, %add3A_617 : i32
        %gather3A_619 = tpu.vector_load_idx %arg6[%add3A_193, %broadcast_in_dim3A_616] : memref<1024x16xf32, #tpu.memory_space<vmem>>[vector<16xi32>, vector<16xi32>], vector<16xf32>,
        %add3A_620 = arith.constant 0 : i32
        %add3A_621 = arith.addi %add3A_618, %add3A_620 : i32
        %swap3A_622 = arith.index_cast %add3A_621 : i32 to index
        %swap3A_623 = tpu.vector_load %arg7[%swap3A_622] {strides = array<i32>} : memref<16384xf32, #tpu.memory_space<vmem>>, vector<16xf32>,
        tpu.vector_store %arg7[%swap3A_622], %gather3A_619 {strides = array<i32>} : memref<16384xf32, #tpu.memory_space<vmem>>, vector<16xf32>,
        %gather3A_624 = tpu.vector_load_idx %arg6[%add3A_197, %broadcast_in_dim3A_616] : memref<1024x16xf32, #tpu.memory_space<vmem>>[vector<16xi32>, vector<16xi32>], vector<16xf32>,
        %add3A_625 = arith.constant 16 : i32
        %add3A_626 = arith.addi %add3A_618, %add3A_625 : i32
        %swap3A_627 = arith.index_cast %add3A_626 : i32 to index
        %swap3A_628 = tpu.vector_load %arg7[%swap3A_627] {strides = array<i32>} : memref<16384xf32, #tpu.memory_space<vmem>>, vector<16xf32>,
        tpu.vector_store %arg7[%swap3A_627], %gather3A_624 {strides = array<i32>} : memref<16384xf32, #tpu.memory_space<vmem>>, vector<16xf32>,
        %gather3A_629 = tpu.vector_load_idx %arg6[%add3A_201, %broadcast_in_dim3A_616] : memref<1024x16xf32, #tpu.memory_space<vmem>>[vector<16xi32>, vector<16xi32>], vector<16xf32>,
        %add3A_630 = arith.constant 32 : i32
        %add3A_631 = arith.addi %add3A_618, %add3A_630 : i32
        %swap3A_632 = arith.index_cast %add3A_631 : i32 to index
        %swap3A_633 = tpu.vector_load %arg7[%swap3A_632] {strides = array<i32>} : memref<16384xf32, #tpu.memory_space<vmem>>, vector<16xf32>,
        tpu.vector_store %arg7[%swap3A_632], %gather3A_629 {strides = array<i32>} : memref<16384xf32, #tpu.memory_space<vmem>>, vector<16xf32>,
        %gather3A_634 = tpu.vector_load_idx %arg6[%add3A_205, %broadcast_in_dim3A_616] : memref<1024x16xf32, #tpu.memory_space<vmem>>[vector<16xi32>, vector<16xi32>], vector<16xf32>,
        %add3A_635 = arith.constant 48 : i32
        %add3A_636 = arith.addi %add3A_618, %add3A_635 : i32
        %swap3A_637 = arith.index_cast %add3A_636 : i32 to index
        %swap3A_638 = tpu.vector_load %arg7[%swap3A_637] {strides = array<i32>} : memref<16384xf32, #tpu.memory_space<vmem>>, vector<16xf32>,
        tpu.vector_store %arg7[%swap3A_637], %gather3A_634 {strides = array<i32>} : memref<16384xf32, #tpu.memory_space<vmem>>, vector<16xf32>,
        %gather3A_639 = tpu.vector_load_idx %arg6[%add3A_209, %broadcast_in_dim3A_616] : memref<1024x16xf32, #tpu.memory_space<vmem>>[vector<16xi32>, vector<16xi32>], vector<16xf32>,
        %add3A_640 = arith.constant 64 : i32
        %add3A_641 = arith.addi %add3A_618, %add3A_640 : i32
        %swap3A_642 = arith.index_cast %add3A_641 : i32 to index
        %swap3A_643 = tpu.vector_load %arg7[%swap3A_642] {strides = array<i32>} : memref<16384xf32, #tpu.memory_space<vmem>>, vector<16xf32>,
        tpu.vector_store %arg7[%swap3A_642], %gather3A_639 {strides = array<i32>} : memref<16384xf32, #tpu.memory_space<vmem>>, vector<16xf32>,
        %gather3A_644 = tpu.vector_load_idx %arg6[%add3A_213, %broadcast_in_dim3A_616] : memref<1024x16xf32, #tpu.memory_space<vmem>>[vector<16xi32>, vector<16xi32>], vector<16xf32>,
        %add3A_645 = arith.constant 80 : i32
        %add3A_646 = arith.addi %add3A_618, %add3A_645 : i32
        %swap3A_647 = arith.index_cast %add3A_646 : i32 to index
        %swap3A_648 = tpu.vector_load %arg7[%swap3A_647] {strides = array<i32>} : memref<16384xf32, #tpu.memory_space<vmem>>, vector<16xf32>,
        tpu.vector_store %arg7[%swap3A_647], %gather3A_644 {strides = array<i32>} : memref<16384xf32, #tpu.memory_space<vmem>>, vector<16xf32>,
        %gather3A_649 = tpu.vector_load_idx %arg6[%add3A_217, %broadcast_in_dim3A_616] : memref<1024x16xf32, #tpu.memory_space<vmem>>[vector<16xi32>, vector<16xi32>], vector<16xf32>,
        %add3A_650 = arith.constant 96 : i32
        %add3A_651 = arith.addi %add3A_618, %add3A_650 : i32
        %swap3A_652 = arith.index_cast %add3A_651 : i32 to index
        %swap3A_653 = tpu.vector_load %arg7[%swap3A_652] {strides = array<i32>} : memref<16384xf32, #tpu.memory_space<vmem>>, vector<16xf32>,
        tpu.vector_store %arg7[%swap3A_652], %gather3A_649 {strides = array<i32>} : memref<16384xf32, #tpu.memory_space<vmem>>, vector<16xf32>,
        %gather3A_654 = tpu.vector_load_idx %arg6[%add3A_221, %broadcast_in_dim3A_616] : memref<1024x16xf32, #tpu.memory_space<vmem>>[vector<16xi32>, vector<16xi32>], vector<16xf32>,
        %add3A_655 = arith.constant 112 : i32
        %add3A_656 = arith.addi %add3A_618, %add3A_655 : i32
        %swap3A_657 = arith.index_cast %add3A_656 : i32 to index
        %swap3A_658 = tpu.vector_load %arg7[%swap3A_657] {strides = array<i32>} : memref<16384xf32, #tpu.memory_space<vmem>>, vector<16xf32>,
        tpu.vector_store %arg7[%swap3A_657], %gather3A_654 {strides = array<i32>} : memref<16384xf32, #tpu.memory_space<vmem>>, vector<16xf32>,
        %broadcast_in_dim3A_659 = arith.constant 10 : i32
        %broadcast_in_dim3A_660 = vector.broadcast %broadcast_in_dim3A_659 : i32 to vector<16xi32>
        %add3A_661 = arith.constant 1280 : i32
        %add3A_662 = arith.addi %mul3A_189, %add3A_661 : i32
        %gather3A_663 = tpu.vector_load_idx %arg6[%add3A_193, %broadcast_in_dim3A_660] : memref<1024x16xf32, #tpu.memory_space<vmem>>[vector<16xi32>, vector<16xi32>], vector<16xf32>,
        %add3A_664 = arith.constant 0 : i32
        %add3A_665 = arith.addi %add3A_662, %add3A_664 : i32
        %swap3A_666 = arith.index_cast %add3A_665 : i32 to index
        %swap3A_667 = tpu.vector_load %arg7[%swap3A_666] {strides = array<i32>} : memref<16384xf32, #tpu.memory_space<vmem>>, vector<16xf32>,
        tpu.vector_store %arg7[%swap3A_666], %gather3A_663 {strides = array<i32>} : memref<16384xf32, #tpu.memory_space<vmem>>, vector<16xf32>,
        %gather3A_668 = tpu.vector_load_idx %arg6[%add3A_197, %broadcast_in_dim3A_660] : memref<1024x16xf32, #tpu.memory_space<vmem>>[vector<16xi32>, vector<16xi32>], vector<16xf32>,
        %add3A_669 = arith.constant 16 : i32
        %add3A_670 = arith.addi %add3A_662, %add3A_669 : i32
        %swap3A_671 = arith.index_cast %add3A_670 : i32 to index
        %swap3A_672 = tpu.vector_load %arg7[%swap3A_671] {strides = array<i32>} : memref<16384xf32, #tpu.memory_space<vmem>>, vector<16xf32>,
        tpu.vector_store %arg7[%swap3A_671], %gather3A_668 {strides = array<i32>} : memref<16384xf32, #tpu.memory_space<vmem>>, vector<16xf32>,
        %gather3A_673 = tpu.vector_load_idx %arg6[%add3A_201, %broadcast_in_dim3A_660] : memref<1024x16xf32, #tpu.memory_space<vmem>>[vector<16xi32>, vector<16xi32>], vector<16xf32>,
        %add3A_674 = arith.constant 32 : i32
        %add3A_675 = arith.addi %add3A_662, %add3A_674 : i32
        %swap3A_676 = arith.index_cast %add3A_675 : i32 to index
        %swap3A_677 = tpu.vector_load %arg7[%swap3A_676] {strides = array<i32>} : memref<16384xf32, #tpu.memory_space<vmem>>, vector<16xf32>,
        tpu.vector_store %arg7[%swap3A_676], %gather3A_673 {strides = array<i32>} : memref<16384xf32, #tpu.memory_space<vmem>>, vector<16xf32>,
        %gather3A_678 = tpu.vector_load_idx %arg6[%add3A_205, %broadcast_in_dim3A_660] : memref<1024x16xf32, #tpu.memory_space<vmem>>[vector<16xi32>, vector<16xi32>], vector<16xf32>,
        %add3A_679 = arith.constant 48 : i32
        %add3A_680 = arith.addi %add3A_662, %add3A_679 : i32
        %swap3A_681 = arith.index_cast %add3A_680 : i32 to index
        %swap3A_682 = tpu.vector_load %arg7[%swap3A_681] {strides = array<i32>} : memref<16384xf32, #tpu.memory_space<vmem>>, vector<16xf32>,
        tpu.vector_store %arg7[%swap3A_681], %gather3A_678 {strides = array<i32>} : memref<16384xf32, #tpu.memory_space<vmem>>, vector<16xf32>,
        %gather3A_683 = tpu.vector_load_idx %arg6[%add3A_209, %broadcast_in_dim3A_660] : memref<1024x16xf32, #tpu.memory_space<vmem>>[vector<16xi32>, vector<16xi32>], vector<16xf32>,
        %add3A_684 = arith.constant 64 : i32
        %add3A_685 = arith.addi %add3A_662, %add3A_684 : i32
        %swap3A_686 = arith.index_cast %add3A_685 : i32 to index
        %swap3A_687 = tpu.vector_load %arg7[%swap3A_686] {strides = array<i32>} : memref<16384xf32, #tpu.memory_space<vmem>>, vector<16xf32>,
        tpu.vector_store %arg7[%swap3A_686], %gather3A_683 {strides = array<i32>} : memref<16384xf32, #tpu.memory_space<vmem>>, vector<16xf32>,
        %gather3A_688 = tpu.vector_load_idx %arg6[%add3A_213, %broadcast_in_dim3A_660] : memref<1024x16xf32, #tpu.memory_space<vmem>>[vector<16xi32>, vector<16xi32>], vector<16xf32>,
        %add3A_689 = arith.constant 80 : i32
        %add3A_690 = arith.addi %add3A_662, %add3A_689 : i32
        %swap3A_691 = arith.index_cast %add3A_690 : i32 to index
        %swap3A_692 = tpu.vector_load %arg7[%swap3A_691] {strides = array<i32>} : memref<16384xf32, #tpu.memory_space<vmem>>, vector<16xf32>,
        tpu.vector_store %arg7[%swap3A_691], %gather3A_688 {strides = array<i32>} : memref<16384xf32, #tpu.memory_space<vmem>>, vector<16xf32>,
        %gather3A_693 = tpu.vector_load_idx %arg6[%add3A_217, %broadcast_in_dim3A_660] : memref<1024x16xf32, #tpu.memory_space<vmem>>[vector<16xi32>, vector<16xi32>], vector<16xf32>,
        %add3A_694 = arith.constant 96 : i32
        %add3A_695 = arith.addi %add3A_662, %add3A_694 : i32
        %swap3A_696 = arith.index_cast %add3A_695 : i32 to index
        %swap3A_697 = tpu.vector_load %arg7[%swap3A_696] {strides = array<i32>} : memref<16384xf32, #tpu.memory_space<vmem>>, vector<16xf32>,
        tpu.vector_store %arg7[%swap3A_696], %gather3A_693 {strides = array<i32>} : memref<16384xf32, #tpu.memory_space<vmem>>, vector<16xf32>,
        %gather3A_698 = tpu.vector_load_idx %arg6[%add3A_221, %broadcast_in_dim3A_660] : memref<1024x16xf32, #tpu.memory_space<vmem>>[vector<16xi32>, vector<16xi32>], vector<16xf32>,
        %add3A_699 = arith.constant 112 : i32
        %add3A_700 = arith.addi %add3A_662, %add3A_699 : i32
        %swap3A_701 = arith.index_cast %add3A_700 : i32 to index
        %swap3A_702 = tpu.vector_load %arg7[%swap3A_701] {strides = array<i32>} : memref<16384xf32, #tpu.memory_space<vmem>>, vector<16xf32>,
        tpu.vector_store %arg7[%swap3A_701], %gather3A_698 {strides = array<i32>} : memref<16384xf32, #tpu.memory_space<vmem>>, vector<16xf32>,
        %broadcast_in_dim3A_703 = arith.constant 11 : i32
        %broadcast_in_dim3A_704 = vector.broadcast %broadcast_in_dim3A_703 : i32 to vector<16xi32>
        %add3A_705 = arith.constant 1408 : i32
        %add3A_706 = arith.addi %mul3A_189, %add3A_705 : i32
        %gather3A_707 = tpu.vector_load_idx %arg6[%add3A_193, %broadcast_in_dim3A_704] : memref<1024x16xf32, #tpu.memory_space<vmem>>[vector<16xi32>, vector<16xi32>], vector<16xf32>,
        %add3A_708 = arith.constant 0 : i32
        %add3A_709 = arith.addi %add3A_706, %add3A_708 : i32
        %swap3A_710 = arith.index_cast %add3A_709 : i32 to index
        %swap3A_711 = tpu.vector_load %arg7[%swap3A_710] {strides = array<i32>} : memref<16384xf32, #tpu.memory_space<vmem>>, vector<16xf32>,
        tpu.vector_store %arg7[%swap3A_710], %gather3A_707 {strides = array<i32>} : memref<16384xf32, #tpu.memory_space<vmem>>, vector<16xf32>,
        %gather3A_712 = tpu.vector_load_idx %arg6[%add3A_197, %broadcast_in_dim3A_704] : memref<1024x16xf32, #tpu.memory_space<vmem>>[vector<16xi32>, vector<16xi32>], vector<16xf32>,
        %add3A_713 = arith.constant 16 : i32
        %add3A_714 = arith.addi %add3A_706, %add3A_713 : i32
        %swap3A_715 = arith.index_cast %add3A_714 : i32 to index
        %swap3A_716 = tpu.vector_load %arg7[%swap3A_715] {strides = array<i32>} : memref<16384xf32, #tpu.memory_space<vmem>>, vector<16xf32>,
        tpu.vector_store %arg7[%swap3A_715], %gather3A_712 {strides = array<i32>} : memref<16384xf32, #tpu.memory_space<vmem>>, vector<16xf32>,
        %gather3A_717 = tpu.vector_load_idx %arg6[%add3A_201, %broadcast_in_dim3A_704] : memref<1024x16xf32, #tpu.memory_space<vmem>>[vector<16xi32>, vector<16xi32>], vector<16xf32>,
        %add3A_718 = arith.constant 32 : i32
        %add3A_719 = arith.addi %add3A_706, %add3A_718 : i32
        %swap3A_720 = arith.index_cast %add3A_719 : i32 to index
        %swap3A_721 = tpu.vector_load %arg7[%swap3A_720] {strides = array<i32>} : memref<16384xf32, #tpu.memory_space<vmem>>, vector<16xf32>,
        tpu.vector_store %arg7[%swap3A_720], %gather3A_717 {strides = array<i32>} : memref<16384xf32, #tpu.memory_space<vmem>>, vector<16xf32>,
        %gather3A_722 = tpu.vector_load_idx %arg6[%add3A_205, %broadcast_in_dim3A_704] : memref<1024x16xf32, #tpu.memory_space<vmem>>[vector<16xi32>, vector<16xi32>], vector<16xf32>,
        %add3A_723 = arith.constant 48 : i32
        %add3A_724 = arith.addi %add3A_706, %add3A_723 : i32
        %swap3A_725 = arith.index_cast %add3A_724 : i32 to index
        %swap3A_726 = tpu.vector_load %arg7[%swap3A_725] {strides = array<i32>} : memref<16384xf32, #tpu.memory_space<vmem>>, vector<16xf32>,
        tpu.vector_store %arg7[%swap3A_725], %gather3A_722 {strides = array<i32>} : memref<16384xf32, #tpu.memory_space<vmem>>, vector<16xf32>,
        %gather3A_727 = tpu.vector_load_idx %arg6[%add3A_209, %broadcast_in_dim3A_704] : memref<1024x16xf32, #tpu.memory_space<vmem>>[vector<16xi32>, vector<16xi32>], vector<16xf32>,
        %add3A_728 = arith.constant 64 : i32
        %add3A_729 = arith.addi %add3A_706, %add3A_728 : i32
        %swap3A_730 = arith.index_cast %add3A_729 : i32 to index
        %swap3A_731 = tpu.vector_load %arg7[%swap3A_730] {strides = array<i32>} : memref<16384xf32, #tpu.memory_space<vmem>>, vector<16xf32>,
        tpu.vector_store %arg7[%swap3A_730], %gather3A_727 {strides = array<i32>} : memref<16384xf32, #tpu.memory_space<vmem>>, vector<16xf32>,
        %gather3A_732 = tpu.vector_load_idx %arg6[%add3A_213, %broadcast_in_dim3A_704] : memref<1024x16xf32, #tpu.memory_space<vmem>>[vector<16xi32>, vector<16xi32>], vector<16xf32>,
        %add3A_733 = arith.constant 80 : i32
        %add3A_734 = arith.addi %add3A_706, %add3A_733 : i32
        %swap3A_735 = arith.index_cast %add3A_734 : i32 to index
        %swap3A_736 = tpu.vector_load %arg7[%swap3A_735] {strides = array<i32>} : memref<16384xf32, #tpu.memory_space<vmem>>, vector<16xf32>,
        tpu.vector_store %arg7[%swap3A_735], %gather3A_732 {strides = array<i32>} : memref<16384xf32, #tpu.memory_space<vmem>>, vector<16xf32>,
        %gather3A_737 = tpu.vector_load_idx %arg6[%add3A_217, %broadcast_in_dim3A_704] : memref<1024x16xf32, #tpu.memory_space<vmem>>[vector<16xi32>, vector<16xi32>], vector<16xf32>,
        %add3A_738 = arith.constant 96 : i32
        %add3A_739 = arith.addi %add3A_706, %add3A_738 : i32
        %swap3A_740 = arith.index_cast %add3A_739 : i32 to index
        %swap3A_741 = tpu.vector_load %arg7[%swap3A_740] {strides = array<i32>} : memref<16384xf32, #tpu.memory_space<vmem>>, vector<16xf32>,
        tpu.vector_store %arg7[%swap3A_740], %gather3A_737 {strides = array<i32>} : memref<16384xf32, #tpu.memory_space<vmem>>, vector<16xf32>,
        %gather3A_742 = tpu.vector_load_idx %arg6[%add3A_221, %broadcast_in_dim3A_704] : memref<1024x16xf32, #tpu.memory_space<vmem>>[vector<16xi32>, vector<16xi32>], vector<16xf32>,
        %add3A_743 = arith.constant 112 : i32
        %add3A_744 = arith.addi %add3A_706, %add3A_743 : i32
        %swap3A_745 = arith.index_cast %add3A_744 : i32 to index
        %swap3A_746 = tpu.vector_load %arg7[%swap3A_745] {strides = array<i32>} : memref<16384xf32, #tpu.memory_space<vmem>>, vector<16xf32>,
        tpu.vector_store %arg7[%swap3A_745], %gather3A_742 {strides = array<i32>} : memref<16384xf32, #tpu.memory_space<vmem>>, vector<16xf32>,
        %broadcast_in_dim3A_747 = arith.constant 12 : i32
        %broadcast_in_dim3A_748 = vector.broadcast %broadcast_in_dim3A_747 : i32 to vector<16xi32>
        %add3A_749 = arith.constant 1536 : i32
        %add3A_750 = arith.addi %mul3A_189, %add3A_749 : i32
        %gather3A_751 = tpu.vector_load_idx %arg6[%add3A_193, %broadcast_in_dim3A_748] : memref<1024x16xf32, #tpu.memory_space<vmem>>[vector<16xi32>, vector<16xi32>], vector<16xf32>,
        %add3A_752 = arith.constant 0 : i32
        %add3A_753 = arith.addi %add3A_750, %add3A_752 : i32
        %swap3A_754 = arith.index_cast %add3A_753 : i32 to index
        %swap3A_755 = tpu.vector_load %arg7[%swap3A_754] {strides = array<i32>} : memref<16384xf32, #tpu.memory_space<vmem>>, vector<16xf32>,
        tpu.vector_store %arg7[%swap3A_754], %gather3A_751 {strides = array<i32>} : memref<16384xf32, #tpu.memory_space<vmem>>, vector<16xf32>,
        %gather3A_756 = tpu.vector_load_idx %arg6[%add3A_197, %broadcast_in_dim3A_748] : memref<1024x16xf32, #tpu.memory_space<vmem>>[vector<16xi32>, vector<16xi32>], vector<16xf32>,
        %add3A_757 = arith.constant 16 : i32
        %add3A_758 = arith.addi %add3A_750, %add3A_757 : i32
        %swap3A_759 = arith.index_cast %add3A_758 : i32 to index
        %swap3A_760 = tpu.vector_load %arg7[%swap3A_759] {strides = array<i32>} : memref<16384xf32, #tpu.memory_space<vmem>>, vector<16xf32>,
        tpu.vector_store %arg7[%swap3A_759], %gather3A_756 {strides = array<i32>} : memref<16384xf32, #tpu.memory_space<vmem>>, vector<16xf32>,
        %gather3A_761 = tpu.vector_load_idx %arg6[%add3A_201, %broadcast_in_dim3A_748] : memref<1024x16xf32, #tpu.memory_space<vmem>>[vector<16xi32>, vector<16xi32>], vector<16xf32>,
        %add3A_762 = arith.constant 32 : i32
        %add3A_763 = arith.addi %add3A_750, %add3A_762 : i32
        %swap3A_764 = arith.index_cast %add3A_763 : i32 to index
        %swap3A_765 = tpu.vector_load %arg7[%swap3A_764] {strides = array<i32>} : memref<16384xf32, #tpu.memory_space<vmem>>, vector<16xf32>,
        tpu.vector_store %arg7[%swap3A_764], %gather3A_761 {strides = array<i32>} : memref<16384xf32, #tpu.memory_space<vmem>>, vector<16xf32>,
        %gather3A_766 = tpu.vector_load_idx %arg6[%add3A_205, %broadcast_in_dim3A_748] : memref<1024x16xf32, #tpu.memory_space<vmem>>[vector<16xi32>, vector<16xi32>], vector<16xf32>,
        %add3A_767 = arith.constant 48 : i32
        %add3A_768 = arith.addi %add3A_750, %add3A_767 : i32
        %swap3A_769 = arith.index_cast %add3A_768 : i32 to index
        %swap3A_770 = tpu.vector_load %arg7[%swap3A_769] {strides = array<i32>} : memref<16384xf32, #tpu.memory_space<vmem>>, vector<16xf32>,
        tpu.vector_store %arg7[%swap3A_769], %gather3A_766 {strides = array<i32>} : memref<16384xf32, #tpu.memory_space<vmem>>, vector<16xf32>,
        %gather3A_771 = tpu.vector_load_idx %arg6[%add3A_209, %broadcast_in_dim3A_748] : memref<1024x16xf32, #tpu.memory_space<vmem>>[vector<16xi32>, vector<16xi32>], vector<16xf32>,
        %add3A_772 = arith.constant 64 : i32
        %add3A_773 = arith.addi %add3A_750, %add3A_772 : i32
        %swap3A_774 = arith.index_cast %add3A_773 : i32 to index
        %swap3A_775 = tpu.vector_load %arg7[%swap3A_774] {strides = array<i32>} : memref<16384xf32, #tpu.memory_space<vmem>>, vector<16xf32>,
        tpu.vector_store %arg7[%swap3A_774], %gather3A_771 {strides = array<i32>} : memref<16384xf32, #tpu.memory_space<vmem>>, vector<16xf32>,
        %gather3A_776 = tpu.vector_load_idx %arg6[%add3A_213, %broadcast_in_dim3A_748] : memref<1024x16xf32, #tpu.memory_space<vmem>>[vector<16xi32>, vector<16xi32>], vector<16xf32>,
        %add3A_777 = arith.constant 80 : i32
        %add3A_778 = arith.addi %add3A_750, %add3A_777 : i32
        %swap3A_779 = arith.index_cast %add3A_778 : i32 to index
        %swap3A_780 = tpu.vector_load %arg7[%swap3A_779] {strides = array<i32>} : memref<16384xf32, #tpu.memory_space<vmem>>, vector<16xf32>,
        tpu.vector_store %arg7[%swap3A_779], %gather3A_776 {strides = array<i32>} : memref<16384xf32, #tpu.memory_space<vmem>>, vector<16xf32>,
        %gather3A_781 = tpu.vector_load_idx %arg6[%add3A_217, %broadcast_in_dim3A_748] : memref<1024x16xf32, #tpu.memory_space<vmem>>[vector<16xi32>, vector<16xi32>], vector<16xf32>,
        %add3A_782 = arith.constant 96 : i32
        %add3A_783 = arith.addi %add3A_750, %add3A_782 : i32
        %swap3A_784 = arith.index_cast %add3A_783 : i32 to index
        %swap3A_785 = tpu.vector_load %arg7[%swap3A_784] {strides = array<i32>} : memref<16384xf32, #tpu.memory_space<vmem>>, vector<16xf32>,
        tpu.vector_store %arg7[%swap3A_784], %gather3A_781 {strides = array<i32>} : memref<16384xf32, #tpu.memory_space<vmem>>, vector<16xf32>,
        %gather3A_786 = tpu.vector_load_idx %arg6[%add3A_221, %broadcast_in_dim3A_748] : memref<1024x16xf32, #tpu.memory_space<vmem>>[vector<16xi32>, vector<16xi32>], vector<16xf32>,
        %add3A_787 = arith.constant 112 : i32
        %add3A_788 = arith.addi %add3A_750, %add3A_787 : i32
        %swap3A_789 = arith.index_cast %add3A_788 : i32 to index
        %swap3A_790 = tpu.vector_load %arg7[%swap3A_789] {strides = array<i32>} : memref<16384xf32, #tpu.memory_space<vmem>>, vector<16xf32>,
        tpu.vector_store %arg7[%swap3A_789], %gather3A_786 {strides = array<i32>} : memref<16384xf32, #tpu.memory_space<vmem>>, vector<16xf32>,
        %broadcast_in_dim3A_791 = arith.constant 13 : i32
        %broadcast_in_dim3A_792 = vector.broadcast %broadcast_in_dim3A_791 : i32 to vector<16xi32>
        %add3A_793 = arith.constant 1664 : i32
        %add3A_794 = arith.addi %mul3A_189, %add3A_793 : i32
        %gather3A_795 = tpu.vector_load_idx %arg6[%add3A_193, %broadcast_in_dim3A_792] : memref<1024x16xf32, #tpu.memory_space<vmem>>[vector<16xi32>, vector<16xi32>], vector<16xf32>,
        %add3A_796 = arith.constant 0 : i32
        %add3A_797 = arith.addi %add3A_794, %add3A_796 : i32
        %swap3A_798 = arith.index_cast %add3A_797 : i32 to index
        %swap3A_799 = tpu.vector_load %arg7[%swap3A_798] {strides = array<i32>} : memref<16384xf32, #tpu.memory_space<vmem>>, vector<16xf32>,
        tpu.vector_store %arg7[%swap3A_798], %gather3A_795 {strides = array<i32>} : memref<16384xf32, #tpu.memory_space<vmem>>, vector<16xf32>,
        %gather3A_800 = tpu.vector_load_idx %arg6[%add3A_197, %broadcast_in_dim3A_792] : memref<1024x16xf32, #tpu.memory_space<vmem>>[vector<16xi32>, vector<16xi32>], vector<16xf32>,
        %add3A_801 = arith.constant 16 : i32
        %add3A_802 = arith.addi %add3A_794, %add3A_801 : i32
        %swap3A_803 = arith.index_cast %add3A_802 : i32 to index
        %swap3A_804 = tpu.vector_load %arg7[%swap3A_803] {strides = array<i32>} : memref<16384xf32, #tpu.memory_space<vmem>>, vector<16xf32>,
        tpu.vector_store %arg7[%swap3A_803], %gather3A_800 {strides = array<i32>} : memref<16384xf32, #tpu.memory_space<vmem>>, vector<16xf32>,
        %gather3A_805 = tpu.vector_load_idx %arg6[%add3A_201, %broadcast_in_dim3A_792] : memref<1024x16xf32, #tpu.memory_space<vmem>>[vector<16xi32>, vector<16xi32>], vector<16xf32>,
        %add3A_806 = arith.constant 32 : i32
        %add3A_807 = arith.addi %add3A_794, %add3A_806 : i32
        %swap3A_808 = arith.index_cast %add3A_807 : i32 to index
        %swap3A_809 = tpu.vector_load %arg7[%swap3A_808] {strides = array<i32>} : memref<16384xf32, #tpu.memory_space<vmem>>, vector<16xf32>,
        tpu.vector_store %arg7[%swap3A_808], %gather3A_805 {strides = array<i32>} : memref<16384xf32, #tpu.memory_space<vmem>>, vector<16xf32>,
        %gather3A_810 = tpu.vector_load_idx %arg6[%add3A_205, %broadcast_in_dim3A_792] : memref<1024x16xf32, #tpu.memory_space<vmem>>[vector<16xi32>, vector<16xi32>], vector<16xf32>,
        %add3A_811 = arith.constant 48 : i32
        %add3A_812 = arith.addi %add3A_794, %add3A_811 : i32
        %swap3A_813 = arith.index_cast %add3A_812 : i32 to index
        %swap3A_814 = tpu.vector_load %arg7[%swap3A_813] {strides = array<i32>} : memref<16384xf32, #tpu.memory_space<vmem>>, vector<16xf32>,
        tpu.vector_store %arg7[%swap3A_813], %gather3A_810 {strides = array<i32>} : memref<16384xf32, #tpu.memory_space<vmem>>, vector<16xf32>,
        %gather3A_815 = tpu.vector_load_idx %arg6[%add3A_209, %broadcast_in_dim3A_792] : memref<1024x16xf32, #tpu.memory_space<vmem>>[vector<16xi32>, vector<16xi32>], vector<16xf32>,
        %add3A_816 = arith.constant 64 : i32
        %add3A_817 = arith.addi %add3A_794, %add3A_816 : i32
        %swap3A_818 = arith.index_cast %add3A_817 : i32 to index
        %swap3A_819 = tpu.vector_load %arg7[%swap3A_818] {strides = array<i32>} : memref<16384xf32, #tpu.memory_space<vmem>>, vector<16xf32>,
        tpu.vector_store %arg7[%swap3A_818], %gather3A_815 {strides = array<i32>} : memref<16384xf32, #tpu.memory_space<vmem>>, vector<16xf32>,
        %gather3A_820 = tpu.vector_load_idx %arg6[%add3A_213, %broadcast_in_dim3A_792] : memref<1024x16xf32, #tpu.memory_space<vmem>>[vector<16xi32>, vector<16xi32>], vector<16xf32>,
        %add3A_821 = arith.constant 80 : i32
        %add3A_822 = arith.addi %add3A_794, %add3A_821 : i32
        %swap3A_823 = arith.index_cast %add3A_822 : i32 to index
        %swap3A_824 = tpu.vector_load %arg7[%swap3A_823] {strides = array<i32>} : memref<16384xf32, #tpu.memory_space<vmem>>, vector<16xf32>,
        tpu.vector_store %arg7[%swap3A_823], %gather3A_820 {strides = array<i32>} : memref<16384xf32, #tpu.memory_space<vmem>>, vector<16xf32>,
        %gather3A_825 = tpu.vector_load_idx %arg6[%add3A_217, %broadcast_in_dim3A_792] : memref<1024x16xf32, #tpu.memory_space<vmem>>[vector<16xi32>, vector<16xi32>], vector<16xf32>,
        %add3A_826 = arith.constant 96 : i32
        %add3A_827 = arith.addi %add3A_794, %add3A_826 : i32
        %swap3A_828 = arith.index_cast %add3A_827 : i32 to index
        %swap3A_829 = tpu.vector_load %arg7[%swap3A_828] {strides = array<i32>} : memref<16384xf32, #tpu.memory_space<vmem>>, vector<16xf32>,
        tpu.vector_store %arg7[%swap3A_828], %gather3A_825 {strides = array<i32>} : memref<16384xf32, #tpu.memory_space<vmem>>, vector<16xf32>,
        %gather3A_830 = tpu.vector_load_idx %arg6[%add3A_221, %broadcast_in_dim3A_792] : memref<1024x16xf32, #tpu.memory_space<vmem>>[vector<16xi32>, vector<16xi32>], vector<16xf32>,
        %add3A_831 = arith.constant 112 : i32
        %add3A_832 = arith.addi %add3A_794, %add3A_831 : i32
        %swap3A_833 = arith.index_cast %add3A_832 : i32 to index
        %swap3A_834 = tpu.vector_load %arg7[%swap3A_833] {strides = array<i32>} : memref<16384xf32, #tpu.memory_space<vmem>>, vector<16xf32>,
        tpu.vector_store %arg7[%swap3A_833], %gather3A_830 {strides = array<i32>} : memref<16384xf32, #tpu.memory_space<vmem>>, vector<16xf32>,
        %broadcast_in_dim3A_835 = arith.constant 14 : i32
        %broadcast_in_dim3A_836 = vector.broadcast %broadcast_in_dim3A_835 : i32 to vector<16xi32>
        %add3A_837 = arith.constant 1792 : i32
        %add3A_838 = arith.addi %mul3A_189, %add3A_837 : i32
        %gather3A_839 = tpu.vector_load_idx %arg6[%add3A_193, %broadcast_in_dim3A_836] : memref<1024x16xf32, #tpu.memory_space<vmem>>[vector<16xi32>, vector<16xi32>], vector<16xf32>,
        %add3A_840 = arith.constant 0 : i32
        %add3A_841 = arith.addi %add3A_838, %add3A_840 : i32
        %swap3A_842 = arith.index_cast %add3A_841 : i32 to index
        %swap3A_843 = tpu.vector_load %arg7[%swap3A_842] {strides = array<i32>} : memref<16384xf32, #tpu.memory_space<vmem>>, vector<16xf32>,
        tpu.vector_store %arg7[%swap3A_842], %gather3A_839 {strides = array<i32>} : memref<16384xf32, #tpu.memory_space<vmem>>, vector<16xf32>,
        %gather3A_844 = tpu.vector_load_idx %arg6[%add3A_197, %broadcast_in_dim3A_836] : memref<1024x16xf32, #tpu.memory_space<vmem>>[vector<16xi32>, vector<16xi32>], vector<16xf32>,
        %add3A_845 = arith.constant 16 : i32
        %add3A_846 = arith.addi %add3A_838, %add3A_845 : i32
        %swap3A_847 = arith.index_cast %add3A_846 : i32 to index
        %swap3A_848 = tpu.vector_load %arg7[%swap3A_847] {strides = array<i32>} : memref<16384xf32, #tpu.memory_space<vmem>>, vector<16xf32>,
        tpu.vector_store %arg7[%swap3A_847], %gather3A_844 {strides = array<i32>} : memref<16384xf32, #tpu.memory_space<vmem>>, vector<16xf32>,
        %gather3A_849 = tpu.vector_load_idx %arg6[%add3A_201, %broadcast_in_dim3A_836] : memref<1024x16xf32, #tpu.memory_space<vmem>>[vector<16xi32>, vector<16xi32>], vector<16xf32>,
        %add3A_850 = arith.constant 32 : i32
        %add3A_851 = arith.addi %add3A_838, %add3A_850 : i32
        %swap3A_852 = arith.index_cast %add3A_851 : i32 to index
        %swap3A_853 = tpu.vector_load %arg7[%swap3A_852] {strides = array<i32>} : memref<16384xf32, #tpu.memory_space<vmem>>, vector<16xf32>,
        tpu.vector_store %arg7[%swap3A_852], %gather3A_849 {strides = array<i32>} : memref<16384xf32, #tpu.memory_space<vmem>>, vector<16xf32>,
        %gather3A_854 = tpu.vector_load_idx %arg6[%add3A_205, %broadcast_in_dim3A_836] : memref<1024x16xf32, #tpu.memory_space<vmem>>[vector<16xi32>, vector<16xi32>], vector<16xf32>,
        %add3A_855 = arith.constant 48 : i32
        %add3A_856 = arith.addi %add3A_838, %add3A_855 : i32
        %swap3A_857 = arith.index_cast %add3A_856 : i32 to index
        %swap3A_858 = tpu.vector_load %arg7[%swap3A_857] {strides = array<i32>} : memref<16384xf32, #tpu.memory_space<vmem>>, vector<16xf32>,
        tpu.vector_store %arg7[%swap3A_857], %gather3A_854 {strides = array<i32>} : memref<16384xf32, #tpu.memory_space<vmem>>, vector<16xf32>,
        %gather3A_859 = tpu.vector_load_idx %arg6[%add3A_209, %broadcast_in_dim3A_836] : memref<1024x16xf32, #tpu.memory_space<vmem>>[vector<16xi32>, vector<16xi32>], vector<16xf32>,
        %add3A_860 = arith.constant 64 : i32
        %add3A_861 = arith.addi %add3A_838, %add3A_860 : i32
        %swap3A_862 = arith.index_cast %add3A_861 : i32 to index
        %swap3A_863 = tpu.vector_load %arg7[%swap3A_862] {strides = array<i32>} : memref<16384xf32, #tpu.memory_space<vmem>>, vector<16xf32>,
        tpu.vector_store %arg7[%swap3A_862], %gather3A_859 {strides = array<i32>} : memref<16384xf32, #tpu.memory_space<vmem>>, vector<16xf32>,
        %gather3A_864 = tpu.vector_load_idx %arg6[%add3A_213, %broadcast_in_dim3A_836] : memref<1024x16xf32, #tpu.memory_space<vmem>>[vector<16xi32>, vector<16xi32>], vector<16xf32>,
        %add3A_865 = arith.constant 80 : i32
        %add3A_866 = arith.addi %add3A_838, %add3A_865 : i32
        %swap3A_867 = arith.index_cast %add3A_866 : i32 to index
        %swap3A_868 = tpu.vector_load %arg7[%swap3A_867] {strides = array<i32>} : memref<16384xf32, #tpu.memory_space<vmem>>, vector<16xf32>,
        tpu.vector_store %arg7[%swap3A_867], %gather3A_864 {strides = array<i32>} : memref<16384xf32, #tpu.memory_space<vmem>>, vector<16xf32>,
        %gather3A_869 = tpu.vector_load_idx %arg6[%add3A_217, %broadcast_in_dim3A_836] : memref<1024x16xf32, #tpu.memory_space<vmem>>[vector<16xi32>, vector<16xi32>], vector<16xf32>,
        %add3A_870 = arith.constant 96 : i32
        %add3A_871 = arith.addi %add3A_838, %add3A_870 : i32
        %swap3A_872 = arith.index_cast %add3A_871 : i32 to index
        %swap3A_873 = tpu.vector_load %arg7[%swap3A_872] {strides = array<i32>} : memref<16384xf32, #tpu.memory_space<vmem>>, vector<16xf32>,
        tpu.vector_store %arg7[%swap3A_872], %gather3A_869 {strides = array<i32>} : memref<16384xf32, #tpu.memory_space<vmem>>, vector<16xf32>,
        %gather3A_874 = tpu.vector_load_idx %arg6[%add3A_221, %broadcast_in_dim3A_836] : memref<1024x16xf32, #tpu.memory_space<vmem>>[vector<16xi32>, vector<16xi32>], vector<16xf32>,
        %add3A_875 = arith.constant 112 : i32
        %add3A_876 = arith.addi %add3A_838, %add3A_875 : i32
        %swap3A_877 = arith.index_cast %add3A_876 : i32 to index
        %swap3A_878 = tpu.vector_load %arg7[%swap3A_877] {strides = array<i32>} : memref<16384xf32, #tpu.memory_space<vmem>>, vector<16xf32>,
        tpu.vector_store %arg7[%swap3A_877], %gather3A_874 {strides = array<i32>} : memref<16384xf32, #tpu.memory_space<vmem>>, vector<16xf32>,
        %broadcast_in_dim3A_879 = arith.constant 15 : i32
        %broadcast_in_dim3A_880 = vector.broadcast %broadcast_in_dim3A_879 : i32 to vector<16xi32>
        %add3A_881 = arith.constant 1920 : i32
        %add3A_882 = arith.addi %mul3A_189, %add3A_881 : i32
        %gather3A_883 = tpu.vector_load_idx %arg6[%add3A_193, %broadcast_in_dim3A_880] : memref<1024x16xf32, #tpu.memory_space<vmem>>[vector<16xi32>, vector<16xi32>], vector<16xf32>,
        %add3A_884 = arith.constant 0 : i32
        %add3A_885 = arith.addi %add3A_882, %add3A_884 : i32
        %swap3A_886 = arith.index_cast %add3A_885 : i32 to index
        %swap3A_887 = tpu.vector_load %arg7[%swap3A_886] {strides = array<i32>} : memref<16384xf32, #tpu.memory_space<vmem>>, vector<16xf32>,
        tpu.vector_store %arg7[%swap3A_886], %gather3A_883 {strides = array<i32>} : memref<16384xf32, #tpu.memory_space<vmem>>, vector<16xf32>,
        %gather3A_888 = tpu.vector_load_idx %arg6[%add3A_197, %broadcast_in_dim3A_880] : memref<1024x16xf32, #tpu.memory_space<vmem>>[vector<16xi32>, vector<16xi32>], vector<16xf32>,
        %add3A_889 = arith.constant 16 : i32
        %add3A_890 = arith.addi %add3A_882, %add3A_889 : i32
        %swap3A_891 = arith.index_cast %add3A_890 : i32 to index
        %swap3A_892 = tpu.vector_load %arg7[%swap3A_891] {strides = array<i32>} : memref<16384xf32, #tpu.memory_space<vmem>>, vector<16xf32>,
        tpu.vector_store %arg7[%swap3A_891], %gather3A_888 {strides = array<i32>} : memref<16384xf32, #tpu.memory_space<vmem>>, vector<16xf32>,
        %gather3A_893 = tpu.vector_load_idx %arg6[%add3A_201, %broadcast_in_dim3A_880] : memref<1024x16xf32, #tpu.memory_space<vmem>>[vector<16xi32>, vector<16xi32>], vector<16xf32>,
        %add3A_894 = arith.constant 32 : i32
        %add3A_895 = arith.addi %add3A_882, %add3A_894 : i32
        %swap3A_896 = arith.index_cast %add3A_895 : i32 to index
        %swap3A_897 = tpu.vector_load %arg7[%swap3A_896] {strides = array<i32>} : memref<16384xf32, #tpu.memory_space<vmem>>, vector<16xf32>,
        tpu.vector_store %arg7[%swap3A_896], %gather3A_893 {strides = array<i32>} : memref<16384xf32, #tpu.memory_space<vmem>>, vector<16xf32>,
        %gather3A_898 = tpu.vector_load_idx %arg6[%add3A_205, %broadcast_in_dim3A_880] : memref<1024x16xf32, #tpu.memory_space<vmem>>[vector<16xi32>, vector<16xi32>], vector<16xf32>,
        %add3A_899 = arith.constant 48 : i32
        %add3A_900 = arith.addi %add3A_882, %add3A_899 : i32
        %swap3A_901 = arith.index_cast %add3A_900 : i32 to index
        %swap3A_902 = tpu.vector_load %arg7[%swap3A_901] {strides = array<i32>} : memref<16384xf32, #tpu.memory_space<vmem>>, vector<16xf32>,
        tpu.vector_store %arg7[%swap3A_901], %gather3A_898 {strides = array<i32>} : memref<16384xf32, #tpu.memory_space<vmem>>, vector<16xf32>,
        %gather3A_903 = tpu.vector_load_idx %arg6[%add3A_209, %broadcast_in_dim3A_880] : memref<1024x16xf32, #tpu.memory_space<vmem>>[vector<16xi32>, vector<16xi32>], vector<16xf32>,
        %add3A_904 = arith.constant 64 : i32
        %add3A_905 = arith.addi %add3A_882, %add3A_904 : i32
        %swap3A_906 = arith.index_cast %add3A_905 : i32 to index
        %swap3A_907 = tpu.vector_load %arg7[%swap3A_906] {strides = array<i32>} : memref<16384xf32, #tpu.memory_space<vmem>>, vector<16xf32>,
        tpu.vector_store %arg7[%swap3A_906], %gather3A_903 {strides = array<i32>} : memref<16384xf32, #tpu.memory_space<vmem>>, vector<16xf32>,
        %gather3A_908 = tpu.vector_load_idx %arg6[%add3A_213, %broadcast_in_dim3A_880] : memref<1024x16xf32, #tpu.memory_space<vmem>>[vector<16xi32>, vector<16xi32>], vector<16xf32>,
        %add3A_909 = arith.constant 80 : i32
        %add3A_910 = arith.addi %add3A_882, %add3A_909 : i32
        %swap3A_911 = arith.index_cast %add3A_910 : i32 to index
        %swap3A_912 = tpu.vector_load %arg7[%swap3A_911] {strides = array<i32>} : memref<16384xf32, #tpu.memory_space<vmem>>, vector<16xf32>,
        tpu.vector_store %arg7[%swap3A_911], %gather3A_908 {strides = array<i32>} : memref<16384xf32, #tpu.memory_space<vmem>>, vector<16xf32>,
        %gather3A_913 = tpu.vector_load_idx %arg6[%add3A_217, %broadcast_in_dim3A_880] : memref<1024x16xf32, #tpu.memory_space<vmem>>[vector<16xi32>, vector<16xi32>], vector<16xf32>,
        %add3A_914 = arith.constant 96 : i32
        %add3A_915 = arith.addi %add3A_882, %add3A_914 : i32
        %swap3A_916 = arith.index_cast %add3A_915 : i32 to index
        %swap3A_917 = tpu.vector_load %arg7[%swap3A_916] {strides = array<i32>} : memref<16384xf32, #tpu.memory_space<vmem>>, vector<16xf32>,
        tpu.vector_store %arg7[%swap3A_916], %gather3A_913 {strides = array<i32>} : memref<16384xf32, #tpu.memory_space<vmem>>, vector<16xf32>,
        %gather3A_918 = tpu.vector_load_idx %arg6[%add3A_221, %broadcast_in_dim3A_880] : memref<1024x16xf32, #tpu.memory_space<vmem>>[vector<16xi32>, vector<16xi32>], vector<16xf32>,
        %add3A_919 = arith.constant 112 : i32
        %add3A_920 = arith.addi %add3A_882, %add3A_919 : i32
        %swap3A_921 = arith.index_cast %add3A_920 : i32 to index
        %swap3A_922 = tpu.vector_load %arg7[%swap3A_921] {strides = array<i32>} : memref<16384xf32, #tpu.memory_space<vmem>>, vector<16xf32>,
        tpu.vector_store %arg7[%swap3A_921], %gather3A_918 {strides = array<i32>} : memref<16384xf32, #tpu.memory_space<vmem>>, vector<16xf32>,
      }
      %scan3A_180 = arith.constant 8 : i32
      %mul3A_181 = arith.constant 16 : i32
      %mul3A_182 = arith.muli %add3A_16, %mul3A_181 : i32
      "tpu.region"() ({
        %run_scoped3A = tpu.sem_alloc : memref<!tpu.dma_semaphore, #tpu.memory_space<semaphore_mem>>
        %dma_start3A_183 = tpu.memref_slice %arg4[%mul3A_182] : memref<13107200xf32, #tpu.memory_space<hbm>> -> memref<16384xf32, #tpu.memory_space<hbm>>
        %dma_start3A_184 = tpu.memref_slice %arg4[%mul3A_182] : memref<13107200xf32, #tpu.memory_space<hbm>> -> memref<16384xf32, #tpu.memory_space<hbm>>
        tpu.enqueue_dma source(%arg7 : memref<16384xf32, #tpu.memory_space<vmem>>) target(%dma_start3A_184 : memref<16384xf32, #tpu.memory_space<hbm>>) target_semaphore(%run_scoped3A : memref<!tpu.dma_semaphore, #tpu.memory_space<semaphore_mem>>)
        %dma_wait3A_185 = tpu.memref_slice %arg4[%mul3A_182] : memref<13107200xf32, #tpu.memory_space<hbm>> -> memref<16384xf32, #tpu.memory_space<hbm>>
        %dma_wait3A_186 = tpu.memref_slice %arg4[%mul3A_182] : memref<13107200xf32, #tpu.memory_space<hbm>> -> memref<16384xf32, #tpu.memory_space<hbm>>
        tpu.wait_dma2 semaphore(%run_scoped3A : memref<!tpu.dma_semaphore, #tpu.memory_space<semaphore_mem>>) src(%arg7 : memref<16384xf32, #tpu.memory_space<vmem>>) dst(%dma_wait3A_186 : memref<16384xf32, #tpu.memory_space<hbm>>)
        tpu.yield
      }) : () -> ()
    }
    %scan3A_9 = arith.constant 25 : i32
    return
  }
}

#map = affine_map<(d0, d1) -> (0, 0)>
#map1 = affine_map<(d0, d1) -> (0)>
module attributes {stable_mosaic.version = 14 : i64} {
  func.func @k(%arg0: i32, %arg1: i32, %arg2: memref<6400x128xi32, #tpu.memory_space<hbm>>, %arg3: memref<1000000x16xf32, #tpu.memory_space<hbm>>, %arg4: memref<13107200xf32, #tpu.memory_space<hbm>>, %arg5: memref<8x128xi32, #tpu.memory_space<vmem>>, %arg6: memref<1024x16xf32, #tpu.memory_space<vmem>>, %arg7: memref<16384xf32, #tpu.memory_space<vmem>>, %arg8: memref<!tpu.dma_semaphore, #tpu.memory_space<semaphore_mem>>) attributes {dimension_semantics = [#tpu.dimension_semantics<core_parallel>, #tpu.dimension_semantics<subcore_parallel>], iteration_bounds = array<i64: 2, 16>, scalar_prefetch = 0 : i64, scratch_operands = 4 : i64, tpu.core_type = #tpu.core_type<sc_vector_subcore>, window_params = [{transform_indices = #map}, {transform_indices = #map}, {transform_indices = #map1}]} {
    %mul3A = arith.constant 2 : i32
    %mul3A_0 = arith.muli %arg1, %mul3A : i32
    %add3A = arith.addi %mul3A_0, %arg0 : i32
    %mul3A_1 = arith.constant 200 : i32
    %mul3A_2 = arith.muli %add3A, %mul3A_1 : i32
    %mul3A_3 = arith.constant 25600 : i32
    %mul3A_4 = arith.muli %add3A, %mul3A_3 : i32
    %iota3A = tpu.iota {dimensions = array<i32: 0>} : vector<16xi32>
    %scan3A = arith.constant 0 : i32
    %scan3A_5 = arith.constant 0 : i32
    %scan3A_6 = arith.constant 25 : i32
    %scan3A_7 = arith.addi %scan3A_5, %scan3A_6 : i32
    %scan3A_8 = arith.constant 1 : i32
    scf.for %scan3A_10 = %scan3A_5 to %scan3A_7 step %scan3A_8  : i32 {
      %mul3A_11 = arith.constant 8 : i32
      %mul3A_12 = arith.muli %scan3A_10, %mul3A_11 : i32
      %add3A_13 = arith.addi %mul3A_2, %mul3A_12 : i32
      %mul3A_14 = arith.constant 1024 : i32
      %mul3A_15 = arith.muli %scan3A_10, %mul3A_14 : i32
      %add3A_16 = arith.addi %mul3A_4, %mul3A_15 : i32
      "tpu.region"() ({
        %run_scoped3A = tpu.sem_alloc : memref<!tpu.dma_semaphore, #tpu.memory_space<semaphore_mem>>
        %dma_start3A_183 = arith.constant 0 : i32
        %dma_start3A_184 = tpu.memref_slice %arg2[%add3A_13, %dma_start3A_183] : memref<6400x128xi32, #tpu.memory_space<hbm>> -> memref<8x128xi32, #tpu.memory_space<hbm>>
        %dma_start3A_185 = arith.constant 0 : i32
        %dma_start3A_186 = tpu.memref_slice %arg2[%add3A_13, %dma_start3A_185] : memref<6400x128xi32, #tpu.memory_space<hbm>> -> memref<8x128xi32, #tpu.memory_space<hbm>>
        tpu.enqueue_dma source(%dma_start3A_186 : memref<8x128xi32, #tpu.memory_space<hbm>>) target(%arg5 : memref<8x128xi32, #tpu.memory_space<vmem>>) target_semaphore(%run_scoped3A : memref<!tpu.dma_semaphore, #tpu.memory_space<semaphore_mem>>)
        %dma_wait3A_187 = arith.constant 0 : i32
        %dma_wait3A_188 = tpu.memref_slice %arg2[%add3A_13, %dma_wait3A_187] : memref<6400x128xi32, #tpu.memory_space<hbm>> -> memref<8x128xi32, #tpu.memory_space<hbm>>
        %dma_wait3A_189 = arith.constant 0 : i32
        %dma_wait3A_190 = tpu.memref_slice %arg2[%add3A_13, %dma_wait3A_189] : memref<6400x128xi32, #tpu.memory_space<hbm>> -> memref<8x128xi32, #tpu.memory_space<hbm>>
        tpu.wait_dma2 semaphore(%run_scoped3A : memref<!tpu.dma_semaphore, #tpu.memory_space<semaphore_mem>>) src(%dma_wait3A_190 : memref<8x128xi32, #tpu.memory_space<hbm>>) dst(%arg5 : memref<8x128xi32, #tpu.memory_space<vmem>>)
        tpu.yield
      }) : () -> ()
      %dma_start3A = arith.constant 0 : i32
      %dma_start3A_17 = arith.constant 0 : i32
      %dma_start3A_18 = arith.constant 0 : i32
      %dma_start3A_19 = tpu.memref_slice %arg6[%dma_start3A_17, %dma_start3A_18] : memref<1024x16xf32, #tpu.memory_space<vmem>> -> memref<128x16xf32, #tpu.memory_space<vmem>>
      %dma_start3A_20 = arith.constant 0 : i32
      %dma_start3A_21 = tpu.memref_slice %arg5[%dma_start3A, %dma_start3A_20] : memref<8x128xi32, #tpu.memory_space<vmem>> -> memref<1x128xi32, #tpu.memory_space<vmem>>
      %dma_start3A_22 = tpu.memref_squeeze %dma_start3A_21 : memref<1x128xi32, #tpu.memory_space<vmem>> -> memref<128xi32, #tpu.memory_space<vmem>>
      %dma_start3A_23 = arith.constant 0 : i32
      %dma_start3A_24 = arith.constant 0 : i32
      %dma_start3A_25 = tpu.memref_slice %arg3[%dma_start3A_23, %dma_start3A_24] : memref<1000000x16xf32, #tpu.memory_space<hbm>> -> memref<1000000x16xf32, #tpu.memory_space<hbm>>
      tpu.enqueue_indirect_dma source(%dma_start3A_25 : memref<1000000x16xf32, #tpu.memory_space<hbm>>) target(%dma_start3A_19 : memref<128x16xf32, #tpu.memory_space<vmem>>) offsets(%dma_start3A_22 : memref<128xi32, #tpu.memory_space<vmem>>) semaphore(%arg8 : memref<!tpu.dma_semaphore, #tpu.memory_space<semaphore_mem>>)
      %dma_start3A_26 = arith.constant 1 : i32
      %dma_start3A_27 = arith.constant 128 : i32
      %dma_start3A_28 = arith.constant 0 : i32
      %dma_start3A_29 = tpu.memref_slice %arg6[%dma_start3A_27, %dma_start3A_28] : memref<1024x16xf32, #tpu.memory_space<vmem>> -> memref<128x16xf32, #tpu.memory_space<vmem>>
      %dma_start3A_30 = arith.constant 0 : i32
      %dma_start3A_31 = tpu.memref_slice %arg5[%dma_start3A_26, %dma_start3A_30] : memref<8x128xi32, #tpu.memory_space<vmem>> -> memref<1x128xi32, #tpu.memory_space<vmem>>
      %dma_start3A_32 = tpu.memref_squeeze %dma_start3A_31 : memref<1x128xi32, #tpu.memory_space<vmem>> -> memref<128xi32, #tpu.memory_space<vmem>>
      %dma_start3A_33 = arith.constant 0 : i32
      %dma_start3A_34 = arith.constant 0 : i32
      %dma_start3A_35 = tpu.memref_slice %arg3[%dma_start3A_33, %dma_start3A_34] : memref<1000000x16xf32, #tpu.memory_space<hbm>> -> memref<1000000x16xf32, #tpu.memory_space<hbm>>
      tpu.enqueue_indirect_dma source(%dma_start3A_35 : memref<1000000x16xf32, #tpu.memory_space<hbm>>) target(%dma_start3A_29 : memref<128x16xf32, #tpu.memory_space<vmem>>) offsets(%dma_start3A_32 : memref<128xi32, #tpu.memory_space<vmem>>) semaphore(%arg8 : memref<!tpu.dma_semaphore, #tpu.memory_space<semaphore_mem>>)
      %dma_start3A_36 = arith.constant 2 : i32
      %dma_start3A_37 = arith.constant 256 : i32
      %dma_start3A_38 = arith.constant 0 : i32
      %dma_start3A_39 = tpu.memref_slice %arg6[%dma_start3A_37, %dma_start3A_38] : memref<1024x16xf32, #tpu.memory_space<vmem>> -> memref<128x16xf32, #tpu.memory_space<vmem>>
      %dma_start3A_40 = arith.constant 0 : i32
      %dma_start3A_41 = tpu.memref_slice %arg5[%dma_start3A_36, %dma_start3A_40] : memref<8x128xi32, #tpu.memory_space<vmem>> -> memref<1x128xi32, #tpu.memory_space<vmem>>
      %dma_start3A_42 = tpu.memref_squeeze %dma_start3A_41 : memref<1x128xi32, #tpu.memory_space<vmem>> -> memref<128xi32, #tpu.memory_space<vmem>>
      %dma_start3A_43 = arith.constant 0 : i32
      %dma_start3A_44 = arith.constant 0 : i32
      %dma_start3A_45 = tpu.memref_slice %arg3[%dma_start3A_43, %dma_start3A_44] : memref<1000000x16xf32, #tpu.memory_space<hbm>> -> memref<1000000x16xf32, #tpu.memory_space<hbm>>
      tpu.enqueue_indirect_dma source(%dma_start3A_45 : memref<1000000x16xf32, #tpu.memory_space<hbm>>) target(%dma_start3A_39 : memref<128x16xf32, #tpu.memory_space<vmem>>) offsets(%dma_start3A_42 : memref<128xi32, #tpu.memory_space<vmem>>) semaphore(%arg8 : memref<!tpu.dma_semaphore, #tpu.memory_space<semaphore_mem>>)
      %dma_start3A_46 = arith.constant 3 : i32
      %dma_start3A_47 = arith.constant 384 : i32
      %dma_start3A_48 = arith.constant 0 : i32
      %dma_start3A_49 = tpu.memref_slice %arg6[%dma_start3A_47, %dma_start3A_48] : memref<1024x16xf32, #tpu.memory_space<vmem>> -> memref<128x16xf32, #tpu.memory_space<vmem>>
      %dma_start3A_50 = arith.constant 0 : i32
      %dma_start3A_51 = tpu.memref_slice %arg5[%dma_start3A_46, %dma_start3A_50] : memref<8x128xi32, #tpu.memory_space<vmem>> -> memref<1x128xi32, #tpu.memory_space<vmem>>
      %dma_start3A_52 = tpu.memref_squeeze %dma_start3A_51 : memref<1x128xi32, #tpu.memory_space<vmem>> -> memref<128xi32, #tpu.memory_space<vmem>>
      %dma_start3A_53 = arith.constant 0 : i32
      %dma_start3A_54 = arith.constant 0 : i32
      %dma_start3A_55 = tpu.memref_slice %arg3[%dma_start3A_53, %dma_start3A_54] : memref<1000000x16xf32, #tpu.memory_space<hbm>> -> memref<1000000x16xf32, #tpu.memory_space<hbm>>
      tpu.enqueue_indirect_dma source(%dma_start3A_55 : memref<1000000x16xf32, #tpu.memory_space<hbm>>) target(%dma_start3A_49 : memref<128x16xf32, #tpu.memory_space<vmem>>) offsets(%dma_start3A_52 : memref<128xi32, #tpu.memory_space<vmem>>) semaphore(%arg8 : memref<!tpu.dma_semaphore, #tpu.memory_space<semaphore_mem>>)
      %dma_start3A_56 = arith.constant 4 : i32
      %dma_start3A_57 = arith.constant 512 : i32
      %dma_start3A_58 = arith.constant 0 : i32
      %dma_start3A_59 = tpu.memref_slice %arg6[%dma_start3A_57, %dma_start3A_58] : memref<1024x16xf32, #tpu.memory_space<vmem>> -> memref<128x16xf32, #tpu.memory_space<vmem>>
      %dma_start3A_60 = arith.constant 0 : i32
      %dma_start3A_61 = tpu.memref_slice %arg5[%dma_start3A_56, %dma_start3A_60] : memref<8x128xi32, #tpu.memory_space<vmem>> -> memref<1x128xi32, #tpu.memory_space<vmem>>
      %dma_start3A_62 = tpu.memref_squeeze %dma_start3A_61 : memref<1x128xi32, #tpu.memory_space<vmem>> -> memref<128xi32, #tpu.memory_space<vmem>>
      %dma_start3A_63 = arith.constant 0 : i32
      %dma_start3A_64 = arith.constant 0 : i32
      %dma_start3A_65 = tpu.memref_slice %arg3[%dma_start3A_63, %dma_start3A_64] : memref<1000000x16xf32, #tpu.memory_space<hbm>> -> memref<1000000x16xf32, #tpu.memory_space<hbm>>
      tpu.enqueue_indirect_dma source(%dma_start3A_65 : memref<1000000x16xf32, #tpu.memory_space<hbm>>) target(%dma_start3A_59 : memref<128x16xf32, #tpu.memory_space<vmem>>) offsets(%dma_start3A_62 : memref<128xi32, #tpu.memory_space<vmem>>) semaphore(%arg8 : memref<!tpu.dma_semaphore, #tpu.memory_space<semaphore_mem>>)
      %dma_start3A_66 = arith.constant 5 : i32
      %dma_start3A_67 = arith.constant 640 : i32
      %dma_start3A_68 = arith.constant 0 : i32
      %dma_start3A_69 = tpu.memref_slice %arg6[%dma_start3A_67, %dma_start3A_68] : memref<1024x16xf32, #tpu.memory_space<vmem>> -> memref<128x16xf32, #tpu.memory_space<vmem>>
      %dma_start3A_70 = arith.constant 0 : i32
      %dma_start3A_71 = tpu.memref_slice %arg5[%dma_start3A_66, %dma_start3A_70] : memref<8x128xi32, #tpu.memory_space<vmem>> -> memref<1x128xi32, #tpu.memory_space<vmem>>
      %dma_start3A_72 = tpu.memref_squeeze %dma_start3A_71 : memref<1x128xi32, #tpu.memory_space<vmem>> -> memref<128xi32, #tpu.memory_space<vmem>>
      %dma_start3A_73 = arith.constant 0 : i32
      %dma_start3A_74 = arith.constant 0 : i32
      %dma_start3A_75 = tpu.memref_slice %arg3[%dma_start3A_73, %dma_start3A_74] : memref<1000000x16xf32, #tpu.memory_space<hbm>> -> memref<1000000x16xf32, #tpu.memory_space<hbm>>
      tpu.enqueue_indirect_dma source(%dma_start3A_75 : memref<1000000x16xf32, #tpu.memory_space<hbm>>) target(%dma_start3A_69 : memref<128x16xf32, #tpu.memory_space<vmem>>) offsets(%dma_start3A_72 : memref<128xi32, #tpu.memory_space<vmem>>) semaphore(%arg8 : memref<!tpu.dma_semaphore, #tpu.memory_space<semaphore_mem>>)
      %dma_start3A_76 = arith.constant 6 : i32
      %dma_start3A_77 = arith.constant 768 : i32
      %dma_start3A_78 = arith.constant 0 : i32
      %dma_start3A_79 = tpu.memref_slice %arg6[%dma_start3A_77, %dma_start3A_78] : memref<1024x16xf32, #tpu.memory_space<vmem>> -> memref<128x16xf32, #tpu.memory_space<vmem>>
      %dma_start3A_80 = arith.constant 0 : i32
      %dma_start3A_81 = tpu.memref_slice %arg5[%dma_start3A_76, %dma_start3A_80] : memref<8x128xi32, #tpu.memory_space<vmem>> -> memref<1x128xi32, #tpu.memory_space<vmem>>
      %dma_start3A_82 = tpu.memref_squeeze %dma_start3A_81 : memref<1x128xi32, #tpu.memory_space<vmem>> -> memref<128xi32, #tpu.memory_space<vmem>>
      %dma_start3A_83 = arith.constant 0 : i32
      %dma_start3A_84 = arith.constant 0 : i32
      %dma_start3A_85 = tpu.memref_slice %arg3[%dma_start3A_83, %dma_start3A_84] : memref<1000000x16xf32, #tpu.memory_space<hbm>> -> memref<1000000x16xf32, #tpu.memory_space<hbm>>
      tpu.enqueue_indirect_dma source(%dma_start3A_85 : memref<1000000x16xf32, #tpu.memory_space<hbm>>) target(%dma_start3A_79 : memref<128x16xf32, #tpu.memory_space<vmem>>) offsets(%dma_start3A_82 : memref<128xi32, #tpu.memory_space<vmem>>) semaphore(%arg8 : memref<!tpu.dma_semaphore, #tpu.memory_space<semaphore_mem>>)
      %dma_start3A_86 = arith.constant 7 : i32
      %dma_start3A_87 = arith.constant 896 : i32
      %dma_start3A_88 = arith.constant 0 : i32
      %dma_start3A_89 = tpu.memref_slice %arg6[%dma_start3A_87, %dma_start3A_88] : memref<1024x16xf32, #tpu.memory_space<vmem>> -> memref<128x16xf32, #tpu.memory_space<vmem>>
      %dma_start3A_90 = arith.constant 0 : i32
      %dma_start3A_91 = tpu.memref_slice %arg5[%dma_start3A_86, %dma_start3A_90] : memref<8x128xi32, #tpu.memory_space<vmem>> -> memref<1x128xi32, #tpu.memory_space<vmem>>
      %dma_start3A_92 = tpu.memref_squeeze %dma_start3A_91 : memref<1x128xi32, #tpu.memory_space<vmem>> -> memref<128xi32, #tpu.memory_space<vmem>>
      %dma_start3A_93 = arith.constant 0 : i32
      %dma_start3A_94 = arith.constant 0 : i32
      %dma_start3A_95 = tpu.memref_slice %arg3[%dma_start3A_93, %dma_start3A_94] : memref<1000000x16xf32, #tpu.memory_space<hbm>> -> memref<1000000x16xf32, #tpu.memory_space<hbm>>
      tpu.enqueue_indirect_dma source(%dma_start3A_95 : memref<1000000x16xf32, #tpu.memory_space<hbm>>) target(%dma_start3A_89 : memref<128x16xf32, #tpu.memory_space<vmem>>) offsets(%dma_start3A_92 : memref<128xi32, #tpu.memory_space<vmem>>) semaphore(%arg8 : memref<!tpu.dma_semaphore, #tpu.memory_space<semaphore_mem>>)
      %dma_wait3A = arith.constant 0 : i32
      %dma_wait3A_96 = arith.constant 0 : i32
      %dma_wait3A_97 = arith.constant 0 : i32
      %dma_wait3A_98 = tpu.memref_slice %arg6[%dma_wait3A_96, %dma_wait3A_97] : memref<1024x16xf32, #tpu.memory_space<vmem>> -> memref<128x16xf32, #tpu.memory_space<vmem>>
      %dma_wait3A_99 = arith.constant 0 : i32
      %dma_wait3A_100 = tpu.memref_slice %arg5[%dma_wait3A, %dma_wait3A_99] : memref<8x128xi32, #tpu.memory_space<vmem>> -> memref<1x128xi32, #tpu.memory_space<vmem>>
      %dma_wait3A_101 = tpu.memref_squeeze %dma_wait3A_100 : memref<1x128xi32, #tpu.memory_space<vmem>> -> memref<128xi32, #tpu.memory_space<vmem>>
      %dma_wait3A_102 = arith.constant 0 : i32
      %dma_wait3A_103 = arith.constant 0 : i32
      %dma_wait3A_104 = tpu.memref_slice %arg3[%dma_wait3A_102, %dma_wait3A_103] : memref<1000000x16xf32, #tpu.memory_space<hbm>> -> memref<1000000x16xf32, #tpu.memory_space<hbm>>
      tpu.wait_indirect_dma semaphore(%arg8 : memref<!tpu.dma_semaphore, #tpu.memory_space<semaphore_mem>>) src(%dma_wait3A_104 : memref<1000000x16xf32, #tpu.memory_space<hbm>>) dst(%dma_wait3A_98 : memref<128x16xf32, #tpu.memory_space<vmem>>)
      %dma_wait3A_105 = arith.constant 1 : i32
      %dma_wait3A_106 = arith.constant 128 : i32
      %dma_wait3A_107 = arith.constant 0 : i32
      %dma_wait3A_108 = tpu.memref_slice %arg6[%dma_wait3A_106, %dma_wait3A_107] : memref<1024x16xf32, #tpu.memory_space<vmem>> -> memref<128x16xf32, #tpu.memory_space<vmem>>
      %dma_wait3A_109 = arith.constant 0 : i32
      %dma_wait3A_110 = tpu.memref_slice %arg5[%dma_wait3A_105, %dma_wait3A_109] : memref<8x128xi32, #tpu.memory_space<vmem>> -> memref<1x128xi32, #tpu.memory_space<vmem>>
      %dma_wait3A_111 = tpu.memref_squeeze %dma_wait3A_110 : memref<1x128xi32, #tpu.memory_space<vmem>> -> memref<128xi32, #tpu.memory_space<vmem>>
      %dma_wait3A_112 = arith.constant 0 : i32
      %dma_wait3A_113 = arith.constant 0 : i32
      %dma_wait3A_114 = tpu.memref_slice %arg3[%dma_wait3A_112, %dma_wait3A_113] : memref<1000000x16xf32, #tpu.memory_space<hbm>> -> memref<1000000x16xf32, #tpu.memory_space<hbm>>
      tpu.wait_indirect_dma semaphore(%arg8 : memref<!tpu.dma_semaphore, #tpu.memory_space<semaphore_mem>>) src(%dma_wait3A_114 : memref<1000000x16xf32, #tpu.memory_space<hbm>>) dst(%dma_wait3A_108 : memref<128x16xf32, #tpu.memory_space<vmem>>)
      %dma_wait3A_115 = arith.constant 2 : i32
      %dma_wait3A_116 = arith.constant 256 : i32
      %dma_wait3A_117 = arith.constant 0 : i32
      %dma_wait3A_118 = tpu.memref_slice %arg6[%dma_wait3A_116, %dma_wait3A_117] : memref<1024x16xf32, #tpu.memory_space<vmem>> -> memref<128x16xf32, #tpu.memory_space<vmem>>
      %dma_wait3A_119 = arith.constant 0 : i32
      %dma_wait3A_120 = tpu.memref_slice %arg5[%dma_wait3A_115, %dma_wait3A_119] : memref<8x128xi32, #tpu.memory_space<vmem>> -> memref<1x128xi32, #tpu.memory_space<vmem>>
      %dma_wait3A_121 = tpu.memref_squeeze %dma_wait3A_120 : memref<1x128xi32, #tpu.memory_space<vmem>> -> memref<128xi32, #tpu.memory_space<vmem>>
      %dma_wait3A_122 = arith.constant 0 : i32
      %dma_wait3A_123 = arith.constant 0 : i32
      %dma_wait3A_124 = tpu.memref_slice %arg3[%dma_wait3A_122, %dma_wait3A_123] : memref<1000000x16xf32, #tpu.memory_space<hbm>> -> memref<1000000x16xf32, #tpu.memory_space<hbm>>
      tpu.wait_indirect_dma semaphore(%arg8 : memref<!tpu.dma_semaphore, #tpu.memory_space<semaphore_mem>>) src(%dma_wait3A_124 : memref<1000000x16xf32, #tpu.memory_space<hbm>>) dst(%dma_wait3A_118 : memref<128x16xf32, #tpu.memory_space<vmem>>)
      %dma_wait3A_125 = arith.constant 3 : i32
      %dma_wait3A_126 = arith.constant 384 : i32
      %dma_wait3A_127 = arith.constant 0 : i32
      %dma_wait3A_128 = tpu.memref_slice %arg6[%dma_wait3A_126, %dma_wait3A_127] : memref<1024x16xf32, #tpu.memory_space<vmem>> -> memref<128x16xf32, #tpu.memory_space<vmem>>
      %dma_wait3A_129 = arith.constant 0 : i32
      %dma_wait3A_130 = tpu.memref_slice %arg5[%dma_wait3A_125, %dma_wait3A_129] : memref<8x128xi32, #tpu.memory_space<vmem>> -> memref<1x128xi32, #tpu.memory_space<vmem>>
      %dma_wait3A_131 = tpu.memref_squeeze %dma_wait3A_130 : memref<1x128xi32, #tpu.memory_space<vmem>> -> memref<128xi32, #tpu.memory_space<vmem>>
      %dma_wait3A_132 = arith.constant 0 : i32
      %dma_wait3A_133 = arith.constant 0 : i32
      %dma_wait3A_134 = tpu.memref_slice %arg3[%dma_wait3A_132, %dma_wait3A_133] : memref<1000000x16xf32, #tpu.memory_space<hbm>> -> memref<1000000x16xf32, #tpu.memory_space<hbm>>
      tpu.wait_indirect_dma semaphore(%arg8 : memref<!tpu.dma_semaphore, #tpu.memory_space<semaphore_mem>>) src(%dma_wait3A_134 : memref<1000000x16xf32, #tpu.memory_space<hbm>>) dst(%dma_wait3A_128 : memref<128x16xf32, #tpu.memory_space<vmem>>)
      %dma_wait3A_135 = arith.constant 4 : i32
      %dma_wait3A_136 = arith.constant 512 : i32
      %dma_wait3A_137 = arith.constant 0 : i32
      %dma_wait3A_138 = tpu.memref_slice %arg6[%dma_wait3A_136, %dma_wait3A_137] : memref<1024x16xf32, #tpu.memory_space<vmem>> -> memref<128x16xf32, #tpu.memory_space<vmem>>
      %dma_wait3A_139 = arith.constant 0 : i32
      %dma_wait3A_140 = tpu.memref_slice %arg5[%dma_wait3A_135, %dma_wait3A_139] : memref<8x128xi32, #tpu.memory_space<vmem>> -> memref<1x128xi32, #tpu.memory_space<vmem>>
      %dma_wait3A_141 = tpu.memref_squeeze %dma_wait3A_140 : memref<1x128xi32, #tpu.memory_space<vmem>> -> memref<128xi32, #tpu.memory_space<vmem>>
      %dma_wait3A_142 = arith.constant 0 : i32
      %dma_wait3A_143 = arith.constant 0 : i32
      %dma_wait3A_144 = tpu.memref_slice %arg3[%dma_wait3A_142, %dma_wait3A_143] : memref<1000000x16xf32, #tpu.memory_space<hbm>> -> memref<1000000x16xf32, #tpu.memory_space<hbm>>
      tpu.wait_indirect_dma semaphore(%arg8 : memref<!tpu.dma_semaphore, #tpu.memory_space<semaphore_mem>>) src(%dma_wait3A_144 : memref<1000000x16xf32, #tpu.memory_space<hbm>>) dst(%dma_wait3A_138 : memref<128x16xf32, #tpu.memory_space<vmem>>)
      %dma_wait3A_145 = arith.constant 5 : i32
      %dma_wait3A_146 = arith.constant 640 : i32
      %dma_wait3A_147 = arith.constant 0 : i32
      %dma_wait3A_148 = tpu.memref_slice %arg6[%dma_wait3A_146, %dma_wait3A_147] : memref<1024x16xf32, #tpu.memory_space<vmem>> -> memref<128x16xf32, #tpu.memory_space<vmem>>
      %dma_wait3A_149 = arith.constant 0 : i32
      %dma_wait3A_150 = tpu.memref_slice %arg5[%dma_wait3A_145, %dma_wait3A_149] : memref<8x128xi32, #tpu.memory_space<vmem>> -> memref<1x128xi32, #tpu.memory_space<vmem>>
      %dma_wait3A_151 = tpu.memref_squeeze %dma_wait3A_150 : memref<1x128xi32, #tpu.memory_space<vmem>> -> memref<128xi32, #tpu.memory_space<vmem>>
      %dma_wait3A_152 = arith.constant 0 : i32
      %dma_wait3A_153 = arith.constant 0 : i32
      %dma_wait3A_154 = tpu.memref_slice %arg3[%dma_wait3A_152, %dma_wait3A_153] : memref<1000000x16xf32, #tpu.memory_space<hbm>> -> memref<1000000x16xf32, #tpu.memory_space<hbm>>
      tpu.wait_indirect_dma semaphore(%arg8 : memref<!tpu.dma_semaphore, #tpu.memory_space<semaphore_mem>>) src(%dma_wait3A_154 : memref<1000000x16xf32, #tpu.memory_space<hbm>>) dst(%dma_wait3A_148 : memref<128x16xf32, #tpu.memory_space<vmem>>)
      %dma_wait3A_155 = arith.constant 6 : i32
      %dma_wait3A_156 = arith.constant 768 : i32
      %dma_wait3A_157 = arith.constant 0 : i32
      %dma_wait3A_158 = tpu.memref_slice %arg6[%dma_wait3A_156, %dma_wait3A_157] : memref<1024x16xf32, #tpu.memory_space<vmem>> -> memref<128x16xf32, #tpu.memory_space<vmem>>
      %dma_wait3A_159 = arith.constant 0 : i32
      %dma_wait3A_160 = tpu.memref_slice %arg5[%dma_wait3A_155, %dma_wait3A_159] : memref<8x128xi32, #tpu.memory_space<vmem>> -> memref<1x128xi32, #tpu.memory_space<vmem>>
      %dma_wait3A_161 = tpu.memref_squeeze %dma_wait3A_160 : memref<1x128xi32, #tpu.memory_space<vmem>> -> memref<128xi32, #tpu.memory_space<vmem>>
      %dma_wait3A_162 = arith.constant 0 : i32
      %dma_wait3A_163 = arith.constant 0 : i32
      %dma_wait3A_164 = tpu.memref_slice %arg3[%dma_wait3A_162, %dma_wait3A_163] : memref<1000000x16xf32, #tpu.memory_space<hbm>> -> memref<1000000x16xf32, #tpu.memory_space<hbm>>
      tpu.wait_indirect_dma semaphore(%arg8 : memref<!tpu.dma_semaphore, #tpu.memory_space<semaphore_mem>>) src(%dma_wait3A_164 : memref<1000000x16xf32, #tpu.memory_space<hbm>>) dst(%dma_wait3A_158 : memref<128x16xf32, #tpu.memory_space<vmem>>)
      %dma_wait3A_165 = arith.constant 7 : i32
      %dma_wait3A_166 = arith.constant 896 : i32
      %dma_wait3A_167 = arith.constant 0 : i32
      %dma_wait3A_168 = tpu.memref_slice %arg6[%dma_wait3A_166, %dma_wait3A_167] : memref<1024x16xf32, #tpu.memory_space<vmem>> -> memref<128x16xf32, #tpu.memory_space<vmem>>
      %dma_wait3A_169 = arith.constant 0 : i32
      %dma_wait3A_170 = tpu.memref_slice %arg5[%dma_wait3A_165, %dma_wait3A_169] : memref<8x128xi32, #tpu.memory_space<vmem>> -> memref<1x128xi32, #tpu.memory_space<vmem>>
      %dma_wait3A_171 = tpu.memref_squeeze %dma_wait3A_170 : memref<1x128xi32, #tpu.memory_space<vmem>> -> memref<128xi32, #tpu.memory_space<vmem>>
      %dma_wait3A_172 = arith.constant 0 : i32
      %dma_wait3A_173 = arith.constant 0 : i32
      %dma_wait3A_174 = tpu.memref_slice %arg3[%dma_wait3A_172, %dma_wait3A_173] : memref<1000000x16xf32, #tpu.memory_space<hbm>> -> memref<1000000x16xf32, #tpu.memory_space<hbm>>
      tpu.wait_indirect_dma semaphore(%arg8 : memref<!tpu.dma_semaphore, #tpu.memory_space<semaphore_mem>>) src(%dma_wait3A_174 : memref<1000000x16xf32, #tpu.memory_space<hbm>>) dst(%dma_wait3A_168 : memref<128x16xf32, #tpu.memory_space<vmem>>)
      %scan3A_175 = arith.constant 0 : i32
      %scan3A_176 = arith.constant 0 : i32
      %scan3A_177 = arith.constant 8 : i32
      %scan3A_178 = arith.addi %scan3A_176, %scan3A_177 : i32
      %scan3A_179 = arith.constant 1 : i32
      scf.for %scan3A_183 = %scan3A_176 to %scan3A_178 step %scan3A_179  : i32 {
        %mul3A_184 = arith.constant 128 : i32
        %mul3A_185 = arith.muli %scan3A_183, %mul3A_184 : i32
        %mul3A_186 = arith.constant 128 : i32
        %mul3A_187 = arith.muli %scan3A_183, %mul3A_186 : i32
        %mul3A_188 = arith.constant 16 : i32
        %mul3A_189 = arith.muli %mul3A_187, %mul3A_188 : i32
        %add3A_190 = arith.constant 0 : i32
        %add3A_191 = arith.addi %mul3A_185, %add3A_190 : i32
        %add3A_192 = vector.broadcast %add3A_191 : i32 to vector<16xi32>
        %add3A_193 = arith.addi %add3A_192, %iota3A : vector<16xi32>
        %add3A_194 = arith.constant 16 : i32
        %add3A_195 = arith.addi %mul3A_185, %add3A_194 : i32
        %add3A_196 = vector.broadcast %add3A_195 : i32 to vector<16xi32>
        %add3A_197 = arith.addi %add3A_196, %iota3A : vector<16xi32>
        %add3A_198 = arith.constant 32 : i32
        %add3A_199 = arith.addi %mul3A_185, %add3A_198 : i32
        %add3A_200 = vector.broadcast %add3A_199 : i32 to vector<16xi32>
        %add3A_201 = arith.addi %add3A_200, %iota3A : vector<16xi32>
        %add3A_202 = arith.constant 48 : i32
        %add3A_203 = arith.addi %mul3A_185, %add3A_202 : i32
        %add3A_204 = vector.broadcast %add3A_203 : i32 to vector<16xi32>
        %add3A_205 = arith.addi %add3A_204, %iota3A : vector<16xi32>
        %add3A_206 = arith.constant 64 : i32
        %add3A_207 = arith.addi %mul3A_185, %add3A_206 : i32
        %add3A_208 = vector.broadcast %add3A_207 : i32 to vector<16xi32>
        %add3A_209 = arith.addi %add3A_208, %iota3A : vector<16xi32>
        %add3A_210 = arith.constant 80 : i32
        %add3A_211 = arith.addi %mul3A_185, %add3A_210 : i32
        %add3A_212 = vector.broadcast %add3A_211 : i32 to vector<16xi32>
        %add3A_213 = arith.addi %add3A_212, %iota3A : vector<16xi32>
        %add3A_214 = arith.constant 96 : i32
        %add3A_215 = arith.addi %mul3A_185, %add3A_214 : i32
        %add3A_216 = vector.broadcast %add3A_215 : i32 to vector<16xi32>
        %add3A_217 = arith.addi %add3A_216, %iota3A : vector<16xi32>
        %add3A_218 = arith.constant 112 : i32
        %add3A_219 = arith.addi %mul3A_185, %add3A_218 : i32
        %add3A_220 = vector.broadcast %add3A_219 : i32 to vector<16xi32>
        %add3A_221 = arith.addi %add3A_220, %iota3A : vector<16xi32>
        %broadcast_in_dim3A = arith.constant 0 : i32
        %broadcast_in_dim3A_222 = vector.broadcast %broadcast_in_dim3A : i32 to vector<16xi32>
        %add3A_223 = arith.constant 0 : i32
        %add3A_224 = arith.addi %mul3A_189, %add3A_223 : i32
        %gather3A = tpu.vector_load_idx %arg6[%add3A_193, %broadcast_in_dim3A_222] : memref<1024x16xf32, #tpu.memory_space<vmem>>[vector<16xi32>, vector<16xi32>], vector<16xf32>,
        %add3A_225 = arith.constant 0 : i32
        %add3A_226 = arith.addi %add3A_224, %add3A_225 : i32
        %swap3A = arith.index_cast %add3A_226 : i32 to index
        %swap3A_227 = tpu.vector_load %arg7[%swap3A] {strides = array<i32>} : memref<16384xf32, #tpu.memory_space<vmem>>, vector<16xf32>,
        tpu.vector_store %arg7[%swap3A], %gather3A {strides = array<i32>} : memref<16384xf32, #tpu.memory_space<vmem>>, vector<16xf32>,
        %gather3A_228 = tpu.vector_load_idx %arg6[%add3A_197, %broadcast_in_dim3A_222] : memref<1024x16xf32, #tpu.memory_space<vmem>>[vector<16xi32>, vector<16xi32>], vector<16xf32>,
        %add3A_229 = arith.constant 16 : i32
        %add3A_230 = arith.addi %add3A_224, %add3A_229 : i32
        %swap3A_231 = arith.index_cast %add3A_230 : i32 to index
        %swap3A_232 = tpu.vector_load %arg7[%swap3A_231] {strides = array<i32>} : memref<16384xf32, #tpu.memory_space<vmem>>, vector<16xf32>,
        tpu.vector_store %arg7[%swap3A_231], %gather3A_228 {strides = array<i32>} : memref<16384xf32, #tpu.memory_space<vmem>>, vector<16xf32>,
        %gather3A_233 = tpu.vector_load_idx %arg6[%add3A_201, %broadcast_in_dim3A_222] : memref<1024x16xf32, #tpu.memory_space<vmem>>[vector<16xi32>, vector<16xi32>], vector<16xf32>,
        %add3A_234 = arith.constant 32 : i32
        %add3A_235 = arith.addi %add3A_224, %add3A_234 : i32
        %swap3A_236 = arith.index_cast %add3A_235 : i32 to index
        %swap3A_237 = tpu.vector_load %arg7[%swap3A_236] {strides = array<i32>} : memref<16384xf32, #tpu.memory_space<vmem>>, vector<16xf32>,
        tpu.vector_store %arg7[%swap3A_236], %gather3A_233 {strides = array<i32>} : memref<16384xf32, #tpu.memory_space<vmem>>, vector<16xf32>,
        %gather3A_238 = tpu.vector_load_idx %arg6[%add3A_205, %broadcast_in_dim3A_222] : memref<1024x16xf32, #tpu.memory_space<vmem>>[vector<16xi32>, vector<16xi32>], vector<16xf32>,
        %add3A_239 = arith.constant 48 : i32
        %add3A_240 = arith.addi %add3A_224, %add3A_239 : i32
        %swap3A_241 = arith.index_cast %add3A_240 : i32 to index
        %swap3A_242 = tpu.vector_load %arg7[%swap3A_241] {strides = array<i32>} : memref<16384xf32, #tpu.memory_space<vmem>>, vector<16xf32>,
        tpu.vector_store %arg7[%swap3A_241], %gather3A_238 {strides = array<i32>} : memref<16384xf32, #tpu.memory_space<vmem>>, vector<16xf32>,
        %gather3A_243 = tpu.vector_load_idx %arg6[%add3A_209, %broadcast_in_dim3A_222] : memref<1024x16xf32, #tpu.memory_space<vmem>>[vector<16xi32>, vector<16xi32>], vector<16xf32>,
        %add3A_244 = arith.constant 64 : i32
        %add3A_245 = arith.addi %add3A_224, %add3A_244 : i32
        %swap3A_246 = arith.index_cast %add3A_245 : i32 to index
        %swap3A_247 = tpu.vector_load %arg7[%swap3A_246] {strides = array<i32>} : memref<16384xf32, #tpu.memory_space<vmem>>, vector<16xf32>,
        tpu.vector_store %arg7[%swap3A_246], %gather3A_243 {strides = array<i32>} : memref<16384xf32, #tpu.memory_space<vmem>>, vector<16xf32>,
        %gather3A_248 = tpu.vector_load_idx %arg6[%add3A_213, %broadcast_in_dim3A_222] : memref<1024x16xf32, #tpu.memory_space<vmem>>[vector<16xi32>, vector<16xi32>], vector<16xf32>,
        %add3A_249 = arith.constant 80 : i32
        %add3A_250 = arith.addi %add3A_224, %add3A_249 : i32
        %swap3A_251 = arith.index_cast %add3A_250 : i32 to index
        %swap3A_252 = tpu.vector_load %arg7[%swap3A_251] {strides = array<i32>} : memref<16384xf32, #tpu.memory_space<vmem>>, vector<16xf32>,
        tpu.vector_store %arg7[%swap3A_251], %gather3A_248 {strides = array<i32>} : memref<16384xf32, #tpu.memory_space<vmem>>, vector<16xf32>,
        %gather3A_253 = tpu.vector_load_idx %arg6[%add3A_217, %broadcast_in_dim3A_222] : memref<1024x16xf32, #tpu.memory_space<vmem>>[vector<16xi32>, vector<16xi32>], vector<16xf32>,
        %add3A_254 = arith.constant 96 : i32
        %add3A_255 = arith.addi %add3A_224, %add3A_254 : i32
        %swap3A_256 = arith.index_cast %add3A_255 : i32 to index
        %swap3A_257 = tpu.vector_load %arg7[%swap3A_256] {strides = array<i32>} : memref<16384xf32, #tpu.memory_space<vmem>>, vector<16xf32>,
        tpu.vector_store %arg7[%swap3A_256], %gather3A_253 {strides = array<i32>} : memref<16384xf32, #tpu.memory_space<vmem>>, vector<16xf32>,
        %gather3A_258 = tpu.vector_load_idx %arg6[%add3A_221, %broadcast_in_dim3A_222] : memref<1024x16xf32, #tpu.memory_space<vmem>>[vector<16xi32>, vector<16xi32>], vector<16xf32>,
        %add3A_259 = arith.constant 112 : i32
        %add3A_260 = arith.addi %add3A_224, %add3A_259 : i32
        %swap3A_261 = arith.index_cast %add3A_260 : i32 to index
        %swap3A_262 = tpu.vector_load %arg7[%swap3A_261] {strides = array<i32>} : memref<16384xf32, #tpu.memory_space<vmem>>, vector<16xf32>,
        tpu.vector_store %arg7[%swap3A_261], %gather3A_258 {strides = array<i32>} : memref<16384xf32, #tpu.memory_space<vmem>>, vector<16xf32>,
        %broadcast_in_dim3A_263 = arith.constant 1 : i32
        %broadcast_in_dim3A_264 = vector.broadcast %broadcast_in_dim3A_263 : i32 to vector<16xi32>
        %add3A_265 = arith.constant 128 : i32
        %add3A_266 = arith.addi %mul3A_189, %add3A_265 : i32
        %gather3A_267 = tpu.vector_load_idx %arg6[%add3A_193, %broadcast_in_dim3A_264] : memref<1024x16xf32, #tpu.memory_space<vmem>>[vector<16xi32>, vector<16xi32>], vector<16xf32>,
        %add3A_268 = arith.constant 0 : i32
        %add3A_269 = arith.addi %add3A_266, %add3A_268 : i32
        %swap3A_270 = arith.index_cast %add3A_269 : i32 to index
        %swap3A_271 = tpu.vector_load %arg7[%swap3A_270] {strides = array<i32>} : memref<16384xf32, #tpu.memory_space<vmem>>, vector<16xf32>,
        tpu.vector_store %arg7[%swap3A_270], %gather3A_267 {strides = array<i32>} : memref<16384xf32, #tpu.memory_space<vmem>>, vector<16xf32>,
        %gather3A_272 = tpu.vector_load_idx %arg6[%add3A_197, %broadcast_in_dim3A_264] : memref<1024x16xf32, #tpu.memory_space<vmem>>[vector<16xi32>, vector<16xi32>], vector<16xf32>,
        %add3A_273 = arith.constant 16 : i32
        %add3A_274 = arith.addi %add3A_266, %add3A_273 : i32
        %swap3A_275 = arith.index_cast %add3A_274 : i32 to index
        %swap3A_276 = tpu.vector_load %arg7[%swap3A_275] {strides = array<i32>} : memref<16384xf32, #tpu.memory_space<vmem>>, vector<16xf32>,
        tpu.vector_store %arg7[%swap3A_275], %gather3A_272 {strides = array<i32>} : memref<16384xf32, #tpu.memory_space<vmem>>, vector<16xf32>,
        %gather3A_277 = tpu.vector_load_idx %arg6[%add3A_201, %broadcast_in_dim3A_264] : memref<1024x16xf32, #tpu.memory_space<vmem>>[vector<16xi32>, vector<16xi32>], vector<16xf32>,
        %add3A_278 = arith.constant 32 : i32
        %add3A_279 = arith.addi %add3A_266, %add3A_278 : i32
        %swap3A_280 = arith.index_cast %add3A_279 : i32 to index
        %swap3A_281 = tpu.vector_load %arg7[%swap3A_280] {strides = array<i32>} : memref<16384xf32, #tpu.memory_space<vmem>>, vector<16xf32>,
        tpu.vector_store %arg7[%swap3A_280], %gather3A_277 {strides = array<i32>} : memref<16384xf32, #tpu.memory_space<vmem>>, vector<16xf32>,
        %gather3A_282 = tpu.vector_load_idx %arg6[%add3A_205, %broadcast_in_dim3A_264] : memref<1024x16xf32, #tpu.memory_space<vmem>>[vector<16xi32>, vector<16xi32>], vector<16xf32>,
        %add3A_283 = arith.constant 48 : i32
        %add3A_284 = arith.addi %add3A_266, %add3A_283 : i32
        %swap3A_285 = arith.index_cast %add3A_284 : i32 to index
        %swap3A_286 = tpu.vector_load %arg7[%swap3A_285] {strides = array<i32>} : memref<16384xf32, #tpu.memory_space<vmem>>, vector<16xf32>,
        tpu.vector_store %arg7[%swap3A_285], %gather3A_282 {strides = array<i32>} : memref<16384xf32, #tpu.memory_space<vmem>>, vector<16xf32>,
        %gather3A_287 = tpu.vector_load_idx %arg6[%add3A_209, %broadcast_in_dim3A_264] : memref<1024x16xf32, #tpu.memory_space<vmem>>[vector<16xi32>, vector<16xi32>], vector<16xf32>,
        %add3A_288 = arith.constant 64 : i32
        %add3A_289 = arith.addi %add3A_266, %add3A_288 : i32
        %swap3A_290 = arith.index_cast %add3A_289 : i32 to index
        %swap3A_291 = tpu.vector_load %arg7[%swap3A_290] {strides = array<i32>} : memref<16384xf32, #tpu.memory_space<vmem>>, vector<16xf32>,
        tpu.vector_store %arg7[%swap3A_290], %gather3A_287 {strides = array<i32>} : memref<16384xf32, #tpu.memory_space<vmem>>, vector<16xf32>,
        %gather3A_292 = tpu.vector_load_idx %arg6[%add3A_213, %broadcast_in_dim3A_264] : memref<1024x16xf32, #tpu.memory_space<vmem>>[vector<16xi32>, vector<16xi32>], vector<16xf32>,
        %add3A_293 = arith.constant 80 : i32
        %add3A_294 = arith.addi %add3A_266, %add3A_293 : i32
        %swap3A_295 = arith.index_cast %add3A_294 : i32 to index
        %swap3A_296 = tpu.vector_load %arg7[%swap3A_295] {strides = array<i32>} : memref<16384xf32, #tpu.memory_space<vmem>>, vector<16xf32>,
        tpu.vector_store %arg7[%swap3A_295], %gather3A_292 {strides = array<i32>} : memref<16384xf32, #tpu.memory_space<vmem>>, vector<16xf32>,
        %gather3A_297 = tpu.vector_load_idx %arg6[%add3A_217, %broadcast_in_dim3A_264] : memref<1024x16xf32, #tpu.memory_space<vmem>>[vector<16xi32>, vector<16xi32>], vector<16xf32>,
        %add3A_298 = arith.constant 96 : i32
        %add3A_299 = arith.addi %add3A_266, %add3A_298 : i32
        %swap3A_300 = arith.index_cast %add3A_299 : i32 to index
        %swap3A_301 = tpu.vector_load %arg7[%swap3A_300] {strides = array<i32>} : memref<16384xf32, #tpu.memory_space<vmem>>, vector<16xf32>,
        tpu.vector_store %arg7[%swap3A_300], %gather3A_297 {strides = array<i32>} : memref<16384xf32, #tpu.memory_space<vmem>>, vector<16xf32>,
        %gather3A_302 = tpu.vector_load_idx %arg6[%add3A_221, %broadcast_in_dim3A_264] : memref<1024x16xf32, #tpu.memory_space<vmem>>[vector<16xi32>, vector<16xi32>], vector<16xf32>,
        %add3A_303 = arith.constant 112 : i32
        %add3A_304 = arith.addi %add3A_266, %add3A_303 : i32
        %swap3A_305 = arith.index_cast %add3A_304 : i32 to index
        %swap3A_306 = tpu.vector_load %arg7[%swap3A_305] {strides = array<i32>} : memref<16384xf32, #tpu.memory_space<vmem>>, vector<16xf32>,
        tpu.vector_store %arg7[%swap3A_305], %gather3A_302 {strides = array<i32>} : memref<16384xf32, #tpu.memory_space<vmem>>, vector<16xf32>,
        %broadcast_in_dim3A_307 = arith.constant 2 : i32
        %broadcast_in_dim3A_308 = vector.broadcast %broadcast_in_dim3A_307 : i32 to vector<16xi32>
        %add3A_309 = arith.constant 256 : i32
        %add3A_310 = arith.addi %mul3A_189, %add3A_309 : i32
        %gather3A_311 = tpu.vector_load_idx %arg6[%add3A_193, %broadcast_in_dim3A_308] : memref<1024x16xf32, #tpu.memory_space<vmem>>[vector<16xi32>, vector<16xi32>], vector<16xf32>,
        %add3A_312 = arith.constant 0 : i32
        %add3A_313 = arith.addi %add3A_310, %add3A_312 : i32
        %swap3A_314 = arith.index_cast %add3A_313 : i32 to index
        %swap3A_315 = tpu.vector_load %arg7[%swap3A_314] {strides = array<i32>} : memref<16384xf32, #tpu.memory_space<vmem>>, vector<16xf32>,
        tpu.vector_store %arg7[%swap3A_314], %gather3A_311 {strides = array<i32>} : memref<16384xf32, #tpu.memory_space<vmem>>, vector<16xf32>,
        %gather3A_316 = tpu.vector_load_idx %arg6[%add3A_197, %broadcast_in_dim3A_308] : memref<1024x16xf32, #tpu.memory_space<vmem>>[vector<16xi32>, vector<16xi32>], vector<16xf32>,
        %add3A_317 = arith.constant 16 : i32
        %add3A_318 = arith.addi %add3A_310, %add3A_317 : i32
        %swap3A_319 = arith.index_cast %add3A_318 : i32 to index
        %swap3A_320 = tpu.vector_load %arg7[%swap3A_319] {strides = array<i32>} : memref<16384xf32, #tpu.memory_space<vmem>>, vector<16xf32>,
        tpu.vector_store %arg7[%swap3A_319], %gather3A_316 {strides = array<i32>} : memref<16384xf32, #tpu.memory_space<vmem>>, vector<16xf32>,
        %gather3A_321 = tpu.vector_load_idx %arg6[%add3A_201, %broadcast_in_dim3A_308] : memref<1024x16xf32, #tpu.memory_space<vmem>>[vector<16xi32>, vector<16xi32>], vector<16xf32>,
        %add3A_322 = arith.constant 32 : i32
        %add3A_323 = arith.addi %add3A_310, %add3A_322 : i32
        %swap3A_324 = arith.index_cast %add3A_323 : i32 to index
        %swap3A_325 = tpu.vector_load %arg7[%swap3A_324] {strides = array<i32>} : memref<16384xf32, #tpu.memory_space<vmem>>, vector<16xf32>,
        tpu.vector_store %arg7[%swap3A_324], %gather3A_321 {strides = array<i32>} : memref<16384xf32, #tpu.memory_space<vmem>>, vector<16xf32>,
        %gather3A_326 = tpu.vector_load_idx %arg6[%add3A_205, %broadcast_in_dim3A_308] : memref<1024x16xf32, #tpu.memory_space<vmem>>[vector<16xi32>, vector<16xi32>], vector<16xf32>,
        %add3A_327 = arith.constant 48 : i32
        %add3A_328 = arith.addi %add3A_310, %add3A_327 : i32
        %swap3A_329 = arith.index_cast %add3A_328 : i32 to index
        %swap3A_330 = tpu.vector_load %arg7[%swap3A_329] {strides = array<i32>} : memref<16384xf32, #tpu.memory_space<vmem>>, vector<16xf32>,
        tpu.vector_store %arg7[%swap3A_329], %gather3A_326 {strides = array<i32>} : memref<16384xf32, #tpu.memory_space<vmem>>, vector<16xf32>,
        %gather3A_331 = tpu.vector_load_idx %arg6[%add3A_209, %broadcast_in_dim3A_308] : memref<1024x16xf32, #tpu.memory_space<vmem>>[vector<16xi32>, vector<16xi32>], vector<16xf32>,
        %add3A_332 = arith.constant 64 : i32
        %add3A_333 = arith.addi %add3A_310, %add3A_332 : i32
        %swap3A_334 = arith.index_cast %add3A_333 : i32 to index
        %swap3A_335 = tpu.vector_load %arg7[%swap3A_334] {strides = array<i32>} : memref<16384xf32, #tpu.memory_space<vmem>>, vector<16xf32>,
        tpu.vector_store %arg7[%swap3A_334], %gather3A_331 {strides = array<i32>} : memref<16384xf32, #tpu.memory_space<vmem>>, vector<16xf32>,
        %gather3A_336 = tpu.vector_load_idx %arg6[%add3A_213, %broadcast_in_dim3A_308] : memref<1024x16xf32, #tpu.memory_space<vmem>>[vector<16xi32>, vector<16xi32>], vector<16xf32>,
        %add3A_337 = arith.constant 80 : i32
        %add3A_338 = arith.addi %add3A_310, %add3A_337 : i32
        %swap3A_339 = arith.index_cast %add3A_338 : i32 to index
        %swap3A_340 = tpu.vector_load %arg7[%swap3A_339] {strides = array<i32>} : memref<16384xf32, #tpu.memory_space<vmem>>, vector<16xf32>,
        tpu.vector_store %arg7[%swap3A_339], %gather3A_336 {strides = array<i32>} : memref<16384xf32, #tpu.memory_space<vmem>>, vector<16xf32>,
        %gather3A_341 = tpu.vector_load_idx %arg6[%add3A_217, %broadcast_in_dim3A_308] : memref<1024x16xf32, #tpu.memory_space<vmem>>[vector<16xi32>, vector<16xi32>], vector<16xf32>,
        %add3A_342 = arith.constant 96 : i32
        %add3A_343 = arith.addi %add3A_310, %add3A_342 : i32
        %swap3A_344 = arith.index_cast %add3A_343 : i32 to index
        %swap3A_345 = tpu.vector_load %arg7[%swap3A_344] {strides = array<i32>} : memref<16384xf32, #tpu.memory_space<vmem>>, vector<16xf32>,
        tpu.vector_store %arg7[%swap3A_344], %gather3A_341 {strides = array<i32>} : memref<16384xf32, #tpu.memory_space<vmem>>, vector<16xf32>,
        %gather3A_346 = tpu.vector_load_idx %arg6[%add3A_221, %broadcast_in_dim3A_308] : memref<1024x16xf32, #tpu.memory_space<vmem>>[vector<16xi32>, vector<16xi32>], vector<16xf32>,
        %add3A_347 = arith.constant 112 : i32
        %add3A_348 = arith.addi %add3A_310, %add3A_347 : i32
        %swap3A_349 = arith.index_cast %add3A_348 : i32 to index
        %swap3A_350 = tpu.vector_load %arg7[%swap3A_349] {strides = array<i32>} : memref<16384xf32, #tpu.memory_space<vmem>>, vector<16xf32>,
        tpu.vector_store %arg7[%swap3A_349], %gather3A_346 {strides = array<i32>} : memref<16384xf32, #tpu.memory_space<vmem>>, vector<16xf32>,
        %broadcast_in_dim3A_351 = arith.constant 3 : i32
        %broadcast_in_dim3A_352 = vector.broadcast %broadcast_in_dim3A_351 : i32 to vector<16xi32>
        %add3A_353 = arith.constant 384 : i32
        %add3A_354 = arith.addi %mul3A_189, %add3A_353 : i32
        %gather3A_355 = tpu.vector_load_idx %arg6[%add3A_193, %broadcast_in_dim3A_352] : memref<1024x16xf32, #tpu.memory_space<vmem>>[vector<16xi32>, vector<16xi32>], vector<16xf32>,
        %add3A_356 = arith.constant 0 : i32
        %add3A_357 = arith.addi %add3A_354, %add3A_356 : i32
        %swap3A_358 = arith.index_cast %add3A_357 : i32 to index
        %swap3A_359 = tpu.vector_load %arg7[%swap3A_358] {strides = array<i32>} : memref<16384xf32, #tpu.memory_space<vmem>>, vector<16xf32>,
        tpu.vector_store %arg7[%swap3A_358], %gather3A_355 {strides = array<i32>} : memref<16384xf32, #tpu.memory_space<vmem>>, vector<16xf32>,
        %gather3A_360 = tpu.vector_load_idx %arg6[%add3A_197, %broadcast_in_dim3A_352] : memref<1024x16xf32, #tpu.memory_space<vmem>>[vector<16xi32>, vector<16xi32>], vector<16xf32>,
        %add3A_361 = arith.constant 16 : i32
        %add3A_362 = arith.addi %add3A_354, %add3A_361 : i32
        %swap3A_363 = arith.index_cast %add3A_362 : i32 to index
        %swap3A_364 = tpu.vector_load %arg7[%swap3A_363] {strides = array<i32>} : memref<16384xf32, #tpu.memory_space<vmem>>, vector<16xf32>,
        tpu.vector_store %arg7[%swap3A_363], %gather3A_360 {strides = array<i32>} : memref<16384xf32, #tpu.memory_space<vmem>>, vector<16xf32>,
        %gather3A_365 = tpu.vector_load_idx %arg6[%add3A_201, %broadcast_in_dim3A_352] : memref<1024x16xf32, #tpu.memory_space<vmem>>[vector<16xi32>, vector<16xi32>], vector<16xf32>,
        %add3A_366 = arith.constant 32 : i32
        %add3A_367 = arith.addi %add3A_354, %add3A_366 : i32
        %swap3A_368 = arith.index_cast %add3A_367 : i32 to index
        %swap3A_369 = tpu.vector_load %arg7[%swap3A_368] {strides = array<i32>} : memref<16384xf32, #tpu.memory_space<vmem>>, vector<16xf32>,
        tpu.vector_store %arg7[%swap3A_368], %gather3A_365 {strides = array<i32>} : memref<16384xf32, #tpu.memory_space<vmem>>, vector<16xf32>,
        %gather3A_370 = tpu.vector_load_idx %arg6[%add3A_205, %broadcast_in_dim3A_352] : memref<1024x16xf32, #tpu.memory_space<vmem>>[vector<16xi32>, vector<16xi32>], vector<16xf32>,
        %add3A_371 = arith.constant 48 : i32
        %add3A_372 = arith.addi %add3A_354, %add3A_371 : i32
        %swap3A_373 = arith.index_cast %add3A_372 : i32 to index
        %swap3A_374 = tpu.vector_load %arg7[%swap3A_373] {strides = array<i32>} : memref<16384xf32, #tpu.memory_space<vmem>>, vector<16xf32>,
        tpu.vector_store %arg7[%swap3A_373], %gather3A_370 {strides = array<i32>} : memref<16384xf32, #tpu.memory_space<vmem>>, vector<16xf32>,
        %gather3A_375 = tpu.vector_load_idx %arg6[%add3A_209, %broadcast_in_dim3A_352] : memref<1024x16xf32, #tpu.memory_space<vmem>>[vector<16xi32>, vector<16xi32>], vector<16xf32>,
        %add3A_376 = arith.constant 64 : i32
        %add3A_377 = arith.addi %add3A_354, %add3A_376 : i32
        %swap3A_378 = arith.index_cast %add3A_377 : i32 to index
        %swap3A_379 = tpu.vector_load %arg7[%swap3A_378] {strides = array<i32>} : memref<16384xf32, #tpu.memory_space<vmem>>, vector<16xf32>,
        tpu.vector_store %arg7[%swap3A_378], %gather3A_375 {strides = array<i32>} : memref<16384xf32, #tpu.memory_space<vmem>>, vector<16xf32>,
        %gather3A_380 = tpu.vector_load_idx %arg6[%add3A_213, %broadcast_in_dim3A_352] : memref<1024x16xf32, #tpu.memory_space<vmem>>[vector<16xi32>, vector<16xi32>], vector<16xf32>,
        %add3A_381 = arith.constant 80 : i32
        %add3A_382 = arith.addi %add3A_354, %add3A_381 : i32
        %swap3A_383 = arith.index_cast %add3A_382 : i32 to index
        %swap3A_384 = tpu.vector_load %arg7[%swap3A_383] {strides = array<i32>} : memref<16384xf32, #tpu.memory_space<vmem>>, vector<16xf32>,
        tpu.vector_store %arg7[%swap3A_383], %gather3A_380 {strides = array<i32>} : memref<16384xf32, #tpu.memory_space<vmem>>, vector<16xf32>,
        %gather3A_385 = tpu.vector_load_idx %arg6[%add3A_217, %broadcast_in_dim3A_352] : memref<1024x16xf32, #tpu.memory_space<vmem>>[vector<16xi32>, vector<16xi32>], vector<16xf32>,
        %add3A_386 = arith.constant 96 : i32
        %add3A_387 = arith.addi %add3A_354, %add3A_386 : i32
        %swap3A_388 = arith.index_cast %add3A_387 : i32 to index
        %swap3A_389 = tpu.vector_load %arg7[%swap3A_388] {strides = array<i32>} : memref<16384xf32, #tpu.memory_space<vmem>>, vector<16xf32>,
        tpu.vector_store %arg7[%swap3A_388], %gather3A_385 {strides = array<i32>} : memref<16384xf32, #tpu.memory_space<vmem>>, vector<16xf32>,
        %gather3A_390 = tpu.vector_load_idx %arg6[%add3A_221, %broadcast_in_dim3A_352] : memref<1024x16xf32, #tpu.memory_space<vmem>>[vector<16xi32>, vector<16xi32>], vector<16xf32>,
        %add3A_391 = arith.constant 112 : i32
        %add3A_392 = arith.addi %add3A_354, %add3A_391 : i32
        %swap3A_393 = arith.index_cast %add3A_392 : i32 to index
        %swap3A_394 = tpu.vector_load %arg7[%swap3A_393] {strides = array<i32>} : memref<16384xf32, #tpu.memory_space<vmem>>, vector<16xf32>,
        tpu.vector_store %arg7[%swap3A_393], %gather3A_390 {strides = array<i32>} : memref<16384xf32, #tpu.memory_space<vmem>>, vector<16xf32>,
        %broadcast_in_dim3A_395 = arith.constant 4 : i32
        %broadcast_in_dim3A_396 = vector.broadcast %broadcast_in_dim3A_395 : i32 to vector<16xi32>
        %add3A_397 = arith.constant 512 : i32
        %add3A_398 = arith.addi %mul3A_189, %add3A_397 : i32
        %gather3A_399 = tpu.vector_load_idx %arg6[%add3A_193, %broadcast_in_dim3A_396] : memref<1024x16xf32, #tpu.memory_space<vmem>>[vector<16xi32>, vector<16xi32>], vector<16xf32>,
        %add3A_400 = arith.constant 0 : i32
        %add3A_401 = arith.addi %add3A_398, %add3A_400 : i32
        %swap3A_402 = arith.index_cast %add3A_401 : i32 to index
        %swap3A_403 = tpu.vector_load %arg7[%swap3A_402] {strides = array<i32>} : memref<16384xf32, #tpu.memory_space<vmem>>, vector<16xf32>,
        tpu.vector_store %arg7[%swap3A_402], %gather3A_399 {strides = array<i32>} : memref<16384xf32, #tpu.memory_space<vmem>>, vector<16xf32>,
        %gather3A_404 = tpu.vector_load_idx %arg6[%add3A_197, %broadcast_in_dim3A_396] : memref<1024x16xf32, #tpu.memory_space<vmem>>[vector<16xi32>, vector<16xi32>], vector<16xf32>,
        %add3A_405 = arith.constant 16 : i32
        %add3A_406 = arith.addi %add3A_398, %add3A_405 : i32
        %swap3A_407 = arith.index_cast %add3A_406 : i32 to index
        %swap3A_408 = tpu.vector_load %arg7[%swap3A_407] {strides = array<i32>} : memref<16384xf32, #tpu.memory_space<vmem>>, vector<16xf32>,
        tpu.vector_store %arg7[%swap3A_407], %gather3A_404 {strides = array<i32>} : memref<16384xf32, #tpu.memory_space<vmem>>, vector<16xf32>,
        %gather3A_409 = tpu.vector_load_idx %arg6[%add3A_201, %broadcast_in_dim3A_396] : memref<1024x16xf32, #tpu.memory_space<vmem>>[vector<16xi32>, vector<16xi32>], vector<16xf32>,
        %add3A_410 = arith.constant 32 : i32
        %add3A_411 = arith.addi %add3A_398, %add3A_410 : i32
        %swap3A_412 = arith.index_cast %add3A_411 : i32 to index
        %swap3A_413 = tpu.vector_load %arg7[%swap3A_412] {strides = array<i32>} : memref<16384xf32, #tpu.memory_space<vmem>>, vector<16xf32>,
        tpu.vector_store %arg7[%swap3A_412], %gather3A_409 {strides = array<i32>} : memref<16384xf32, #tpu.memory_space<vmem>>, vector<16xf32>,
        %gather3A_414 = tpu.vector_load_idx %arg6[%add3A_205, %broadcast_in_dim3A_396] : memref<1024x16xf32, #tpu.memory_space<vmem>>[vector<16xi32>, vector<16xi32>], vector<16xf32>,
        %add3A_415 = arith.constant 48 : i32
        %add3A_416 = arith.addi %add3A_398, %add3A_415 : i32
        %swap3A_417 = arith.index_cast %add3A_416 : i32 to index
        %swap3A_418 = tpu.vector_load %arg7[%swap3A_417] {strides = array<i32>} : memref<16384xf32, #tpu.memory_space<vmem>>, vector<16xf32>,
        tpu.vector_store %arg7[%swap3A_417], %gather3A_414 {strides = array<i32>} : memref<16384xf32, #tpu.memory_space<vmem>>, vector<16xf32>,
        %gather3A_419 = tpu.vector_load_idx %arg6[%add3A_209, %broadcast_in_dim3A_396] : memref<1024x16xf32, #tpu.memory_space<vmem>>[vector<16xi32>, vector<16xi32>], vector<16xf32>,
        %add3A_420 = arith.constant 64 : i32
        %add3A_421 = arith.addi %add3A_398, %add3A_420 : i32
        %swap3A_422 = arith.index_cast %add3A_421 : i32 to index
        %swap3A_423 = tpu.vector_load %arg7[%swap3A_422] {strides = array<i32>} : memref<16384xf32, #tpu.memory_space<vmem>>, vector<16xf32>,
        tpu.vector_store %arg7[%swap3A_422], %gather3A_419 {strides = array<i32>} : memref<16384xf32, #tpu.memory_space<vmem>>, vector<16xf32>,
        %gather3A_424 = tpu.vector_load_idx %arg6[%add3A_213, %broadcast_in_dim3A_396] : memref<1024x16xf32, #tpu.memory_space<vmem>>[vector<16xi32>, vector<16xi32>], vector<16xf32>,
        %add3A_425 = arith.constant 80 : i32
        %add3A_426 = arith.addi %add3A_398, %add3A_425 : i32
        %swap3A_427 = arith.index_cast %add3A_426 : i32 to index
        %swap3A_428 = tpu.vector_load %arg7[%swap3A_427] {strides = array<i32>} : memref<16384xf32, #tpu.memory_space<vmem>>, vector<16xf32>,
        tpu.vector_store %arg7[%swap3A_427], %gather3A_424 {strides = array<i32>} : memref<16384xf32, #tpu.memory_space<vmem>>, vector<16xf32>,
        %gather3A_429 = tpu.vector_load_idx %arg6[%add3A_217, %broadcast_in_dim3A_396] : memref<1024x16xf32, #tpu.memory_space<vmem>>[vector<16xi32>, vector<16xi32>], vector<16xf32>,
        %add3A_430 = arith.constant 96 : i32
        %add3A_431 = arith.addi %add3A_398, %add3A_430 : i32
        %swap3A_432 = arith.index_cast %add3A_431 : i32 to index
        %swap3A_433 = tpu.vector_load %arg7[%swap3A_432] {strides = array<i32>} : memref<16384xf32, #tpu.memory_space<vmem>>, vector<16xf32>,
        tpu.vector_store %arg7[%swap3A_432], %gather3A_429 {strides = array<i32>} : memref<16384xf32, #tpu.memory_space<vmem>>, vector<16xf32>,
        %gather3A_434 = tpu.vector_load_idx %arg6[%add3A_221, %broadcast_in_dim3A_396] : memref<1024x16xf32, #tpu.memory_space<vmem>>[vector<16xi32>, vector<16xi32>], vector<16xf32>,
        %add3A_435 = arith.constant 112 : i32
        %add3A_436 = arith.addi %add3A_398, %add3A_435 : i32
        %swap3A_437 = arith.index_cast %add3A_436 : i32 to index
        %swap3A_438 = tpu.vector_load %arg7[%swap3A_437] {strides = array<i32>} : memref<16384xf32, #tpu.memory_space<vmem>>, vector<16xf32>,
        tpu.vector_store %arg7[%swap3A_437], %gather3A_434 {strides = array<i32>} : memref<16384xf32, #tpu.memory_space<vmem>>, vector<16xf32>,
        %broadcast_in_dim3A_439 = arith.constant 5 : i32
        %broadcast_in_dim3A_440 = vector.broadcast %broadcast_in_dim3A_439 : i32 to vector<16xi32>
        %add3A_441 = arith.constant 640 : i32
        %add3A_442 = arith.addi %mul3A_189, %add3A_441 : i32
        %gather3A_443 = tpu.vector_load_idx %arg6[%add3A_193, %broadcast_in_dim3A_440] : memref<1024x16xf32, #tpu.memory_space<vmem>>[vector<16xi32>, vector<16xi32>], vector<16xf32>,
        %add3A_444 = arith.constant 0 : i32
        %add3A_445 = arith.addi %add3A_442, %add3A_444 : i32
        %swap3A_446 = arith.index_cast %add3A_445 : i32 to index
        %swap3A_447 = tpu.vector_load %arg7[%swap3A_446] {strides = array<i32>} : memref<16384xf32, #tpu.memory_space<vmem>>, vector<16xf32>,
        tpu.vector_store %arg7[%swap3A_446], %gather3A_443 {strides = array<i32>} : memref<16384xf32, #tpu.memory_space<vmem>>, vector<16xf32>,
        %gather3A_448 = tpu.vector_load_idx %arg6[%add3A_197, %broadcast_in_dim3A_440] : memref<1024x16xf32, #tpu.memory_space<vmem>>[vector<16xi32>, vector<16xi32>], vector<16xf32>,
        %add3A_449 = arith.constant 16 : i32
        %add3A_450 = arith.addi %add3A_442, %add3A_449 : i32
        %swap3A_451 = arith.index_cast %add3A_450 : i32 to index
        %swap3A_452 = tpu.vector_load %arg7[%swap3A_451] {strides = array<i32>} : memref<16384xf32, #tpu.memory_space<vmem>>, vector<16xf32>,
        tpu.vector_store %arg7[%swap3A_451], %gather3A_448 {strides = array<i32>} : memref<16384xf32, #tpu.memory_space<vmem>>, vector<16xf32>,
        %gather3A_453 = tpu.vector_load_idx %arg6[%add3A_201, %broadcast_in_dim3A_440] : memref<1024x16xf32, #tpu.memory_space<vmem>>[vector<16xi32>, vector<16xi32>], vector<16xf32>,
        %add3A_454 = arith.constant 32 : i32
        %add3A_455 = arith.addi %add3A_442, %add3A_454 : i32
        %swap3A_456 = arith.index_cast %add3A_455 : i32 to index
        %swap3A_457 = tpu.vector_load %arg7[%swap3A_456] {strides = array<i32>} : memref<16384xf32, #tpu.memory_space<vmem>>, vector<16xf32>,
        tpu.vector_store %arg7[%swap3A_456], %gather3A_453 {strides = array<i32>} : memref<16384xf32, #tpu.memory_space<vmem>>, vector<16xf32>,
        %gather3A_458 = tpu.vector_load_idx %arg6[%add3A_205, %broadcast_in_dim3A_440] : memref<1024x16xf32, #tpu.memory_space<vmem>>[vector<16xi32>, vector<16xi32>], vector<16xf32>,
        %add3A_459 = arith.constant 48 : i32
        %add3A_460 = arith.addi %add3A_442, %add3A_459 : i32
        %swap3A_461 = arith.index_cast %add3A_460 : i32 to index
        %swap3A_462 = tpu.vector_load %arg7[%swap3A_461] {strides = array<i32>} : memref<16384xf32, #tpu.memory_space<vmem>>, vector<16xf32>,
        tpu.vector_store %arg7[%swap3A_461], %gather3A_458 {strides = array<i32>} : memref<16384xf32, #tpu.memory_space<vmem>>, vector<16xf32>,
        %gather3A_463 = tpu.vector_load_idx %arg6[%add3A_209, %broadcast_in_dim3A_440] : memref<1024x16xf32, #tpu.memory_space<vmem>>[vector<16xi32>, vector<16xi32>], vector<16xf32>,
        %add3A_464 = arith.constant 64 : i32
        %add3A_465 = arith.addi %add3A_442, %add3A_464 : i32
        %swap3A_466 = arith.index_cast %add3A_465 : i32 to index
        %swap3A_467 = tpu.vector_load %arg7[%swap3A_466] {strides = array<i32>} : memref<16384xf32, #tpu.memory_space<vmem>>, vector<16xf32>,
        tpu.vector_store %arg7[%swap3A_466], %gather3A_463 {strides = array<i32>} : memref<16384xf32, #tpu.memory_space<vmem>>, vector<16xf32>,
        %gather3A_468 = tpu.vector_load_idx %arg6[%add3A_213, %broadcast_in_dim3A_440] : memref<1024x16xf32, #tpu.memory_space<vmem>>[vector<16xi32>, vector<16xi32>], vector<16xf32>,
        %add3A_469 = arith.constant 80 : i32
        %add3A_470 = arith.addi %add3A_442, %add3A_469 : i32
        %swap3A_471 = arith.index_cast %add3A_470 : i32 to index
        %swap3A_472 = tpu.vector_load %arg7[%swap3A_471] {strides = array<i32>} : memref<16384xf32, #tpu.memory_space<vmem>>, vector<16xf32>,
        tpu.vector_store %arg7[%swap3A_471], %gather3A_468 {strides = array<i32>} : memref<16384xf32, #tpu.memory_space<vmem>>, vector<16xf32>,
        %gather3A_473 = tpu.vector_load_idx %arg6[%add3A_217, %broadcast_in_dim3A_440] : memref<1024x16xf32, #tpu.memory_space<vmem>>[vector<16xi32>, vector<16xi32>], vector<16xf32>,
        %add3A_474 = arith.constant 96 : i32
        %add3A_475 = arith.addi %add3A_442, %add3A_474 : i32
        %swap3A_476 = arith.index_cast %add3A_475 : i32 to index
        %swap3A_477 = tpu.vector_load %arg7[%swap3A_476] {strides = array<i32>} : memref<16384xf32, #tpu.memory_space<vmem>>, vector<16xf32>,
        tpu.vector_store %arg7[%swap3A_476], %gather3A_473 {strides = array<i32>} : memref<16384xf32, #tpu.memory_space<vmem>>, vector<16xf32>,
        %gather3A_478 = tpu.vector_load_idx %arg6[%add3A_221, %broadcast_in_dim3A_440] : memref<1024x16xf32, #tpu.memory_space<vmem>>[vector<16xi32>, vector<16xi32>], vector<16xf32>,
        %add3A_479 = arith.constant 112 : i32
        %add3A_480 = arith.addi %add3A_442, %add3A_479 : i32
        %swap3A_481 = arith.index_cast %add3A_480 : i32 to index
        %swap3A_482 = tpu.vector_load %arg7[%swap3A_481] {strides = array<i32>} : memref<16384xf32, #tpu.memory_space<vmem>>, vector<16xf32>,
        tpu.vector_store %arg7[%swap3A_481], %gather3A_478 {strides = array<i32>} : memref<16384xf32, #tpu.memory_space<vmem>>, vector<16xf32>,
        %broadcast_in_dim3A_483 = arith.constant 6 : i32
        %broadcast_in_dim3A_484 = vector.broadcast %broadcast_in_dim3A_483 : i32 to vector<16xi32>
        %add3A_485 = arith.constant 768 : i32
        %add3A_486 = arith.addi %mul3A_189, %add3A_485 : i32
        %gather3A_487 = tpu.vector_load_idx %arg6[%add3A_193, %broadcast_in_dim3A_484] : memref<1024x16xf32, #tpu.memory_space<vmem>>[vector<16xi32>, vector<16xi32>], vector<16xf32>,
        %add3A_488 = arith.constant 0 : i32
        %add3A_489 = arith.addi %add3A_486, %add3A_488 : i32
        %swap3A_490 = arith.index_cast %add3A_489 : i32 to index
        %swap3A_491 = tpu.vector_load %arg7[%swap3A_490] {strides = array<i32>} : memref<16384xf32, #tpu.memory_space<vmem>>, vector<16xf32>,
        tpu.vector_store %arg7[%swap3A_490], %gather3A_487 {strides = array<i32>} : memref<16384xf32, #tpu.memory_space<vmem>>, vector<16xf32>,
        %gather3A_492 = tpu.vector_load_idx %arg6[%add3A_197, %broadcast_in_dim3A_484] : memref<1024x16xf32, #tpu.memory_space<vmem>>[vector<16xi32>, vector<16xi32>], vector<16xf32>,
        %add3A_493 = arith.constant 16 : i32
        %add3A_494 = arith.addi %add3A_486, %add3A_493 : i32
        %swap3A_495 = arith.index_cast %add3A_494 : i32 to index
        %swap3A_496 = tpu.vector_load %arg7[%swap3A_495] {strides = array<i32>} : memref<16384xf32, #tpu.memory_space<vmem>>, vector<16xf32>,
        tpu.vector_store %arg7[%swap3A_495], %gather3A_492 {strides = array<i32>} : memref<16384xf32, #tpu.memory_space<vmem>>, vector<16xf32>,
        %gather3A_497 = tpu.vector_load_idx %arg6[%add3A_201, %broadcast_in_dim3A_484] : memref<1024x16xf32, #tpu.memory_space<vmem>>[vector<16xi32>, vector<16xi32>], vector<16xf32>,
        %add3A_498 = arith.constant 32 : i32
        %add3A_499 = arith.addi %add3A_486, %add3A_498 : i32
        %swap3A_500 = arith.index_cast %add3A_499 : i32 to index
        %swap3A_501 = tpu.vector_load %arg7[%swap3A_500] {strides = array<i32>} : memref<16384xf32, #tpu.memory_space<vmem>>, vector<16xf32>,
        tpu.vector_store %arg7[%swap3A_500], %gather3A_497 {strides = array<i32>} : memref<16384xf32, #tpu.memory_space<vmem>>, vector<16xf32>,
        %gather3A_502 = tpu.vector_load_idx %arg6[%add3A_205, %broadcast_in_dim3A_484] : memref<1024x16xf32, #tpu.memory_space<vmem>>[vector<16xi32>, vector<16xi32>], vector<16xf32>,
        %add3A_503 = arith.constant 48 : i32
        %add3A_504 = arith.addi %add3A_486, %add3A_503 : i32
        %swap3A_505 = arith.index_cast %add3A_504 : i32 to index
        %swap3A_506 = tpu.vector_load %arg7[%swap3A_505] {strides = array<i32>} : memref<16384xf32, #tpu.memory_space<vmem>>, vector<16xf32>,
        tpu.vector_store %arg7[%swap3A_505], %gather3A_502 {strides = array<i32>} : memref<16384xf32, #tpu.memory_space<vmem>>, vector<16xf32>,
        %gather3A_507 = tpu.vector_load_idx %arg6[%add3A_209, %broadcast_in_dim3A_484] : memref<1024x16xf32, #tpu.memory_space<vmem>>[vector<16xi32>, vector<16xi32>], vector<16xf32>,
        %add3A_508 = arith.constant 64 : i32
        %add3A_509 = arith.addi %add3A_486, %add3A_508 : i32
        %swap3A_510 = arith.index_cast %add3A_509 : i32 to index
        %swap3A_511 = tpu.vector_load %arg7[%swap3A_510] {strides = array<i32>} : memref<16384xf32, #tpu.memory_space<vmem>>, vector<16xf32>,
        tpu.vector_store %arg7[%swap3A_510], %gather3A_507 {strides = array<i32>} : memref<16384xf32, #tpu.memory_space<vmem>>, vector<16xf32>,
        %gather3A_512 = tpu.vector_load_idx %arg6[%add3A_213, %broadcast_in_dim3A_484] : memref<1024x16xf32, #tpu.memory_space<vmem>>[vector<16xi32>, vector<16xi32>], vector<16xf32>,
        %add3A_513 = arith.constant 80 : i32
        %add3A_514 = arith.addi %add3A_486, %add3A_513 : i32
        %swap3A_515 = arith.index_cast %add3A_514 : i32 to index
        %swap3A_516 = tpu.vector_load %arg7[%swap3A_515] {strides = array<i32>} : memref<16384xf32, #tpu.memory_space<vmem>>, vector<16xf32>,
        tpu.vector_store %arg7[%swap3A_515], %gather3A_512 {strides = array<i32>} : memref<16384xf32, #tpu.memory_space<vmem>>, vector<16xf32>,
        %gather3A_517 = tpu.vector_load_idx %arg6[%add3A_217, %broadcast_in_dim3A_484] : memref<1024x16xf32, #tpu.memory_space<vmem>>[vector<16xi32>, vector<16xi32>], vector<16xf32>,
        %add3A_518 = arith.constant 96 : i32
        %add3A_519 = arith.addi %add3A_486, %add3A_518 : i32
        %swap3A_520 = arith.index_cast %add3A_519 : i32 to index
        %swap3A_521 = tpu.vector_load %arg7[%swap3A_520] {strides = array<i32>} : memref<16384xf32, #tpu.memory_space<vmem>>, vector<16xf32>,
        tpu.vector_store %arg7[%swap3A_520], %gather3A_517 {strides = array<i32>} : memref<16384xf32, #tpu.memory_space<vmem>>, vector<16xf32>,
        %gather3A_522 = tpu.vector_load_idx %arg6[%add3A_221, %broadcast_in_dim3A_484] : memref<1024x16xf32, #tpu.memory_space<vmem>>[vector<16xi32>, vector<16xi32>], vector<16xf32>,
        %add3A_523 = arith.constant 112 : i32
        %add3A_524 = arith.addi %add3A_486, %add3A_523 : i32
        %swap3A_525 = arith.index_cast %add3A_524 : i32 to index
        %swap3A_526 = tpu.vector_load %arg7[%swap3A_525] {strides = array<i32>} : memref<16384xf32, #tpu.memory_space<vmem>>, vector<16xf32>,
        tpu.vector_store %arg7[%swap3A_525], %gather3A_522 {strides = array<i32>} : memref<16384xf32, #tpu.memory_space<vmem>>, vector<16xf32>,
        %broadcast_in_dim3A_527 = arith.constant 7 : i32
        %broadcast_in_dim3A_528 = vector.broadcast %broadcast_in_dim3A_527 : i32 to vector<16xi32>
        %add3A_529 = arith.constant 896 : i32
        %add3A_530 = arith.addi %mul3A_189, %add3A_529 : i32
        %gather3A_531 = tpu.vector_load_idx %arg6[%add3A_193, %broadcast_in_dim3A_528] : memref<1024x16xf32, #tpu.memory_space<vmem>>[vector<16xi32>, vector<16xi32>], vector<16xf32>,
        %add3A_532 = arith.constant 0 : i32
        %add3A_533 = arith.addi %add3A_530, %add3A_532 : i32
        %swap3A_534 = arith.index_cast %add3A_533 : i32 to index
        %swap3A_535 = tpu.vector_load %arg7[%swap3A_534] {strides = array<i32>} : memref<16384xf32, #tpu.memory_space<vmem>>, vector<16xf32>,
        tpu.vector_store %arg7[%swap3A_534], %gather3A_531 {strides = array<i32>} : memref<16384xf32, #tpu.memory_space<vmem>>, vector<16xf32>,
        %gather3A_536 = tpu.vector_load_idx %arg6[%add3A_197, %broadcast_in_dim3A_528] : memref<1024x16xf32, #tpu.memory_space<vmem>>[vector<16xi32>, vector<16xi32>], vector<16xf32>,
        %add3A_537 = arith.constant 16 : i32
        %add3A_538 = arith.addi %add3A_530, %add3A_537 : i32
        %swap3A_539 = arith.index_cast %add3A_538 : i32 to index
        %swap3A_540 = tpu.vector_load %arg7[%swap3A_539] {strides = array<i32>} : memref<16384xf32, #tpu.memory_space<vmem>>, vector<16xf32>,
        tpu.vector_store %arg7[%swap3A_539], %gather3A_536 {strides = array<i32>} : memref<16384xf32, #tpu.memory_space<vmem>>, vector<16xf32>,
        %gather3A_541 = tpu.vector_load_idx %arg6[%add3A_201, %broadcast_in_dim3A_528] : memref<1024x16xf32, #tpu.memory_space<vmem>>[vector<16xi32>, vector<16xi32>], vector<16xf32>,
        %add3A_542 = arith.constant 32 : i32
        %add3A_543 = arith.addi %add3A_530, %add3A_542 : i32
        %swap3A_544 = arith.index_cast %add3A_543 : i32 to index
        %swap3A_545 = tpu.vector_load %arg7[%swap3A_544] {strides = array<i32>} : memref<16384xf32, #tpu.memory_space<vmem>>, vector<16xf32>,
        tpu.vector_store %arg7[%swap3A_544], %gather3A_541 {strides = array<i32>} : memref<16384xf32, #tpu.memory_space<vmem>>, vector<16xf32>,
        %gather3A_546 = tpu.vector_load_idx %arg6[%add3A_205, %broadcast_in_dim3A_528] : memref<1024x16xf32, #tpu.memory_space<vmem>>[vector<16xi32>, vector<16xi32>], vector<16xf32>,
        %add3A_547 = arith.constant 48 : i32
        %add3A_548 = arith.addi %add3A_530, %add3A_547 : i32
        %swap3A_549 = arith.index_cast %add3A_548 : i32 to index
        %swap3A_550 = tpu.vector_load %arg7[%swap3A_549] {strides = array<i32>} : memref<16384xf32, #tpu.memory_space<vmem>>, vector<16xf32>,
        tpu.vector_store %arg7[%swap3A_549], %gather3A_546 {strides = array<i32>} : memref<16384xf32, #tpu.memory_space<vmem>>, vector<16xf32>,
        %gather3A_551 = tpu.vector_load_idx %arg6[%add3A_209, %broadcast_in_dim3A_528] : memref<1024x16xf32, #tpu.memory_space<vmem>>[vector<16xi32>, vector<16xi32>], vector<16xf32>,
        %add3A_552 = arith.constant 64 : i32
        %add3A_553 = arith.addi %add3A_530, %add3A_552 : i32
        %swap3A_554 = arith.index_cast %add3A_553 : i32 to index
        %swap3A_555 = tpu.vector_load %arg7[%swap3A_554] {strides = array<i32>} : memref<16384xf32, #tpu.memory_space<vmem>>, vector<16xf32>,
        tpu.vector_store %arg7[%swap3A_554], %gather3A_551 {strides = array<i32>} : memref<16384xf32, #tpu.memory_space<vmem>>, vector<16xf32>,
        %gather3A_556 = tpu.vector_load_idx %arg6[%add3A_213, %broadcast_in_dim3A_528] : memref<1024x16xf32, #tpu.memory_space<vmem>>[vector<16xi32>, vector<16xi32>], vector<16xf32>,
        %add3A_557 = arith.constant 80 : i32
        %add3A_558 = arith.addi %add3A_530, %add3A_557 : i32
        %swap3A_559 = arith.index_cast %add3A_558 : i32 to index
        %swap3A_560 = tpu.vector_load %arg7[%swap3A_559] {strides = array<i32>} : memref<16384xf32, #tpu.memory_space<vmem>>, vector<16xf32>,
        tpu.vector_store %arg7[%swap3A_559], %gather3A_556 {strides = array<i32>} : memref<16384xf32, #tpu.memory_space<vmem>>, vector<16xf32>,
        %gather3A_561 = tpu.vector_load_idx %arg6[%add3A_217, %broadcast_in_dim3A_528] : memref<1024x16xf32, #tpu.memory_space<vmem>>[vector<16xi32>, vector<16xi32>], vector<16xf32>,
        %add3A_562 = arith.constant 96 : i32
        %add3A_563 = arith.addi %add3A_530, %add3A_562 : i32
        %swap3A_564 = arith.index_cast %add3A_563 : i32 to index
        %swap3A_565 = tpu.vector_load %arg7[%swap3A_564] {strides = array<i32>} : memref<16384xf32, #tpu.memory_space<vmem>>, vector<16xf32>,
        tpu.vector_store %arg7[%swap3A_564], %gather3A_561 {strides = array<i32>} : memref<16384xf32, #tpu.memory_space<vmem>>, vector<16xf32>,
        %gather3A_566 = tpu.vector_load_idx %arg6[%add3A_221, %broadcast_in_dim3A_528] : memref<1024x16xf32, #tpu.memory_space<vmem>>[vector<16xi32>, vector<16xi32>], vector<16xf32>,
        %add3A_567 = arith.constant 112 : i32
        %add3A_568 = arith.addi %add3A_530, %add3A_567 : i32
        %swap3A_569 = arith.index_cast %add3A_568 : i32 to index
        %swap3A_570 = tpu.vector_load %arg7[%swap3A_569] {strides = array<i32>} : memref<16384xf32, #tpu.memory_space<vmem>>, vector<16xf32>,
        tpu.vector_store %arg7[%swap3A_569], %gather3A_566 {strides = array<i32>} : memref<16384xf32, #tpu.memory_space<vmem>>, vector<16xf32>,
        %broadcast_in_dim3A_571 = arith.constant 8 : i32
        %broadcast_in_dim3A_572 = vector.broadcast %broadcast_in_dim3A_571 : i32 to vector<16xi32>
        %add3A_573 = arith.constant 1024 : i32
        %add3A_574 = arith.addi %mul3A_189, %add3A_573 : i32
        %gather3A_575 = tpu.vector_load_idx %arg6[%add3A_193, %broadcast_in_dim3A_572] : memref<1024x16xf32, #tpu.memory_space<vmem>>[vector<16xi32>, vector<16xi32>], vector<16xf32>,
        %add3A_576 = arith.constant 0 : i32
        %add3A_577 = arith.addi %add3A_574, %add3A_576 : i32
        %swap3A_578 = arith.index_cast %add3A_577 : i32 to index
        %swap3A_579 = tpu.vector_load %arg7[%swap3A_578] {strides = array<i32>} : memref<16384xf32, #tpu.memory_space<vmem>>, vector<16xf32>,
        tpu.vector_store %arg7[%swap3A_578], %gather3A_575 {strides = array<i32>} : memref<16384xf32, #tpu.memory_space<vmem>>, vector<16xf32>,
        %gather3A_580 = tpu.vector_load_idx %arg6[%add3A_197, %broadcast_in_dim3A_572] : memref<1024x16xf32, #tpu.memory_space<vmem>>[vector<16xi32>, vector<16xi32>], vector<16xf32>,
        %add3A_581 = arith.constant 16 : i32
        %add3A_582 = arith.addi %add3A_574, %add3A_581 : i32
        %swap3A_583 = arith.index_cast %add3A_582 : i32 to index
        %swap3A_584 = tpu.vector_load %arg7[%swap3A_583] {strides = array<i32>} : memref<16384xf32, #tpu.memory_space<vmem>>, vector<16xf32>,
        tpu.vector_store %arg7[%swap3A_583], %gather3A_580 {strides = array<i32>} : memref<16384xf32, #tpu.memory_space<vmem>>, vector<16xf32>,
        %gather3A_585 = tpu.vector_load_idx %arg6[%add3A_201, %broadcast_in_dim3A_572] : memref<1024x16xf32, #tpu.memory_space<vmem>>[vector<16xi32>, vector<16xi32>], vector<16xf32>,
        %add3A_586 = arith.constant 32 : i32
        %add3A_587 = arith.addi %add3A_574, %add3A_586 : i32
        %swap3A_588 = arith.index_cast %add3A_587 : i32 to index
        %swap3A_589 = tpu.vector_load %arg7[%swap3A_588] {strides = array<i32>} : memref<16384xf32, #tpu.memory_space<vmem>>, vector<16xf32>,
        tpu.vector_store %arg7[%swap3A_588], %gather3A_585 {strides = array<i32>} : memref<16384xf32, #tpu.memory_space<vmem>>, vector<16xf32>,
        %gather3A_590 = tpu.vector_load_idx %arg6[%add3A_205, %broadcast_in_dim3A_572] : memref<1024x16xf32, #tpu.memory_space<vmem>>[vector<16xi32>, vector<16xi32>], vector<16xf32>,
        %add3A_591 = arith.constant 48 : i32
        %add3A_592 = arith.addi %add3A_574, %add3A_591 : i32
        %swap3A_593 = arith.index_cast %add3A_592 : i32 to index
        %swap3A_594 = tpu.vector_load %arg7[%swap3A_593] {strides = array<i32>} : memref<16384xf32, #tpu.memory_space<vmem>>, vector<16xf32>,
        tpu.vector_store %arg7[%swap3A_593], %gather3A_590 {strides = array<i32>} : memref<16384xf32, #tpu.memory_space<vmem>>, vector<16xf32>,
        %gather3A_595 = tpu.vector_load_idx %arg6[%add3A_209, %broadcast_in_dim3A_572] : memref<1024x16xf32, #tpu.memory_space<vmem>>[vector<16xi32>, vector<16xi32>], vector<16xf32>,
        %add3A_596 = arith.constant 64 : i32
        %add3A_597 = arith.addi %add3A_574, %add3A_596 : i32
        %swap3A_598 = arith.index_cast %add3A_597 : i32 to index
        %swap3A_599 = tpu.vector_load %arg7[%swap3A_598] {strides = array<i32>} : memref<16384xf32, #tpu.memory_space<vmem>>, vector<16xf32>,
        tpu.vector_store %arg7[%swap3A_598], %gather3A_595 {strides = array<i32>} : memref<16384xf32, #tpu.memory_space<vmem>>, vector<16xf32>,
        %gather3A_600 = tpu.vector_load_idx %arg6[%add3A_213, %broadcast_in_dim3A_572] : memref<1024x16xf32, #tpu.memory_space<vmem>>[vector<16xi32>, vector<16xi32>], vector<16xf32>,
        %add3A_601 = arith.constant 80 : i32
        %add3A_602 = arith.addi %add3A_574, %add3A_601 : i32
        %swap3A_603 = arith.index_cast %add3A_602 : i32 to index
        %swap3A_604 = tpu.vector_load %arg7[%swap3A_603] {strides = array<i32>} : memref<16384xf32, #tpu.memory_space<vmem>>, vector<16xf32>,
        tpu.vector_store %arg7[%swap3A_603], %gather3A_600 {strides = array<i32>} : memref<16384xf32, #tpu.memory_space<vmem>>, vector<16xf32>,
        %gather3A_605 = tpu.vector_load_idx %arg6[%add3A_217, %broadcast_in_dim3A_572] : memref<1024x16xf32, #tpu.memory_space<vmem>>[vector<16xi32>, vector<16xi32>], vector<16xf32>,
        %add3A_606 = arith.constant 96 : i32
        %add3A_607 = arith.addi %add3A_574, %add3A_606 : i32
        %swap3A_608 = arith.index_cast %add3A_607 : i32 to index
        %swap3A_609 = tpu.vector_load %arg7[%swap3A_608] {strides = array<i32>} : memref<16384xf32, #tpu.memory_space<vmem>>, vector<16xf32>,
        tpu.vector_store %arg7[%swap3A_608], %gather3A_605 {strides = array<i32>} : memref<16384xf32, #tpu.memory_space<vmem>>, vector<16xf32>,
        %gather3A_610 = tpu.vector_load_idx %arg6[%add3A_221, %broadcast_in_dim3A_572] : memref<1024x16xf32, #tpu.memory_space<vmem>>[vector<16xi32>, vector<16xi32>], vector<16xf32>,
        %add3A_611 = arith.constant 112 : i32
        %add3A_612 = arith.addi %add3A_574, %add3A_611 : i32
        %swap3A_613 = arith.index_cast %add3A_612 : i32 to index
        %swap3A_614 = tpu.vector_load %arg7[%swap3A_613] {strides = array<i32>} : memref<16384xf32, #tpu.memory_space<vmem>>, vector<16xf32>,
        tpu.vector_store %arg7[%swap3A_613], %gather3A_610 {strides = array<i32>} : memref<16384xf32, #tpu.memory_space<vmem>>, vector<16xf32>,
        %broadcast_in_dim3A_615 = arith.constant 9 : i32
        %broadcast_in_dim3A_616 = vector.broadcast %broadcast_in_dim3A_615 : i32 to vector<16xi32>
        %add3A_617 = arith.constant 1152 : i32
        %add3A_618 = arith.addi %mul3A_189, %add3A_617 : i32
        %gather3A_619 = tpu.vector_load_idx %arg6[%add3A_193, %broadcast_in_dim3A_616] : memref<1024x16xf32, #tpu.memory_space<vmem>>[vector<16xi32>, vector<16xi32>], vector<16xf32>,
        %add3A_620 = arith.constant 0 : i32
        %add3A_621 = arith.addi %add3A_618, %add3A_620 : i32
        %swap3A_622 = arith.index_cast %add3A_621 : i32 to index
        %swap3A_623 = tpu.vector_load %arg7[%swap3A_622] {strides = array<i32>} : memref<16384xf32, #tpu.memory_space<vmem>>, vector<16xf32>,
        tpu.vector_store %arg7[%swap3A_622], %gather3A_619 {strides = array<i32>} : memref<16384xf32, #tpu.memory_space<vmem>>, vector<16xf32>,
        %gather3A_624 = tpu.vector_load_idx %arg6[%add3A_197, %broadcast_in_dim3A_616] : memref<1024x16xf32, #tpu.memory_space<vmem>>[vector<16xi32>, vector<16xi32>], vector<16xf32>,
        %add3A_625 = arith.constant 16 : i32
        %add3A_626 = arith.addi %add3A_618, %add3A_625 : i32
        %swap3A_627 = arith.index_cast %add3A_626 : i32 to index
        %swap3A_628 = tpu.vector_load %arg7[%swap3A_627] {strides = array<i32>} : memref<16384xf32, #tpu.memory_space<vmem>>, vector<16xf32>,
        tpu.vector_store %arg7[%swap3A_627], %gather3A_624 {strides = array<i32>} : memref<16384xf32, #tpu.memory_space<vmem>>, vector<16xf32>,
        %gather3A_629 = tpu.vector_load_idx %arg6[%add3A_201, %broadcast_in_dim3A_616] : memref<1024x16xf32, #tpu.memory_space<vmem>>[vector<16xi32>, vector<16xi32>], vector<16xf32>,
        %add3A_630 = arith.constant 32 : i32
        %add3A_631 = arith.addi %add3A_618, %add3A_630 : i32
        %swap3A_632 = arith.index_cast %add3A_631 : i32 to index
        %swap3A_633 = tpu.vector_load %arg7[%swap3A_632] {strides = array<i32>} : memref<16384xf32, #tpu.memory_space<vmem>>, vector<16xf32>,
        tpu.vector_store %arg7[%swap3A_632], %gather3A_629 {strides = array<i32>} : memref<16384xf32, #tpu.memory_space<vmem>>, vector<16xf32>,
        %gather3A_634 = tpu.vector_load_idx %arg6[%add3A_205, %broadcast_in_dim3A_616] : memref<1024x16xf32, #tpu.memory_space<vmem>>[vector<16xi32>, vector<16xi32>], vector<16xf32>,
        %add3A_635 = arith.constant 48 : i32
        %add3A_636 = arith.addi %add3A_618, %add3A_635 : i32
        %swap3A_637 = arith.index_cast %add3A_636 : i32 to index
        %swap3A_638 = tpu.vector_load %arg7[%swap3A_637] {strides = array<i32>} : memref<16384xf32, #tpu.memory_space<vmem>>, vector<16xf32>,
        tpu.vector_store %arg7[%swap3A_637], %gather3A_634 {strides = array<i32>} : memref<16384xf32, #tpu.memory_space<vmem>>, vector<16xf32>,
        %gather3A_639 = tpu.vector_load_idx %arg6[%add3A_209, %broadcast_in_dim3A_616] : memref<1024x16xf32, #tpu.memory_space<vmem>>[vector<16xi32>, vector<16xi32>], vector<16xf32>,
        %add3A_640 = arith.constant 64 : i32
        %add3A_641 = arith.addi %add3A_618, %add3A_640 : i32
        %swap3A_642 = arith.index_cast %add3A_641 : i32 to index
        %swap3A_643 = tpu.vector_load %arg7[%swap3A_642] {strides = array<i32>} : memref<16384xf32, #tpu.memory_space<vmem>>, vector<16xf32>,
        tpu.vector_store %arg7[%swap3A_642], %gather3A_639 {strides = array<i32>} : memref<16384xf32, #tpu.memory_space<vmem>>, vector<16xf32>,
        %gather3A_644 = tpu.vector_load_idx %arg6[%add3A_213, %broadcast_in_dim3A_616] : memref<1024x16xf32, #tpu.memory_space<vmem>>[vector<16xi32>, vector<16xi32>], vector<16xf32>,
        %add3A_645 = arith.constant 80 : i32
        %add3A_646 = arith.addi %add3A_618, %add3A_645 : i32
        %swap3A_647 = arith.index_cast %add3A_646 : i32 to index
        %swap3A_648 = tpu.vector_load %arg7[%swap3A_647] {strides = array<i32>} : memref<16384xf32, #tpu.memory_space<vmem>>, vector<16xf32>,
        tpu.vector_store %arg7[%swap3A_647], %gather3A_644 {strides = array<i32>} : memref<16384xf32, #tpu.memory_space<vmem>>, vector<16xf32>,
        %gather3A_649 = tpu.vector_load_idx %arg6[%add3A_217, %broadcast_in_dim3A_616] : memref<1024x16xf32, #tpu.memory_space<vmem>>[vector<16xi32>, vector<16xi32>], vector<16xf32>,
        %add3A_650 = arith.constant 96 : i32
        %add3A_651 = arith.addi %add3A_618, %add3A_650 : i32
        %swap3A_652 = arith.index_cast %add3A_651 : i32 to index
        %swap3A_653 = tpu.vector_load %arg7[%swap3A_652] {strides = array<i32>} : memref<16384xf32, #tpu.memory_space<vmem>>, vector<16xf32>,
        tpu.vector_store %arg7[%swap3A_652], %gather3A_649 {strides = array<i32>} : memref<16384xf32, #tpu.memory_space<vmem>>, vector<16xf32>,
        %gather3A_654 = tpu.vector_load_idx %arg6[%add3A_221, %broadcast_in_dim3A_616] : memref<1024x16xf32, #tpu.memory_space<vmem>>[vector<16xi32>, vector<16xi32>], vector<16xf32>,
        %add3A_655 = arith.constant 112 : i32
        %add3A_656 = arith.addi %add3A_618, %add3A_655 : i32
        %swap3A_657 = arith.index_cast %add3A_656 : i32 to index
        %swap3A_658 = tpu.vector_load %arg7[%swap3A_657] {strides = array<i32>} : memref<16384xf32, #tpu.memory_space<vmem>>, vector<16xf32>,
        tpu.vector_store %arg7[%swap3A_657], %gather3A_654 {strides = array<i32>} : memref<16384xf32, #tpu.memory_space<vmem>>, vector<16xf32>,
        %broadcast_in_dim3A_659 = arith.constant 10 : i32
        %broadcast_in_dim3A_660 = vector.broadcast %broadcast_in_dim3A_659 : i32 to vector<16xi32>
        %add3A_661 = arith.constant 1280 : i32
        %add3A_662 = arith.addi %mul3A_189, %add3A_661 : i32
        %gather3A_663 = tpu.vector_load_idx %arg6[%add3A_193, %broadcast_in_dim3A_660] : memref<1024x16xf32, #tpu.memory_space<vmem>>[vector<16xi32>, vector<16xi32>], vector<16xf32>,
        %add3A_664 = arith.constant 0 : i32
        %add3A_665 = arith.addi %add3A_662, %add3A_664 : i32
        %swap3A_666 = arith.index_cast %add3A_665 : i32 to index
        %swap3A_667 = tpu.vector_load %arg7[%swap3A_666] {strides = array<i32>} : memref<16384xf32, #tpu.memory_space<vmem>>, vector<16xf32>,
        tpu.vector_store %arg7[%swap3A_666], %gather3A_663 {strides = array<i32>} : memref<16384xf32, #tpu.memory_space<vmem>>, vector<16xf32>,
        %gather3A_668 = tpu.vector_load_idx %arg6[%add3A_197, %broadcast_in_dim3A_660] : memref<1024x16xf32, #tpu.memory_space<vmem>>[vector<16xi32>, vector<16xi32>], vector<16xf32>,
        %add3A_669 = arith.constant 16 : i32
        %add3A_670 = arith.addi %add3A_662, %add3A_669 : i32
        %swap3A_671 = arith.index_cast %add3A_670 : i32 to index
        %swap3A_672 = tpu.vector_load %arg7[%swap3A_671] {strides = array<i32>} : memref<16384xf32, #tpu.memory_space<vmem>>, vector<16xf32>,
        tpu.vector_store %arg7[%swap3A_671], %gather3A_668 {strides = array<i32>} : memref<16384xf32, #tpu.memory_space<vmem>>, vector<16xf32>,
        %gather3A_673 = tpu.vector_load_idx %arg6[%add3A_201, %broadcast_in_dim3A_660] : memref<1024x16xf32, #tpu.memory_space<vmem>>[vector<16xi32>, vector<16xi32>], vector<16xf32>,
        %add3A_674 = arith.constant 32 : i32
        %add3A_675 = arith.addi %add3A_662, %add3A_674 : i32
        %swap3A_676 = arith.index_cast %add3A_675 : i32 to index
        %swap3A_677 = tpu.vector_load %arg7[%swap3A_676] {strides = array<i32>} : memref<16384xf32, #tpu.memory_space<vmem>>, vector<16xf32>,
        tpu.vector_store %arg7[%swap3A_676], %gather3A_673 {strides = array<i32>} : memref<16384xf32, #tpu.memory_space<vmem>>, vector<16xf32>,
        %gather3A_678 = tpu.vector_load_idx %arg6[%add3A_205, %broadcast_in_dim3A_660] : memref<1024x16xf32, #tpu.memory_space<vmem>>[vector<16xi32>, vector<16xi32>], vector<16xf32>,
        %add3A_679 = arith.constant 48 : i32
        %add3A_680 = arith.addi %add3A_662, %add3A_679 : i32
        %swap3A_681 = arith.index_cast %add3A_680 : i32 to index
        %swap3A_682 = tpu.vector_load %arg7[%swap3A_681] {strides = array<i32>} : memref<16384xf32, #tpu.memory_space<vmem>>, vector<16xf32>,
        tpu.vector_store %arg7[%swap3A_681], %gather3A_678 {strides = array<i32>} : memref<16384xf32, #tpu.memory_space<vmem>>, vector<16xf32>,
        %gather3A_683 = tpu.vector_load_idx %arg6[%add3A_209, %broadcast_in_dim3A_660] : memref<1024x16xf32, #tpu.memory_space<vmem>>[vector<16xi32>, vector<16xi32>], vector<16xf32>,
        %add3A_684 = arith.constant 64 : i32
        %add3A_685 = arith.addi %add3A_662, %add3A_684 : i32
        %swap3A_686 = arith.index_cast %add3A_685 : i32 to index
        %swap3A_687 = tpu.vector_load %arg7[%swap3A_686] {strides = array<i32>} : memref<16384xf32, #tpu.memory_space<vmem>>, vector<16xf32>,
        tpu.vector_store %arg7[%swap3A_686], %gather3A_683 {strides = array<i32>} : memref<16384xf32, #tpu.memory_space<vmem>>, vector<16xf32>,
        %gather3A_688 = tpu.vector_load_idx %arg6[%add3A_213, %broadcast_in_dim3A_660] : memref<1024x16xf32, #tpu.memory_space<vmem>>[vector<16xi32>, vector<16xi32>], vector<16xf32>,
        %add3A_689 = arith.constant 80 : i32
        %add3A_690 = arith.addi %add3A_662, %add3A_689 : i32
        %swap3A_691 = arith.index_cast %add3A_690 : i32 to index
        %swap3A_692 = tpu.vector_load %arg7[%swap3A_691] {strides = array<i32>} : memref<16384xf32, #tpu.memory_space<vmem>>, vector<16xf32>,
        tpu.vector_store %arg7[%swap3A_691], %gather3A_688 {strides = array<i32>} : memref<16384xf32, #tpu.memory_space<vmem>>, vector<16xf32>,
        %gather3A_693 = tpu.vector_load_idx %arg6[%add3A_217, %broadcast_in_dim3A_660] : memref<1024x16xf32, #tpu.memory_space<vmem>>[vector<16xi32>, vector<16xi32>], vector<16xf32>,
        %add3A_694 = arith.constant 96 : i32
        %add3A_695 = arith.addi %add3A_662, %add3A_694 : i32
        %swap3A_696 = arith.index_cast %add3A_695 : i32 to index
        %swap3A_697 = tpu.vector_load %arg7[%swap3A_696] {strides = array<i32>} : memref<16384xf32, #tpu.memory_space<vmem>>, vector<16xf32>,
        tpu.vector_store %arg7[%swap3A_696], %gather3A_693 {strides = array<i32>} : memref<16384xf32, #tpu.memory_space<vmem>>, vector<16xf32>,
        %gather3A_698 = tpu.vector_load_idx %arg6[%add3A_221, %broadcast_in_dim3A_660] : memref<1024x16xf32, #tpu.memory_space<vmem>>[vector<16xi32>, vector<16xi32>], vector<16xf32>,
        %add3A_699 = arith.constant 112 : i32
        %add3A_700 = arith.addi %add3A_662, %add3A_699 : i32
        %swap3A_701 = arith.index_cast %add3A_700 : i32 to index
        %swap3A_702 = tpu.vector_load %arg7[%swap3A_701] {strides = array<i32>} : memref<16384xf32, #tpu.memory_space<vmem>>, vector<16xf32>,
        tpu.vector_store %arg7[%swap3A_701], %gather3A_698 {strides = array<i32>} : memref<16384xf32, #tpu.memory_space<vmem>>, vector<16xf32>,
        %broadcast_in_dim3A_703 = arith.constant 11 : i32
        %broadcast_in_dim3A_704 = vector.broadcast %broadcast_in_dim3A_703 : i32 to vector<16xi32>
        %add3A_705 = arith.constant 1408 : i32
        %add3A_706 = arith.addi %mul3A_189, %add3A_705 : i32
        %gather3A_707 = tpu.vector_load_idx %arg6[%add3A_193, %broadcast_in_dim3A_704] : memref<1024x16xf32, #tpu.memory_space<vmem>>[vector<16xi32>, vector<16xi32>], vector<16xf32>,
        %add3A_708 = arith.constant 0 : i32
        %add3A_709 = arith.addi %add3A_706, %add3A_708 : i32
        %swap3A_710 = arith.index_cast %add3A_709 : i32 to index
        %swap3A_711 = tpu.vector_load %arg7[%swap3A_710] {strides = array<i32>} : memref<16384xf32, #tpu.memory_space<vmem>>, vector<16xf32>,
        tpu.vector_store %arg7[%swap3A_710], %gather3A_707 {strides = array<i32>} : memref<16384xf32, #tpu.memory_space<vmem>>, vector<16xf32>,
        %gather3A_712 = tpu.vector_load_idx %arg6[%add3A_197, %broadcast_in_dim3A_704] : memref<1024x16xf32, #tpu.memory_space<vmem>>[vector<16xi32>, vector<16xi32>], vector<16xf32>,
        %add3A_713 = arith.constant 16 : i32
        %add3A_714 = arith.addi %add3A_706, %add3A_713 : i32
        %swap3A_715 = arith.index_cast %add3A_714 : i32 to index
        %swap3A_716 = tpu.vector_load %arg7[%swap3A_715] {strides = array<i32>} : memref<16384xf32, #tpu.memory_space<vmem>>, vector<16xf32>,
        tpu.vector_store %arg7[%swap3A_715], %gather3A_712 {strides = array<i32>} : memref<16384xf32, #tpu.memory_space<vmem>>, vector<16xf32>,
        %gather3A_717 = tpu.vector_load_idx %arg6[%add3A_201, %broadcast_in_dim3A_704] : memref<1024x16xf32, #tpu.memory_space<vmem>>[vector<16xi32>, vector<16xi32>], vector<16xf32>,
        %add3A_718 = arith.constant 32 : i32
        %add3A_719 = arith.addi %add3A_706, %add3A_718 : i32
        %swap3A_720 = arith.index_cast %add3A_719 : i32 to index
        %swap3A_721 = tpu.vector_load %arg7[%swap3A_720] {strides = array<i32>} : memref<16384xf32, #tpu.memory_space<vmem>>, vector<16xf32>,
        tpu.vector_store %arg7[%swap3A_720], %gather3A_717 {strides = array<i32>} : memref<16384xf32, #tpu.memory_space<vmem>>, vector<16xf32>,
        %gather3A_722 = tpu.vector_load_idx %arg6[%add3A_205, %broadcast_in_dim3A_704] : memref<1024x16xf32, #tpu.memory_space<vmem>>[vector<16xi32>, vector<16xi32>], vector<16xf32>,
        %add3A_723 = arith.constant 48 : i32
        %add3A_724 = arith.addi %add3A_706, %add3A_723 : i32
        %swap3A_725 = arith.index_cast %add3A_724 : i32 to index
        %swap3A_726 = tpu.vector_load %arg7[%swap3A_725] {strides = array<i32>} : memref<16384xf32, #tpu.memory_space<vmem>>, vector<16xf32>,
        tpu.vector_store %arg7[%swap3A_725], %gather3A_722 {strides = array<i32>} : memref<16384xf32, #tpu.memory_space<vmem>>, vector<16xf32>,
        %gather3A_727 = tpu.vector_load_idx %arg6[%add3A_209, %broadcast_in_dim3A_704] : memref<1024x16xf32, #tpu.memory_space<vmem>>[vector<16xi32>, vector<16xi32>], vector<16xf32>,
        %add3A_728 = arith.constant 64 : i32
        %add3A_729 = arith.addi %add3A_706, %add3A_728 : i32
        %swap3A_730 = arith.index_cast %add3A_729 : i32 to index
        %swap3A_731 = tpu.vector_load %arg7[%swap3A_730] {strides = array<i32>} : memref<16384xf32, #tpu.memory_space<vmem>>, vector<16xf32>,
        tpu.vector_store %arg7[%swap3A_730], %gather3A_727 {strides = array<i32>} : memref<16384xf32, #tpu.memory_space<vmem>>, vector<16xf32>,
        %gather3A_732 = tpu.vector_load_idx %arg6[%add3A_213, %broadcast_in_dim3A_704] : memref<1024x16xf32, #tpu.memory_space<vmem>>[vector<16xi32>, vector<16xi32>], vector<16xf32>,
        %add3A_733 = arith.constant 80 : i32
        %add3A_734 = arith.addi %add3A_706, %add3A_733 : i32
        %swap3A_735 = arith.index_cast %add3A_734 : i32 to index
        %swap3A_736 = tpu.vector_load %arg7[%swap3A_735] {strides = array<i32>} : memref<16384xf32, #tpu.memory_space<vmem>>, vector<16xf32>,
        tpu.vector_store %arg7[%swap3A_735], %gather3A_732 {strides = array<i32>} : memref<16384xf32, #tpu.memory_space<vmem>>, vector<16xf32>,
        %gather3A_737 = tpu.vector_load_idx %arg6[%add3A_217, %broadcast_in_dim3A_704] : memref<1024x16xf32, #tpu.memory_space<vmem>>[vector<16xi32>, vector<16xi32>], vector<16xf32>,
        %add3A_738 = arith.constant 96 : i32
        %add3A_739 = arith.addi %add3A_706, %add3A_738 : i32
        %swap3A_740 = arith.index_cast %add3A_739 : i32 to index
        %swap3A_741 = tpu.vector_load %arg7[%swap3A_740] {strides = array<i32>} : memref<16384xf32, #tpu.memory_space<vmem>>, vector<16xf32>,
        tpu.vector_store %arg7[%swap3A_740], %gather3A_737 {strides = array<i32>} : memref<16384xf32, #tpu.memory_space<vmem>>, vector<16xf32>,
        %gather3A_742 = tpu.vector_load_idx %arg6[%add3A_221, %broadcast_in_dim3A_704] : memref<1024x16xf32, #tpu.memory_space<vmem>>[vector<16xi32>, vector<16xi32>], vector<16xf32>,
        %add3A_743 = arith.constant 112 : i32
        %add3A_744 = arith.addi %add3A_706, %add3A_743 : i32
        %swap3A_745 = arith.index_cast %add3A_744 : i32 to index
        %swap3A_746 = tpu.vector_load %arg7[%swap3A_745] {strides = array<i32>} : memref<16384xf32, #tpu.memory_space<vmem>>, vector<16xf32>,
        tpu.vector_store %arg7[%swap3A_745], %gather3A_742 {strides = array<i32>} : memref<16384xf32, #tpu.memory_space<vmem>>, vector<16xf32>,
        %broadcast_in_dim3A_747 = arith.constant 12 : i32
        %broadcast_in_dim3A_748 = vector.broadcast %broadcast_in_dim3A_747 : i32 to vector<16xi32>
        %add3A_749 = arith.constant 1536 : i32
        %add3A_750 = arith.addi %mul3A_189, %add3A_749 : i32
        %gather3A_751 = tpu.vector_load_idx %arg6[%add3A_193, %broadcast_in_dim3A_748] : memref<1024x16xf32, #tpu.memory_space<vmem>>[vector<16xi32>, vector<16xi32>], vector<16xf32>,
        %add3A_752 = arith.constant 0 : i32
        %add3A_753 = arith.addi %add3A_750, %add3A_752 : i32
        %swap3A_754 = arith.index_cast %add3A_753 : i32 to index
        %swap3A_755 = tpu.vector_load %arg7[%swap3A_754] {strides = array<i32>} : memref<16384xf32, #tpu.memory_space<vmem>>, vector<16xf32>,
        tpu.vector_store %arg7[%swap3A_754], %gather3A_751 {strides = array<i32>} : memref<16384xf32, #tpu.memory_space<vmem>>, vector<16xf32>,
        %gather3A_756 = tpu.vector_load_idx %arg6[%add3A_197, %broadcast_in_dim3A_748] : memref<1024x16xf32, #tpu.memory_space<vmem>>[vector<16xi32>, vector<16xi32>], vector<16xf32>,
        %add3A_757 = arith.constant 16 : i32
        %add3A_758 = arith.addi %add3A_750, %add3A_757 : i32
        %swap3A_759 = arith.index_cast %add3A_758 : i32 to index
        %swap3A_760 = tpu.vector_load %arg7[%swap3A_759] {strides = array<i32>} : memref<16384xf32, #tpu.memory_space<vmem>>, vector<16xf32>,
        tpu.vector_store %arg7[%swap3A_759], %gather3A_756 {strides = array<i32>} : memref<16384xf32, #tpu.memory_space<vmem>>, vector<16xf32>,
        %gather3A_761 = tpu.vector_load_idx %arg6[%add3A_201, %broadcast_in_dim3A_748] : memref<1024x16xf32, #tpu.memory_space<vmem>>[vector<16xi32>, vector<16xi32>], vector<16xf32>,
        %add3A_762 = arith.constant 32 : i32
        %add3A_763 = arith.addi %add3A_750, %add3A_762 : i32
        %swap3A_764 = arith.index_cast %add3A_763 : i32 to index
        %swap3A_765 = tpu.vector_load %arg7[%swap3A_764] {strides = array<i32>} : memref<16384xf32, #tpu.memory_space<vmem>>, vector<16xf32>,
        tpu.vector_store %arg7[%swap3A_764], %gather3A_761 {strides = array<i32>} : memref<16384xf32, #tpu.memory_space<vmem>>, vector<16xf32>,
        %gather3A_766 = tpu.vector_load_idx %arg6[%add3A_205, %broadcast_in_dim3A_748] : memref<1024x16xf32, #tpu.memory_space<vmem>>[vector<16xi32>, vector<16xi32>], vector<16xf32>,
        %add3A_767 = arith.constant 48 : i32
        %add3A_768 = arith.addi %add3A_750, %add3A_767 : i32
        %swap3A_769 = arith.index_cast %add3A_768 : i32 to index
        %swap3A_770 = tpu.vector_load %arg7[%swap3A_769] {strides = array<i32>} : memref<16384xf32, #tpu.memory_space<vmem>>, vector<16xf32>,
        tpu.vector_store %arg7[%swap3A_769], %gather3A_766 {strides = array<i32>} : memref<16384xf32, #tpu.memory_space<vmem>>, vector<16xf32>,
        %gather3A_771 = tpu.vector_load_idx %arg6[%add3A_209, %broadcast_in_dim3A_748] : memref<1024x16xf32, #tpu.memory_space<vmem>>[vector<16xi32>, vector<16xi32>], vector<16xf32>,
        %add3A_772 = arith.constant 64 : i32
        %add3A_773 = arith.addi %add3A_750, %add3A_772 : i32
        %swap3A_774 = arith.index_cast %add3A_773 : i32 to index
        %swap3A_775 = tpu.vector_load %arg7[%swap3A_774] {strides = array<i32>} : memref<16384xf32, #tpu.memory_space<vmem>>, vector<16xf32>,
        tpu.vector_store %arg7[%swap3A_774], %gather3A_771 {strides = array<i32>} : memref<16384xf32, #tpu.memory_space<vmem>>, vector<16xf32>,
        %gather3A_776 = tpu.vector_load_idx %arg6[%add3A_213, %broadcast_in_dim3A_748] : memref<1024x16xf32, #tpu.memory_space<vmem>>[vector<16xi32>, vector<16xi32>], vector<16xf32>,
        %add3A_777 = arith.constant 80 : i32
        %add3A_778 = arith.addi %add3A_750, %add3A_777 : i32
        %swap3A_779 = arith.index_cast %add3A_778 : i32 to index
        %swap3A_780 = tpu.vector_load %arg7[%swap3A_779] {strides = array<i32>} : memref<16384xf32, #tpu.memory_space<vmem>>, vector<16xf32>,
        tpu.vector_store %arg7[%swap3A_779], %gather3A_776 {strides = array<i32>} : memref<16384xf32, #tpu.memory_space<vmem>>, vector<16xf32>,
        %gather3A_781 = tpu.vector_load_idx %arg6[%add3A_217, %broadcast_in_dim3A_748] : memref<1024x16xf32, #tpu.memory_space<vmem>>[vector<16xi32>, vector<16xi32>], vector<16xf32>,
        %add3A_782 = arith.constant 96 : i32
        %add3A_783 = arith.addi %add3A_750, %add3A_782 : i32
        %swap3A_784 = arith.index_cast %add3A_783 : i32 to index
        %swap3A_785 = tpu.vector_load %arg7[%swap3A_784] {strides = array<i32>} : memref<16384xf32, #tpu.memory_space<vmem>>, vector<16xf32>,
        tpu.vector_store %arg7[%swap3A_784], %gather3A_781 {strides = array<i32>} : memref<16384xf32, #tpu.memory_space<vmem>>, vector<16xf32>,
        %gather3A_786 = tpu.vector_load_idx %arg6[%add3A_221, %broadcast_in_dim3A_748] : memref<1024x16xf32, #tpu.memory_space<vmem>>[vector<16xi32>, vector<16xi32>], vector<16xf32>,
        %add3A_787 = arith.constant 112 : i32
        %add3A_788 = arith.addi %add3A_750, %add3A_787 : i32
        %swap3A_789 = arith.index_cast %add3A_788 : i32 to index
        %swap3A_790 = tpu.vector_load %arg7[%swap3A_789] {strides = array<i32>} : memref<16384xf32, #tpu.memory_space<vmem>>, vector<16xf32>,
        tpu.vector_store %arg7[%swap3A_789], %gather3A_786 {strides = array<i32>} : memref<16384xf32, #tpu.memory_space<vmem>>, vector<16xf32>,
        %broadcast_in_dim3A_791 = arith.constant 13 : i32
        %broadcast_in_dim3A_792 = vector.broadcast %broadcast_in_dim3A_791 : i32 to vector<16xi32>
        %add3A_793 = arith.constant 1664 : i32
        %add3A_794 = arith.addi %mul3A_189, %add3A_793 : i32
        %gather3A_795 = tpu.vector_load_idx %arg6[%add3A_193, %broadcast_in_dim3A_792] : memref<1024x16xf32, #tpu.memory_space<vmem>>[vector<16xi32>, vector<16xi32>], vector<16xf32>,
        %add3A_796 = arith.constant 0 : i32
        %add3A_797 = arith.addi %add3A_794, %add3A_796 : i32
        %swap3A_798 = arith.index_cast %add3A_797 : i32 to index
        %swap3A_799 = tpu.vector_load %arg7[%swap3A_798] {strides = array<i32>} : memref<16384xf32, #tpu.memory_space<vmem>>, vector<16xf32>,
        tpu.vector_store %arg7[%swap3A_798], %gather3A_795 {strides = array<i32>} : memref<16384xf32, #tpu.memory_space<vmem>>, vector<16xf32>,
        %gather3A_800 = tpu.vector_load_idx %arg6[%add3A_197, %broadcast_in_dim3A_792] : memref<1024x16xf32, #tpu.memory_space<vmem>>[vector<16xi32>, vector<16xi32>], vector<16xf32>,
        %add3A_801 = arith.constant 16 : i32
        %add3A_802 = arith.addi %add3A_794, %add3A_801 : i32
        %swap3A_803 = arith.index_cast %add3A_802 : i32 to index
        %swap3A_804 = tpu.vector_load %arg7[%swap3A_803] {strides = array<i32>} : memref<16384xf32, #tpu.memory_space<vmem>>, vector<16xf32>,
        tpu.vector_store %arg7[%swap3A_803], %gather3A_800 {strides = array<i32>} : memref<16384xf32, #tpu.memory_space<vmem>>, vector<16xf32>,
        %gather3A_805 = tpu.vector_load_idx %arg6[%add3A_201, %broadcast_in_dim3A_792] : memref<1024x16xf32, #tpu.memory_space<vmem>>[vector<16xi32>, vector<16xi32>], vector<16xf32>,
        %add3A_806 = arith.constant 32 : i32
        %add3A_807 = arith.addi %add3A_794, %add3A_806 : i32
        %swap3A_808 = arith.index_cast %add3A_807 : i32 to index
        %swap3A_809 = tpu.vector_load %arg7[%swap3A_808] {strides = array<i32>} : memref<16384xf32, #tpu.memory_space<vmem>>, vector<16xf32>,
        tpu.vector_store %arg7[%swap3A_808], %gather3A_805 {strides = array<i32>} : memref<16384xf32, #tpu.memory_space<vmem>>, vector<16xf32>,
        %gather3A_810 = tpu.vector_load_idx %arg6[%add3A_205, %broadcast_in_dim3A_792] : memref<1024x16xf32, #tpu.memory_space<vmem>>[vector<16xi32>, vector<16xi32>], vector<16xf32>,
        %add3A_811 = arith.constant 48 : i32
        %add3A_812 = arith.addi %add3A_794, %add3A_811 : i32
        %swap3A_813 = arith.index_cast %add3A_812 : i32 to index
        %swap3A_814 = tpu.vector_load %arg7[%swap3A_813] {strides = array<i32>} : memref<16384xf32, #tpu.memory_space<vmem>>, vector<16xf32>,
        tpu.vector_store %arg7[%swap3A_813], %gather3A_810 {strides = array<i32>} : memref<16384xf32, #tpu.memory_space<vmem>>, vector<16xf32>,
        %gather3A_815 = tpu.vector_load_idx %arg6[%add3A_209, %broadcast_in_dim3A_792] : memref<1024x16xf32, #tpu.memory_space<vmem>>[vector<16xi32>, vector<16xi32>], vector<16xf32>,
        %add3A_816 = arith.constant 64 : i32
        %add3A_817 = arith.addi %add3A_794, %add3A_816 : i32
        %swap3A_818 = arith.index_cast %add3A_817 : i32 to index
        %swap3A_819 = tpu.vector_load %arg7[%swap3A_818] {strides = array<i32>} : memref<16384xf32, #tpu.memory_space<vmem>>, vector<16xf32>,
        tpu.vector_store %arg7[%swap3A_818], %gather3A_815 {strides = array<i32>} : memref<16384xf32, #tpu.memory_space<vmem>>, vector<16xf32>,
        %gather3A_820 = tpu.vector_load_idx %arg6[%add3A_213, %broadcast_in_dim3A_792] : memref<1024x16xf32, #tpu.memory_space<vmem>>[vector<16xi32>, vector<16xi32>], vector<16xf32>,
        %add3A_821 = arith.constant 80 : i32
        %add3A_822 = arith.addi %add3A_794, %add3A_821 : i32
        %swap3A_823 = arith.index_cast %add3A_822 : i32 to index
        %swap3A_824 = tpu.vector_load %arg7[%swap3A_823] {strides = array<i32>} : memref<16384xf32, #tpu.memory_space<vmem>>, vector<16xf32>,
        tpu.vector_store %arg7[%swap3A_823], %gather3A_820 {strides = array<i32>} : memref<16384xf32, #tpu.memory_space<vmem>>, vector<16xf32>,
        %gather3A_825 = tpu.vector_load_idx %arg6[%add3A_217, %broadcast_in_dim3A_792] : memref<1024x16xf32, #tpu.memory_space<vmem>>[vector<16xi32>, vector<16xi32>], vector<16xf32>,
        %add3A_826 = arith.constant 96 : i32
        %add3A_827 = arith.addi %add3A_794, %add3A_826 : i32
        %swap3A_828 = arith.index_cast %add3A_827 : i32 to index
        %swap3A_829 = tpu.vector_load %arg7[%swap3A_828] {strides = array<i32>} : memref<16384xf32, #tpu.memory_space<vmem>>, vector<16xf32>,
        tpu.vector_store %arg7[%swap3A_828], %gather3A_825 {strides = array<i32>} : memref<16384xf32, #tpu.memory_space<vmem>>, vector<16xf32>,
        %gather3A_830 = tpu.vector_load_idx %arg6[%add3A_221, %broadcast_in_dim3A_792] : memref<1024x16xf32, #tpu.memory_space<vmem>>[vector<16xi32>, vector<16xi32>], vector<16xf32>,
        %add3A_831 = arith.constant 112 : i32
        %add3A_832 = arith.addi %add3A_794, %add3A_831 : i32
        %swap3A_833 = arith.index_cast %add3A_832 : i32 to index
        %swap3A_834 = tpu.vector_load %arg7[%swap3A_833] {strides = array<i32>} : memref<16384xf32, #tpu.memory_space<vmem>>, vector<16xf32>,
        tpu.vector_store %arg7[%swap3A_833], %gather3A_830 {strides = array<i32>} : memref<16384xf32, #tpu.memory_space<vmem>>, vector<16xf32>,
        %broadcast_in_dim3A_835 = arith.constant 14 : i32
        %broadcast_in_dim3A_836 = vector.broadcast %broadcast_in_dim3A_835 : i32 to vector<16xi32>
        %add3A_837 = arith.constant 1792 : i32
        %add3A_838 = arith.addi %mul3A_189, %add3A_837 : i32
        %gather3A_839 = tpu.vector_load_idx %arg6[%add3A_193, %broadcast_in_dim3A_836] : memref<1024x16xf32, #tpu.memory_space<vmem>>[vector<16xi32>, vector<16xi32>], vector<16xf32>,
        %add3A_840 = arith.constant 0 : i32
        %add3A_841 = arith.addi %add3A_838, %add3A_840 : i32
        %swap3A_842 = arith.index_cast %add3A_841 : i32 to index
        %swap3A_843 = tpu.vector_load %arg7[%swap3A_842] {strides = array<i32>} : memref<16384xf32, #tpu.memory_space<vmem>>, vector<16xf32>,
        tpu.vector_store %arg7[%swap3A_842], %gather3A_839 {strides = array<i32>} : memref<16384xf32, #tpu.memory_space<vmem>>, vector<16xf32>,
        %gather3A_844 = tpu.vector_load_idx %arg6[%add3A_197, %broadcast_in_dim3A_836] : memref<1024x16xf32, #tpu.memory_space<vmem>>[vector<16xi32>, vector<16xi32>], vector<16xf32>,
        %add3A_845 = arith.constant 16 : i32
        %add3A_846 = arith.addi %add3A_838, %add3A_845 : i32
        %swap3A_847 = arith.index_cast %add3A_846 : i32 to index
        %swap3A_848 = tpu.vector_load %arg7[%swap3A_847] {strides = array<i32>} : memref<16384xf32, #tpu.memory_space<vmem>>, vector<16xf32>,
        tpu.vector_store %arg7[%swap3A_847], %gather3A_844 {strides = array<i32>} : memref<16384xf32, #tpu.memory_space<vmem>>, vector<16xf32>,
        %gather3A_849 = tpu.vector_load_idx %arg6[%add3A_201, %broadcast_in_dim3A_836] : memref<1024x16xf32, #tpu.memory_space<vmem>>[vector<16xi32>, vector<16xi32>], vector<16xf32>,
        %add3A_850 = arith.constant 32 : i32
        %add3A_851 = arith.addi %add3A_838, %add3A_850 : i32
        %swap3A_852 = arith.index_cast %add3A_851 : i32 to index
        %swap3A_853 = tpu.vector_load %arg7[%swap3A_852] {strides = array<i32>} : memref<16384xf32, #tpu.memory_space<vmem>>, vector<16xf32>,
        tpu.vector_store %arg7[%swap3A_852], %gather3A_849 {strides = array<i32>} : memref<16384xf32, #tpu.memory_space<vmem>>, vector<16xf32>,
        %gather3A_854 = tpu.vector_load_idx %arg6[%add3A_205, %broadcast_in_dim3A_836] : memref<1024x16xf32, #tpu.memory_space<vmem>>[vector<16xi32>, vector<16xi32>], vector<16xf32>,
        %add3A_855 = arith.constant 48 : i32
        %add3A_856 = arith.addi %add3A_838, %add3A_855 : i32
        %swap3A_857 = arith.index_cast %add3A_856 : i32 to index
        %swap3A_858 = tpu.vector_load %arg7[%swap3A_857] {strides = array<i32>} : memref<16384xf32, #tpu.memory_space<vmem>>, vector<16xf32>,
        tpu.vector_store %arg7[%swap3A_857], %gather3A_854 {strides = array<i32>} : memref<16384xf32, #tpu.memory_space<vmem>>, vector<16xf32>,
        %gather3A_859 = tpu.vector_load_idx %arg6[%add3A_209, %broadcast_in_dim3A_836] : memref<1024x16xf32, #tpu.memory_space<vmem>>[vector<16xi32>, vector<16xi32>], vector<16xf32>,
        %add3A_860 = arith.constant 64 : i32
        %add3A_861 = arith.addi %add3A_838, %add3A_860 : i32
        %swap3A_862 = arith.index_cast %add3A_861 : i32 to index
        %swap3A_863 = tpu.vector_load %arg7[%swap3A_862] {strides = array<i32>} : memref<16384xf32, #tpu.memory_space<vmem>>, vector<16xf32>,
        tpu.vector_store %arg7[%swap3A_862], %gather3A_859 {strides = array<i32>} : memref<16384xf32, #tpu.memory_space<vmem>>, vector<16xf32>,
        %gather3A_864 = tpu.vector_load_idx %arg6[%add3A_213, %broadcast_in_dim3A_836] : memref<1024x16xf32, #tpu.memory_space<vmem>>[vector<16xi32>, vector<16xi32>], vector<16xf32>,
        %add3A_865 = arith.constant 80 : i32
        %add3A_866 = arith.addi %add3A_838, %add3A_865 : i32
        %swap3A_867 = arith.index_cast %add3A_866 : i32 to index
        %swap3A_868 = tpu.vector_load %arg7[%swap3A_867] {strides = array<i32>} : memref<16384xf32, #tpu.memory_space<vmem>>, vector<16xf32>,
        tpu.vector_store %arg7[%swap3A_867], %gather3A_864 {strides = array<i32>} : memref<16384xf32, #tpu.memory_space<vmem>>, vector<16xf32>,
        %gather3A_869 = tpu.vector_load_idx %arg6[%add3A_217, %broadcast_in_dim3A_836] : memref<1024x16xf32, #tpu.memory_space<vmem>>[vector<16xi32>, vector<16xi32>], vector<16xf32>,
        %add3A_870 = arith.constant 96 : i32
        %add3A_871 = arith.addi %add3A_838, %add3A_870 : i32
        %swap3A_872 = arith.index_cast %add3A_871 : i32 to index
        %swap3A_873 = tpu.vector_load %arg7[%swap3A_872] {strides = array<i32>} : memref<16384xf32, #tpu.memory_space<vmem>>, vector<16xf32>,
        tpu.vector_store %arg7[%swap3A_872], %gather3A_869 {strides = array<i32>} : memref<16384xf32, #tpu.memory_space<vmem>>, vector<16xf32>,
        %gather3A_874 = tpu.vector_load_idx %arg6[%add3A_221, %broadcast_in_dim3A_836] : memref<1024x16xf32, #tpu.memory_space<vmem>>[vector<16xi32>, vector<16xi32>], vector<16xf32>,
        %add3A_875 = arith.constant 112 : i32
        %add3A_876 = arith.addi %add3A_838, %add3A_875 : i32
        %swap3A_877 = arith.index_cast %add3A_876 : i32 to index
        %swap3A_878 = tpu.vector_load %arg7[%swap3A_877] {strides = array<i32>} : memref<16384xf32, #tpu.memory_space<vmem>>, vector<16xf32>,
        tpu.vector_store %arg7[%swap3A_877], %gather3A_874 {strides = array<i32>} : memref<16384xf32, #tpu.memory_space<vmem>>, vector<16xf32>,
        %broadcast_in_dim3A_879 = arith.constant 15 : i32
        %broadcast_in_dim3A_880 = vector.broadcast %broadcast_in_dim3A_879 : i32 to vector<16xi32>
        %add3A_881 = arith.constant 1920 : i32
        %add3A_882 = arith.addi %mul3A_189, %add3A_881 : i32
        %gather3A_883 = tpu.vector_load_idx %arg6[%add3A_193, %broadcast_in_dim3A_880] : memref<1024x16xf32, #tpu.memory_space<vmem>>[vector<16xi32>, vector<16xi32>], vector<16xf32>,
        %add3A_884 = arith.constant 0 : i32
        %add3A_885 = arith.addi %add3A_882, %add3A_884 : i32
        %swap3A_886 = arith.index_cast %add3A_885 : i32 to index
        %swap3A_887 = tpu.vector_load %arg7[%swap3A_886] {strides = array<i32>} : memref<16384xf32, #tpu.memory_space<vmem>>, vector<16xf32>,
        tpu.vector_store %arg7[%swap3A_886], %gather3A_883 {strides = array<i32>} : memref<16384xf32, #tpu.memory_space<vmem>>, vector<16xf32>,
        %gather3A_888 = tpu.vector_load_idx %arg6[%add3A_197, %broadcast_in_dim3A_880] : memref<1024x16xf32, #tpu.memory_space<vmem>>[vector<16xi32>, vector<16xi32>], vector<16xf32>,
        %add3A_889 = arith.constant 16 : i32
        %add3A_890 = arith.addi %add3A_882, %add3A_889 : i32
        %swap3A_891 = arith.index_cast %add3A_890 : i32 to index
        %swap3A_892 = tpu.vector_load %arg7[%swap3A_891] {strides = array<i32>} : memref<16384xf32, #tpu.memory_space<vmem>>, vector<16xf32>,
        tpu.vector_store %arg7[%swap3A_891], %gather3A_888 {strides = array<i32>} : memref<16384xf32, #tpu.memory_space<vmem>>, vector<16xf32>,
        %gather3A_893 = tpu.vector_load_idx %arg6[%add3A_201, %broadcast_in_dim3A_880] : memref<1024x16xf32, #tpu.memory_space<vmem>>[vector<16xi32>, vector<16xi32>], vector<16xf32>,
        %add3A_894 = arith.constant 32 : i32
        %add3A_895 = arith.addi %add3A_882, %add3A_894 : i32
        %swap3A_896 = arith.index_cast %add3A_895 : i32 to index
        %swap3A_897 = tpu.vector_load %arg7[%swap3A_896] {strides = array<i32>} : memref<16384xf32, #tpu.memory_space<vmem>>, vector<16xf32>,
        tpu.vector_store %arg7[%swap3A_896], %gather3A_893 {strides = array<i32>} : memref<16384xf32, #tpu.memory_space<vmem>>, vector<16xf32>,
        %gather3A_898 = tpu.vector_load_idx %arg6[%add3A_205, %broadcast_in_dim3A_880] : memref<1024x16xf32, #tpu.memory_space<vmem>>[vector<16xi32>, vector<16xi32>], vector<16xf32>,
        %add3A_899 = arith.constant 48 : i32
        %add3A_900 = arith.addi %add3A_882, %add3A_899 : i32
        %swap3A_901 = arith.index_cast %add3A_900 : i32 to index
        %swap3A_902 = tpu.vector_load %arg7[%swap3A_901] {strides = array<i32>} : memref<16384xf32, #tpu.memory_space<vmem>>, vector<16xf32>,
        tpu.vector_store %arg7[%swap3A_901], %gather3A_898 {strides = array<i32>} : memref<16384xf32, #tpu.memory_space<vmem>>, vector<16xf32>,
        %gather3A_903 = tpu.vector_load_idx %arg6[%add3A_209, %broadcast_in_dim3A_880] : memref<1024x16xf32, #tpu.memory_space<vmem>>[vector<16xi32>, vector<16xi32>], vector<16xf32>,
        %add3A_904 = arith.constant 64 : i32
        %add3A_905 = arith.addi %add3A_882, %add3A_904 : i32
        %swap3A_906 = arith.index_cast %add3A_905 : i32 to index
        %swap3A_907 = tpu.vector_load %arg7[%swap3A_906] {strides = array<i32>} : memref<16384xf32, #tpu.memory_space<vmem>>, vector<16xf32>,
        tpu.vector_store %arg7[%swap3A_906], %gather3A_903 {strides = array<i32>} : memref<16384xf32, #tpu.memory_space<vmem>>, vector<16xf32>,
        %gather3A_908 = tpu.vector_load_idx %arg6[%add3A_213, %broadcast_in_dim3A_880] : memref<1024x16xf32, #tpu.memory_space<vmem>>[vector<16xi32>, vector<16xi32>], vector<16xf32>,
        %add3A_909 = arith.constant 80 : i32
        %add3A_910 = arith.addi %add3A_882, %add3A_909 : i32
        %swap3A_911 = arith.index_cast %add3A_910 : i32 to index
        %swap3A_912 = tpu.vector_load %arg7[%swap3A_911] {strides = array<i32>} : memref<16384xf32, #tpu.memory_space<vmem>>, vector<16xf32>,
        tpu.vector_store %arg7[%swap3A_911], %gather3A_908 {strides = array<i32>} : memref<16384xf32, #tpu.memory_space<vmem>>, vector<16xf32>,
        %gather3A_913 = tpu.vector_load_idx %arg6[%add3A_217, %broadcast_in_dim3A_880] : memref<1024x16xf32, #tpu.memory_space<vmem>>[vector<16xi32>, vector<16xi32>], vector<16xf32>,
        %add3A_914 = arith.constant 96 : i32
        %add3A_915 = arith.addi %add3A_882, %add3A_914 : i32
        %swap3A_916 = arith.index_cast %add3A_915 : i32 to index
        %swap3A_917 = tpu.vector_load %arg7[%swap3A_916] {strides = array<i32>} : memref<16384xf32, #tpu.memory_space<vmem>>, vector<16xf32>,
        tpu.vector_store %arg7[%swap3A_916], %gather3A_913 {strides = array<i32>} : memref<16384xf32, #tpu.memory_space<vmem>>, vector<16xf32>,
        %gather3A_918 = tpu.vector_load_idx %arg6[%add3A_221, %broadcast_in_dim3A_880] : memref<1024x16xf32, #tpu.memory_space<vmem>>[vector<16xi32>, vector<16xi32>], vector<16xf32>,
        %add3A_919 = arith.constant 112 : i32
        %add3A_920 = arith.addi %add3A_882, %add3A_919 : i32
        %swap3A_921 = arith.index_cast %add3A_920 : i32 to index
        %swap3A_922 = tpu.vector_load %arg7[%swap3A_921] {strides = array<i32>} : memref<16384xf32, #tpu.memory_space<vmem>>, vector<16xf32>,
        tpu.vector_store %arg7[%swap3A_921], %gather3A_918 {strides = array<i32>} : memref<16384xf32, #tpu.memory_space<vmem>>, vector<16xf32>,
      }
      %scan3A_180 = arith.constant 8 : i32
      %mul3A_181 = arith.constant 16 : i32
      %mul3A_182 = arith.muli %add3A_16, %mul3A_181 : i32
      "tpu.region"() ({
        %run_scoped3A = tpu.sem_alloc : memref<!tpu.dma_semaphore, #tpu.memory_space<semaphore_mem>>
        %dma_start3A_183 = tpu.memref_slice %arg4[%mul3A_182] : memref<13107200xf32, #tpu.memory_space<hbm>> -> memref<16384xf32, #tpu.memory_space<hbm>>
        %dma_start3A_184 = tpu.memref_slice %arg4[%mul3A_182] : memref<13107200xf32, #tpu.memory_space<hbm>> -> memref<16384xf32, #tpu.memory_space<hbm>>
        tpu.enqueue_dma source(%arg7 : memref<16384xf32, #tpu.memory_space<vmem>>) target(%dma_start3A_184 : memref<16384xf32, #tpu.memory_space<hbm>>) target_semaphore(%run_scoped3A : memref<!tpu.dma_semaphore, #tpu.memory_space<semaphore_mem>>)
        %dma_wait3A_185 = tpu.memref_slice %arg4[%mul3A_182] : memref<13107200xf32, #tpu.memory_space<hbm>> -> memref<16384xf32, #tpu.memory_space<hbm>>
        %dma_wait3A_186 = tpu.memref_slice %arg4[%mul3A_182] : memref<13107200xf32, #tpu.memory_space<hbm>> -> memref<16384xf32, #tpu.memory_space<hbm>>
        tpu.wait_dma2 semaphore(%run_scoped3A : memref<!tpu.dma_semaphore, #tpu.memory_space<semaphore_mem>>) src(%arg7 : memref<16384xf32, #tpu.memory_space<vmem>>) dst(%dma_wait3A_186 : memref<16384xf32, #tpu.memory_space<hbm>>)
        tpu.yield
      }) : () -> ()
    }
    %scan3A_9 = arith.constant 25 : i32
    return
  }
}

module attributes {stable_mosaic.version = 14 : i64} {
  func.func @_tout_body(%arg0: i32, %arg1: memref<128x2048xf32, #tpu.memory_space<vmem>>, %arg2: memref<128x2048xf32, #tpu.memory_space<vmem>>, %arg3: memref<1x16xf32, #tpu.memory_space<vmem>>, %arg4: memref<1x1xf32, #tpu.memory_space<vmem>>, %arg5: memref<16x16384xf32, #tpu.memory_space<vmem>>, %arg6: memref<16x16384xf32, #tpu.memory_space<vmem>>, %arg7: memref<1x128x128xf32, #tpu.memory_space<vmem>>) attributes {dimension_semantics = [#tpu.dimension_semantics<arbitrary>], iteration_bounds = array<i64: 50>, scalar_prefetch = 0 : i64, scratch_operands = 0 : i64, tpu.core_type = #tpu.core_type<tc>, window_params = [{transform_indices = @transform_0, window_bounds = array<i64: 128, 2048>}, {transform_indices = @transform_1, window_bounds = array<i64: 128, 2048>}, {pipeline_mode = #tpu.pipeline_mode<synchronous>, transform_indices = @transform_2, window_bounds = array<i64: 1, 16>}, {pipeline_mode = #tpu.pipeline_mode<synchronous>, transform_indices = @transform_3, window_bounds = array<i64: 1, 1>}, {transform_indices = @transform_4, window_bounds = array<i64: 16, 16384>}, {transform_indices = @transform_5, window_bounds = array<i64: 16, 16384>}, {transform_indices = @transform_6, window_bounds = array<i64: 1, 128, 128>}]} {
    %get3A = arith.constant 0 : index
    %get3A_0 = arith.constant 0 : index
    %get3A_1 = vector.load %arg1[%get3A, %get3A_0] : memref<128x2048xf32, #tpu.memory_space<vmem>>, vector<128x2048xf32>
    %reshape3A = vector.shape_cast %get3A_1 : vector<128x2048xf32> to vector<128x16x128xf32>
    %get3A_2 = arith.constant 0 : index
    %get3A_3 = arith.constant 0 : index
    %get3A_4 = vector.load %arg2[%get3A_2, %get3A_3] : memref<128x2048xf32, #tpu.memory_space<vmem>>, vector<128x2048xf32>
    %reshape3A_5 = vector.shape_cast %get3A_4 : vector<128x2048xf32> to vector<128x16x128xf32>
    %transpose3A = tpu.transpose %reshape3A, [1, 0, 2] : vector<128x16x128xf32> -> vector<16x128x128xf32>
    %reshape3A_6 = vector.shape_cast %transpose3A : vector<16x128x128xf32> to vector<16x16384xf32>
    %swap3A = arith.constant 0 : index
    %swap3A_7 = arith.constant 0 : index
    %swap3A_8 = vector.load %arg5[%swap3A, %swap3A_7] : memref<16x16384xf32, #tpu.memory_space<vmem>>, vector<16x16384xf32>
    tpu.vector_store %arg5[%swap3A, %swap3A_7], %reshape3A_6 {strides = array<i32>} : memref<16x16384xf32, #tpu.memory_space<vmem>>, vector<16x16384xf32>,
    %transpose3A_9 = tpu.transpose %reshape3A_5, [1, 0, 2] : vector<128x16x128xf32> -> vector<16x128x128xf32>
    %reshape3A_10 = vector.shape_cast %transpose3A_9 : vector<16x128x128xf32> to vector<16x16384xf32>
    %swap3A_11 = arith.constant 0 : index
    %swap3A_12 = arith.constant 0 : index
    %swap3A_13 = vector.load %arg6[%swap3A_11, %swap3A_12] : memref<16x16384xf32, #tpu.memory_space<vmem>>, vector<16x16384xf32>
    tpu.vector_store %arg6[%swap3A_11, %swap3A_12], %reshape3A_10 {strides = array<i32>} : memref<16x16384xf32, #tpu.memory_space<vmem>>, vector<16x16384xf32>,
    %add3A = arith.addf %reshape3A, %reshape3A_5 : vector<128x16x128xf32>
    %broadcast_in_dim3A = arith.constant 0.000000e+00 : f32
    %broadcast_in_dim3A_14 = vector.broadcast %broadcast_in_dim3A : f32 to vector<128x128xf32>
    %get3A_15 = arith.constant 0 : index
    %get3A_16 = arith.constant 0 : index
    %get3A_17 = vector.load %arg3[%get3A_15, %get3A_16] : memref<1x16xf32, #tpu.memory_space<vmem>>, vector<1x16xf32>
    %slice3A = vector.extract_strided_slice %add3A {offsets = [0, 0, 0], sizes = [128, 1, 128], strides = [1, 1, 1]} : vector<128x16x128xf32> to vector<128x1x128xf32>
    %squeeze3A = vector.shape_cast %slice3A : vector<128x1x128xf32> to vector<128x128xf32>
    %slice3A_18 = vector.extract_strided_slice %get3A_17 {offsets = [0, 0], sizes = [1, 1], strides = [1, 1]} : vector<1x16xf32> to vector<1x1xf32>
    %squeeze3A_19 = vector.extract %slice3A_18[0, 0] : f32 from vector<1x1xf32>
    %mul3A = vector.broadcast %squeeze3A_19 : f32 to vector<128x128xf32>
    %mul3A_20 = arith.mulf %squeeze3A, %mul3A : vector<128x128xf32>
    %add3A_21 = arith.addf %broadcast_in_dim3A_14, %mul3A_20 : vector<128x128xf32>
    %slice3A_22 = vector.extract_strided_slice %add3A {offsets = [0, 1, 0], sizes = [128, 1, 128], strides = [1, 1, 1]} : vector<128x16x128xf32> to vector<128x1x128xf32>
    %squeeze3A_23 = vector.shape_cast %slice3A_22 : vector<128x1x128xf32> to vector<128x128xf32>
    %slice3A_24 = vector.extract_strided_slice %get3A_17 {offsets = [0, 1], sizes = [1, 1], strides = [1, 1]} : vector<1x16xf32> to vector<1x1xf32>
    %squeeze3A_25 = vector.extract %slice3A_24[0, 0] : f32 from vector<1x1xf32>
    %mul3A_26 = vector.broadcast %squeeze3A_25 : f32 to vector<128x128xf32>
    %mul3A_27 = arith.mulf %squeeze3A_23, %mul3A_26 : vector<128x128xf32>
    %add3A_28 = arith.addf %add3A_21, %mul3A_27 : vector<128x128xf32>
    %slice3A_29 = vector.extract_strided_slice %add3A {offsets = [0, 2, 0], sizes = [128, 1, 128], strides = [1, 1, 1]} : vector<128x16x128xf32> to vector<128x1x128xf32>
    %squeeze3A_30 = vector.shape_cast %slice3A_29 : vector<128x1x128xf32> to vector<128x128xf32>
    %slice3A_31 = vector.extract_strided_slice %get3A_17 {offsets = [0, 2], sizes = [1, 1], strides = [1, 1]} : vector<1x16xf32> to vector<1x1xf32>
    %squeeze3A_32 = vector.extract %slice3A_31[0, 0] : f32 from vector<1x1xf32>
    %mul3A_33 = vector.broadcast %squeeze3A_32 : f32 to vector<128x128xf32>
    %mul3A_34 = arith.mulf %squeeze3A_30, %mul3A_33 : vector<128x128xf32>
    %add3A_35 = arith.addf %add3A_28, %mul3A_34 : vector<128x128xf32>
    %slice3A_36 = vector.extract_strided_slice %add3A {offsets = [0, 3, 0], sizes = [128, 1, 128], strides = [1, 1, 1]} : vector<128x16x128xf32> to vector<128x1x128xf32>
    %squeeze3A_37 = vector.shape_cast %slice3A_36 : vector<128x1x128xf32> to vector<128x128xf32>
    %slice3A_38 = vector.extract_strided_slice %get3A_17 {offsets = [0, 3], sizes = [1, 1], strides = [1, 1]} : vector<1x16xf32> to vector<1x1xf32>
    %squeeze3A_39 = vector.extract %slice3A_38[0, 0] : f32 from vector<1x1xf32>
    %mul3A_40 = vector.broadcast %squeeze3A_39 : f32 to vector<128x128xf32>
    %mul3A_41 = arith.mulf %squeeze3A_37, %mul3A_40 : vector<128x128xf32>
    %add3A_42 = arith.addf %add3A_35, %mul3A_41 : vector<128x128xf32>
    %slice3A_43 = vector.extract_strided_slice %add3A {offsets = [0, 4, 0], sizes = [128, 1, 128], strides = [1, 1, 1]} : vector<128x16x128xf32> to vector<128x1x128xf32>
    %squeeze3A_44 = vector.shape_cast %slice3A_43 : vector<128x1x128xf32> to vector<128x128xf32>
    %slice3A_45 = vector.extract_strided_slice %get3A_17 {offsets = [0, 4], sizes = [1, 1], strides = [1, 1]} : vector<1x16xf32> to vector<1x1xf32>
    %squeeze3A_46 = vector.extract %slice3A_45[0, 0] : f32 from vector<1x1xf32>
    %mul3A_47 = vector.broadcast %squeeze3A_46 : f32 to vector<128x128xf32>
    %mul3A_48 = arith.mulf %squeeze3A_44, %mul3A_47 : vector<128x128xf32>
    %add3A_49 = arith.addf %add3A_42, %mul3A_48 : vector<128x128xf32>
    %slice3A_50 = vector.extract_strided_slice %add3A {offsets = [0, 5, 0], sizes = [128, 1, 128], strides = [1, 1, 1]} : vector<128x16x128xf32> to vector<128x1x128xf32>
    %squeeze3A_51 = vector.shape_cast %slice3A_50 : vector<128x1x128xf32> to vector<128x128xf32>
    %slice3A_52 = vector.extract_strided_slice %get3A_17 {offsets = [0, 5], sizes = [1, 1], strides = [1, 1]} : vector<1x16xf32> to vector<1x1xf32>
    %squeeze3A_53 = vector.extract %slice3A_52[0, 0] : f32 from vector<1x1xf32>
    %mul3A_54 = vector.broadcast %squeeze3A_53 : f32 to vector<128x128xf32>
    %mul3A_55 = arith.mulf %squeeze3A_51, %mul3A_54 : vector<128x128xf32>
    %add3A_56 = arith.addf %add3A_49, %mul3A_55 : vector<128x128xf32>
    %slice3A_57 = vector.extract_strided_slice %add3A {offsets = [0, 6, 0], sizes = [128, 1, 128], strides = [1, 1, 1]} : vector<128x16x128xf32> to vector<128x1x128xf32>
    %squeeze3A_58 = vector.shape_cast %slice3A_57 : vector<128x1x128xf32> to vector<128x128xf32>
    %slice3A_59 = vector.extract_strided_slice %get3A_17 {offsets = [0, 6], sizes = [1, 1], strides = [1, 1]} : vector<1x16xf32> to vector<1x1xf32>
    %squeeze3A_60 = vector.extract %slice3A_59[0, 0] : f32 from vector<1x1xf32>
    %mul3A_61 = vector.broadcast %squeeze3A_60 : f32 to vector<128x128xf32>
    %mul3A_62 = arith.mulf %squeeze3A_58, %mul3A_61 : vector<128x128xf32>
    %add3A_63 = arith.addf %add3A_56, %mul3A_62 : vector<128x128xf32>
    %slice3A_64 = vector.extract_strided_slice %add3A {offsets = [0, 7, 0], sizes = [128, 1, 128], strides = [1, 1, 1]} : vector<128x16x128xf32> to vector<128x1x128xf32>
    %squeeze3A_65 = vector.shape_cast %slice3A_64 : vector<128x1x128xf32> to vector<128x128xf32>
    %slice3A_66 = vector.extract_strided_slice %get3A_17 {offsets = [0, 7], sizes = [1, 1], strides = [1, 1]} : vector<1x16xf32> to vector<1x1xf32>
    %squeeze3A_67 = vector.extract %slice3A_66[0, 0] : f32 from vector<1x1xf32>
    %mul3A_68 = vector.broadcast %squeeze3A_67 : f32 to vector<128x128xf32>
    %mul3A_69 = arith.mulf %squeeze3A_65, %mul3A_68 : vector<128x128xf32>
    %add3A_70 = arith.addf %add3A_63, %mul3A_69 : vector<128x128xf32>
    %slice3A_71 = vector.extract_strided_slice %add3A {offsets = [0, 8, 0], sizes = [128, 1, 128], strides = [1, 1, 1]} : vector<128x16x128xf32> to vector<128x1x128xf32>
    %squeeze3A_72 = vector.shape_cast %slice3A_71 : vector<128x1x128xf32> to vector<128x128xf32>
    %slice3A_73 = vector.extract_strided_slice %get3A_17 {offsets = [0, 8], sizes = [1, 1], strides = [1, 1]} : vector<1x16xf32> to vector<1x1xf32>
    %squeeze3A_74 = vector.extract %slice3A_73[0, 0] : f32 from vector<1x1xf32>
    %mul3A_75 = vector.broadcast %squeeze3A_74 : f32 to vector<128x128xf32>
    %mul3A_76 = arith.mulf %squeeze3A_72, %mul3A_75 : vector<128x128xf32>
    %add3A_77 = arith.addf %add3A_70, %mul3A_76 : vector<128x128xf32>
    %slice3A_78 = vector.extract_strided_slice %add3A {offsets = [0, 9, 0], sizes = [128, 1, 128], strides = [1, 1, 1]} : vector<128x16x128xf32> to vector<128x1x128xf32>
    %squeeze3A_79 = vector.shape_cast %slice3A_78 : vector<128x1x128xf32> to vector<128x128xf32>
    %slice3A_80 = vector.extract_strided_slice %get3A_17 {offsets = [0, 9], sizes = [1, 1], strides = [1, 1]} : vector<1x16xf32> to vector<1x1xf32>
    %squeeze3A_81 = vector.extract %slice3A_80[0, 0] : f32 from vector<1x1xf32>
    %mul3A_82 = vector.broadcast %squeeze3A_81 : f32 to vector<128x128xf32>
    %mul3A_83 = arith.mulf %squeeze3A_79, %mul3A_82 : vector<128x128xf32>
    %add3A_84 = arith.addf %add3A_77, %mul3A_83 : vector<128x128xf32>
    %slice3A_85 = vector.extract_strided_slice %add3A {offsets = [0, 10, 0], sizes = [128, 1, 128], strides = [1, 1, 1]} : vector<128x16x128xf32> to vector<128x1x128xf32>
    %squeeze3A_86 = vector.shape_cast %slice3A_85 : vector<128x1x128xf32> to vector<128x128xf32>
    %slice3A_87 = vector.extract_strided_slice %get3A_17 {offsets = [0, 10], sizes = [1, 1], strides = [1, 1]} : vector<1x16xf32> to vector<1x1xf32>
    %squeeze3A_88 = vector.extract %slice3A_87[0, 0] : f32 from vector<1x1xf32>
    %mul3A_89 = vector.broadcast %squeeze3A_88 : f32 to vector<128x128xf32>
    %mul3A_90 = arith.mulf %squeeze3A_86, %mul3A_89 : vector<128x128xf32>
    %add3A_91 = arith.addf %add3A_84, %mul3A_90 : vector<128x128xf32>
    %slice3A_92 = vector.extract_strided_slice %add3A {offsets = [0, 11, 0], sizes = [128, 1, 128], strides = [1, 1, 1]} : vector<128x16x128xf32> to vector<128x1x128xf32>
    %squeeze3A_93 = vector.shape_cast %slice3A_92 : vector<128x1x128xf32> to vector<128x128xf32>
    %slice3A_94 = vector.extract_strided_slice %get3A_17 {offsets = [0, 11], sizes = [1, 1], strides = [1, 1]} : vector<1x16xf32> to vector<1x1xf32>
    %squeeze3A_95 = vector.extract %slice3A_94[0, 0] : f32 from vector<1x1xf32>
    %mul3A_96 = vector.broadcast %squeeze3A_95 : f32 to vector<128x128xf32>
    %mul3A_97 = arith.mulf %squeeze3A_93, %mul3A_96 : vector<128x128xf32>
    %add3A_98 = arith.addf %add3A_91, %mul3A_97 : vector<128x128xf32>
    %slice3A_99 = vector.extract_strided_slice %add3A {offsets = [0, 12, 0], sizes = [128, 1, 128], strides = [1, 1, 1]} : vector<128x16x128xf32> to vector<128x1x128xf32>
    %squeeze3A_100 = vector.shape_cast %slice3A_99 : vector<128x1x128xf32> to vector<128x128xf32>
    %slice3A_101 = vector.extract_strided_slice %get3A_17 {offsets = [0, 12], sizes = [1, 1], strides = [1, 1]} : vector<1x16xf32> to vector<1x1xf32>
    %squeeze3A_102 = vector.extract %slice3A_101[0, 0] : f32 from vector<1x1xf32>
    %mul3A_103 = vector.broadcast %squeeze3A_102 : f32 to vector<128x128xf32>
    %mul3A_104 = arith.mulf %squeeze3A_100, %mul3A_103 : vector<128x128xf32>
    %add3A_105 = arith.addf %add3A_98, %mul3A_104 : vector<128x128xf32>
    %slice3A_106 = vector.extract_strided_slice %add3A {offsets = [0, 13, 0], sizes = [128, 1, 128], strides = [1, 1, 1]} : vector<128x16x128xf32> to vector<128x1x128xf32>
    %squeeze3A_107 = vector.shape_cast %slice3A_106 : vector<128x1x128xf32> to vector<128x128xf32>
    %slice3A_108 = vector.extract_strided_slice %get3A_17 {offsets = [0, 13], sizes = [1, 1], strides = [1, 1]} : vector<1x16xf32> to vector<1x1xf32>
    %squeeze3A_109 = vector.extract %slice3A_108[0, 0] : f32 from vector<1x1xf32>
    %mul3A_110 = vector.broadcast %squeeze3A_109 : f32 to vector<128x128xf32>
    %mul3A_111 = arith.mulf %squeeze3A_107, %mul3A_110 : vector<128x128xf32>
    %add3A_112 = arith.addf %add3A_105, %mul3A_111 : vector<128x128xf32>
    %slice3A_113 = vector.extract_strided_slice %add3A {offsets = [0, 14, 0], sizes = [128, 1, 128], strides = [1, 1, 1]} : vector<128x16x128xf32> to vector<128x1x128xf32>
    %squeeze3A_114 = vector.shape_cast %slice3A_113 : vector<128x1x128xf32> to vector<128x128xf32>
    %slice3A_115 = vector.extract_strided_slice %get3A_17 {offsets = [0, 14], sizes = [1, 1], strides = [1, 1]} : vector<1x16xf32> to vector<1x1xf32>
    %squeeze3A_116 = vector.extract %slice3A_115[0, 0] : f32 from vector<1x1xf32>
    %mul3A_117 = vector.broadcast %squeeze3A_116 : f32 to vector<128x128xf32>
    %mul3A_118 = arith.mulf %squeeze3A_114, %mul3A_117 : vector<128x128xf32>
    %add3A_119 = arith.addf %add3A_112, %mul3A_118 : vector<128x128xf32>
    %slice3A_120 = vector.extract_strided_slice %add3A {offsets = [0, 15, 0], sizes = [128, 1, 128], strides = [1, 1, 1]} : vector<128x16x128xf32> to vector<128x1x128xf32>
    %squeeze3A_121 = vector.shape_cast %slice3A_120 : vector<128x1x128xf32> to vector<128x128xf32>
    %slice3A_122 = vector.extract_strided_slice %get3A_17 {offsets = [0, 15], sizes = [1, 1], strides = [1, 1]} : vector<1x16xf32> to vector<1x1xf32>
    %squeeze3A_123 = vector.extract %slice3A_122[0, 0] : f32 from vector<1x1xf32>
    %mul3A_124 = vector.broadcast %squeeze3A_123 : f32 to vector<128x128xf32>
    %mul3A_125 = arith.mulf %squeeze3A_121, %mul3A_124 : vector<128x128xf32>
    %add3A_126 = arith.addf %add3A_119, %mul3A_125 : vector<128x128xf32>
    %get3A_127 = arith.constant 0 : index
    %get3A_128 = arith.constant 0 : index
    %get3A_129 = vector.load %arg4[%get3A_127, %get3A_128] : memref<1x1xf32, #tpu.memory_space<vmem>>, vector<1x1xf32>
    %get3A_130 = vector.extract %get3A_129[0, 0] : f32 from vector<1x1xf32>
    %add3A_131 = vector.broadcast %get3A_130 : f32 to vector<128x128xf32>
    %add3A_132 = arith.addf %add3A_126, %add3A_131 : vector<128x128xf32>
    %logistic3A = arith.negf %add3A_132 : vector<128x128xf32>
    %logistic3A_133 = math.exp %logistic3A : vector<128x128xf32>
    %logistic3A_134 = arith.constant 1.000000e+00 : f32
    %logistic3A_135 = vector.broadcast %logistic3A_134 : f32 to vector<128x128xf32>
    %logistic3A_136 = arith.addf %logistic3A_135, %logistic3A_133 : vector<128x128xf32>
    %logistic3A_137 = arith.divf %logistic3A_135, %logistic3A_136 : vector<128x128xf32>
    %reshape3A_138 = vector.shape_cast %logistic3A_137 : vector<128x128xf32> to vector<1x128x128xf32>
    %swap3A_139 = arith.constant 0 : index
    %swap3A_140 = arith.constant 0 : index
    %swap3A_141 = arith.constant 0 : index
    %swap3A_142 = vector.load %arg7[%swap3A_139, %swap3A_140, %swap3A_141] : memref<1x128x128xf32, #tpu.memory_space<vmem>>, vector<1x128x128xf32>
    tpu.vector_store %arg7[%swap3A_139, %swap3A_140, %swap3A_141], %reshape3A_138 {strides = array<i32>} : memref<1x128x128xf32, #tpu.memory_space<vmem>>, vector<1x128x128xf32>,
    return
  }
  func.func @transform_0(%arg0: i32) -> (i32, i32) {
    %c0_i32 = arith.constant 0 : i32
    %c0_i32_0 = arith.constant 0 : i32
    return %arg0, %c0_i32 : i32, i32
  }
  func.func @transform_1(%arg0: i32) -> (i32, i32) {
    %c0_i32 = arith.constant 0 : i32
    %c0_i32_0 = arith.constant 0 : i32
    return %arg0, %c0_i32 : i32, i32
  }
  func.func @transform_2(%arg0: i32) -> (i32, i32) {
    %c0_i32 = arith.constant 0 : i32
    %c0_i32_0 = arith.constant 0 : i32
    %c0_i32_1 = arith.constant 0 : i32
    return %c0_i32, %c0_i32_0 : i32, i32
  }
  func.func @transform_3(%arg0: i32) -> (i32, i32) {
    %c0_i32 = arith.constant 0 : i32
    %c0_i32_0 = arith.constant 0 : i32
    %c0_i32_1 = arith.constant 0 : i32
    return %c0_i32, %c0_i32_0 : i32, i32
  }
  func.func @transform_4(%arg0: i32) -> (i32, i32) {
    %c0_i32 = arith.constant 0 : i32
    %c0_i32_0 = arith.constant 0 : i32
    return %arg0, %c0_i32 : i32, i32
  }
  func.func @transform_5(%arg0: i32) -> (i32, i32) {
    %c0_i32 = arith.constant 0 : i32
    %c0_i32_0 = arith.constant 0 : i32
    return %arg0, %c0_i32 : i32, i32
  }
  func.func @transform_6(%arg0: i32) -> (i32, i32, i32) {
    %c0_i32 = arith.constant 0 : i32
    %c0_i32_0 = arith.constant 0 : i32
    %c0_i32_1 = arith.constant 0 : i32
    return %arg0, %c0_i32, %c0_i32_0 : i32, i32, i32
  }
}

</mosaic_0001>

<sc_bundles>
// kernel: kernel.5.cloned.1.call-start
scs
__scs_entry_jumppad:
0x0: {  	(pc) =	sbr.rel $0x88, $3  }
0x1: {  	(tag) =	ssettag $0x0;
	lr =	simm.s32 $0x1  }
0x2: {  	[smem:$0x3F9C] =	sst lr;
	_ =	strace $0xD0000000  }
0x3: {  	_ = 	snop  }
0x4: {  	_ = 	snop  }
0x5: {  	_ = 	snop  }
0x6: {  	_ = 	snop  }
0x7: {  	_ = 	snop  }
__scs_overlays_trampoline_lowered:
0x8: {  	[smem:$0x3FAB] =	sst s0  }
0x9: {  	[smem:$0x3FAC] =	sst s1  }
0xa: {  	[smem:$0x3FAD] =	sst s2  }
0xb: {  	[smem:$0x3FAE] =	sst s3  }
0xc: {  	[smem:$0x3FAF] =	sst s4  }
0xd: {  	[smem:$0x3FB0] =	sst s5  }
0xe: {  	[smem:$0x3FB1] =	sst s6  }
0xf: {  	[smem:$0x3FB2] =	sst s7  }
0x10: {  	[smem:$0x3FB3] =	sst s8  }
0x11: {  	[smem:$0x3FB4] =	sst s9;
	s0 =	simm.s32 @!p0 $0x0  }
0x12: {  	s1 =	sld [smem:$0x3F9A];
	s0 =	simm.s32 @p0 $0x1  }
0x13: {  	[smem:$0x3FB5] =	sst s0;
	s0 =	simm.s32 @!p1 $0x0  }
0x14: {  	s2 =	sld [smem:$0x3F99];
	s0 =	simm.s32 @p1 $0x1  }
0x15: {  	[smem:$0x3FB6] =	sst s0;
	s0 =	simm.s32 @!p2 $0x0  }
0x16: {  	s3 =	sld [smem:$0x3FDB];
	s0 =	simm.s32 @p2 $0x1  }
0x17: {  	s4 =	simm.s32 $0x1BF5;
	[smem:$0x3FB8] =	sst s0  }
0x18: {  	s0 =	sld [smem:$0x3F9B];
	_ =	swait.ge [sflag:s4], $0x0  }
0x19: {  	s7 =	sld [smem:$0x3F9C]  }
0x1a: {  	s8 =	sadd.s32 $0xFFFFE003, lr  }
0x1b: {  	s9 =	sadd.s32 $0xFFFFFEF7, lr;
	s5 =	simm.s32 $0xFFFFFFFF;
	p2 =	slt.u32 s8, $0xFFFFF086  }
0x1c: {  	p1 =	slt.u32 s9, $0xF7A;
	s5 =	simm.s32 @!p2 $0x0  }
0x1d: {  	s5 =	simm.s32 @p1 $0x1;
	p0 =	seq.s32 s7, s2  }
0x1e: {  	s7 =	smul.u32 @!p0 $0xF7A, s2;
	p2 =	seq.s32 @!p0 s5, $0x0  }
0x1f: {  	s9 =	smul.u32 $0xF7A, s1;
	s8 =	simm.s32 @!p0 $0x1BF5;
	p2 =	por !p2, p0  }
0x20: {  	[sflag:s8] =	ssyncset.s32 @!p0 $0xFFFFF086;
	s6 =	sadd.s32 @!p0 s3, s7;
	s7 =	simm.s32 @!p0 $0x108  }
0x21: {  	s3 =	sadd.s32 s3, s9;
	s6 =	sadd.s32 @!p0 $0x88, s6;
	s7 =	simm.s32 @p2 $0x1082  }
0x22: {  	[simem:s7], [sflag:s8] =	dma.local @!p0 [hbm:s6], $0xF7A  }
0x23: {  	s9 =	sor.u32 $0xD0000000, s2;
	s6 =	simm.s32 $0x108;
	_ =	swait.ge @!p0 [sflag:s8], $0x0  }
0x24: {  	s3 =	sadd.s32 $0x88, s3;
	s6 =	simm.s32 @!p1 $0x1082;
	[sflag:s4] =	ssyncset.s32 $0xFFFFF086  }
0x25: {  	[simem:s6], [sflag:s4] =	dma.local [hbm:s3], $0xF7A  }
0x26: {  	[smem:$0x3F9C] =	sst s1;
	(tag) =	ssettag s2;
	_ =	strace s9  }
0x27: {  	s1 =	sld [smem:$0x3FAC]  }
0x28: {  	s2 =	sld [smem:$0x3FAD]  }
0x29: {  	s4 =	sld [smem:$0x3FAF]  }
0x2a: {  	p0 =	seq.s32 s5, $0x0;
	s5 =	sld [smem:$0x3FB0]  }
0x2b: {  	s6 =	sld [smem:$0x3FB1]  }
0x2c: {  	s7 =	sld [smem:$0x3FB2]  }
0x2d: {  	s3 =	simm.s32 $0x108;
	s8 =	sld [smem:$0x3FB3]  }
0x2e: {  	s3 =	simm.s32 @!p0 $0x1082;
	s9 =	sld [smem:$0x3FB4]  }
0x2f: {  	lr =	sadd.s32 s0, s3;
	s0 =	sld [smem:$0x3FAB]  }
0x30: {  	s3 =	sld [smem:$0x3FAE]  }
0x31: {  	[smem:$0x3FB7] =	sst s10  }
0x32: {  	s10 =	sld [smem:$0x3FB5];
	_ =	sdelay $0x3  }
0x33: {  	p0 =	seq.s32 s10, $0x1;
	s10 =	sld [smem:$0x3FB7];
	_ =	sdelay $0x3  }
0x34: {  	[smem:$0x3FB7] =	sst s10  }
0x35: {  	s10 =	sld [smem:$0x3FB6];
	_ =	sdelay $0x3  }
0x36: {  	p1 =	seq.s32 s10, $0x1;
	s10 =	sld [smem:$0x3FB7];
	_ =	sdelay $0x3  }
0x37: {  	[smem:$0x3FB7] =	sst s10  }
0x38: {  	s10 =	sld [smem:$0x3FB8]  }
0x39: {  	_ = 	snop;
	(pc) =	sbr.ind lr, $3  }
0x3a: {  	_ = 	snop  }
0x3b: {  	_ = 	snop  }
0x3c: {  	p2 =	seq.s32 s10, $0x1;
	s10 =	sld [smem:$0x3FB7]  }
0x3d: {  	_ =	shalt  }
0x3e: {  	_ =	shalt  }
0x3f: {  	_ =	shalt  }
0x40: {  	_ =	shalt  }
0x41: {  	_ =	shalt  }
0x42: {  	_ =	shalt  }
0x43: {  	_ =	shalt  }
0x44: {  	_ =	shalt  }
0x45: {  	_ =	shalt  }
0x46: {  	_ =	shalt  }
0x47: {  	_ =	shalt  }
0x48: {  	_ =	shalt  }
0x49: {  	_ =	shalt  }
0x4a: {  	_ =	shalt  }
0x4b: {  	_ =	shalt  }
0x4c: {  	_ =	shalt  }
0x4d: {  	_ =	shalt  }
0x4e: {  	_ =	shalt  }
0x4f: {  	_ =	shalt  }
0x50: {  	_ =	shalt  }
0x51: {  	_ =	shalt  }
0x52: {  	_ =	shalt  }
0x53: {  	_ =	shalt  }
0x54: {  	_ =	shalt  }
0x55: {  	_ =	shalt  }
0x56: {  	_ =	shalt  }
0x57: {  	_ =	shalt  }
0x58: {  	_ =	shalt  }
0x59: {  	_ =	shalt  }
0x5a: {  	_ =	shalt  }
0x5b: {  	_ =	shalt  }
0x5c: {  	_ =	shalt  }
0x5d: {  	_ =	shalt  }
0x5e: {  	_ =	shalt  }
0x5f: {  	_ =	shalt  }
0x60: {  	_ =	shalt  }
0x61: {  	_ =	shalt  }
0x62: {  	_ =	shalt  }
0x63: {  	_ =	shalt  }
0x64: {  	_ =	shalt  }
0x65: {  	_ =	shalt  }
0x66: {  	_ =	shalt  }
0x67: {  	_ =	shalt  }
0x68: {  	_ =	shalt  }
0x69: {  	_ =	shalt  }
0x6a: {  	_ =	shalt  }
0x6b: {  	_ =	shalt  }
0x6c: {  	_ =	shalt  }
0x6d: {  	_ =	shalt  }
0x6e: {  	_ =	shalt  }
0x6f: {  	_ =	shalt  }
0x70: {  	_ =	shalt  }
0x71: {  	_ =	shalt  }
0x72: {  	_ =	shalt  }
0x73: {  	_ =	shalt  }
0x74: {  	_ =	shalt  }
0x75: {  	_ =	shalt  }
0x76: {  	_ =	shalt  }
0x77: {  	_ =	shalt  }
0x78: {  	_ =	shalt  }
0x79: {  	_ =	shalt  }
0x7a: {  	_ =	shalt  }
0x7b: {  	_ =	shalt  }
0x7c: {  	_ =	shalt  }
0x7d: {  	_ =	shalt  }
0x7e: {  	_ =	shalt  }
0x7f: {  	_ =	shalt  }
0x80: {  	_ =	shalt  }
0x81: {  	_ =	shalt  }
0x82: {  	_ =	shalt  }
0x83: {  	_ =	shalt  }
0x84: {  	_ =	shalt  }
0x85: {  	_ =	shalt  }
0x86: {  	_ =	shalt  }
0x87: {  	_ =	shalt  }
.Lfunc_end0:
.L_simem_size_0:
called_computation_lowered:
.L_overlay_start_0:
0x88: {  	s2 =	sld [smem:$0x3FD9]  }
0x89: {  	s3 =	sld [smem:$0x3FFE];
	_ =	sdelay $0x1  }
0x8a: {  	s1 =	srdreg.scid  }
0x8b: {  	s0 =	sand.u32 $0x1, s1  }
0x8c: {  	s14 =	sshll.u32 s0, $0xA;
	s2 =	sadd.s32 s3, s2  }
0x8d: {  	s2 =	sadd.s32 s2, s14  }
0x8e: {  	[smem:$0x3FC3] =	sst s2  }
0x8f: {  	_ = 	snop  }
0x90: {  	s2 =	sld [smem:$0x3FD0];
	_ =	sdelay $0x2  }
0x91: {  	s15 =	simm.s32 $0xB;
	s4 =	simm.s32 $0x10  }
0x92: {  	[smem:s4], [sflag:s15] =	dma.local [hbm:s2], $0x1  }
0x93: {  	_ =	swait.eq [sflag:s15], $0x1  }
0x94: {  	[sflag:s15] =	ssyncset.done $0x0  }
0x95: {  	s16 =	sld [smem:$0x10];
	[sflag:s15] =	ssyncadd.s32 $0xFFFFFFFF  }
0x96: {  	s17 =	sld [smem:$0x11];
	(tm) =	ssettm $0x1  }
0x97: {  	s18 =	sld [smem:$0x3FFB];
	_ =	sdelay $0x3  }
0x98: {  	_ =	strace s18  }
0x99: {  	s4 =	sld [smem:$0x3FFC];
	_ =	sdelay $0x3  }
0x9a: {  	_ =	strace s4  }
0x9b: {  	s4 =	sld [smem:$0x3FFD];
	_ =	sdelay $0x3  }
0x9c: {  	_ =	strace s4  }
0x9d: {  	_ =	strace $0x8FFFFFFF  }
0x9e: {  	s19 =	sld [smem:$0x3FDB];
	_ =	sdelay $0x1  }
0x9f: {  	s5 =	simm.s32 $_scs_section_size  }
0xa0: {  	s6 =	simm.s32 $_size__tile_overlayer_lowered;
	s7 =	simm.s32 $_tile_overlayer_lowered  }
0xa1: {  	s22 =	simm.s32 $0x1BFF;
	s21 =	sshll.u32 s7, $0x1;
	s4 =	sadd.s32 s5, s19  }
0xa2: {  	s8 =	simm.s32 $0x0;
	s20 =	sshll.u32 s6, $0x1;
	s6 =	sadd.s32 s21, s4  }
0xa3: {  	[timem:s8], [sflag:s22] =	dma.local [hbm:s6], s20  }
0xa4: {  	_ =	swait.ge [sflag:s22], s20  }
0xa5: {  	s5 =	ssub.s32 $0x0, s20;
	[sflag:s22] =	ssyncset.done $0x0  }
0xa6: {  	[sflag:s22] =	ssyncadd.s32 s5;
	_ =	sdelay $0x1  }
0xa7: {  	s23 =	simm.s32 $0x1B8B  }
0xa8: {  	_ =	swait.ge [sflag:s23], $0x1  }
0xa9: {  	[sflag:s23] =	ssyncset.done $0x0  }
0xaa: {  	s25 =	simm.s32 $0x1B8E;
	s24 =	sld [smem:$0x3FFE];
	[sflag:s23] =	ssyncadd.s32 $0xFFFFFFFF  }
0xab: {  	s26 =	simm.s32 $execute0_lowered;
	[smem:$0x3FD2] =	sst s25  }
0xac: {  	s6 =	sshll.u32 s26, $0x1;
	_ =	strace $0x80000046;
	[dreg:$0x1] =	wrdreg $0xFFFFFFFF  }
0xad: {  	s28 =	simm.s32 $_size_execute0_lowered;
	s4 =	sadd.s32 s4, s6;
	[dreg:$0x0] =	wrdreg $0x0  }
0xae: {  	s6 =	sshll.u32 s28, $0x1;
	[dreg:$0x2] =	wrdreg s4  }
0xaf: {  	[dreg:$0x3] =	wrdreg s6  }
0xb0: {  	[dreg:$0x4] =	wrdreg $0xC0  }
0xb1: {  	_ =	task [dreg:s8], $0x5FFFF  }
0xb2: {  	[dreg:$0x1] =	wrdreg $0xFFFFFFFF  }
0xb3: {  	[dreg:$0x0] =	wrdreg $0x60  }
0xb4: {  	[dreg:$0x2] =	wrdreg s16  }
0xb5: {  	[dreg:$0x3] =	wrdreg s24  }
0xb6: {  	[dreg:$0x4] =	wrdreg s17  }
0xb7: {  	[dreg:$0x5] =	wrdreg $0x9  }
0xb8: {  	_ =	task.clear_ibuf [dreg:s8], $0x6FFFF;
	_ =	strace $0x90000046  }
0xb9: {  	s29 =	simm.s32 $0x9;
	_ =	strace $0x80000048  }
0xba: {  	_ =	swait.ge [sflag:s29], $0x1  }
0xbb: {  	[sflag:s29] =	ssyncadd.s32 $0xFFFFFFFF  }
0xbc: {  	_ =	strace $0x90000048  }
0xbd: {  	_ =	sfence  }
0xbe: {  	s30 =	sld [smem:$0x0];
	_ =	sdelay $0x2  }
0xbf: {  	s31 =	sshll.u32 s1, $0xD;
	s1 =	sshrl.u32 s1, $0x2  }
0xc0: {  	s3 =	sand.u32 $0x4000, s31;
	s1 =	sadd.s32 s1, s30  }
0xc1: {  	s0 =	sor.u32 s3, s0;
	s1 =	sshll.u32 s1, $0x11  }
0xc2: {  	s0 =	sor.u32 s1, s0  }
0xc3: {  	s0 =	sadd.s32 $0x8F2B, s0  }
0xc4: {  	[sflag:s0] =	ssyncadd.remote.s32 $0x1  }
0xc5: {  	_ =	sfence.sel $0xFFFF  }
0xc6: {  	[dreg:$0x0] =	wrdreg $0xFFFFFFFF;
	(pc) =	sbr.abs _section_cstart, $3  }
0xc7: {  	[dreg:$0x1] =	wrdreg $0xFFFFFFFF  }
0xc8: {  	_ =	task.clear_ibuf [dreg:s8], $0x2FFFF;
	_ =	strace $0x9FFFFFFF  }
0xc9: {  	(tm) =	ssettm $0x7FFFFFFF  }
tec
execute0_lowered:
.L_overlay_start_1:
0x0: {  	(tag) =	ssettag $0x1  }
0x1: {  	s1 =	rddreg [dreg:$0x0]  }
0x2: {  	s0 =	rddreg [dreg:$0x1]  }
0x3: {  	s3 =	rddreg [dreg:$0x2];
	s2 =	srdreg.scid  }
0x4: {  	s4 =	simm.s32 $0x0;
	s5 =	stileid.u32;
	s9 =	simm.s32 $0x2  }
0x5: {  	s10 =	simm.s32 $0x80;
	s11 =	simm.s32 $0x400;
	s12 =	simm.s32 $0xC00  }
0x6: {  	s13 =	simm.s32 $0x100;
	s14 =	simm.s32 $0x1400;
	s15 =	simm.s32 $0x180  }
0x7: {  	s16 =	simm.s32 $0x1C00;
	s17 =	simm.s32 $0x200;
	s18 =	simm.s32 $0x2400  }
0x8: {  	s19 =	simm.s32 $0x280;
	s20 =	simm.s32 $0x2C00;
	s21 =	simm.s32 $0x300  }
0x9: {  	s22 =	simm.s32 $0x3400;
	s23 =	simm.s32 $0x380;
	s24 =	simm.s32 $0x3C00  }
0xa: {  	s25 =	simm.s32 $0x1;
	s26 =	simm.s32 $0x4400;
	s2 =	sand.u32 $0x1, s2  }
0xb: {  	s28 =	simm.s32 $0x0;
	s5 =	sshll.u32 s5, $0x1;
	s6 =	ssub.s32 $0x2, s2  }
0xc: {  	[smem:$0x7FF] =	sst s4;
	s2 =	sor.u32 s2, s5;
	s7 =	sshrl.u32 s6, $0x1  }
0xd: {  	v0 =	vlaneseq.u32;
	_ =	strace $0x80000047;
	s31 =	ssub.s32 s6, s7;
	s6 =	smul.u32 $0x6400, s2  }
0xe: {  	v0 =	vmul.u32 $0x10, v0;
	s5 =	sadd.s32 $0xF43000, s0;
	s7 =	smul.u32 $0x64000, s2;
	s8 =	smax.u32 s31, $0x1  }
.LBB2_1:
0xf: {  	s29 =	simm.s32 $0x0  }
.LBB2_2:
0x10: {  	s0 =	sshll.u32 s29, $0xA  }
0x11: {  	s0 =	sadd.s32 s6, s0  }
0x12: {  	s0 =	sshrl.u32 s0, $0x3  }
0x13: {  	s0 =	sadd.s32 s1, s0  }
0x14: {  	[tilespmem:s4], [sflag:$0x2] =	stream.linear.gather [hbm4b:s0+s4], $0x400, $0x38;
	[tilespmem:$0x8400] =	vst v63  }
0x15: {  	_ =	swait.ge [sflag:s9], $0x400  }
0x16: {  	[sflag:s9] =	ssyncset.done $0x0  }
0x17: {  	[sflag:s9] =	ssyncadd.s32 $0xFFFFFC00  }
0x18: {  	[tilespmem:s11], [sflag:$0x1] =	stream.indirect.gather [hbm4b:s5+s10], $0x10, s4, s10, $0xb8;
	[tilespmem:$0x8400] =	vst v63  }
0x19: {  	_ = 	snop  }
0x1a: {  	[tilespmem:s12], [sflag:$0x1] =	stream.indirect.gather [hbm4b:s5+s10], $0x10, s10, s10, $0xb8;
	[tilespmem:$0x8400] =	vst v63  }
0x1b: {  	_ = 	snop  }
0x1c: {  	[tilespmem:s14], [sflag:$0x1] =	stream.indirect.gather [hbm4b:s5+s10], $0x10, s13, s10, $0xb8;
	[tilespmem:$0x8400] =	vst v63  }
0x1d: {  	_ = 	snop  }
0x1e: {  	[tilespmem:s16], [sflag:$0x1] =	stream.indirect.gather [hbm4b:s5+s10], $0x10, s15, s10, $0xb8;
	[tilespmem:$0x8400] =	vst v63  }
0x1f: {  	_ = 	snop  }
0x20: {  	[tilespmem:s18], [sflag:$0x1] =	stream.indirect.gather [hbm4b:s5+s10], $0x10, s17, s10, $0xb8;
	[tilespmem:$0x8400] =	vst v63  }
0x21: {  	_ = 	snop  }
0x22: {  	[tilespmem:s20], [sflag:$0x1] =	stream.indirect.gather [hbm4b:s5+s10], $0x10, s19, s10, $0xb8;
	[tilespmem:$0x8400] =	vst v63  }
0x23: {  	_ = 	snop  }
0x24: {  	[tilespmem:s22], [sflag:$0x1] =	stream.indirect.gather [hbm4b:s5+s10], $0x10, s21, s10, $0xb8;
	[tilespmem:$0x8400] =	vst v63  }
0x25: {  	_ = 	snop  }
0x26: {  	[tilespmem:s24], [sflag:$0x1] =	stream.indirect.gather [hbm4b:s5+s10], $0x10, s23, s10, $0xb8;
	[tilespmem:$0x8400] =	vst v63  }
0x27: {  	_ =	swait.ge [sflag:s25], $0x800  }
0x28: {  	[sflag:s25] =	ssyncset.done $0x0  }
0x29: {  	[sflag:s25] =	ssyncadd.s32 $0xFFFFF800  }
0x2a: {  	_ =	swait.ge [sflag:s25], $0x800  }
0x2b: {  	[sflag:s25] =	ssyncset.done $0x0  }
0x2c: {  	[sflag:s25] =	ssyncadd.s32 $0xFFFFF800  }
0x2d: {  	_ =	swait.ge [sflag:s25], $0x800  }
0x2e: {  	[sflag:s25] =	ssyncset.done $0x0  }
0x2f: {  	[sflag:s25] =	ssyncadd.s32 $0xFFFFF800  }
0x30: {  	_ =	swait.ge [sflag:s25], $0x800  }
0x31: {  	[sflag:s25] =	ssyncset.done $0x0  }
0x32: {  	[sflag:s25] =	ssyncadd.s32 $0xFFFFF800  }
0x33: {  	_ =	swait.ge [sflag:s25], $0x800  }
0x34: {  	[sflag:s25] =	ssyncset.done $0x0  }
0x35: {  	[sflag:s25] =	ssyncadd.s32 $0xFFFFF800  }
0x36: {  	_ =	swait.ge [sflag:s25], $0x800  }
0x37: {  	s2 =	simm.s32 $0x0;
	[sflag:s25] =	ssyncset.done $0x0  }
0x38: {  	v1 =	vmov s2;
	[sflag:s25] =	ssyncadd.s32 $0xFFFFF800  }
0x39: {  	v1 =	vshll.u32 v1, $0x4;
	_ =	swait.ge [sflag:s25], $0x800  }
0x3a: {  	v1 =	vor.u32 v0, v1;
	[sflag:s25] =	ssyncset.done $0x0  }
0x3b: {  	[sflag:s25] =	ssyncadd.s32 $0xFFFFF800  }
0x3c: {  	_ =	swait.ge [sflag:s25], $0x800  }
0x3d: {  	s2 =	simm.s32 $0x10;
	[sflag:s25] =	ssyncset.done $0x0  }
0x3e: {  	v2 =	vmov s2;
	[sflag:s25] =	ssyncadd.s32 $0xFFFFF800  }
0x3f: {  	v2 =	vshll.u32 v2, $0x4;
	v3 =	vld.idx.msk [tilespmem:v1+s11+$0x0], $0xffff  }
0x40: {  	v2 =	vor.u32 v0, v2;
	_ =	sdelay $0x2  }
0x41: {  	s30 =	simm.s32 $0x4800;
	s2 =	simm.s32 $0x20  }
0x42: {  	[tilespmem:s30+$0xFFFFFC00] =	vst v3;
	v3 =	vmov s2  }
0x43: {  	v4 =	vld.idx.msk [tilespmem:v2+s11+$0x0], $0xffff;
	v3 =	vshll.u32 v3, $0x4  }
0x44: {  	v3 =	vor.u32 v0, v3;
	_ =	sdelay $0x2  }
0x45: {  	s2 =	simm.s32 $0x30  }
0x46: {  	v52 =	vmov s2;
	[tilespmem:s30+$0xFFFFFC10] =	vst v4  }
0x47: {  	v4 =	vshll.u32 v52, $0x4;
	v5 =	vld.idx.msk [tilespmem:v3+s11+$0x0], $0xffff  }
0x48: {  	v4 =	vor.u32 v0, v4;
	_ =	sdelay $0x2  }
0x49: {  	s2 =	simm.s32 $0x40  }
0x4a: {  	v53 =	vmov s2;
	[tilespmem:s30+$0xFFFFFC20] =	vst v5  }
0x4b: {  	v5 =	vshll.u32 v53, $0x4;
	v6 =	vld.idx.msk [tilespmem:v4+s11+$0x0], $0xffff  }
0x4c: {  	v5 =	vor.u32 v0, v5;
	_ =	sdelay $0x2  }
0x4d: {  	s2 =	simm.s32 $0x50  }
0x4e: {  	v54 =	vmov s2;
	[tilespmem:s30+$0xFFFFFC30] =	vst v6  }
0x4f: {  	v6 =	vshll.u32 v54, $0x4;
	v7 =	vld.idx.msk [tilespmem:v5+s11+$0x0], $0xffff  }
0x50: {  	v6 =	vor.u32 v0, v6;
	_ =	sdelay $0x2  }
0x51: {  	s2 =	simm.s32 $0x60  }
0x52: {  	v55 =	vmov s2;
	[tilespmem:s30+$0xFFFFFC40] =	vst v7  }
0x53: {  	v7 =	vshll.u32 v55, $0x4;
	v8 =	vld.idx.msk [tilespmem:v6+s11+$0x0], $0xffff  }
0x54: {  	v7 =	vor.u32 v0, v7;
	_ =	sdelay $0x2  }
0x55: {  	s2 =	simm.s32 $0x70  }
0x56: {  	v56 =	vmov s2;
	[tilespmem:s30+$0xFFFFFC50] =	vst v8  }
0x57: {  	v8 =	vshll.u32 v56, $0x4;
	v9 =	vld.idx.msk [tilespmem:v7+s11+$0x0], $0xffff  }
0x58: {  	v8 =	vor.u32 v0, v8;
	_ =	sdelay $0x3  }
0x59: {  	[tilespmem:s30+$0xFFFFFC60] =	vst v9  }
0x5a: {  	v9 =	vld.idx.msk [tilespmem:v8+s11+$0x0], $0xffff  }
0x5b: {  	v10 =	vor.u32 $0x1, v1;
	_ =	sdelay $0x3  }
0x5c: {  	[tilespmem:s30+$0xFFFFFC70] =	vst v9  }
0x5d: {  	v9 =	vld.idx.msk [tilespmem:v10+s11+$0x0], $0xffff  }
0x5e: {  	v57 =	vor.u32 $0x1, v2;
	_ =	sdelay $0x3  }
0x5f: {  	[tilespmem:s30+$0xFFFFFC80] =	vst v9  }
0x60: {  	v9 =	vld.idx.msk [tilespmem:v57+s11+$0x0], $0xffff  }
0x61: {  	v58 =	vor.u32 $0x1, v3;
	_ =	sdelay $0x3  }
0x62: {  	[tilespmem:s30+$0xFFFFFC90] =	vst v9  }
0x63: {  	v9 =	vld.idx.msk [tilespmem:v58+s11+$0x0], $0xffff  }
0x64: {  	v59 =	vor.u32 $0x1, v4;
	_ =	sdelay $0x3  }
0x65: {  	[tilespmem:s30+$0xFFFFFCA0] =	vst v9  }
0x66: {  	v9 =	vld.idx.msk [tilespmem:v59+s11+$0x0], $0xffff  }
0x67: {  	v60 =	vor.u32 $0x1, v5;
	_ =	sdelay $0x3  }
0x68: {  	[tilespmem:s30+$0xFFFFFCB0] =	vst v9  }
0x69: {  	v9 =	vld.idx.msk [tilespmem:v60+s11+$0x0], $0xffff  }
0x6a: {  	v61 =	vor.u32 $0x1, v6;
	_ =	sdelay $0x3  }
0x6b: {  	[tilespmem:s30+$0xFFFFFCC0] =	vst v9  }
0x6c: {  	v9 =	vld.idx.msk [tilespmem:v61+s11+$0x0], $0xffff  }
0x6d: {  	v62 =	vor.u32 $0x1, v7;
	_ =	sdelay $0x3  }
0x6e: {  	[tilespmem:s30+$0xFFFFFCD0] =	vst v9  }
0x6f: {  	v9 =	vld.idx.msk [tilespmem:v62+s11+$0x0], $0xffff  }
0x70: {  	v63 =	vor.u32 $0x1, v8;
	_ =	sdelay $0x3  }
0x71: {  	[tilespmem:s30+$0xFFFFFCE0] =	vst v9  }
0x72: {  	v9 =	vld.idx.msk [tilespmem:v63+s11+$0x0], $0xffff  }
0x73: {  	v12 =	vor.u32 $0x2, v1;
	_ =	sdelay $0x3  }
0x74: {  	[tilespmem:s30+$0xFFFFFCF0] =	vst v9  }
0x75: {  	v9 =	vld.idx.msk [tilespmem:v12+s11+$0x0], $0xffff  }
0x76: {  	v13 =	vor.u32 $0x2, v2;
	_ =	sdelay $0x3  }
0x77: {  	[tilespmem:s30+$0xFFFFFD00] =	vst v9  }
0x78: {  	v9 =	vld.idx.msk [tilespmem:v13+s11+$0x0], $0xffff  }
0x79: {  	v14 =	vor.u32 $0x2, v3;
	_ =	sdelay $0x3  }
0x7a: {  	[tilespmem:s30+$0xFFFFFD10] =	vst v9  }
0x7b: {  	v9 =	vld.idx.msk [tilespmem:v14+s11+$0x0], $0xffff  }
0x7c: {  	v15 =	vor.u32 $0x2, v4;
	_ =	sdelay $0x3  }
0x7d: {  	[tilespmem:s30+$0xFFFFFD20] =	vst v9  }
0x7e: {  	v9 =	vld.idx.msk [tilespmem:v15+s11+$0x0], $0xffff  }
0x7f: {  	v16 =	vor.u32 $0x2, v5;
	_ =	sdelay $0x3  }
0x80: {  	[tilespmem:s30+$0xFFFFFD30] =	vst v9  }
0x81: {  	v9 =	vld.idx.msk [tilespmem:v16+s11+$0x0], $0xffff  }
0x82: {  	v17 =	vor.u32 $0x2, v6;
	_ =	sdelay $0x3  }
0x83: {  	[tilespmem:s30+$0xFFFFFD40] =	vst v9  }
0x84: {  	v9 =	vld.idx.msk [tilespmem:v17+s11+$0x0], $0xffff  }
0x85: {  	v18 =	vor.u32 $0x2, v7;
	_ =	sdelay $0x3  }
0x86: {  	[tilespmem:s30+$0xFFFFFD50] =	vst v9  }
0x87: {  	v9 =	vld.idx.msk [tilespmem:v18+s11+$0x0], $0xffff  }
0x88: {  	v19 =	vor.u32 $0x2, v8;
	_ =	sdelay $0x3  }
0x89: {  	[tilespmem:s30+$0xFFFFFD60] =	vst v9  }
0x8a: {  	v9 =	vld.idx.msk [tilespmem:v19+s11+$0x0], $0xffff  }
0x8b: {  	v20 =	vor.u32 $0x3, v1;
	_ =	sdelay $0x3  }
0x8c: {  	[tilespmem:s30+$0xFFFFFD70] =	vst v9  }
0x8d: {  	v9 =	vld.idx.msk [tilespmem:v20+s11+$0x0], $0xffff  }
0x8e: {  	v21 =	vor.u32 $0x3, v2;
	_ =	sdelay $0x3  }
0x8f: {  	[tilespmem:s30+$0xFFFFFD80] =	vst v9  }
0x90: {  	v9 =	vld.idx.msk [tilespmem:v21+s11+$0x0], $0xffff  }
0x91: {  	v22 =	vor.u32 $0x3, v3;
	_ =	sdelay $0x3  }
0x92: {  	[tilespmem:s30+$0xFFFFFD90] =	vst v9  }
0x93: {  	v9 =	vld.idx.msk [tilespmem:v22+s11+$0x0], $0xffff  }
0x94: {  	v23 =	vor.u32 $0x3, v4;
	_ =	sdelay $0x3  }
0x95: {  	[tilespmem:s30+$0xFFFFFDA0] =	vst v9  }
0x96: {  	v9 =	vld.idx.msk [tilespmem:v23+s11+$0x0], $0xffff  }
0x97: {  	v24 =	vor.u32 $0x3, v5;
	_ =	sdelay $0x3  }
0x98: {  	[tilespmem:s30+$0xFFFFFDB0] =	vst v9  }
0x99: {  	v9 =	vld.idx.msk [tilespmem:v24+s11+$0x0], $0xffff  }
0x9a: {  	v25 =	vor.u32 $0x3, v6;
	_ =	sdelay $0x3  }
0x9b: {  	[tilespmem:s30+$0xFFFFFDC0] =	vst v9  }
0x9c: {  	v9 =	vld.idx.msk [tilespmem:v25+s11+$0x0], $0xffff  }
0x9d: {  	v26 =	vor.u32 $0x3, v7;
	_ =	sdelay $0x3  }
0x9e: {  	[tilespmem:s30+$0xFFFFFDD0] =	vst v9  }
0x9f: {  	v9 =	vld.idx.msk [tilespmem:v26+s11+$0x0], $0xffff  }
0xa0: {  	v27 =	vor.u32 $0x3, v8;
	_ =	sdelay $0x3  }
0xa1: {  	[tilespmem:s30+$0xFFFFFDE0] =	vst v9  }
0xa2: {  	v9 =	vld.idx.msk [tilespmem:v27+s11+$0x0], $0xffff  }
0xa3: {  	v28 =	vor.u32 $0x4, v1;
	_ =	sdelay $0x3  }
0xa4: {  	[tilespmem:s30+$0xFFFFFDF0] =	vst v9  }
0xa5: {  	v9 =	vld.idx.msk [tilespmem:v28+s11+$0x0], $0xffff  }
0xa6: {  	v29 =	vor.u32 $0x4, v2;
	_ =	sdelay $0x3  }
0xa7: {  	[tilespmem:s30+$0xFFFFFE00] =	vst v9  }
0xa8: {  	v9 =	vld.idx.msk [tilespmem:v29+s11+$0x0], $0xffff  }
0xa9: {  	v30 =	vor.u32 $0x4, v3;
	_ =	sdelay $0x3  }
0xaa: {  	[tilespmem:s30+$0xFFFFFE10] =	vst v9  }
0xab: {  	v9 =	vld.idx.msk [tilespmem:v30+s11+$0x0], $0xffff  }
0xac: {  	v31 =	vor.u32 $0x4, v4;
	_ =	sdelay $0x3  }
0xad: {  	[tilespmem:s30+$0xFFFFFE20] =	vst v9  }
0xae: {  	v9 =	vld.idx.msk [tilespmem:v31+s11+$0x0], $0xffff  }
0xaf: {  	v32 =	vor.u32 $0x4, v5;
	_ =	sdelay $0x3  }
0xb0: {  	[tilespmem:s30+$0xFFFFFE30] =	vst v9  }
0xb1: {  	v9 =	vld.idx.msk [tilespmem:v32+s11+$0x0], $0xffff  }
0xb2: {  	v33 =	vor.u32 $0x4, v6;
	_ =	sdelay $0x3  }
0xb3: {  	[tilespmem:s30+$0xFFFFFE40] =	vst v9  }
0xb4: {  	v9 =	vld.idx.msk [tilespmem:v33+s11+$0x0], $0xffff  }
0xb5: {  	v34 =	vor.u32 $0x4, v7;
	_ =	sdelay $0x3  }
0xb6: {  	[tilespmem:s30+$0xFFFFFE50] =	vst v9  }
0xb7: {  	v9 =	vld.idx.msk [tilespmem:v34+s11+$0x0], $0xffff  }
0xb8: {  	v35 =	vor.u32 $0x4, v8;
	_ =	sdelay $0x3  }
0xb9: {  	[tilespmem:s30+$0xFFFFFE60] =	vst v9  }
0xba: {  	v9 =	vld.idx.msk [tilespmem:v35+s11+$0x0], $0xffff  }
0xbb: {  	v36 =	vor.u32 $0x5, v1;
	_ =	sdelay $0x3  }
0xbc: {  	[tilespmem:s30+$0xFFFFFE70] =	vst v9  }
0xbd: {  	v9 =	vld.idx.msk [tilespmem:v36+s11+$0x0], $0xffff  }
0xbe: {  	v37 =	vor.u32 $0x5, v2;
	_ =	sdelay $0x3  }
0xbf: {  	[tilespmem:s30+$0xFFFFFE80] =	vst v9  }
0xc0: {  	v9 =	vld.idx.msk [tilespmem:v37+s11+$0x0], $0xffff  }
0xc1: {  	v38 =	vor.u32 $0x5, v3;
	_ =	sdelay $0x3  }
0xc2: {  	[tilespmem:s30+$0xFFFFFE90] =	vst v9  }
0xc3: {  	v9 =	vld.idx.msk [tilespmem:v38+s11+$0x0], $0xffff  }
0xc4: {  	v39 =	vor.u32 $0x5, v4;
	_ =	sdelay $0x3  }
0xc5: {  	[tilespmem:s30+$0xFFFFFEA0] =	vst v9  }
0xc6: {  	v9 =	vld.idx.msk [tilespmem:v39+s11+$0x0], $0xffff  }
0xc7: {  	v40 =	vor.u32 $0x5, v5;
	_ =	sdelay $0x3  }
0xc8: {  	[tilespmem:s30+$0xFFFFFEB0] =	vst v9  }
0xc9: {  	v9 =	vld.idx.msk [tilespmem:v40+s11+$0x0], $0xffff  }
0xca: {  	v41 =	vor.u32 $0x5, v6;
	_ =	sdelay $0x3  }
0xcb: {  	[tilespmem:s30+$0xFFFFFEC0] =	vst v9  }
0xcc: {  	v9 =	vld.idx.msk [tilespmem:v41+s11+$0x0], $0xffff  }
0xcd: {  	v42 =	vor.u32 $0x5, v7;
	_ =	sdelay $0x3  }
0xce: {  	[tilespmem:s30+$0xFFFFFED0] =	vst v9  }
0xcf: {  	v9 =	vld.idx.msk [tilespmem:v42+s11+$0x0], $0xffff  }
0xd0: {  	v43 =	vor.u32 $0x5, v8;
	_ =	sdelay $0x3  }
0xd1: {  	[tilespmem:s30+$0xFFFFFEE0] =	vst v9  }
0xd2: {  	v9 =	vld.idx.msk [tilespmem:v43+s11+$0x0], $0xffff  }
0xd3: {  	v44 =	vor.u32 $0x6, v1;
	_ =	sdelay $0x3  }
0xd4: {  	[tilespmem:s30+$0xFFFFFEF0] =	vst v9  }
0xd5: {  	v9 =	vld.idx.msk [tilespmem:v44+s11+$0x0], $0xffff  }
0xd6: {  	v45 =	vor.u32 $0x6, v2;
	_ =	sdelay $0x3  }
0xd7: {  	[tilespmem:s30+$0xFFFFFF00] =	vst v9  }
0xd8: {  	v9 =	vld.idx.msk [tilespmem:v45+s11+$0x0], $0xffff  }
0xd9: {  	v46 =	vor.u32 $0x6, v3;
	_ =	sdelay $0x3  }
0xda: {  	[tilespmem:s30+$0xFFFFFF10] =	vst v9  }
0xdb: {  	v9 =	vld.idx.msk [tilespmem:v46+s11+$0x0], $0xffff  }
0xdc: {  	v47 =	vor.u32 $0x6, v4;
	_ =	sdelay $0x3  }
0xdd: {  	[tilespmem:s30+$0xFFFFFF20] =	vst v9  }
0xde: {  	v9 =	vld.idx.msk [tilespmem:v47+s11+$0x0], $0xffff  }
0xdf: {  	v48 =	vor.u32 $0x6, v5;
	_ =	sdelay $0x3  }
0xe0: {  	[tilespmem:s30+$0xFFFFFF30] =	vst v9  }
0xe1: {  	v9 =	vld.idx.msk [tilespmem:v48+s11+$0x0], $0xffff  }
0xe2: {  	v49 =	vor.u32 $0x6, v6;
	_ =	sdelay $0x3  }
0xe3: {  	[tilespmem:s30+$0xFFFFFF40] =	vst v9  }
0xe4: {  	v9 =	vld.idx.msk [tilespmem:v49+s11+$0x0], $0xffff  }
0xe5: {  	v50 =	vor.u32 $0x6, v7;
	_ =	sdelay $0x3  }
0xe6: {  	[tilespmem:s30+$0xFFFFFF50] =	vst v9  }
0xe7: {  	v9 =	vld.idx.msk [tilespmem:v50+s11+$0x0], $0xffff  }
0xe8: {  	v51 =	vor.u32 $0x6, v8;
	_ =	sdelay $0x3  }
0xe9: {  	[tilespmem:s30+$0xFFFFFF60] =	vst v9  }
0xea: {  	v9 =	vld.idx.msk [tilespmem:v51+s11+$0x0], $0xffff  }
0xeb: {  	v52 =	vor.u32 $0x7, v1;
	_ =	sdelay $0x3  }
0xec: {  	[tilespmem:s30+$0xFFFFFF70] =	vst v9  }
0xed: {  	v9 =	vld.idx.msk [tilespmem:v52+s11+$0x0], $0xffff  }
0xee: {  	v53 =	vor.u32 $0x7, v2;
	_ =	sdelay $0x3  }
0xef: {  	[tilespmem:s30+$0xFFFFFF80] =	vst v9  }
0xf0: {  	v9 =	vld.idx.msk [tilespmem:v53+s11+$0x0], $0xffff  }
0xf1: {  	v54 =	vor.u32 $0x7, v3;
	_ =	sdelay $0x3  }
0xf2: {  	[tilespmem:s30+$0xFFFFFF90] =	vst v9  }
0xf3: {  	v9 =	vld.idx.msk [tilespmem:v54+s11+$0x0], $0xffff  }
0xf4: {  	v55 =	vor.u32 $0x7, v4;
	_ =	sdelay $0x3  }
0xf5: {  	[tilespmem:s30+$0xFFFFFFA0] =	vst v9  }
0xf6: {  	v9 =	vld.idx.msk [tilespmem:v55+s11+$0x0], $0xffff  }
0xf7: {  	v56 =	vor.u32 $0x7, v5;
	_ =	sdelay $0x3  }
0xf8: {  	[tilespmem:s30+$0xFFFFFFB0] =	vst v9  }
0xf9: {  	v9 =	vld.idx.msk [tilespmem:v56+s11+$0x0], $0xffff  }
0xfa: {  	v57 =	vor.u32 $0x7, v6;
	_ =	sdelay $0x3  }
0xfb: {  	[tilespmem:s30+$0xFFFFFFC0] =	vst v9  }
0xfc: {  	v9 =	vld.idx.msk [tilespmem:v57+s11+$0x0], $0xffff  }
0xfd: {  	v58 =	vor.u32 $0x7, v7;
	_ =	sdelay $0x3  }
0xfe: {  	[tilespmem:s30+$0xFFFFFFD0] =	vst v9  }
0xff: {  	v9 =	vld.idx.msk [tilespmem:v58+s11+$0x0], $0xffff  }
0x100: {  	v59 =	vor.u32 $0x7, v8;
	_ =	sdelay $0x3  }
0x101: {  	[tilespmem:s30+$0xFFFFFFE0] =	vst v9  }
0x102: {  	v9 =	vld.idx.msk [tilespmem:v59+s11+$0x0], $0xffff  }
0x103: {  	v60 =	vor.u32 $0x8, v1;
	_ =	sdelay $0x3  }
0x104: {  	[tilespmem:s30+$0xFFFFFFF0] =	vst v9  }
0x105: {  	v9 =	vld.idx.msk [tilespmem:v60+s11+$0x0], $0xffff  }
0x106: {  	v61 =	vor.u32 $0x8, v2;
	_ =	sdelay $0x3  }
0x107: {  	[tilespmem:s30+$0x0] =	vst v9  }
0x108: {  	v9 =	vld.idx.msk [tilespmem:v61+s11+$0x0], $0xffff  }
0x109: {  	v62 =	vor.u32 $0x8, v3;
	_ =	sdelay $0x3  }
0x10a: {  	[tilespmem:s30+$0x10] =	vst v9  }
0x10b: {  	v9 =	vld.idx.msk [tilespmem:v62+s11+$0x0], $0xffff  }
0x10c: {  	v63 =	vor.u32 $0x8, v4;
	_ =	sdelay $0x3  }
0x10d: {  	[tilespmem:s30+$0x20] =	vst v9  }
0x10e: {  	v9 =	vld.idx.msk [tilespmem:v63+s11+$0x0], $0xffff  }
0x10f: {  	v12 =	vor.u32 $0x8, v5;
	_ =	sdelay $0x3  }
0x110: {  	[tilespmem:s30+$0x30] =	vst v9  }
0x111: {  	v9 =	vld.idx.msk [tilespmem:v12+s11+$0x0], $0xffff  }
0x112: {  	v13 =	vor.u32 $0x8, v6;
	_ =	sdelay $0x3  }
0x113: {  	[tilespmem:s30+$0x40] =	vst v9  }
0x114: {  	v9 =	vld.idx.msk [tilespmem:v13+s11+$0x0], $0xffff  }
0x115: {  	v14 =	vor.u32 $0x8, v7;
	_ =	sdelay $0x3  }
0x116: {  	[tilespmem:s30+$0x50] =	vst v9  }
0x117: {  	v9 =	vld.idx.msk [tilespmem:v14+s11+$0x0], $0xffff  }
0x118: {  	v15 =	vor.u32 $0x8, v8;
	_ =	sdelay $0x3  }
0x119: {  	[tilespmem:s30+$0x60] =	vst v9  }
0x11a: {  	v9 =	vld.idx.msk [tilespmem:v15+s11+$0x0], $0xffff  }
0x11b: {  	v16 =	vor.u32 $0x9, v1;
	_ =	sdelay $0x3  }
0x11c: {  	[tilespmem:s30+$0x70] =	vst v9  }
0x11d: {  	v9 =	vld.idx.msk [tilespmem:v16+s11+$0x0], $0xffff  }
0x11e: {  	v17 =	vor.u32 $0x9, v2;
	_ =	sdelay $0x3  }
0x11f: {  	[tilespmem:s30+$0x80] =	vst v9  }
0x120: {  	v9 =	vld.idx.msk [tilespmem:v17+s11+$0x0], $0xffff  }
0x121: {  	v18 =	vor.u32 $0x9, v3;
	_ =	sdelay $0x3  }
0x122: {  	[tilespmem:s30+$0x90] =	vst v9  }
0x123: {  	v9 =	vld.idx.msk [tilespmem:v18+s11+$0x0], $0xffff  }
0x124: {  	v19 =	vor.u32 $0x9, v4;
	_ =	sdelay $0x3  }
0x125: {  	[tilespmem:s30+$0xA0] =	vst v9  }
0x126: {  	v9 =	vld.idx.msk [tilespmem:v19+s11+$0x0], $0xffff  }
0x127: {  	v20 =	vor.u32 $0x9, v5;
	_ =	sdelay $0x3  }
0x128: {  	[tilespmem:s30+$0xB0] =	vst v9  }
0x129: {  	v9 =	vld.idx.msk [tilespmem:v20+s11+$0x0], $0xffff  }
0x12a: {  	v21 =	vor.u32 $0x9, v6;
	_ =	sdelay $0x3  }
0x12b: {  	[tilespmem:s30+$0xC0] =	vst v9  }
0x12c: {  	v9 =	vld.idx.msk [tilespmem:v21+s11+$0x0], $0xffff  }
0x12d: {  	v22 =	vor.u32 $0x9, v7;
	_ =	sdelay $0x3  }
0x12e: {  	[tilespmem:s30+$0xD0] =	vst v9  }
0x12f: {  	v9 =	vld.idx.msk [tilespmem:v22+s11+$0x0], $0xffff  }
0x130: {  	v23 =	vor.u32 $0x9, v8;
	_ =	sdelay $0x3  }
0x131: {  	[tilespmem:s30+$0xE0] =	vst v9  }
0x132: {  	v9 =	vld.idx.msk [tilespmem:v23+s11+$0x0], $0xffff  }
0x133: {  	v24 =	vor.u32 $0xA, v1;
	_ =	sdelay $0x3  }
0x134: {  	[tilespmem:s30+$0xF0] =	vst v9  }
0x135: {  	v9 =	vld.idx.msk [tilespmem:v24+s11+$0x0], $0xffff  }
0x136: {  	v25 =	vor.u32 $0xA, v2;
	_ =	sdelay $0x3  }
0x137: {  	[tilespmem:s30+$0x100] =	vst v9  }
0x138: {  	v9 =	vld.idx.msk [tilespmem:v25+s11+$0x0], $0xffff  }
0x139: {  	v26 =	vor.u32 $0xA, v3;
	_ =	sdelay $0x3  }
0x13a: {  	[tilespmem:s30+$0x110] =	vst v9  }
0x13b: {  	v9 =	vld.idx.msk [tilespmem:v26+s11+$0x0], $0xffff  }
0x13c: {  	v27 =	vor.u32 $0xA, v4;
	_ =	sdelay $0x3  }
0x13d: {  	[tilespmem:s30+$0x120] =	vst v9  }
0x13e: {  	v9 =	vld.idx.msk [tilespmem:v27+s11+$0x0], $0xffff  }
0x13f: {  	v28 =	vor.u32 $0xA, v5;
	_ =	sdelay $0x3  }
0x140: {  	[tilespmem:s30+$0x130] =	vst v9  }
0x141: {  	v9 =	vld.idx.msk [tilespmem:v28+s11+$0x0], $0xffff  }
0x142: {  	v29 =	vor.u32 $0xA, v6;
	_ =	sdelay $0x3  }
0x143: {  	[tilespmem:s30+$0x140] =	vst v9  }
0x144: {  	v9 =	vld.idx.msk [tilespmem:v29+s11+$0x0], $0xffff  }
0x145: {  	v30 =	vor.u32 $0xA, v7;
	_ =	sdelay $0x3  }
0x146: {  	[tilespmem:s30+$0x150] =	vst v9  }
0x147: {  	v9 =	vld.idx.msk [tilespmem:v30+s11+$0x0], $0xffff  }
0x148: {  	v31 =	vor.u32 $0xA, v8;
	_ =	sdelay $0x3  }
0x149: {  	[tilespmem:s30+$0x160] =	vst v9  }
0x14a: {  	v9 =	vld.idx.msk [tilespmem:v31+s11+$0x0], $0xffff  }
0x14b: {  	v32 =	vor.u32 $0xB, v1;
	_ =	sdelay $0x3  }
0x14c: {  	[tilespmem:s30+$0x170] =	vst v9  }
0x14d: {  	v9 =	vld.idx.msk [tilespmem:v32+s11+$0x0], $0xffff  }
0x14e: {  	v33 =	vor.u32 $0xB, v2;
	_ =	sdelay $0x3  }
0x14f: {  	[tilespmem:s30+$0x180] =	vst v9  }
0x150: {  	v9 =	vld.idx.msk [tilespmem:v33+s11+$0x0], $0xffff  }
0x151: {  	v34 =	vor.u32 $0xB, v3;
	_ =	sdelay $0x3  }
0x152: {  	[tilespmem:s30+$0x190] =	vst v9  }
0x153: {  	v9 =	vld.idx.msk [tilespmem:v34+s11+$0x0], $0xffff  }
0x154: {  	v35 =	vor.u32 $0xB, v4;
	_ =	sdelay $0x3  }
0x155: {  	[tilespmem:s30+$0x1A0] =	vst v9  }
0x156: {  	v9 =	vld.idx.msk [tilespmem:v35+s11+$0x0], $0xffff  }
0x157: {  	v36 =	vor.u32 $0xB, v5;
	_ =	sdelay $0x3  }
0x158: {  	[tilespmem:s30+$0x1B0] =	vst v9  }
0x159: {  	v9 =	vld.idx.msk [tilespmem:v36+s11+$0x0], $0xffff  }
0x15a: {  	v37 =	vor.u32 $0xB, v6;
	_ =	sdelay $0x3  }
0x15b: {  	[tilespmem:s30+$0x1C0] =	vst v9  }
0x15c: {  	v9 =	vld.idx.msk [tilespmem:v37+s11+$0x0], $0xffff  }
0x15d: {  	v38 =	vor.u32 $0xB, v7;
	_ =	sdelay $0x3  }
0x15e: {  	[tilespmem:s30+$0x1D0] =	vst v9  }
0x15f: {  	v9 =	vld.idx.msk [tilespmem:v38+s11+$0x0], $0xffff  }
0x160: {  	v39 =	vor.u32 $0xB, v8;
	_ =	sdelay $0x3  }
0x161: {  	[tilespmem:s30+$0x1E0] =	vst v9  }
0x162: {  	v9 =	vld.idx.msk [tilespmem:v39+s11+$0x0], $0xffff  }
0x163: {  	v40 =	vor.u32 $0xC, v1;
	_ =	sdelay $0x3  }
0x164: {  	[tilespmem:s30+$0x1F0] =	vst v9  }
0x165: {  	v9 =	vld.idx.msk [tilespmem:v40+s11+$0x0], $0xffff  }
0x166: {  	v41 =	vor.u32 $0xC, v2;
	_ =	sdelay $0x3  }
0x167: {  	[tilespmem:s30+$0x200] =	vst v9  }
0x168: {  	v9 =	vld.idx.msk [tilespmem:v41+s11+$0x0], $0xffff  }
0x169: {  	v42 =	vor.u32 $0xC, v3;
	_ =	sdelay $0x3  }
0x16a: {  	[tilespmem:s30+$0x210] =	vst v9  }
0x16b: {  	v9 =	vld.idx.msk [tilespmem:v42+s11+$0x0], $0xffff  }
0x16c: {  	v43 =	vor.u32 $0xC, v4;
	_ =	sdelay $0x3  }
0x16d: {  	[tilespmem:s30+$0x220] =	vst v9  }
0x16e: {  	v9 =	vld.idx.msk [tilespmem:v43+s11+$0x0], $0xffff  }
0x16f: {  	v44 =	vor.u32 $0xC, v5;
	_ =	sdelay $0x3  }
0x170: {  	[tilespmem:s30+$0x230] =	vst v9  }
0x171: {  	v9 =	vld.idx.msk [tilespmem:v44+s11+$0x0], $0xffff  }
0x172: {  	v45 =	vor.u32 $0xC, v6;
	_ =	sdelay $0x3  }
0x173: {  	[tilespmem:s30+$0x240] =	vst v9  }
0x174: {  	v9 =	vld.idx.msk [tilespmem:v45+s11+$0x0], $0xffff  }
0x175: {  	v46 =	vor.u32 $0xC, v7;
	_ =	sdelay $0x3  }
0x176: {  	[tilespmem:s30+$0x250] =	vst v9  }
0x177: {  	v9 =	vld.idx.msk [tilespmem:v46+s11+$0x0], $0xffff  }
0x178: {  	v47 =	vor.u32 $0xC, v8;
	_ =	sdelay $0x3  }
0x179: {  	[tilespmem:s30+$0x260] =	vst v9  }
0x17a: {  	v9 =	vld.idx.msk [tilespmem:v47+s11+$0x0], $0xffff  }
0x17b: {  	v48 =	vor.u32 $0xD, v1;
	_ =	sdelay $0x3  }
0x17c: {  	[tilespmem:s30+$0x270] =	vst v9  }
0x17d: {  	v9 =	vld.idx.msk [tilespmem:v48+s11+$0x0], $0xffff  }
0x17e: {  	v49 =	vor.u32 $0xD, v2;
	_ =	sdelay $0x3  }
0x17f: {  	[tilespmem:s30+$0x280] =	vst v9  }
0x180: {  	v9 =	vld.idx.msk [tilespmem:v49+s11+$0x0], $0xffff  }
0x181: {  	v50 =	vor.u32 $0xD, v3;
	_ =	sdelay $0x3  }
0x182: {  	[tilespmem:s30+$0x290] =	vst v9  }
0x183: {  	v9 =	vld.idx.msk [tilespmem:v50+s11+$0x0], $0xffff  }
0x184: {  	v51 =	vor.u32 $0xD, v4;
	_ =	sdelay $0x3  }
0x185: {  	[tilespmem:s30+$0x2A0] =	vst v9  }
0x186: {  	v9 =	vld.idx.msk [tilespmem:v51+s11+$0x0], $0xffff  }
0x187: {  	v52 =	vor.u32 $0xD, v5;
	_ =	sdelay $0x3  }
0x188: {  	[tilespmem:s30+$0x2B0] =	vst v9  }
0x189: {  	v9 =	vld.idx.msk [tilespmem:v52+s11+$0x0], $0xffff  }
0x18a: {  	v53 =	vor.u32 $0xD, v6;
	_ =	sdelay $0x3  }
0x18b: {  	[tilespmem:s30+$0x2C0] =	vst v9  }
0x18c: {  	v9 =	vld.idx.msk [tilespmem:v53+s11+$0x0], $0xffff  }
0x18d: {  	v54 =	vor.u32 $0xD, v7;
	_ =	sdelay $0x3  }
0x18e: {  	[tilespmem:s30+$0x2D0] =	vst v9  }
0x18f: {  	v9 =	vld.idx.msk [tilespmem:v54+s11+$0x0], $0xffff  }
0x190: {  	v55 =	vor.u32 $0xD, v8;
	_ =	sdelay $0x3  }
0x191: {  	[tilespmem:s30+$0x2E0] =	vst v9  }
0x192: {  	v9 =	vld.idx.msk [tilespmem:v55+s11+$0x0], $0xffff  }
0x193: {  	v56 =	vor.u32 $0xE, v1;
	_ =	sdelay $0x3  }
0x194: {  	[tilespmem:s30+$0x2F0] =	vst v9  }
0x195: {  	v9 =	vld.idx.msk [tilespmem:v56+s11+$0x0], $0xffff  }
0x196: {  	v57 =	vor.u32 $0xE, v2;
	_ =	sdelay $0x3  }
0x197: {  	[tilespmem:s30+$0x300] =	vst v9  }
0x198: {  	v9 =	vld.idx.msk [tilespmem:v57+s11+$0x0], $0xffff  }
0x199: {  	v58 =	vor.u32 $0xE, v3;
	_ =	sdelay $0x3  }
0x19a: {  	[tilespmem:s30+$0x310] =	vst v9  }
0x19b: {  	v9 =	vld.idx.msk [tilespmem:v58+s11+$0x0], $0xffff  }
0x19c: {  	v59 =	vor.u32 $0xE, v4;
	_ =	sdelay $0x3  }
0x19d: {  	[tilespmem:s30+$0x320] =	vst v9  }
0x19e: {  	v9 =	vld.idx.msk [tilespmem:v59+s11+$0x0], $0xffff  }
0x19f: {  	v60 =	vor.u32 $0xE, v5;
	_ =	sdelay $0x3  }
0x1a0: {  	[tilespmem:s30+$0x330] =	vst v9  }
0x1a1: {  	v9 =	vld.idx.msk [tilespmem:v60+s11+$0x0], $0xffff  }
0x1a2: {  	v61 =	vor.u32 $0xE, v6;
	_ =	sdelay $0x3  }
0x1a3: {  	[tilespmem:s30+$0x340] =	vst v9  }
0x1a4: {  	v9 =	vld.idx.msk [tilespmem:v61+s11+$0x0], $0xffff  }
0x1a5: {  	v62 =	vor.u32 $0xE, v7;
	_ =	sdelay $0x3  }
0x1a6: {  	[tilespmem:s30+$0x350] =	vst v9  }
0x1a7: {  	v9 =	vld.idx.msk [tilespmem:v62+s11+$0x0], $0xffff  }
0x1a8: {  	v63 =	vor.u32 $0xE, v8;
	_ =	sdelay $0x3  }
0x1a9: {  	[tilespmem:s30+$0x360] =	vst v9  }
0x1aa: {  	v9 =	vld.idx.msk [tilespmem:v63+s11+$0x0], $0xffff  }
0x1ab: {  	v1 =	vor.u32 $0xF, v1;
	_ =	sdelay $0x3  }
0x1ac: {  	[tilespmem:s30+$0x370] =	vst v9  }
0x1ad: {  	v1 =	vld.idx.msk [tilespmem:v1+s11+$0x0], $0xffff  }
0x1ae: {  	v2 =	vor.u32 $0xF, v2;
	_ =	sdelay $0x3  }
0x1af: {  	[tilespmem:s30+$0x380] =	vst v1  }
0x1b0: {  	v1 =	vld.idx.msk [tilespmem:v2+s11+$0x0], $0xffff  }
0x1b1: {  	v2 =	vor.u32 $0xF, v3;
	_ =	sdelay $0x3  }
0x1b2: {  	[tilespmem:s30+$0x390] =	vst v1  }
0x1b3: {  	v1 =	vld.idx.msk [tilespmem:v2+s11+$0x0], $0xffff  }
0x1b4: {  	v2 =	vor.u32 $0xF, v4;
	_ =	sdelay $0x3  }
0x1b5: {  	[tilespmem:s30+$0x3A0] =	vst v1  }
0x1b6: {  	v1 =	vld.idx.msk [tilespmem:v2+s11+$0x0], $0xffff  }
0x1b7: {  	v2 =	vor.u32 $0xF, v5;
	_ =	sdelay $0x3  }
0x1b8: {  	[tilespmem:s30+$0x3B0] =	vst v1  }
0x1b9: {  	v1 =	vld.idx.msk [tilespmem:v2+s11+$0x0], $0xffff  }
0x1ba: {  	v2 =	vor.u32 $0xF, v6;
	_ =	sdelay $0x3  }
0x1bb: {  	[tilespmem:s30+$0x3C0] =	vst v1  }
0x1bc: {  	v1 =	vld.idx.msk [tilespmem:v2+s11+$0x0], $0xffff  }
0x1bd: {  	v2 =	vor.u32 $0xF, v7;
	_ =	sdelay $0x3  }
0x1be: {  	[tilespmem:s30+$0x3D0] =	vst v1  }
0x1bf: {  	v2 =	vld.idx.msk [tilespmem:v2+s11+$0x0], $0xffff  }
0x1c0: {  	v1 =	vor.u32 $0xF, v8;
	_ =	sdelay $0x3  }
0x1c1: {  	s31 =	simm.s32 $0xF0;
	s0 =	simm.s32 $0x170;
	s2 =	simm.s32 $0x80;
	[tilespmem:s30+$0x3E0] =	vst v2  }
.LBB2_3:
0x1c2: {  	p0 =	sne.s32 s0, $0x3F0;
	v2 =	vmov s2;
	v3 =	vld.idx.msk [tilespmem:v1+s11+$0x0], $0xffff  }
0x1c3: {  	v1 =	vshll.u32 v2, $0x4  }
0x1c4: {  	v1 =	vor.u32 v0, v1;
	_ =	sdelay $0x3  }
0x1c5: {  	s2 =	sadd.s32 $0xFFFFFFA0, s31;
	[tilespmem:s30+$0x3F0] =	vst v3  }
0x1c6: {  	v2 =	vmov s2;
	v3 =	vld.idx.msk [tilespmem:v1+s11+$0x0], $0xffff  }
0x1c7: {  	v2 =	vshll.u32 v2, $0x4  }
0x1c8: {  	v2 =	vor.u32 v0, v2;
	_ =	sdelay $0x2  }
0x1c9: {  	s30 =	sadd.s32 $0x800, s30  }
0x1ca: {  	s2 =	sadd.s32 $0xFFFFFFB0, s31;
	[tilespmem:s30+$0xFFFFFC00] =	vst v3  }
0x1cb: {  	v3 =	vmov s2;
	v4 =	vld.idx.msk [tilespmem:v2+s11+$0x0], $0xffff  }
0x1cc: {  	v3 =	vshll.u32 v3, $0x4  }
0x1cd: {  	v3 =	vor.u32 v0, v3;
	_ =	sdelay $0x3  }
0x1ce: {  	s2 =	sadd.s32 $0xFFFFFFC0, s31;
	[tilespmem:s30+$0xFFFFFC10] =	vst v4  }
0x1cf: {  	v4 =	vmov s2;
	v5 =	vld.idx.msk [tilespmem:v3+s11+$0x0], $0xffff  }
0x1d0: {  	v4 =	vshll.u32 v4, $0x4  }
0x1d1: {  	v4 =	vor.u32 v0, v4;
	_ =	sdelay $0x3  }
0x1d2: {  	s2 =	sadd.s32 $0xFFFFFFD0, s31;
	[tilespmem:s30+$0xFFFFFC20] =	vst v5  }
0x1d3: {  	v5 =	vmov s2;
	v6 =	vld.idx.msk [tilespmem:v4+s11+$0x0], $0xffff  }
0x1d4: {  	v5 =	vshll.u32 v5, $0x4  }
0x1d5: {  	v5 =	vor.u32 v0, v5;
	_ =	sdelay $0x3  }
0x1d6: {  	s2 =	sadd.s32 $0xFFFFFFE0, s31;
	[tilespmem:s30+$0xFFFFFC30] =	vst v6  }
0x1d7: {  	v6 =	vmov s2;
	v7 =	vld.idx.msk [tilespmem:v5+s11+$0x0], $0xffff  }
0x1d8: {  	v6 =	vshll.u32 v6, $0x4  }
0x1d9: {  	v6 =	vor.u32 v0, v6;
	_ =	sdelay $0x3  }
0x1da: {  	s2 =	sadd.s32 $0xFFFFFFF0, s31;
	[tilespmem:s30+$0xFFFFFC40] =	vst v7  }
0x1db: {  	v7 =	vmov s2;
	v8 =	vld.idx.msk [tilespmem:v6+s11+$0x0], $0xffff  }
0x1dc: {  	v7 =	vshll.u32 v7, $0x4  }
0x1dd: {  	v7 =	vor.u32 v0, v7;
	_ =	sdelay $0x3  }
0x1de: {  	[tilespmem:s30+$0xFFFFFC50] =	vst v8  }
0x1df: {  	v8 =	vmov s31;
	s31 =	smov.u32 s0;
	v9 =	vld.idx.msk [tilespmem:v7+s11+$0x0], $0xffff  }
0x1e0: {  	v8 =	vshll.u32 v8, $0x4  }
0x1e1: {  	v8 =	vor.u32 v0, v8;
	_ =	sdelay $0x3  }
0x1e2: {  	[tilespmem:s30+$0xFFFFFC60] =	vst v9  }
0x1e3: {  	v9 =	vld.idx.msk [tilespmem:v8+s11+$0x0], $0xffff;
	_ =	sdelay $0x1  }
0x1e4: {  	v10 =	vor.u32 $0x1, v1;
	_ =	sdelay $0x3  }
0x1e5: {  	[tilespmem:s30+$0xFFFFFC70] =	vst v9  }
0x1e6: {  	v9 =	vld.idx.msk [tilespmem:v10+s11+$0x0], $0xffff;
	_ =	sdelay $0x1  }
0x1e7: {  	v10 =	vor.u32 $0x1, v2;
	_ =	sdelay $0x3  }
0x1e8: {  	[tilespmem:s30+$0xFFFFFC80] =	vst v9  }
0x1e9: {  	v9 =	vld.idx.msk [tilespmem:v10+s11+$0x0], $0xffff;
	_ =	sdelay $0x1  }
0x1ea: {  	v10 =	vor.u32 $0x1, v3;
	_ =	sdelay $0x3  }
0x1eb: {  	[tilespmem:s30+$0xFFFFFC90] =	vst v9  }
0x1ec: {  	v9 =	vld.idx.msk [tilespmem:v10+s11+$0x0], $0xffff;
	_ =	sdelay $0x1  }
0x1ed: {  	v10 =	vor.u32 $0x1, v4;
	_ =	sdelay $0x3  }
0x1ee: {  	[tilespmem:s30+$0xFFFFFCA0] =	vst v9  }
0x1ef: {  	v9 =	vld.idx.msk [tilespmem:v10+s11+$0x0], $0xffff;
	_ =	sdelay $0x1  }
0x1f0: {  	v10 =	vor.u32 $0x1, v5;
	_ =	sdelay $0x3  }
0x1f1: {  	[tilespmem:s30+$0xFFFFFCB0] =	vst v9  }
0x1f2: {  	v9 =	vld.idx.msk [tilespmem:v10+s11+$0x0], $0xffff;
	_ =	sdelay $0x1  }
0x1f3: {  	v10 =	vor.u32 $0x1, v6;
	_ =	sdelay $0x3  }
0x1f4: {  	[tilespmem:s30+$0xFFFFFCC0] =	vst v9  }
0x1f5: {  	v9 =	vld.idx.msk [tilespmem:v10+s11+$0x0], $0xffff;
	_ =	sdelay $0x1  }
0x1f6: {  	v10 =	vor.u32 $0x1, v7;
	_ =	sdelay $0x3  }
0x1f7: {  	[tilespmem:s30+$0xFFFFFCD0] =	vst v9  }
0x1f8: {  	v9 =	vld.idx.msk [tilespmem:v10+s11+$0x0], $0xffff;
	_ =	sdelay $0x1  }
0x1f9: {  	v10 =	vor.u32 $0x1, v8;
	_ =	sdelay $0x3  }
0x1fa: {  	[tilespmem:s30+$0xFFFFFCE0] =	vst v9  }
0x1fb: {  	v9 =	vld.idx.msk [tilespmem:v10+s11+$0x0], $0xffff;
	_ =	sdelay $0x1  }
0x1fc: {  	v10 =	vor.u32 $0x2, v1;
	_ =	sdelay $0x3  }
0x1fd: {  	[tilespmem:s30+$0xFFFFFCF0] =	vst v9  }
0x1fe: {  	v9 =	vld.idx.msk [tilespmem:v10+s11+$0x0], $0xffff;
	_ =	sdelay $0x1  }
0x1ff: {  	v10 =	vor.u32 $0x2, v2;
	_ =	sdelay $0x3  }
0x200: {  	[tilespmem:s30+$0xFFFFFD00] =	vst v9  }
0x201: {  	v9 =	vld.idx.msk [tilespmem:v10+s11+$0x0], $0xffff;
	_ =	sdelay $0x1  }
0x202: {  	v10 =	vor.u32 $0x2, v3;
	_ =	sdelay $0x3  }
0x203: {  	[tilespmem:s30+$0xFFFFFD10] =	vst v9  }
0x204: {  	v9 =	vld.idx.msk [tilespmem:v10+s11+$0x0], $0xffff;
	_ =	sdelay $0x1  }
0x205: {  	v10 =	vor.u32 $0x2, v4;
	_ =	sdelay $0x3  }
0x206: {  	[tilespmem:s30+$0xFFFFFD20] =	vst v9  }
0x207: {  	v9 =	vld.idx.msk [tilespmem:v10+s11+$0x0], $0xffff;
	_ =	sdelay $0x1  }
0x208: {  	v10 =	vor.u32 $0x2, v5;
	_ =	sdelay $0x3  }
0x209: {  	[tilespmem:s30+$0xFFFFFD30] =	vst v9  }
0x20a: {  	v9 =	vld.idx.msk [tilespmem:v10+s11+$0x0], $0xffff;
	_ =	sdelay $0x1  }
0x20b: {  	v10 =	vor.u32 $0x2, v6;
	_ =	sdelay $0x3  }
0x20c: {  	[tilespmem:s30+$0xFFFFFD40] =	vst v9  }
0x20d: {  	v9 =	vld.idx.msk [tilespmem:v10+s11+$0x0], $0xffff;
	_ =	sdelay $0x1  }
0x20e: {  	v10 =	vor.u32 $0x2, v7;
	_ =	sdelay $0x3  }
0x20f: {  	[tilespmem:s30+$0xFFFFFD50] =	vst v9  }
0x210: {  	v9 =	vld.idx.msk [tilespmem:v10+s11+$0x0], $0xffff;
	_ =	sdelay $0x1  }
0x211: {  	v10 =	vor.u32 $0x2, v8;
	_ =	sdelay $0x3  }
0x212: {  	[tilespmem:s30+$0xFFFFFD60] =	vst v9  }
0x213: {  	v9 =	vld.idx.msk [tilespmem:v10+s11+$0x0], $0xffff;
	_ =	sdelay $0x1  }
0x214: {  	v10 =	vor.u32 $0x3, v1;
	_ =	sdelay $0x3  }
0x215: {  	[tilespmem:s30+$0xFFFFFD70] =	vst v9  }
0x216: {  	v9 =	vld.idx.msk [tilespmem:v10+s11+$0x0], $0xffff;
	_ =	sdelay $0x1  }
0x217: {  	v10 =	vor.u32 $0x3, v2;
	_ =	sdelay $0x3  }
0x218: {  	[tilespmem:s30+$0xFFFFFD80] =	vst v9  }
0x219: {  	v9 =	vld.idx.msk [tilespmem:v10+s11+$0x0], $0xffff;
	_ =	sdelay $0x1  }
0x21a: {  	v10 =	vor.u32 $0x3, v3;
	_ =	sdelay $0x3  }
0x21b: {  	[tilespmem:s30+$0xFFFFFD90] =	vst v9  }
0x21c: {  	v9 =	vld.idx.msk [tilespmem:v10+s11+$0x0], $0xffff;
	_ =	sdelay $0x1  }
0x21d: {  	v10 =	vor.u32 $0x3, v4;
	_ =	sdelay $0x3  }
0x21e: {  	[tilespmem:s30+$0xFFFFFDA0] =	vst v9  }
0x21f: {  	v9 =	vld.idx.msk [tilespmem:v10+s11+$0x0], $0xffff;
	_ =	sdelay $0x1  }
0x220: {  	v10 =	vor.u32 $0x3, v5;
	_ =	sdelay $0x3  }
0x221: {  	[tilespmem:s30+$0xFFFFFDB0] =	vst v9  }
0x222: {  	v9 =	vld.idx.msk [tilespmem:v10+s11+$0x0], $0xffff;
	_ =	sdelay $0x1  }
0x223: {  	v10 =	vor.u32 $0x3, v6;
	_ =	sdelay $0x3  }
0x224: {  	[tilespmem:s30+$0xFFFFFDC0] =	vst v9  }
0x225: {  	v9 =	vld.idx.msk [tilespmem:v10+s11+$0x0], $0xffff;
	_ =	sdelay $0x1  }
0x226: {  	v10 =	vor.u32 $0x3, v7;
	_ =	sdelay $0x3  }
0x227: {  	[tilespmem:s30+$0xFFFFFDD0] =	vst v9  }
0x228: {  	v9 =	vld.idx.msk [tilespmem:v10+s11+$0x0], $0xffff;
	_ =	sdelay $0x1  }
0x229: {  	v10 =	vor.u32 $0x3, v8;
	_ =	sdelay $0x3  }
0x22a: {  	[tilespmem:s30+$0xFFFFFDE0] =	vst v9  }
0x22b: {  	v9 =	vld.idx.msk [tilespmem:v10+s11+$0x0], $0xffff;
	_ =	sdelay $0x1  }
0x22c: {  	v10 =	vor.u32 $0x4, v1;
	_ =	sdelay $0x3  }
0x22d: {  	[tilespmem:s30+$0xFFFFFDF0] =	vst v9  }
0x22e: {  	v9 =	vld.idx.msk [tilespmem:v10+s11+$0x0], $0xffff;
	_ =	sdelay $0x1  }
0x22f: {  	v10 =	vor.u32 $0x4, v2;
	_ =	sdelay $0x3  }
0x230: {  	[tilespmem:s30+$0xFFFFFE00] =	vst v9  }
0x231: {  	v9 =	vld.idx.msk [tilespmem:v10+s11+$0x0], $0xffff;
	_ =	sdelay $0x1  }
0x232: {  	v10 =	vor.u32 $0x4, v3;
	_ =	sdelay $0x3  }
0x233: {  	[tilespmem:s30+$0xFFFFFE10] =	vst v9  }
0x234: {  	v9 =	vld.idx.msk [tilespmem:v10+s11+$0x0], $0xffff;
	_ =	sdelay $0x1  }
0x235: {  	v10 =	vor.u32 $0x4, v4;
	_ =	sdelay $0x3  }
0x236: {  	[tilespmem:s30+$0xFFFFFE20] =	vst v9  }
0x237: {  	v9 =	vld.idx.msk [tilespmem:v10+s11+$0x0], $0xffff;
	_ =	sdelay $0x1  }
0x238: {  	v10 =	vor.u32 $0x4, v5;
	_ =	sdelay $0x3  }
0x239: {  	[tilespmem:s30+$0xFFFFFE30] =	vst v9  }
0x23a: {  	v9 =	vld.idx.msk [tilespmem:v10+s11+$0x0], $0xffff;
	_ =	sdelay $0x1  }
0x23b: {  	v10 =	vor.u32 $0x4, v6;
	_ =	sdelay $0x3  }
0x23c: {  	[tilespmem:s30+$0xFFFFFE40] =	vst v9  }
0x23d: {  	v9 =	vld.idx.msk [tilespmem:v10+s11+$0x0], $0xffff;
	_ =	sdelay $0x1  }
0x23e: {  	v10 =	vor.u32 $0x4, v7;
	_ =	sdelay $0x3  }
0x23f: {  	[tilespmem:s30+$0xFFFFFE50] =	vst v9  }
0x240: {  	v9 =	vld.idx.msk [tilespmem:v10+s11+$0x0], $0xffff;
	_ =	sdelay $0x1  }
0x241: {  	v10 =	vor.u32 $0x4, v8;
	_ =	sdelay $0x3  }
0x242: {  	[tilespmem:s30+$0xFFFFFE60] =	vst v9  }
0x243: {  	v9 =	vld.idx.msk [tilespmem:v10+s11+$0x0], $0xffff;
	_ =	sdelay $0x1  }
0x244: {  	v10 =	vor.u32 $0x5, v1;
	_ =	sdelay $0x3  }
0x245: {  	[tilespmem:s30+$0xFFFFFE70] =	vst v9  }
0x246: {  	v9 =	vld.idx.msk [tilespmem:v10+s11+$0x0], $0xffff;
	_ =	sdelay $0x1  }
0x247: {  	v10 =	vor.u32 $0x5, v2;
	_ =	sdelay $0x3  }
0x248: {  	[tilespmem:s30+$0xFFFFFE80] =	vst v9  }
0x249: {  	v9 =	vld.idx.msk [tilespmem:v10+s11+$0x0], $0xffff;
	_ =	sdelay $0x1  }
0x24a: {  	v10 =	vor.u32 $0x5, v3;
	_ =	sdelay $0x3  }
0x24b: {  	[tilespmem:s30+$0xFFFFFE90] =	vst v9  }
0x24c: {  	v9 =	vld.idx.msk [tilespmem:v10+s11+$0x0], $0xffff;
	_ =	sdelay $0x1  }
0x24d: {  	v10 =	vor.u32 $0x5, v4;
	_ =	sdelay $0x3  }
0x24e: {  	[tilespmem:s30+$0xFFFFFEA0] =	vst v9  }
0x24f: {  	v9 =	vld.idx.msk [tilespmem:v10+s11+$0x0], $0xffff;
	_ =	sdelay $0x1  }
0x250: {  	v10 =	vor.u32 $0x5, v5;
	_ =	sdelay $0x3  }
0x251: {  	[tilespmem:s30+$0xFFFFFEB0] =	vst v9  }
0x252: {  	v9 =	vld.idx.msk [tilespmem:v10+s11+$0x0], $0xffff;
	_ =	sdelay $0x1  }
0x253: {  	v10 =	vor.u32 $0x5, v6;
	_ =	sdelay $0x3  }
0x254: {  	[tilespmem:s30+$0xFFFFFEC0] =	vst v9  }
0x255: {  	v9 =	vld.idx.msk [tilespmem:v10+s11+$0x0], $0xffff;
	_ =	sdelay $0x1  }
0x256: {  	v10 =	vor.u32 $0x5, v7;
	_ =	sdelay $0x3  }
0x257: {  	[tilespmem:s30+$0xFFFFFED0] =	vst v9  }
0x258: {  	v9 =	vld.idx.msk [tilespmem:v10+s11+$0x0], $0xffff;
	_ =	sdelay $0x1  }
0x259: {  	v10 =	vor.u32 $0x5, v8;
	_ =	sdelay $0x3  }
0x25a: {  	[tilespmem:s30+$0xFFFFFEE0] =	vst v9  }
0x25b: {  	v9 =	vld.idx.msk [tilespmem:v10+s11+$0x0], $0xffff;
	_ =	sdelay $0x1  }
0x25c: {  	v10 =	vor.u32 $0x6, v1;
	_ =	sdelay $0x3  }
0x25d: {  	[tilespmem:s30+$0xFFFFFEF0] =	vst v9  }
0x25e: {  	v9 =	vld.idx.msk [tilespmem:v10+s11+$0x0], $0xffff;
	_ =	sdelay $0x1  }
0x25f: {  	v10 =	vor.u32 $0x6, v2;
	_ =	sdelay $0x3  }
0x260: {  	[tilespmem:s30+$0xFFFFFF00] =	vst v9  }
0x261: {  	v9 =	vld.idx.msk [tilespmem:v10+s11+$0x0], $0xffff;
	_ =	sdelay $0x1  }
0x262: {  	v10 =	vor.u32 $0x6, v3;
	_ =	sdelay $0x3  }
0x263: {  	[tilespmem:s30+$0xFFFFFF10] =	vst v9  }
0x264: {  	v9 =	vld.idx.msk [tilespmem:v10+s11+$0x0], $0xffff;
	_ =	sdelay $0x1  }
0x265: {  	v10 =	vor.u32 $0x6, v4;
	_ =	sdelay $0x3  }
0x266: {  	[tilespmem:s30+$0xFFFFFF20] =	vst v9  }
0x267: {  	v9 =	vld.idx.msk [tilespmem:v10+s11+$0x0], $0xffff;
	_ =	sdelay $0x1  }
0x268: {  	v10 =	vor.u32 $0x6, v5;
	_ =	sdelay $0x3  }
0x269: {  	[tilespmem:s30+$0xFFFFFF30] =	vst v9  }
0x26a: {  	v9 =	vld.idx.msk [tilespmem:v10+s11+$0x0], $0xffff;
	_ =	sdelay $0x1  }
0x26b: {  	v10 =	vor.u32 $0x6, v6;
	_ =	sdelay $0x3  }
0x26c: {  	[tilespmem:s30+$0xFFFFFF40] =	vst v9  }
0x26d: {  	v9 =	vld.idx.msk [tilespmem:v10+s11+$0x0], $0xffff;
	_ =	sdelay $0x1  }
0x26e: {  	v10 =	vor.u32 $0x6, v7;
	_ =	sdelay $0x3  }
0x26f: {  	[tilespmem:s30+$0xFFFFFF50] =	vst v9  }
0x270: {  	v9 =	vld.idx.msk [tilespmem:v10+s11+$0x0], $0xffff;
	_ =	sdelay $0x1  }
0x271: {  	v10 =	vor.u32 $0x6, v8;
	_ =	sdelay $0x3  }
0x272: {  	[tilespmem:s30+$0xFFFFFF60] =	vst v9  }
0x273: {  	v9 =	vld.idx.msk [tilespmem:v10+s11+$0x0], $0xffff;
	_ =	sdelay $0x1  }
0x274: {  	v10 =	vor.u32 $0x7, v1;
	_ =	sdelay $0x3  }
0x275: {  	[tilespmem:s30+$0xFFFFFF70] =	vst v9  }
0x276: {  	v9 =	vld.idx.msk [tilespmem:v10+s11+$0x0], $0xffff;
	_ =	sdelay $0x1  }
0x277: {  	v10 =	vor.u32 $0x7, v2;
	_ =	sdelay $0x3  }
0x278: {  	[tilespmem:s30+$0xFFFFFF80] =	vst v9  }
0x279: {  	v9 =	vld.idx.msk [tilespmem:v10+s11+$0x0], $0xffff;
	_ =	sdelay $0x1  }
0x27a: {  	v10 =	vor.u32 $0x7, v3;
	_ =	sdelay $0x3  }
0x27b: {  	[tilespmem:s30+$0xFFFFFF90] =	vst v9  }
0x27c: {  	v9 =	vld.idx.msk [tilespmem:v10+s11+$0x0], $0xffff;
	_ =	sdelay $0x1  }
0x27d: {  	v10 =	vor.u32 $0x7, v4;
	_ =	sdelay $0x3  }
0x27e: {  	[tilespmem:s30+$0xFFFFFFA0] =	vst v9  }
0x27f: {  	v9 =	vld.idx.msk [tilespmem:v10+s11+$0x0], $0xffff;
	_ =	sdelay $0x1  }
0x280: {  	v10 =	vor.u32 $0x7, v5;
	_ =	sdelay $0x3  }
0x281: {  	[tilespmem:s30+$0xFFFFFFB0] =	vst v9  }
0x282: {  	v9 =	vld.idx.msk [tilespmem:v10+s11+$0x0], $0xffff;
	_ =	sdelay $0x1  }
0x283: {  	v10 =	vor.u32 $0x7, v6;
	_ =	sdelay $0x3  }
0x284: {  	[tilespmem:s30+$0xFFFFFFC0] =	vst v9  }
0x285: {  	v9 =	vld.idx.msk [tilespmem:v10+s11+$0x0], $0xffff;
	_ =	sdelay $0x1  }
0x286: {  	v10 =	vor.u32 $0x7, v7;
	_ =	sdelay $0x3  }
0x287: {  	[tilespmem:s30+$0xFFFFFFD0] =	vst v9  }
0x288: {  	v9 =	vld.idx.msk [tilespmem:v10+s11+$0x0], $0xffff;
	_ =	sdelay $0x1  }
0x289: {  	v10 =	vor.u32 $0x7, v8;
	_ =	sdelay $0x3  }
0x28a: {  	[tilespmem:s30+$0xFFFFFFE0] =	vst v9  }
0x28b: {  	v9 =	vld.idx.msk [tilespmem:v10+s11+$0x0], $0xffff;
	_ =	sdelay $0x1  }
0x28c: {  	v10 =	vor.u32 $0x8, v1;
	_ =	sdelay $0x3  }
0x28d: {  	[tilespmem:s30+$0xFFFFFFF0] =	vst v9  }
0x28e: {  	v9 =	vld.idx.msk [tilespmem:v10+s11+$0x0], $0xffff;
	_ =	sdelay $0x1  }
0x28f: {  	v10 =	vor.u32 $0x8, v2;
	_ =	sdelay $0x3  }
0x290: {  	[tilespmem:s30+$0x0] =	vst v9  }
0x291: {  	v9 =	vld.idx.msk [tilespmem:v10+s11+$0x0], $0xffff;
	_ =	sdelay $0x1  }
0x292: {  	v10 =	vor.u32 $0x8, v3;
	_ =	sdelay $0x3  }
0x293: {  	[tilespmem:s30+$0x10] =	vst v9  }
0x294: {  	v9 =	vld.idx.msk [tilespmem:v10+s11+$0x0], $0xffff;
	_ =	sdelay $0x1  }
0x295: {  	v10 =	vor.u32 $0x8, v4;
	_ =	sdelay $0x3  }
0x296: {  	[tilespmem:s30+$0x20] =	vst v9  }
0x297: {  	v9 =	vld.idx.msk [tilespmem:v10+s11+$0x0], $0xffff;
	_ =	sdelay $0x1  }
0x298: {  	v10 =	vor.u32 $0x8, v5;
	_ =	sdelay $0x3  }
0x299: {  	[tilespmem:s30+$0x30] =	vst v9  }
0x29a: {  	v9 =	vld.idx.msk [tilespmem:v10+s11+$0x0], $0xffff;
	_ =	sdelay $0x1  }
0x29b: {  	v10 =	vor.u32 $0x8, v6;
	_ =	sdelay $0x3  }
0x29c: {  	[tilespmem:s30+$0x40] =	vst v9  }
0x29d: {  	v9 =	vld.idx.msk [tilespmem:v10+s11+$0x0], $0xffff;
	_ =	sdelay $0x1  }
0x29e: {  	v10 =	vor.u32 $0x8, v7;
	_ =	sdelay $0x3  }
0x29f: {  	[tilespmem:s30+$0x50] =	vst v9  }
0x2a0: {  	v9 =	vld.idx.msk [tilespmem:v10+s11+$0x0], $0xffff;
	_ =	sdelay $0x1  }
0x2a1: {  	v10 =	vor.u32 $0x8, v8;
	_ =	sdelay $0x3  }
0x2a2: {  	[tilespmem:s30+$0x60] =	vst v9  }
0x2a3: {  	v9 =	vld.idx.msk [tilespmem:v10+s11+$0x0], $0xffff;
	_ =	sdelay $0x1  }
0x2a4: {  	v10 =	vor.u32 $0x9, v1;
	_ =	sdelay $0x3  }
0x2a5: {  	[tilespmem:s30+$0x70] =	vst v9  }
0x2a6: {  	v9 =	vld.idx.msk [tilespmem:v10+s11+$0x0], $0xffff;
	_ =	sdelay $0x1  }
0x2a7: {  	v10 =	vor.u32 $0x9, v2;
	_ =	sdelay $0x3  }
0x2a8: {  	[tilespmem:s30+$0x80] =	vst v9  }
0x2a9: {  	v9 =	vld.idx.msk [tilespmem:v10+s11+$0x0], $0xffff;
	_ =	sdelay $0x1  }
0x2aa: {  	v10 =	vor.u32 $0x9, v3;
	_ =	sdelay $0x3  }
0x2ab: {  	[tilespmem:s30+$0x90] =	vst v9  }
0x2ac: {  	v9 =	vld.idx.msk [tilespmem:v10+s11+$0x0], $0xffff;
	_ =	sdelay $0x1  }
0x2ad: {  	v10 =	vor.u32 $0x9, v4;
	_ =	sdelay $0x3  }
0x2ae: {  	[tilespmem:s30+$0xA0] =	vst v9  }
0x2af: {  	v9 =	vld.idx.msk [tilespmem:v10+s11+$0x0], $0xffff;
	_ =	sdelay $0x1  }
0x2b0: {  	v10 =	vor.u32 $0x9, v5;
	_ =	sdelay $0x3  }
0x2b1: {  	[tilespmem:s30+$0xB0] =	vst v9  }
0x2b2: {  	v9 =	vld.idx.msk [tilespmem:v10+s11+$0x0], $0xffff;
	_ =	sdelay $0x1  }
0x2b3: {  	v10 =	vor.u32 $0x9, v6;
	_ =	sdelay $0x3  }
0x2b4: {  	[tilespmem:s30+$0xC0] =	vst v9  }
0x2b5: {  	v9 =	vld.idx.msk [tilespmem:v10+s11+$0x0], $0xffff;
	_ =	sdelay $0x1  }
0x2b6: {  	v10 =	vor.u32 $0x9, v7;
	_ =	sdelay $0x3  }
0x2b7: {  	[tilespmem:s30+$0xD0] =	vst v9  }
0x2b8: {  	v9 =	vld.idx.msk [tilespmem:v10+s11+$0x0], $0xffff;
	_ =	sdelay $0x1  }
0x2b9: {  	v10 =	vor.u32 $0x9, v8;
	_ =	sdelay $0x3  }
0x2ba: {  	[tilespmem:s30+$0xE0] =	vst v9  }
0x2bb: {  	v9 =	vld.idx.msk [tilespmem:v10+s11+$0x0], $0xffff;
	_ =	sdelay $0x1  }
0x2bc: {  	v10 =	vor.u32 $0xA, v1;
	_ =	sdelay $0x3  }
0x2bd: {  	[tilespmem:s30+$0xF0] =	vst v9  }
0x2be: {  	v9 =	vld.idx.msk [tilespmem:v10+s11+$0x0], $0xffff;
	_ =	sdelay $0x1  }
0x2bf: {  	v10 =	vor.u32 $0xA, v2;
	_ =	sdelay $0x3  }
0x2c0: {  	[tilespmem:s30+$0x100] =	vst v9  }
0x2c1: {  	v9 =	vld.idx.msk [tilespmem:v10+s11+$0x0], $0xffff;
	_ =	sdelay $0x1  }
0x2c2: {  	v10 =	vor.u32 $0xA, v3;
	_ =	sdelay $0x3  }
0x2c3: {  	[tilespmem:s30+$0x110] =	vst v9  }
0x2c4: {  	v9 =	vld.idx.msk [tilespmem:v10+s11+$0x0], $0xffff;
	_ =	sdelay $0x1  }
0x2c5: {  	v10 =	vor.u32 $0xA, v4;
	_ =	sdelay $0x3  }
0x2c6: {  	[tilespmem:s30+$0x120] =	vst v9  }
0x2c7: {  	v9 =	vld.idx.msk [tilespmem:v10+s11+$0x0], $0xffff;
	_ =	sdelay $0x1  }
0x2c8: {  	v10 =	vor.u32 $0xA, v5;
	_ =	sdelay $0x3  }
0x2c9: {  	[tilespmem:s30+$0x130] =	vst v9  }
0x2ca: {  	v9 =	vld.idx.msk [tilespmem:v10+s11+$0x0], $0xffff;
	_ =	sdelay $0x1  }
0x2cb: {  	v10 =	vor.u32 $0xA, v6;
	_ =	sdelay $0x3  }
0x2cc: {  	[tilespmem:s30+$0x140] =	vst v9  }
0x2cd: {  	v9 =	vld.idx.msk [tilespmem:v10+s11+$0x0], $0xffff;
	_ =	sdelay $0x1  }
0x2ce: {  	v10 =	vor.u32 $0xA, v7;
	_ =	sdelay $0x3  }
0x2cf: {  	[tilespmem:s30+$0x150] =	vst v9  }
0x2d0: {  	v9 =	vld.idx.msk [tilespmem:v10+s11+$0x0], $0xffff;
	_ =	sdelay $0x1  }
0x2d1: {  	v10 =	vor.u32 $0xA, v8;
	_ =	sdelay $0x3  }
0x2d2: {  	[tilespmem:s30+$0x160] =	vst v9  }
0x2d3: {  	v9 =	vld.idx.msk [tilespmem:v10+s11+$0x0], $0xffff;
	_ =	sdelay $0x1  }
0x2d4: {  	v10 =	vor.u32 $0xB, v1;
	_ =	sdelay $0x3  }
0x2d5: {  	[tilespmem:s30+$0x170] =	vst v9  }
0x2d6: {  	v9 =	vld.idx.msk [tilespmem:v10+s11+$0x0], $0xffff;
	_ =	sdelay $0x1  }
0x2d7: {  	v10 =	vor.u32 $0xB, v2;
	_ =	sdelay $0x3  }
0x2d8: {  	[tilespmem:s30+$0x180] =	vst v9  }
0x2d9: {  	v9 =	vld.idx.msk [tilespmem:v10+s11+$0x0], $0xffff;
	_ =	sdelay $0x1  }
0x2da: {  	v10 =	vor.u32 $0xB, v3;
	_ =	sdelay $0x3  }
0x2db: {  	[tilespmem:s30+$0x190] =	vst v9  }
0x2dc: {  	v9 =	vld.idx.msk [tilespmem:v10+s11+$0x0], $0xffff;
	_ =	sdelay $0x1  }
0x2dd: {  	v10 =	vor.u32 $0xB, v4;
	_ =	sdelay $0x3  }
0x2de: {  	[tilespmem:s30+$0x1A0] =	vst v9  }
0x2df: {  	v9 =	vld.idx.msk [tilespmem:v10+s11+$0x0], $0xffff;
	_ =	sdelay $0x1  }
0x2e0: {  	v10 =	vor.u32 $0xB, v5;
	_ =	sdelay $0x3  }
0x2e1: {  	[tilespmem:s30+$0x1B0] =	vst v9  }
0x2e2: {  	v9 =	vld.idx.msk [tilespmem:v10+s11+$0x0], $0xffff;
	_ =	sdelay $0x1  }
0x2e3: {  	v10 =	vor.u32 $0xB, v6;
	_ =	sdelay $0x3  }
0x2e4: {  	[tilespmem:s30+$0x1C0] =	vst v9  }
0x2e5: {  	v9 =	vld.idx.msk [tilespmem:v10+s11+$0x0], $0xffff;
	_ =	sdelay $0x1  }
0x2e6: {  	v10 =	vor.u32 $0xB, v7;
	_ =	sdelay $0x3  }
0x2e7: {  	[tilespmem:s30+$0x1D0] =	vst v9  }
0x2e8: {  	v9 =	vld.idx.msk [tilespmem:v10+s11+$0x0], $0xffff;
	_ =	sdelay $0x1  }
0x2e9: {  	v10 =	vor.u32 $0xB, v8;
	_ =	sdelay $0x3  }
0x2ea: {  	[tilespmem:s30+$0x1E0] =	vst v9  }
0x2eb: {  	v9 =	vld.idx.msk [tilespmem:v10+s11+$0x0], $0xffff;
	_ =	sdelay $0x1  }
0x2ec: {  	v10 =	vor.u32 $0xC, v1;
	_ =	sdelay $0x3  }
0x2ed: {  	[tilespmem:s30+$0x1F0] =	vst v9  }
0x2ee: {  	v9 =	vld.idx.msk [tilespmem:v10+s11+$0x0], $0xffff;
	_ =	sdelay $0x1  }
0x2ef: {  	v10 =	vor.u32 $0xC, v2;
	_ =	sdelay $0x3  }
0x2f0: {  	[tilespmem:s30+$0x200] =	vst v9  }
0x2f1: {  	v9 =	vld.idx.msk [tilespmem:v10+s11+$0x0], $0xffff;
	_ =	sdelay $0x1  }
0x2f2: {  	v10 =	vor.u32 $0xC, v3;
	_ =	sdelay $0x3  }
0x2f3: {  	[tilespmem:s30+$0x210] =	vst v9  }
0x2f4: {  	v9 =	vld.idx.msk [tilespmem:v10+s11+$0x0], $0xffff;
	_ =	sdelay $0x1  }
0x2f5: {  	v10 =	vor.u32 $0xC, v4;
	_ =	sdelay $0x3  }
0x2f6: {  	[tilespmem:s30+$0x220] =	vst v9  }
0x2f7: {  	v9 =	vld.idx.msk [tilespmem:v10+s11+$0x0], $0xffff;
	_ =	sdelay $0x1  }
0x2f8: {  	v10 =	vor.u32 $0xC, v5;
	_ =	sdelay $0x3  }
0x2f9: {  	[tilespmem:s30+$0x230] =	vst v9  }
0x2fa: {  	v9 =	vld.idx.msk [tilespmem:v10+s11+$0x0], $0xffff;
	_ =	sdelay $0x1  }
0x2fb: {  	v10 =	vor.u32 $0xC, v6;
	_ =	sdelay $0x3  }
0x2fc: {  	[tilespmem:s30+$0x240] =	vst v9  }
0x2fd: {  	v9 =	vld.idx.msk [tilespmem:v10+s11+$0x0], $0xffff;
	_ =	sdelay $0x1  }
0x2fe: {  	v10 =	vor.u32 $0xC, v7;
	_ =	sdelay $0x3  }
0x2ff: {  	[tilespmem:s30+$0x250] =	vst v9  }
0x300: {  	v9 =	vld.idx.msk [tilespmem:v10+s11+$0x0], $0xffff;
	_ =	sdelay $0x1  }
0x301: {  	v10 =	vor.u32 $0xC, v8;
	_ =	sdelay $0x3  }
0x302: {  	[tilespmem:s30+$0x260] =	vst v9  }
0x303: {  	v9 =	vld.idx.msk [tilespmem:v10+s11+$0x0], $0xffff;
	_ =	sdelay $0x1  }
0x304: {  	v10 =	vor.u32 $0xD, v1;
	_ =	sdelay $0x3  }
0x305: {  	[tilespmem:s30+$0x270] =	vst v9  }
0x306: {  	v9 =	vld.idx.msk [tilespmem:v10+s11+$0x0], $0xffff;
	_ =	sdelay $0x1  }
0x307: {  	v10 =	vor.u32 $0xD, v2;
	_ =	sdelay $0x3  }
0x308: {  	[tilespmem:s30+$0x280] =	vst v9  }
0x309: {  	v9 =	vld.idx.msk [tilespmem:v10+s11+$0x0], $0xffff;
	_ =	sdelay $0x1  }
0x30a: {  	v10 =	vor.u32 $0xD, v3;
	_ =	sdelay $0x3  }
0x30b: {  	[tilespmem:s30+$0x290] =	vst v9  }
0x30c: {  	v9 =	vld.idx.msk [tilespmem:v10+s11+$0x0], $0xffff;
	_ =	sdelay $0x1  }
0x30d: {  	v10 =	vor.u32 $0xD, v4;
	_ =	sdelay $0x3  }
0x30e: {  	[tilespmem:s30+$0x2A0] =	vst v9  }
0x30f: {  	v9 =	vld.idx.msk [tilespmem:v10+s11+$0x0], $0xffff;
	_ =	sdelay $0x1  }
0x310: {  	v10 =	vor.u32 $0xD, v5;
	_ =	sdelay $0x3  }
0x311: {  	[tilespmem:s30+$0x2B0] =	vst v9  }
0x312: {  	v9 =	vld.idx.msk [tilespmem:v10+s11+$0x0], $0xffff;
	_ =	sdelay $0x1  }
0x313: {  	v10 =	vor.u32 $0xD, v6;
	_ =	sdelay $0x3  }
0x314: {  	[tilespmem:s30+$0x2C0] =	vst v9  }
0x315: {  	v9 =	vld.idx.msk [tilespmem:v10+s11+$0x0], $0xffff;
	_ =	sdelay $0x1  }
0x316: {  	v10 =	vor.u32 $0xD, v7;
	_ =	sdelay $0x3  }
0x317: {  	[tilespmem:s30+$0x2D0] =	vst v9  }
0x318: {  	v9 =	vld.idx.msk [tilespmem:v10+s11+$0x0], $0xffff;
	_ =	sdelay $0x1  }
0x319: {  	v10 =	vor.u32 $0xD, v8;
	_ =	sdelay $0x3  }
0x31a: {  	[tilespmem:s30+$0x2E0] =	vst v9  }
0x31b: {  	v9 =	vld.idx.msk [tilespmem:v10+s11+$0x0], $0xffff;
	_ =	sdelay $0x1  }
0x31c: {  	v10 =	vor.u32 $0xE, v1;
	_ =	sdelay $0x3  }
0x31d: {  	[tilespmem:s30+$0x2F0] =	vst v9  }
0x31e: {  	v9 =	vld.idx.msk [tilespmem:v10+s11+$0x0], $0xffff;
	_ =	sdelay $0x1  }
0x31f: {  	v10 =	vor.u32 $0xE, v2;
	_ =	sdelay $0x3  }
0x320: {  	[tilespmem:s30+$0x300] =	vst v9  }
0x321: {  	v9 =	vld.idx.msk [tilespmem:v10+s11+$0x0], $0xffff;
	_ =	sdelay $0x1  }
0x322: {  	v10 =	vor.u32 $0xE, v3;
	_ =	sdelay $0x3  }
0x323: {  	[tilespmem:s30+$0x310] =	vst v9  }
0x324: {  	v9 =	vld.idx.msk [tilespmem:v10+s11+$0x0], $0xffff;
	_ =	sdelay $0x1  }
0x325: {  	v10 =	vor.u32 $0xE, v4;
	_ =	sdelay $0x3  }
0x326: {  	[tilespmem:s30+$0x320] =	vst v9  }
0x327: {  	v9 =	vld.idx.msk [tilespmem:v10+s11+$0x0], $0xffff;
	_ =	sdelay $0x1  }
0x328: {  	v10 =	vor.u32 $0xE, v5;
	_ =	sdelay $0x3  }
0x329: {  	[tilespmem:s30+$0x330] =	vst v9  }
0x32a: {  	v9 =	vld.idx.msk [tilespmem:v10+s11+$0x0], $0xffff;
	_ =	sdelay $0x1  }
0x32b: {  	v10 =	vor.u32 $0xE, v6;
	_ =	sdelay $0x3  }
0x32c: {  	[tilespmem:s30+$0x340] =	vst v9  }
0x32d: {  	v9 =	vld.idx.msk [tilespmem:v10+s11+$0x0], $0xffff;
	_ =	sdelay $0x1  }
0x32e: {  	v10 =	vor.u32 $0xE, v7;
	_ =	sdelay $0x3  }
0x32f: {  	[tilespmem:s30+$0x350] =	vst v9  }
0x330: {  	v9 =	vld.idx.msk [tilespmem:v10+s11+$0x0], $0xffff;
	_ =	sdelay $0x1  }
0x331: {  	v10 =	vor.u32 $0xE, v8;
	_ =	sdelay $0x3  }
0x332: {  	[tilespmem:s30+$0x360] =	vst v9  }
0x333: {  	v9 =	vld.idx.msk [tilespmem:v10+s11+$0x0], $0xffff;
	_ =	sdelay $0x1  }
0x334: {  	v1 =	vor.u32 $0xF, v1;
	_ =	sdelay $0x3  }
0x335: {  	[tilespmem:s30+$0x370] =	vst v9  }
0x336: {  	v1 =	vld.idx.msk [tilespmem:v1+s11+$0x0], $0xffff;
	_ =	sdelay $0x1  }
0x337: {  	v2 =	vor.u32 $0xF, v2;
	_ =	sdelay $0x3  }
0x338: {  	[tilespmem:s30+$0x380] =	vst v1  }
0x339: {  	v1 =	vld.idx.msk [tilespmem:v2+s11+$0x0], $0xffff;
	_ =	sdelay $0x1  }
0x33a: {  	v2 =	vor.u32 $0xF, v3;
	_ =	sdelay $0x3  }
0x33b: {  	[tilespmem:s30+$0x390] =	vst v1  }
0x33c: {  	v1 =	vld.idx.msk [tilespmem:v2+s11+$0x0], $0xffff;
	_ =	sdelay $0x1  }
0x33d: {  	v2 =	vor.u32 $0xF, v4;
	_ =	sdelay $0x3  }
0x33e: {  	[tilespmem:s30+$0x3A0] =	vst v1  }
0x33f: {  	v1 =	vld.idx.msk [tilespmem:v2+s11+$0x0], $0xffff;
	_ =	sdelay $0x1  }
0x340: {  	v2 =	vor.u32 $0xF, v5;
	_ =	sdelay $0x3  }
0x341: {  	[tilespmem:s30+$0x3B0] =	vst v1  }
0x342: {  	v1 =	vld.idx.msk [tilespmem:v2+s11+$0x0], $0xffff;
	_ =	sdelay $0x1  }
0x343: {  	v2 =	vor.u32 $0xF, v6;
	_ =	sdelay $0x3  }
0x344: {  	[tilespmem:s30+$0x3C0] =	vst v1  }
0x345: {  	v1 =	vld.idx.msk [tilespmem:v2+s11+$0x0], $0xffff;
	_ =	sdelay $0x1  }
0x346: {  	v2 =	vor.u32 $0xF, v7;
	_ =	sdelay $0x3  }
0x347: {  	[tilespmem:s30+$0x3D0] =	vst v1  }
0x348: {  	v2 =	vld.idx.msk [tilespmem:v2+s11+$0x0], $0xffff;
	_ =	sdelay $0x1  }
.Ltmp0:
0x349: {  	v1 =	vor.u32 $0xF, v8;
	(pc) =	sbr.rel @p0 .LBB2_3-.Ltmp0, $2  }
0x34a: {  	_ =	sdelay $0x2  }
0x34b: {  	s0 =	sadd.s32 $0x80, s0;
	s2 =	sadd.s32 $0xFFFFFF90, s31;
	[tilespmem:s30+$0x3E0] =	vst v2  }
0x34c: {  	_ =	sdelay $0x2  }
0x34d: {  	v2 =	vmov s2  }
0x34e: {  	v3 =	vld.idx.msk [tilespmem:v1+s11+$0x0], $0xffff;
	v1 =	vshll.u32 v2, $0x4  }
0x34f: {  	v1 =	vor.u32 v0, v1;
	_ =	sdelay $0x2  }
0x350: {  	s0 =	sadd.s32 $0xFFFFFFA0, s31  }
0x351: {  	v2 =	vmov s0;
	[tilespmem:s30+$0x3F0] =	vst v3  }
0x352: {  	v2 =	vshll.u32 v2, $0x4;
	v3 =	vld.idx.msk [tilespmem:v1+s11+$0x0], $0xffff  }
0x353: {  	v2 =	vor.u32 v0, v2;
	_ =	sdelay $0x2  }
0x354: {  	s0 =	sadd.s32 $0x800, s30;
	s30 =	sadd.s32 $0xFFFFFFB0, s31  }
0x355: {  	[tilespmem:s0+$0xFFFFFC00] =	vst v3;
	v3 =	vmov s30  }
0x356: {  	v4 =	vld.idx.msk [tilespmem:v2+s11+$0x0], $0xffff;
	v3 =	vshll.u32 v3, $0x4  }
0x357: {  	v3 =	vor.u32 v0, v3;
	_ =	sdelay $0x2  }
0x358: {  	s30 =	sadd.s32 $0xFFFFFFC0, s31  }
0x359: {  	v52 =	vmov s30;
	[tilespmem:s0+$0xFFFFFC10] =	vst v4  }
0x35a: {  	v4 =	vshll.u32 v52, $0x4;
	v5 =	vld.idx.msk [tilespmem:v3+s11+$0x0], $0xffff  }
0x35b: {  	v4 =	vor.u32 v0, v4;
	_ =	sdelay $0x2  }
0x35c: {  	s30 =	sadd.s32 $0xFFFFFFD0, s31  }
0x35d: {  	v53 =	vmov s30;
	[tilespmem:s0+$0xFFFFFC20] =	vst v5  }
0x35e: {  	v5 =	vshll.u32 v53, $0x4;
	v6 =	vld.idx.msk [tilespmem:v4+s11+$0x0], $0xffff  }
0x35f: {  	v5 =	vor.u32 v0, v5;
	_ =	sdelay $0x2  }
0x360: {  	s30 =	sadd.s32 $0xFFFFFFE0, s31  }
0x361: {  	v54 =	vmov s30;
	[tilespmem:s0+$0xFFFFFC30] =	vst v6  }
0x362: {  	v6 =	vshll.u32 v54, $0x4;
	v7 =	vld.idx.msk [tilespmem:v5+s11+$0x0], $0xffff  }
0x363: {  	v6 =	vor.u32 v0, v6;
	_ =	sdelay $0x2  }
0x364: {  	s30 =	sadd.s32 $0xFFFFFFF0, s31  }
0x365: {  	v55 =	vmov s30;
	[tilespmem:s0+$0xFFFFFC40] =	vst v7  }
0x366: {  	v7 =	vshll.u32 v55, $0x4;
	v8 =	vld.idx.msk [tilespmem:v6+s11+$0x0], $0xffff  }
0x367: {  	v7 =	vor.u32 v0, v7;
	_ =	sdelay $0x3  }
0x368: {  	v56 =	vmov s31;
	[tilespmem:s0+$0xFFFFFC50] =	vst v8  }
0x369: {  	v8 =	vshll.u32 v56, $0x4;
	v9 =	vld.idx.msk [tilespmem:v7+s11+$0x0], $0xffff  }
0x36a: {  	v8 =	vor.u32 v0, v8;
	_ =	sdelay $0x3  }
0x36b: {  	[tilespmem:s0+$0xFFFFFC60] =	vst v9  }
0x36c: {  	v9 =	vld.idx.msk [tilespmem:v8+s11+$0x0], $0xffff  }
0x36d: {  	v10 =	vor.u32 $0x1, v1;
	_ =	sdelay $0x3  }
0x36e: {  	[tilespmem:s0+$0xFFFFFC70] =	vst v9  }
0x36f: {  	v9 =	vld.idx.msk [tilespmem:v10+s11+$0x0], $0xffff  }
0x370: {  	v57 =	vor.u32 $0x1, v2;
	_ =	sdelay $0x3  }
0x371: {  	[tilespmem:s0+$0xFFFFFC80] =	vst v9  }
0x372: {  	v9 =	vld.idx.msk [tilespmem:v57+s11+$0x0], $0xffff  }
0x373: {  	v58 =	vor.u32 $0x1, v3;
	_ =	sdelay $0x3  }
0x374: {  	[tilespmem:s0+$0xFFFFFC90] =	vst v9  }
0x375: {  	v9 =	vld.idx.msk [tilespmem:v58+s11+$0x0], $0xffff  }
0x376: {  	v59 =	vor.u32 $0x1, v4;
	_ =	sdelay $0x3  }
0x377: {  	[tilespmem:s0+$0xFFFFFCA0] =	vst v9  }
0x378: {  	v9 =	vld.idx.msk [tilespmem:v59+s11+$0x0], $0xffff  }
0x379: {  	v60 =	vor.u32 $0x1, v5;
	_ =	sdelay $0x3  }
0x37a: {  	[tilespmem:s0+$0xFFFFFCB0] =	vst v9  }
0x37b: {  	v9 =	vld.idx.msk [tilespmem:v60+s11+$0x0], $0xffff  }
0x37c: {  	v61 =	vor.u32 $0x1, v6;
	_ =	sdelay $0x3  }
0x37d: {  	[tilespmem:s0+$0xFFFFFCC0] =	vst v9  }
0x37e: {  	v9 =	vld.idx.msk [tilespmem:v61+s11+$0x0], $0xffff  }
0x37f: {  	v62 =	vor.u32 $0x1, v7;
	_ =	sdelay $0x3  }
0x380: {  	[tilespmem:s0+$0xFFFFFCD0] =	vst v9  }
0x381: {  	v9 =	vld.idx.msk [tilespmem:v62+s11+$0x0], $0xffff  }
0x382: {  	v63 =	vor.u32 $0x1, v8;
	_ =	sdelay $0x3  }
0x383: {  	[tilespmem:s0+$0xFFFFFCE0] =	vst v9  }
0x384: {  	v9 =	vld.idx.msk [tilespmem:v63+s11+$0x0], $0xffff  }
0x385: {  	v12 =	vor.u32 $0x2, v1;
	_ =	sdelay $0x3  }
0x386: {  	[tilespmem:s0+$0xFFFFFCF0] =	vst v9  }
0x387: {  	v9 =	vld.idx.msk [tilespmem:v12+s11+$0x0], $0xffff  }
0x388: {  	v13 =	vor.u32 $0x2, v2;
	_ =	sdelay $0x3  }
0x389: {  	[tilespmem:s0+$0xFFFFFD00] =	vst v9  }
0x38a: {  	v9 =	vld.idx.msk [tilespmem:v13+s11+$0x0], $0xffff  }
0x38b: {  	v14 =	vor.u32 $0x2, v3;
	_ =	sdelay $0x3  }
0x38c: {  	[tilespmem:s0+$0xFFFFFD10] =	vst v9  }
0x38d: {  	v9 =	vld.idx.msk [tilespmem:v14+s11+$0x0], $0xffff  }
0x38e: {  	v15 =	vor.u32 $0x2, v4;
	_ =	sdelay $0x3  }
0x38f: {  	[tilespmem:s0+$0xFFFFFD20] =	vst v9  }
0x390: {  	v9 =	vld.idx.msk [tilespmem:v15+s11+$0x0], $0xffff  }
0x391: {  	v16 =	vor.u32 $0x2, v5;
	_ =	sdelay $0x3  }
0x392: {  	[tilespmem:s0+$0xFFFFFD30] =	vst v9  }
0x393: {  	v9 =	vld.idx.msk [tilespmem:v16+s11+$0x0], $0xffff  }
0x394: {  	v17 =	vor.u32 $0x2, v6;
	_ =	sdelay $0x3  }
0x395: {  	[tilespmem:s0+$0xFFFFFD40] =	vst v9  }
0x396: {  	v9 =	vld.idx.msk [tilespmem:v17+s11+$0x0], $0xffff  }
0x397: {  	v18 =	vor.u32 $0x2, v7;
	_ =	sdelay $0x3  }
0x398: {  	[tilespmem:s0+$0xFFFFFD50] =	vst v9  }
0x399: {  	v9 =	vld.idx.msk [tilespmem:v18+s11+$0x0], $0xffff  }
0x39a: {  	v19 =	vor.u32 $0x2, v8;
	_ =	sdelay $0x3  }
0x39b: {  	[tilespmem:s0+$0xFFFFFD60] =	vst v9  }
0x39c: {  	v9 =	vld.idx.msk [tilespmem:v19+s11+$0x0], $0xffff  }
0x39d: {  	v20 =	vor.u32 $0x3, v1;
	_ =	sdelay $0x3  }
0x39e: {  	[tilespmem:s0+$0xFFFFFD70] =	vst v9  }
0x39f: {  	v9 =	vld.idx.msk [tilespmem:v20+s11+$0x0], $0xffff  }
0x3a0: {  	v21 =	vor.u32 $0x3, v2;
	_ =	sdelay $0x3  }
0x3a1: {  	[tilespmem:s0+$0xFFFFFD80] =	vst v9  }
0x3a2: {  	v9 =	vld.idx.msk [tilespmem:v21+s11+$0x0], $0xffff  }
0x3a3: {  	v22 =	vor.u32 $0x3, v3;
	_ =	sdelay $0x3  }
0x3a4: {  	[tilespmem:s0+$0xFFFFFD90] =	vst v9  }
0x3a5: {  	v9 =	vld.idx.msk [tilespmem:v22+s11+$0x0], $0xffff  }
0x3a6: {  	v23 =	vor.u32 $0x3, v4;
	_ =	sdelay $0x3  }
0x3a7: {  	[tilespmem:s0+$0xFFFFFDA0] =	vst v9  }
0x3a8: {  	v9 =	vld.idx.msk [tilespmem:v23+s11+$0x0], $0xffff  }
0x3a9: {  	v24 =	vor.u32 $0x3, v5;
	_ =	sdelay $0x3  }
0x3aa: {  	[tilespmem:s0+$0xFFFFFDB0] =	vst v9  }
0x3ab: {  	v9 =	vld.idx.msk [tilespmem:v24+s11+$0x0], $0xffff  }
0x3ac: {  	v25 =	vor.u32 $0x3, v6;
	_ =	sdelay $0x3  }
0x3ad: {  	[tilespmem:s0+$0xFFFFFDC0] =	vst v9  }
0x3ae: {  	v9 =	vld.idx.msk [tilespmem:v25+s11+$0x0], $0xffff  }
0x3af: {  	v26 =	vor.u32 $0x3, v7;
	_ =	sdelay $0x3  }
0x3b0: {  	[tilespmem:s0+$0xFFFFFDD0] =	vst v9  }
0x3b1: {  	v9 =	vld.idx.msk [tilespmem:v26+s11+$0x0], $0xffff  }
0x3b2: {  	v27 =	vor.u32 $0x3, v8;
	_ =	sdelay $0x3  }
0x3b3: {  	[tilespmem:s0+$0xFFFFFDE0] =	vst v9  }
0x3b4: {  	v9 =	vld.idx.msk [tilespmem:v27+s11+$0x0], $0xffff  }
0x3b5: {  	v28 =	vor.u32 $0x4, v1;
	_ =	sdelay $0x3  }
0x3b6: {  	[tilespmem:s0+$0xFFFFFDF0] =	vst v9  }
0x3b7: {  	v9 =	vld.idx.msk [tilespmem:v28+s11+$0x0], $0xffff  }
0x3b8: {  	v29 =	vor.u32 $0x4, v2;
	_ =	sdelay $0x3  }
0x3b9: {  	[tilespmem:s0+$0xFFFFFE00] =	vst v9  }
0x3ba: {  	v9 =	vld.idx.msk [tilespmem:v29+s11+$0x0], $0xffff  }
0x3bb: {  	v30 =	vor.u32 $0x4, v3;
	_ =	sdelay $0x3  }
0x3bc: {  	[tilespmem:s0+$0xFFFFFE10] =	vst v9  }
0x3bd: {  	v9 =	vld.idx.msk [tilespmem:v30+s11+$0x0], $0xffff  }
0x3be: {  	v31 =	vor.u32 $0x4, v4;
	_ =	sdelay $0x3  }
0x3bf: {  	[tilespmem:s0+$0xFFFFFE20] =	vst v9  }
0x3c0: {  	v9 =	vld.idx.msk [tilespmem:v31+s11+$0x0], $0xffff  }
0x3c1: {  	v32 =	vor.u32 $0x4, v5;
	_ =	sdelay $0x3  }
0x3c2: {  	[tilespmem:s0+$0xFFFFFE30] =	vst v9  }
0x3c3: {  	v9 =	vld.idx.msk [tilespmem:v32+s11+$0x0], $0xffff  }
0x3c4: {  	v33 =	vor.u32 $0x4, v6;
	_ =	sdelay $0x3  }
0x3c5: {  	[tilespmem:s0+$0xFFFFFE40] =	vst v9  }
0x3c6: {  	v9 =	vld.idx.msk [tilespmem:v33+s11+$0x0], $0xffff  }
0x3c7: {  	v34 =	vor.u32 $0x4, v7;
	_ =	sdelay $0x3  }
0x3c8: {  	[tilespmem:s0+$0xFFFFFE50] =	vst v9  }
0x3c9: {  	v9 =	vld.idx.msk [tilespmem:v34+s11+$0x0], $0xffff  }
0x3ca: {  	v35 =	vor.u32 $0x4, v8;
	_ =	sdelay $0x3  }
0x3cb: {  	[tilespmem:s0+$0xFFFFFE60] =	vst v9  }
0x3cc: {  	v9 =	vld.idx.msk [tilespmem:v35+s11+$0x0], $0xffff  }
0x3cd: {  	v36 =	vor.u32 $0x5, v1;
	_ =	sdelay $0x3  }
0x3ce: {  	[tilespmem:s0+$0xFFFFFE70] =	vst v9  }
0x3cf: {  	v9 =	vld.idx.msk [tilespmem:v36+s11+$0x0], $0xffff  }
0x3d0: {  	v37 =	vor.u32 $0x5, v2;
	_ =	sdelay $0x3  }
0x3d1: {  	[tilespmem:s0+$0xFFFFFE80] =	vst v9  }
0x3d2: {  	v9 =	vld.idx.msk [tilespmem:v37+s11+$0x0], $0xffff  }
0x3d3: {  	v38 =	vor.u32 $0x5, v3;
	_ =	sdelay $0x3  }
0x3d4: {  	[tilespmem:s0+$0xFFFFFE90] =	vst v9  }
0x3d5: {  	v9 =	vld.idx.msk [tilespmem:v38+s11+$0x0], $0xffff  }
0x3d6: {  	v39 =	vor.u32 $0x5, v4;
	_ =	sdelay $0x3  }
0x3d7: {  	[tilespmem:s0+$0xFFFFFEA0] =	vst v9  }
0x3d8: {  	v9 =	vld.idx.msk [tilespmem:v39+s11+$0x0], $0xffff  }
0x3d9: {  	v40 =	vor.u32 $0x5, v5;
	_ =	sdelay $0x3  }
0x3da: {  	[tilespmem:s0+$0xFFFFFEB0] =	vst v9  }
0x3db: {  	v9 =	vld.idx.msk [tilespmem:v40+s11+$0x0], $0xffff  }
0x3dc: {  	v41 =	vor.u32 $0x5, v6;
	_ =	sdelay $0x3  }
0x3dd: {  	[tilespmem:s0+$0xFFFFFEC0] =	vst v9  }
0x3de: {  	v9 =	vld.idx.msk [tilespmem:v41+s11+$0x0], $0xffff  }
0x3df: {  	v42 =	vor.u32 $0x5, v7;
	_ =	sdelay $0x3  }
0x3e0: {  	[tilespmem:s0+$0xFFFFFED0] =	vst v9  }
0x3e1: {  	v9 =	vld.idx.msk [tilespmem:v42+s11+$0x0], $0xffff  }
0x3e2: {  	v43 =	vor.u32 $0x5, v8;
	_ =	sdelay $0x3  }
0x3e3: {  	[tilespmem:s0+$0xFFFFFEE0] =	vst v9  }
0x3e4: {  	v9 =	vld.idx.msk [tilespmem:v43+s11+$0x0], $0xffff  }
0x3e5: {  	v44 =	vor.u32 $0x6, v1;
	_ =	sdelay $0x3  }
0x3e6: {  	[tilespmem:s0+$0xFFFFFEF0] =	vst v9  }
0x3e7: {  	v9 =	vld.idx.msk [tilespmem:v44+s11+$0x0], $0xffff  }
0x3e8: {  	v45 =	vor.u32 $0x6, v2;
	_ =	sdelay $0x3  }
0x3e9: {  	[tilespmem:s0+$0xFFFFFF00] =	vst v9  }
0x3ea: {  	v9 =	vld.idx.msk [tilespmem:v45+s11+$0x0], $0xffff  }
0x3eb: {  	v46 =	vor.u32 $0x6, v3;
	_ =	sdelay $0x3  }
0x3ec: {  	[tilespmem:s0+$0xFFFFFF10] =	vst v9  }
0x3ed: {  	v9 =	vld.idx.msk [tilespmem:v46+s11+$0x0], $0xffff  }
0x3ee: {  	v47 =	vor.u32 $0x6, v4;
	_ =	sdelay $0x3  }
0x3ef: {  	[tilespmem:s0+$0xFFFFFF20] =	vst v9  }
0x3f0: {  	v9 =	vld.idx.msk [tilespmem:v47+s11+$0x0], $0xffff  }
0x3f1: {  	v48 =	vor.u32 $0x6, v5;
	_ =	sdelay $0x3  }
0x3f2: {  	[tilespmem:s0+$0xFFFFFF30] =	vst v9  }
0x3f3: {  	v9 =	vld.idx.msk [tilespmem:v48+s11+$0x0], $0xffff  }
0x3f4: {  	v49 =	vor.u32 $0x6, v6;
	_ =	sdelay $0x3  }
0x3f5: {  	[tilespmem:s0+$0xFFFFFF40] =	vst v9  }
0x3f6: {  	v9 =	vld.idx.msk [tilespmem:v49+s11+$0x0], $0xffff  }
0x3f7: {  	v50 =	vor.u32 $0x6, v7;
	_ =	sdelay $0x3  }
0x3f8: {  	[tilespmem:s0+$0xFFFFFF50] =	vst v9  }
0x3f9: {  	v9 =	vld.idx.msk [tilespmem:v50+s11+$0x0], $0xffff  }
0x3fa: {  	v51 =	vor.u32 $0x6, v8;
	_ =	sdelay $0x3  }
0x3fb: {  	[tilespmem:s0+$0xFFFFFF60] =	vst v9  }
0x3fc: {  	v9 =	vld.idx.msk [tilespmem:v51+s11+$0x0], $0xffff  }
0x3fd: {  	v52 =	vor.u32 $0x7, v1;
	_ =	sdelay $0x3  }
0x3fe: {  	[tilespmem:s0+$0xFFFFFF70] =	vst v9  }
0x3ff: {  	v9 =	vld.idx.msk [tilespmem:v52+s11+$0x0], $0xffff  }
0x400: {  	v53 =	vor.u32 $0x7, v2;
	_ =	sdelay $0x3  }
0x401: {  	[tilespmem:s0+$0xFFFFFF80] =	vst v9  }
0x402: {  	v9 =	vld.idx.msk [tilespmem:v53+s11+$0x0], $0xffff  }
0x403: {  	v54 =	vor.u32 $0x7, v3;
	_ =	sdelay $0x3  }
0x404: {  	[tilespmem:s0+$0xFFFFFF90] =	vst v9  }
0x405: {  	v9 =	vld.idx.msk [tilespmem:v54+s11+$0x0], $0xffff  }
0x406: {  	v55 =	vor.u32 $0x7, v4;
	_ =	sdelay $0x3  }
0x407: {  	[tilespmem:s0+$0xFFFFFFA0] =	vst v9  }
0x408: {  	v9 =	vld.idx.msk [tilespmem:v55+s11+$0x0], $0xffff  }
0x409: {  	v56 =	vor.u32 $0x7, v5;
	_ =	sdelay $0x3  }
0x40a: {  	[tilespmem:s0+$0xFFFFFFB0] =	vst v9  }
0x40b: {  	v9 =	vld.idx.msk [tilespmem:v56+s11+$0x0], $0xffff  }
0x40c: {  	v57 =	vor.u32 $0x7, v6;
	_ =	sdelay $0x3  }
0x40d: {  	[tilespmem:s0+$0xFFFFFFC0] =	vst v9  }
0x40e: {  	v9 =	vld.idx.msk [tilespmem:v57+s11+$0x0], $0xffff  }
0x40f: {  	v58 =	vor.u32 $0x7, v7;
	_ =	sdelay $0x3  }
0x410: {  	[tilespmem:s0+$0xFFFFFFD0] =	vst v9  }
0x411: {  	v9 =	vld.idx.msk [tilespmem:v58+s11+$0x0], $0xffff  }
0x412: {  	v59 =	vor.u32 $0x7, v8;
	_ =	sdelay $0x3  }
0x413: {  	[tilespmem:s0+$0xFFFFFFE0] =	vst v9  }
0x414: {  	v9 =	vld.idx.msk [tilespmem:v59+s11+$0x0], $0xffff  }
0x415: {  	v60 =	vor.u32 $0x8, v1;
	_ =	sdelay $0x3  }
0x416: {  	[tilespmem:s0+$0xFFFFFFF0] =	vst v9  }
0x417: {  	v9 =	vld.idx.msk [tilespmem:v60+s11+$0x0], $0xffff  }
0x418: {  	v61 =	vor.u32 $0x8, v2;
	_ =	sdelay $0x3  }
0x419: {  	[tilespmem:s0+$0x0] =	vst v9  }
0x41a: {  	v9 =	vld.idx.msk [tilespmem:v61+s11+$0x0], $0xffff  }
0x41b: {  	v62 =	vor.u32 $0x8, v3;
	_ =	sdelay $0x3  }
0x41c: {  	[tilespmem:s0+$0x10] =	vst v9  }
0x41d: {  	v9 =	vld.idx.msk [tilespmem:v62+s11+$0x0], $0xffff  }
0x41e: {  	v63 =	vor.u32 $0x8, v4;
	_ =	sdelay $0x3  }
0x41f: {  	[tilespmem:s0+$0x20] =	vst v9  }
0x420: {  	v9 =	vld.idx.msk [tilespmem:v63+s11+$0x0], $0xffff  }
0x421: {  	v12 =	vor.u32 $0x8, v5;
	_ =	sdelay $0x3  }
0x422: {  	[tilespmem:s0+$0x30] =	vst v9  }
0x423: {  	v9 =	vld.idx.msk [tilespmem:v12+s11+$0x0], $0xffff  }
0x424: {  	v13 =	vor.u32 $0x8, v6;
	_ =	sdelay $0x3  }
0x425: {  	[tilespmem:s0+$0x40] =	vst v9  }
0x426: {  	v9 =	vld.idx.msk [tilespmem:v13+s11+$0x0], $0xffff  }
0x427: {  	v14 =	vor.u32 $0x8, v7;
	_ =	sdelay $0x3  }
0x428: {  	[tilespmem:s0+$0x50] =	vst v9  }
0x429: {  	v9 =	vld.idx.msk [tilespmem:v14+s11+$0x0], $0xffff  }
0x42a: {  	v15 =	vor.u32 $0x8, v8;
	_ =	sdelay $0x3  }
0x42b: {  	[tilespmem:s0+$0x60] =	vst v9  }
0x42c: {  	v9 =	vld.idx.msk [tilespmem:v15+s11+$0x0], $0xffff  }
0x42d: {  	v16 =	vor.u32 $0x9, v1;
	_ =	sdelay $0x3  }
0x42e: {  	[tilespmem:s0+$0x70] =	vst v9  }
0x42f: {  	v9 =	vld.idx.msk [tilespmem:v16+s11+$0x0], $0xffff  }
0x430: {  	v17 =	vor.u32 $0x9, v2;
	_ =	sdelay $0x3  }
0x431: {  	[tilespmem:s0+$0x80] =	vst v9  }
0x432: {  	v9 =	vld.idx.msk [tilespmem:v17+s11+$0x0], $0xffff  }
0x433: {  	v18 =	vor.u32 $0x9, v3;
	_ =	sdelay $0x3  }
0x434: {  	[tilespmem:s0+$0x90] =	vst v9  }
0x435: {  	v9 =	vld.idx.msk [tilespmem:v18+s11+$0x0], $0xffff  }
0x436: {  	v19 =	vor.u32 $0x9, v4;
	_ =	sdelay $0x3  }
0x437: {  	[tilespmem:s0+$0xA0] =	vst v9  }
0x438: {  	v9 =	vld.idx.msk [tilespmem:v19+s11+$0x0], $0xffff  }
0x439: {  	v20 =	vor.u32 $0x9, v5;
	_ =	sdelay $0x3  }
0x43a: {  	[tilespmem:s0+$0xB0] =	vst v9  }
0x43b: {  	v9 =	vld.idx.msk [tilespmem:v20+s11+$0x0], $0xffff  }
0x43c: {  	v21 =	vor.u32 $0x9, v6;
	_ =	sdelay $0x3  }
0x43d: {  	[tilespmem:s0+$0xC0] =	vst v9  }
0x43e: {  	v9 =	vld.idx.msk [tilespmem:v21+s11+$0x0], $0xffff  }
0x43f: {  	v22 =	vor.u32 $0x9, v7;
	_ =	sdelay $0x3  }
0x440: {  	[tilespmem:s0+$0xD0] =	vst v9  }
0x441: {  	v9 =	vld.idx.msk [tilespmem:v22+s11+$0x0], $0xffff  }
0x442: {  	v23 =	vor.u32 $0x9, v8;
	_ =	sdelay $0x3  }
0x443: {  	[tilespmem:s0+$0xE0] =	vst v9  }
0x444: {  	v9 =	vld.idx.msk [tilespmem:v23+s11+$0x0], $0xffff  }
0x445: {  	v24 =	vor.u32 $0xA, v1;
	_ =	sdelay $0x3  }
0x446: {  	[tilespmem:s0+$0xF0] =	vst v9  }
0x447: {  	v9 =	vld.idx.msk [tilespmem:v24+s11+$0x0], $0xffff  }
0x448: {  	v25 =	vor.u32 $0xA, v2;
	_ =	sdelay $0x3  }
0x449: {  	[tilespmem:s0+$0x100] =	vst v9  }
0x44a: {  	v9 =	vld.idx.msk [tilespmem:v25+s11+$0x0], $0xffff  }
0x44b: {  	v26 =	vor.u32 $0xA, v3;
	_ =	sdelay $0x3  }
0x44c: {  	[tilespmem:s0+$0x110] =	vst v9  }
0x44d: {  	v9 =	vld.idx.msk [tilespmem:v26+s11+$0x0], $0xffff  }
0x44e: {  	v27 =	vor.u32 $0xA, v4;
	_ =	sdelay $0x3  }
0x44f: {  	[tilespmem:s0+$0x120] =	vst v9  }
0x450: {  	v9 =	vld.idx.msk [tilespmem:v27+s11+$0x0], $0xffff  }
0x451: {  	v28 =	vor.u32 $0xA, v5;
	_ =	sdelay $0x3  }
0x452: {  	[tilespmem:s0+$0x130] =	vst v9  }
0x453: {  	v9 =	vld.idx.msk [tilespmem:v28+s11+$0x0], $0xffff  }
0x454: {  	v29 =	vor.u32 $0xA, v6;
	_ =	sdelay $0x3  }
0x455: {  	[tilespmem:s0+$0x140] =	vst v9  }
0x456: {  	v9 =	vld.idx.msk [tilespmem:v29+s11+$0x0], $0xffff  }
0x457: {  	v30 =	vor.u32 $0xA, v7;
	_ =	sdelay $0x3  }
0x458: {  	[tilespmem:s0+$0x150] =	vst v9  }
0x459: {  	v9 =	vld.idx.msk [tilespmem:v30+s11+$0x0], $0xffff  }
0x45a: {  	v31 =	vor.u32 $0xA, v8;
	_ =	sdelay $0x3  }
0x45b: {  	[tilespmem:s0+$0x160] =	vst v9  }
0x45c: {  	v9 =	vld.idx.msk [tilespmem:v31+s11+$0x0], $0xffff  }
0x45d: {  	v32 =	vor.u32 $0xB, v1;
	_ =	sdelay $0x3  }
0x45e: {  	[tilespmem:s0+$0x170] =	vst v9  }
0x45f: {  	v9 =	vld.idx.msk [tilespmem:v32+s11+$0x0], $0xffff  }
0x460: {  	v33 =	vor.u32 $0xB, v2;
	_ =	sdelay $0x3  }
0x461: {  	[tilespmem:s0+$0x180] =	vst v9  }
0x462: {  	v9 =	vld.idx.msk [tilespmem:v33+s11+$0x0], $0xffff  }
0x463: {  	v34 =	vor.u32 $0xB, v3;
	_ =	sdelay $0x3  }
0x464: {  	[tilespmem:s0+$0x190] =	vst v9  }
0x465: {  	v9 =	vld.idx.msk [tilespmem:v34+s11+$0x0], $0xffff  }
0x466: {  	v35 =	vor.u32 $0xB, v4;
	_ =	sdelay $0x3  }
0x467: {  	[tilespmem:s0+$0x1A0] =	vst v9  }
0x468: {  	v9 =	vld.idx.msk [tilespmem:v35+s11+$0x0], $0xffff  }
0x469: {  	v36 =	vor.u32 $0xB, v5;
	_ =	sdelay $0x3  }
0x46a: {  	[tilespmem:s0+$0x1B0] =	vst v9  }
0x46b: {  	v9 =	vld.idx.msk [tilespmem:v36+s11+$0x0], $0xffff  }
0x46c: {  	v37 =	vor.u32 $0xB, v6;
	_ =	sdelay $0x3  }
0x46d: {  	[tilespmem:s0+$0x1C0] =	vst v9  }
0x46e: {  	v9 =	vld.idx.msk [tilespmem:v37+s11+$0x0], $0xffff  }
0x46f: {  	v38 =	vor.u32 $0xB, v7;
	_ =	sdelay $0x3  }
0x470: {  	[tilespmem:s0+$0x1D0] =	vst v9  }
0x471: {  	v9 =	vld.idx.msk [tilespmem:v38+s11+$0x0], $0xffff  }
0x472: {  	v39 =	vor.u32 $0xB, v8;
	_ =	sdelay $0x3  }
0x473: {  	[tilespmem:s0+$0x1E0] =	vst v9  }
0x474: {  	v9 =	vld.idx.msk [tilespmem:v39+s11+$0x0], $0xffff  }
0x475: {  	v40 =	vor.u32 $0xC, v1;
	_ =	sdelay $0x3  }
0x476: {  	[tilespmem:s0+$0x1F0] =	vst v9  }
0x477: {  	v9 =	vld.idx.msk [tilespmem:v40+s11+$0x0], $0xffff  }
0x478: {  	v41 =	vor.u32 $0xC, v2;
	_ =	sdelay $0x3  }
0x479: {  	[tilespmem:s0+$0x200] =	vst v9  }
0x47a: {  	v9 =	vld.idx.msk [tilespmem:v41+s11+$0x0], $0xffff  }
0x47b: {  	v42 =	vor.u32 $0xC, v3;
	_ =	sdelay $0x3  }
0x47c: {  	[tilespmem:s0+$0x210] =	vst v9  }
0x47d: {  	v9 =	vld.idx.msk [tilespmem:v42+s11+$0x0], $0xffff  }
0x47e: {  	v43 =	vor.u32 $0xC, v4;
	_ =	sdelay $0x3  }
0x47f: {  	[tilespmem:s0+$0x220] =	vst v9  }
0x480: {  	v9 =	vld.idx.msk [tilespmem:v43+s11+$0x0], $0xffff  }
0x481: {  	v44 =	vor.u32 $0xC, v5;
	_ =	sdelay $0x3  }
0x482: {  	[tilespmem:s0+$0x230] =	vst v9  }
0x483: {  	v9 =	vld.idx.msk [tilespmem:v44+s11+$0x0], $0xffff  }
0x484: {  	v45 =	vor.u32 $0xC, v6;
	_ =	sdelay $0x3  }
0x485: {  	[tilespmem:s0+$0x240] =	vst v9  }
0x486: {  	v9 =	vld.idx.msk [tilespmem:v45+s11+$0x0], $0xffff  }
0x487: {  	v46 =	vor.u32 $0xC, v7;
	_ =	sdelay $0x3  }
0x488: {  	[tilespmem:s0+$0x250] =	vst v9  }
0x489: {  	v9 =	vld.idx.msk [tilespmem:v46+s11+$0x0], $0xffff  }
0x48a: {  	v47 =	vor.u32 $0xC, v8;
	_ =	sdelay $0x3  }
0x48b: {  	[tilespmem:s0+$0x260] =	vst v9  }
0x48c: {  	v9 =	vld.idx.msk [tilespmem:v47+s11+$0x0], $0xffff  }
0x48d: {  	v48 =	vor.u32 $0xD, v1;
	_ =	sdelay $0x3  }
0x48e: {  	[tilespmem:s0+$0x270] =	vst v9  }
0x48f: {  	v9 =	vld.idx.msk [tilespmem:v48+s11+$0x0], $0xffff  }
0x490: {  	v49 =	vor.u32 $0xD, v2;
	_ =	sdelay $0x3  }
0x491: {  	[tilespmem:s0+$0x280] =	vst v9  }
0x492: {  	v9 =	vld.idx.msk [tilespmem:v49+s11+$0x0], $0xffff  }
0x493: {  	v50 =	vor.u32 $0xD, v3;
	_ =	sdelay $0x3  }
0x494: {  	[tilespmem:s0+$0x290] =	vst v9  }
0x495: {  	v9 =	vld.idx.msk [tilespmem:v50+s11+$0x0], $0xffff  }
0x496: {  	v51 =	vor.u32 $0xD, v4;
	_ =	sdelay $0x3  }
0x497: {  	[tilespmem:s0+$0x2A0] =	vst v9  }
0x498: {  	v9 =	vld.idx.msk [tilespmem:v51+s11+$0x0], $0xffff  }
0x499: {  	v52 =	vor.u32 $0xD, v5;
	_ =	sdelay $0x3  }
0x49a: {  	[tilespmem:s0+$0x2B0] =	vst v9  }
0x49b: {  	v9 =	vld.idx.msk [tilespmem:v52+s11+$0x0], $0xffff  }
0x49c: {  	v53 =	vor.u32 $0xD, v6;
	_ =	sdelay $0x3  }
0x49d: {  	[tilespmem:s0+$0x2C0] =	vst v9  }
0x49e: {  	v9 =	vld.idx.msk [tilespmem:v53+s11+$0x0], $0xffff  }
0x49f: {  	v54 =	vor.u32 $0xD, v7;
	_ =	sdelay $0x3  }
0x4a0: {  	[tilespmem:s0+$0x2D0] =	vst v9  }
0x4a1: {  	v9 =	vld.idx.msk [tilespmem:v54+s11+$0x0], $0xffff  }
0x4a2: {  	v55 =	vor.u32 $0xD, v8;
	_ =	sdelay $0x3  }
0x4a3: {  	[tilespmem:s0+$0x2E0] =	vst v9  }
0x4a4: {  	v9 =	vld.idx.msk [tilespmem:v55+s11+$0x0], $0xffff  }
0x4a5: {  	v56 =	vor.u32 $0xE, v1;
	_ =	sdelay $0x3  }
0x4a6: {  	[tilespmem:s0+$0x2F0] =	vst v9  }
0x4a7: {  	v9 =	vld.idx.msk [tilespmem:v56+s11+$0x0], $0xffff  }
0x4a8: {  	v57 =	vor.u32 $0xE, v2;
	_ =	sdelay $0x3  }
0x4a9: {  	[tilespmem:s0+$0x300] =	vst v9  }
0x4aa: {  	v9 =	vld.idx.msk [tilespmem:v57+s11+$0x0], $0xffff  }
0x4ab: {  	v58 =	vor.u32 $0xE, v3;
	_ =	sdelay $0x3  }
0x4ac: {  	[tilespmem:s0+$0x310] =	vst v9  }
0x4ad: {  	v9 =	vld.idx.msk [tilespmem:v58+s11+$0x0], $0xffff  }
0x4ae: {  	v59 =	vor.u32 $0xE, v4;
	_ =	sdelay $0x3  }
0x4af: {  	[tilespmem:s0+$0x320] =	vst v9  }
0x4b0: {  	v9 =	vld.idx.msk [tilespmem:v59+s11+$0x0], $0xffff  }
0x4b1: {  	v60 =	vor.u32 $0xE, v5;
	_ =	sdelay $0x3  }
0x4b2: {  	[tilespmem:s0+$0x330] =	vst v9  }
0x4b3: {  	v9 =	vld.idx.msk [tilespmem:v60+s11+$0x0], $0xffff  }
0x4b4: {  	v61 =	vor.u32 $0xE, v6;
	_ =	sdelay $0x3  }
0x4b5: {  	[tilespmem:s0+$0x340] =	vst v9  }
0x4b6: {  	v9 =	vld.idx.msk [tilespmem:v61+s11+$0x0], $0xffff  }
0x4b7: {  	v62 =	vor.u32 $0xE, v7;
	_ =	sdelay $0x3  }
0x4b8: {  	[tilespmem:s0+$0x350] =	vst v9  }
0x4b9: {  	v9 =	vld.idx.msk [tilespmem:v62+s11+$0x0], $0xffff  }
0x4ba: {  	v63 =	vor.u32 $0xE, v8;
	_ =	sdelay $0x3  }
0x4bb: {  	[tilespmem:s0+$0x360] =	vst v9  }
0x4bc: {  	v9 =	vld.idx.msk [tilespmem:v63+s11+$0x0], $0xffff  }
0x4bd: {  	v1 =	vor.u32 $0xF, v1;
	_ =	sdelay $0x3  }
0x4be: {  	[tilespmem:s0+$0x370] =	vst v9  }
0x4bf: {  	v1 =	vld.idx.msk [tilespmem:v1+s11+$0x0], $0xffff  }
0x4c0: {  	v2 =	vor.u32 $0xF, v2;
	_ =	sdelay $0x3  }
0x4c1: {  	[tilespmem:s0+$0x380] =	vst v1  }
0x4c2: {  	v1 =	vld.idx.msk [tilespmem:v2+s11+$0x0], $0xffff  }
0x4c3: {  	v2 =	vor.u32 $0xF, v3;
	_ =	sdelay $0x3  }
0x4c4: {  	[tilespmem:s0+$0x390] =	vst v1  }
0x4c5: {  	v1 =	vld.idx.msk [tilespmem:v2+s11+$0x0], $0xffff  }
0x4c6: {  	v2 =	vor.u32 $0xF, v4;
	_ =	sdelay $0x3  }
0x4c7: {  	[tilespmem:s0+$0x3A0] =	vst v1  }
0x4c8: {  	v1 =	vld.idx.msk [tilespmem:v2+s11+$0x0], $0xffff  }
0x4c9: {  	v2 =	vor.u32 $0xF, v5;
	_ =	sdelay $0x3  }
0x4ca: {  	[tilespmem:s0+$0x3B0] =	vst v1  }
0x4cb: {  	v1 =	vld.idx.msk [tilespmem:v2+s11+$0x0], $0xffff  }
0x4cc: {  	v2 =	vor.u32 $0xF, v6;
	_ =	sdelay $0x3  }
0x4cd: {  	[tilespmem:s0+$0x3C0] =	vst v1  }
0x4ce: {  	v1 =	vld.idx.msk [tilespmem:v2+s11+$0x0], $0xffff  }
0x4cf: {  	v2 =	vor.u32 $0xF, v7;
	_ =	sdelay $0x3  }
0x4d0: {  	[tilespmem:s0+$0x3D0] =	vst v1  }
0x4d1: {  	v1 =	vld.idx.msk [tilespmem:v2+s11+$0x0], $0xffff  }
0x4d2: {  	v2 =	vor.u32 $0xF, v8;
	_ =	sdelay $0x3  }
0x4d3: {  	[tilespmem:s0+$0x3E0] =	vst v1  }
0x4d4: {  	v1 =	vld.idx.msk [tilespmem:v2+s11+$0x0], $0xffff;
	_ =	sdelay $0x1  }
0x4d5: {  	s30 =	sshll.u32 s29, $0xE  }
0x4d6: {  	s29 =	sadd.s32 $0x1, s29;
	s2 =	sadd.s32 s7, s30  }
0x4d7: {  	p0 =	sne.s32 s29, $0x19;
	s2 =	sshrl.u32 s2, $0x3  }
.Ltmp1:
0x4d8: {  	s31 =	sadd.s32 s3, s2;
	[tilespmem:s0+$0x3F0] =	vst v1;
	(pc) =	sbr.rel @p0 .LBB2_2-.Ltmp1, $4  }
0x4d9: {  	[hbm4b:s31+s4] =	stream.linear.scatter [tilespmem:s26], [sflag:$0x2], $0x4000, $0x38;
	[tilespmem:$0x8400] =	vst v63  }
0x4da: {  	_ =	swait.ge [sflag:s9], $0x4000  }
0x4db: {  	[sflag:s9] =	ssyncset.done $0x0  }
0x4dc: {  	[sflag:s9] =	ssyncadd.s32 $0xFFFFC000  }
0x4dd: {  	s28 =	sadd.s32 $0x1, s28  }
0x4de: {  	p0 =	sne.s32 s28, s8  }
.Ltmp2:
0x4df: {  	_ = 	snop;
	(pc) =	sbr.rel @p0 .LBB2_1-.Ltmp2, $1  }
0x4e0: {  	_ =	sdelay $0x3  }
0x4e1: {  	_ =	sfence.sel $0x180000  }
0x4e2: {  	[bflag:$0x0] =	sbarrier.arrive $0xFFFF  }
0x4e3: {  	_ =	strace $0x90000047  }
0x4e4: {  	s0 =	stileid.u32;
	[bflag:$0x2] =	sbarrier.arrive $0xFFFF  }
0x4e5: {  	p0 =	sne.s32 s0, $0x0;
	s0 =	rddreg [dreg:$0x3]  }
0x4e6: {  	s0 =	sadd.s32 @!p0 $0x100000, s0  }
0x4e7: {  	[sflag:s0] =	ssyncadd.tile.s32 @!p0 $0x1;
	_ =	shalt  }
.Lfunc_end2:
_tile_overlayer_lowered:
.L_overlay_start_2:
0x4e8: {  	(tag) =	ssettag $0x2  }
0x4e9: {  	s0 =	rddreg [dreg:$0x0];
	s2 =	stileid.u32  }
0x4ea: {  	s1 =	rddreg [dreg:$0x1];
	p0 =	sne.s32 s2, $0x0  }
0x4eb: {  	s3 =	rddreg [dreg:$0x2];
	[bflag:$0x3] =	sbarrier.arrive $0xFFFF;
	s2 =	simm.s32 @!p0 $0x1C02  }
0x4ec: {  	[timem:s3], [sflag:s2] =	dma.local @!p0 [hbm:s0], s1  }
0x4ed: {  	s0 =	simm.s32 @!p0 $0x2  }
0x4ee: {  	_ =	swait.ge @!p0 [sflag:s0], s1  }
0x4ef: {  	s1 =	ssub.s32 @!p0 $0x0, s1;
	[sflag:s0] =	ssyncset.done @!p0 $0x0  }
0x4f0: {  	[sflag:s0] =	ssyncadd.s32 @!p0 s1  }
0x4f1: {  	[bflag:$0x3] =	sbarrier.arrive $0xFFFF  }
0x4f2: {  	_ =	shalt  }

// kernel: kernel.8.cloned.1.call-start
scs
__scs_entry_jumppad:
0x0: {  	(pc) =	sbr.rel $0x88, $3  }
0x1: {  	(tag) =	ssettag $0x0;
	lr =	simm.s32 $0x1  }
0x2: {  	[smem:$0x3F9C] =	sst lr;
	_ =	strace $0xD0000000  }
0x3: {  	_ = 	snop  }
0x4: {  	_ = 	snop  }
0x5: {  	_ = 	snop  }
0x6: {  	_ = 	snop  }
0x7: {  	_ = 	snop  }
__scs_overlays_trampoline_lowered:
0x8: {  	[smem:$0x3FAB] =	sst s0  }
0x9: {  	[smem:$0x3FAC] =	sst s1  }
0xa: {  	[smem:$0x3FAD] =	sst s2  }
0xb: {  	[smem:$0x3FAE] =	sst s3  }
0xc: {  	[smem:$0x3FAF] =	sst s4  }
0xd: {  	[smem:$0x3FB0] =	sst s5  }
0xe: {  	[smem:$0x3FB1] =	sst s6  }
0xf: {  	[smem:$0x3FB2] =	sst s7  }
0x10: {  	[smem:$0x3FB3] =	sst s8  }
0x11: {  	[smem:$0x3FB4] =	sst s9;
	s0 =	simm.s32 @!p0 $0x0  }
0x12: {  	s1 =	sld [smem:$0x3F9A];
	s0 =	simm.s32 @p0 $0x1  }
0x13: {  	[smem:$0x3FB5] =	sst s0;
	s0 =	simm.s32 @!p1 $0x0  }
0x14: {  	s2 =	sld [smem:$0x3F99];
	s0 =	simm.s32 @p1 $0x1  }
0x15: {  	[smem:$0x3FB6] =	sst s0;
	s0 =	simm.s32 @!p2 $0x0  }
0x16: {  	s3 =	sld [smem:$0x3FDB];
	s0 =	simm.s32 @p2 $0x1  }
0x17: {  	s4 =	simm.s32 $0x1BF5;
	[smem:$0x3FB8] =	sst s0  }
0x18: {  	s0 =	sld [smem:$0x3F9B];
	_ =	swait.ge [sflag:s4], $0x0  }
0x19: {  	s7 =	sld [smem:$0x3F9C]  }
0x1a: {  	s8 =	sadd.s32 $0xFFFFE003, lr  }
0x1b: {  	s9 =	sadd.s32 $0xFFFFFEF7, lr;
	s5 =	simm.s32 $0xFFFFFFFF;
	p2 =	slt.u32 s8, $0xFFFFF086  }
0x1c: {  	p1 =	slt.u32 s9, $0xF7A;
	s5 =	simm.s32 @!p2 $0x0  }
0x1d: {  	s5 =	simm.s32 @p1 $0x1;
	p0 =	seq.s32 s7, s2  }
0x1e: {  	s7 =	smul.u32 @!p0 $0xF7A, s2;
	p2 =	seq.s32 @!p0 s5, $0x0  }
0x1f: {  	s9 =	smul.u32 $0xF7A, s1;
	s8 =	simm.s32 @!p0 $0x1BF5;
	p2 =	por !p2, p0  }
0x20: {  	[sflag:s8] =	ssyncset.s32 @!p0 $0xFFFFF086;
	s6 =	sadd.s32 @!p0 s3, s7;
	s7 =	simm.s32 @!p0 $0x108  }
0x21: {  	s3 =	sadd.s32 s3, s9;
	s6 =	sadd.s32 @!p0 $0x88, s6;
	s7 =	simm.s32 @p2 $0x1082  }
0x22: {  	[simem:s7], [sflag:s8] =	dma.local @!p0 [hbm:s6], $0xF7A  }
0x23: {  	s9 =	sor.u32 $0xD0000000, s2;
	s6 =	simm.s32 $0x108;
	_ =	swait.ge @!p0 [sflag:s8], $0x0  }
0x24: {  	s3 =	sadd.s32 $0x88, s3;
	s6 =	simm.s32 @!p1 $0x1082;
	[sflag:s4] =	ssyncset.s32 $0xFFFFF086  }
0x25: {  	[simem:s6], [sflag:s4] =	dma.local [hbm:s3], $0xF7A  }
0x26: {  	[smem:$0x3F9C] =	sst s1;
	(tag) =	ssettag s2;
	_ =	strace s9  }
0x27: {  	s1 =	sld [smem:$0x3FAC]  }
0x28: {  	s2 =	sld [smem:$0x3FAD]  }
0x29: {  	s4 =	sld [smem:$0x3FAF]  }
0x2a: {  	p0 =	seq.s32 s5, $0x0;
	s5 =	sld [smem:$0x3FB0]  }
0x2b: {  	s6 =	sld [smem:$0x3FB1]  }
0x2c: {  	s7 =	sld [smem:$0x3FB2]  }
0x2d: {  	s3 =	simm.s32 $0x108;
	s8 =	sld [smem:$0x3FB3]  }
0x2e: {  	s3 =	simm.s32 @!p0 $0x1082;
	s9 =	sld [smem:$0x3FB4]  }
0x2f: {  	lr =	sadd.s32 s0, s3;
	s0 =	sld [smem:$0x3FAB]  }
0x30: {  	s3 =	sld [smem:$0x3FAE]  }
0x31: {  	[smem:$0x3FB7] =	sst s10  }
0x32: {  	s10 =	sld [smem:$0x3FB5];
	_ =	sdelay $0x3  }
0x33: {  	p0 =	seq.s32 s10, $0x1;
	s10 =	sld [smem:$0x3FB7];
	_ =	sdelay $0x3  }
0x34: {  	[smem:$0x3FB7] =	sst s10  }
0x35: {  	s10 =	sld [smem:$0x3FB6];
	_ =	sdelay $0x3  }
0x36: {  	p1 =	seq.s32 s10, $0x1;
	s10 =	sld [smem:$0x3FB7];
	_ =	sdelay $0x3  }
0x37: {  	[smem:$0x3FB7] =	sst s10  }
0x38: {  	s10 =	sld [smem:$0x3FB8]  }
0x39: {  	_ = 	snop;
	(pc) =	sbr.ind lr, $3  }
0x3a: {  	_ = 	snop  }
0x3b: {  	_ = 	snop  }
0x3c: {  	p2 =	seq.s32 s10, $0x1;
	s10 =	sld [smem:$0x3FB7]  }
0x3d: {  	_ =	shalt  }
0x3e: {  	_ =	shalt  }
0x3f: {  	_ =	shalt  }
0x40: {  	_ =	shalt  }
0x41: {  	_ =	shalt  }
0x42: {  	_ =	shalt  }
0x43: {  	_ =	shalt  }
0x44: {  	_ =	shalt  }
0x45: {  	_ =	shalt  }
0x46: {  	_ =	shalt  }
0x47: {  	_ =	shalt  }
0x48: {  	_ =	shalt  }
0x49: {  	_ =	shalt  }
0x4a: {  	_ =	shalt  }
0x4b: {  	_ =	shalt  }
0x4c: {  	_ =	shalt  }
0x4d: {  	_ =	shalt  }
0x4e: {  	_ =	shalt  }
0x4f: {  	_ =	shalt  }
0x50: {  	_ =	shalt  }
0x51: {  	_ =	shalt  }
0x52: {  	_ =	shalt  }
0x53: {  	_ =	shalt  }
0x54: {  	_ =	shalt  }
0x55: {  	_ =	shalt  }
0x56: {  	_ =	shalt  }
0x57: {  	_ =	shalt  }
0x58: {  	_ =	shalt  }
0x59: {  	_ =	shalt  }
0x5a: {  	_ =	shalt  }
0x5b: {  	_ =	shalt  }
0x5c: {  	_ =	shalt  }
0x5d: {  	_ =	shalt  }
0x5e: {  	_ =	shalt  }
0x5f: {  	_ =	shalt  }
0x60: {  	_ =	shalt  }
0x61: {  	_ =	shalt  }
0x62: {  	_ =	shalt  }
0x63: {  	_ =	shalt  }
0x64: {  	_ =	shalt  }
0x65: {  	_ =	shalt  }
0x66: {  	_ =	shalt  }
0x67: {  	_ =	shalt  }
0x68: {  	_ =	shalt  }
0x69: {  	_ =	shalt  }
0x6a: {  	_ =	shalt  }
0x6b: {  	_ =	shalt  }
0x6c: {  	_ =	shalt  }
0x6d: {  	_ =	shalt  }
0x6e: {  	_ =	shalt  }
0x6f: {  	_ =	shalt  }
0x70: {  	_ =	shalt  }
0x71: {  	_ =	shalt  }
0x72: {  	_ =	shalt  }
0x73: {  	_ =	shalt  }
0x74: {  	_ =	shalt  }
0x75: {  	_ =	shalt  }
0x76: {  	_ =	shalt  }
0x77: {  	_ =	shalt  }
0x78: {  	_ =	shalt  }
0x79: {  	_ =	shalt  }
0x7a: {  	_ =	shalt  }
0x7b: {  	_ =	shalt  }
0x7c: {  	_ =	shalt  }
0x7d: {  	_ =	shalt  }
0x7e: {  	_ =	shalt  }
0x7f: {  	_ =	shalt  }
0x80: {  	_ =	shalt  }
0x81: {  	_ =	shalt  }
0x82: {  	_ =	shalt  }
0x83: {  	_ =	shalt  }
0x84: {  	_ =	shalt  }
0x85: {  	_ =	shalt  }
0x86: {  	_ =	shalt  }
0x87: {  	_ =	shalt  }
.Lfunc_end0:
.L_simem_size_0:
called_computation.1_lowered:
.L_overlay_start_0:
0x88: {  	s2 =	sld [smem:$0x3FD9]  }
0x89: {  	s3 =	sld [smem:$0x3FFE];
	_ =	sdelay $0x1  }
0x8a: {  	s1 =	srdreg.scid  }
0x8b: {  	s0 =	sand.u32 $0x1, s1  }
0x8c: {  	s15 =	sshll.u32 s0, $0xA;
	s2 =	sadd.s32 s3, s2  }
0x8d: {  	s2 =	sadd.s32 s2, s15  }
0x8e: {  	[smem:$0x3FC3] =	sst s2  }
0x8f: {  	_ = 	snop  }
0x90: {  	s2 =	sld [smem:$0x3FD0];
	_ =	sdelay $0x2  }
0x91: {  	s16 =	simm.s32 $0xB;
	s4 =	simm.s32 $0x10  }
0x92: {  	[smem:s4], [sflag:s16] =	dma.local [hbm:s2], $0x1  }
0x93: {  	_ =	swait.eq [sflag:s16], $0x1  }
0x94: {  	[sflag:s16] =	ssyncset.done $0x0  }
0x95: {  	s17 =	sld [smem:$0x10];
	[sflag:s16] =	ssyncadd.s32 $0xFFFFFFFF  }
0x96: {  	s18 =	sld [smem:$0x12];
	(tm) =	ssettm $0x1  }
0x97: {  	s19 =	sld [smem:$0x3FFB];
	_ =	sdelay $0x3  }
0x98: {  	_ =	strace s19  }
0x99: {  	s2 =	sld [smem:$0x3FFC];
	_ =	sdelay $0x3  }
0x9a: {  	_ =	strace s2  }
0x9b: {  	s2 =	sld [smem:$0x3FFD];
	_ =	sdelay $0x3  }
0x9c: {  	_ =	strace s2  }
0x9d: {  	_ =	strace $0x8FFFFFFF  }
0x9e: {  	s20 =	sld [smem:$0x3FDB];
	_ =	sdelay $0x1  }
0x9f: {  	s5 =	simm.s32 $_scs_section_size  }
0xa0: {  	s6 =	simm.s32 $_size__tile_overlayer_lowered;
	s7 =	simm.s32 $_tile_overlayer_lowered  }
0xa1: {  	s8 =	simm.s32 $0x1BFF;
	s21 =	sshll.u32 s7, $0x1;
	s5 =	sadd.s32 s5, s20  }
0xa2: {  	s22 =	simm.s32 $0x0;
	s6 =	sshll.u32 s6, $0x1;
	s7 =	sadd.s32 s21, s5  }
0xa3: {  	[timem:s22], [sflag:s8] =	dma.local [hbm:s7], s6  }
0xa4: {  	_ =	swait.ge [sflag:s8], s6  }
0xa5: {  	s6 =	ssub.s32 $0x0, s6;
	[sflag:s8] =	ssyncset.done $0x0  }
0xa6: {  	[sflag:s8] =	ssyncadd.s32 s6;
	_ =	sdelay $0x1  }
0xa7: {  	s23 =	simm.s32 $0x1B8B  }
0xa8: {  	_ =	swait.ge [sflag:s23], $0x1  }
0xa9: {  	[sflag:s23] =	ssyncset.done $0x0  }
0xaa: {  	[sflag:s23] =	ssyncadd.s32 $0xFFFFFFFF  }
0xab: {  	s6 =	sld [smem:$0x0]  }
0xac: {  	s7 =	sand.u32 $0xFFFFFFFE, s1  }
0xad: {  	p0 =	sne.s32 s1, s7  }
0xae: {  	s7 =	sshll.u32 @p0 s7, $0xE  }
0xaf: {  	s7 =	sadd.s32 @p0 $0x11B8D, s7;
	s8 =	sshll.u32 @p0 s6, $0x11  }
0xb0: {  	s7 =	sor.u32 @p0 s8, s7  }
0xb1: {  	[sflag:s7] =	ssyncadd.remote.s32 @p0 $0x1;
	_ =	sdelay $0x1  }
0xb2: {  	s7 =	simm.s32 @p0 $0x1B8D  }
0xb3: {  	_ =	swait.eq @p0 [sflag:s7], $0x1  }
0xb4: {  	[sflag:s7] =	ssyncadd.s32 @p0 $0xFFFFFFFF  }
0xb5: {  	s8 =	sshll.u32 @!p0 s1, $0xE  }
0xb6: {  	s8 =	sor.u32 @!p0 $0x4000, s8;
	s7 =	simm.s32 @!p0 $0x1B8D  }
0xb7: {  	s6 =	sshll.u32 @!p0 s6, $0x11;
	s8 =	sadd.s32 @!p0 $0x11B8D, s8;
	_ =	swait.eq @!p0 [sflag:s7], $0x1  }
0xb8: {  	s6 =	sor.u32 @!p0 s6, s8;
	[sflag:s7] =	ssyncadd.s32 @!p0 $0xFFFFFFFF  }
0xb9: {  	s25 =	simm.s32 $0x1B8E;
	s24 =	sld [smem:$0x3FFE];
	[sflag:s6] =	ssyncadd.remote.s32 @!p0 $0x1  }
0xba: {  	s26 =	simm.s32 $execute0_lowered;
	[smem:$0x3FD2] =	sst s25  }
0xbb: {  	s7 =	sshll.u32 s26, $0x1;
	_ =	strace $0x80000049;
	[dreg:$0x1] =	wrdreg $0xFFFFFFFF  }
0xbc: {  	s28 =	simm.s32 $_size_execute0_lowered;
	s5 =	sadd.s32 s5, s7;
	[dreg:$0x0] =	wrdreg $0x0  }
0xbd: {  	s7 =	sshll.u32 s28, $0x1;
	[dreg:$0x2] =	wrdreg s5  }
0xbe: {  	[dreg:$0x3] =	wrdreg s7  }
0xbf: {  	[dreg:$0x4] =	wrdreg $0xC0  }
0xc0: {  	_ =	task [dreg:s22], $0x5FFFF  }
0xc1: {  	[dreg:$0x1] =	wrdreg $0xFFFFFFFF  }
0xc2: {  	[dreg:$0x0] =	wrdreg $0x60  }
0xc3: {  	[dreg:$0x2] =	wrdreg s17  }
0xc4: {  	[dreg:$0x3] =	wrdreg s24  }
0xc5: {  	[dreg:$0x4] =	wrdreg s18  }
0xc6: {  	[dreg:$0x5] =	wrdreg $0xA  }
0xc7: {  	_ =	task.clear_ibuf [dreg:s22], $0x6FFFF;
	_ =	strace $0x90000049  }
0xc8: {  	s29 =	simm.s32 $0xA;
	_ =	strace $0x8000004B  }
0xc9: {  	_ =	swait.ge [sflag:s29], $0x1  }
0xca: {  	[sflag:s29] =	ssyncadd.s32 $0xFFFFFFFF  }
0xcb: {  	_ =	strace $0x9000004B  }
0xcc: {  	_ =	sfence  }
0xcd: {  	s30 =	sld [smem:$0x0];
	_ =	sdelay $0x2  }
0xce: {  	s31 =	sshll.u32 s1, $0xD;
	s1 =	sshrl.u32 s1, $0x2  }
0xcf: {  	s4 =	sand.u32 $0x4000, s31;
	s1 =	sadd.s32 s1, s30  }
0xd0: {  	s0 =	sor.u32 s4, s0;
	s1 =	sshll.u32 s1, $0x11  }
0xd1: {  	s0 =	sor.u32 s1, s0  }
0xd2: {  	s0 =	sadd.s32 $0x8F2B, s0  }
0xd3: {  	[sflag:s0] =	ssyncadd.remote.s32 $0x1  }
0xd4: {  	_ =	sfence.sel $0xFFFF  }
0xd5: {  	[dreg:$0x0] =	wrdreg $0xFFFFFFFF;
	(pc) =	sbr.abs _section_cstart, $3  }
0xd6: {  	[dreg:$0x1] =	wrdreg $0xFFFFFFFF  }
0xd7: {  	_ =	task.clear_ibuf [dreg:s22], $0x2FFFF;
	_ =	strace $0x9FFFFFFF  }
0xd8: {  	(tm) =	ssettm $0x7FFFFFFF  }
0xd9: {  	_ =	shalt  }
tec
execute0_lowered:
.L_overlay_start_1:
0x0: {  	(tag) =	ssettag $0x1  }
0x1: {  	s1 =	rddreg [dreg:$0x0]  }
0x2: {  	s0 =	rddreg [dreg:$0x1]  }
0x3: {  	s3 =	rddreg [dreg:$0x2];
	s2 =	srdreg.scid  }
0x4: {  	s4 =	simm.s32 $0x0;
	s5 =	stileid.u32;
	s9 =	simm.s32 $0x2  }
0x5: {  	s10 =	simm.s32 $0x80;
	s11 =	simm.s32 $0x400;
	s12 =	simm.s32 $0xC00  }
0x6: {  	s13 =	simm.s32 $0x100;
	s14 =	simm.s32 $0x1400;
	s15 =	simm.s32 $0x180  }
0x7: {  	s16 =	simm.s32 $0x1C00;
	s17 =	simm.s32 $0x200;
	s18 =	simm.s32 $0x2400  }
0x8: {  	s19 =	simm.s32 $0x280;
	s20 =	simm.s32 $0x2C00;
	s21 =	simm.s32 $0x300  }
0x9: {  	s22 =	simm.s32 $0x3400;
	s23 =	simm.s32 $0x380;
	s24 =	simm.s32 $0x3C00  }
0xa: {  	s25 =	simm.s32 $0x1;
	s26 =	simm.s32 $0x4400;
	s2 =	sand.u32 $0x1, s2  }
0xb: {  	s28 =	simm.s32 $0x0;
	s5 =	sshll.u32 s5, $0x1;
	s6 =	ssub.s32 $0x2, s2  }
0xc: {  	[smem:$0x7FF] =	sst s4;
	s2 =	sor.u32 s2, s5;
	s7 =	sshrl.u32 s6, $0x1  }
0xd: {  	v0 =	vlaneseq.u32;
	_ =	strace $0x8000004A;
	s31 =	ssub.s32 s6, s7;
	s6 =	smul.u32 $0x6400, s2  }
0xe: {  	v0 =	vmul.u32 $0x10, v0;
	s5 =	sadd.s32 $0x112B600, s0;
	s7 =	smul.u32 $0x64000, s2;
	s8 =	smax.u32 s31, $0x1  }
.LBB2_1:
0xf: {  	s29 =	simm.s32 $0x0  }
.LBB2_2:
0x10: {  	s0 =	sshll.u32 s29, $0xA  }
0x11: {  	s0 =	sadd.s32 s6, s0  }
0x12: {  	s0 =	sshrl.u32 s0, $0x3  }
0x13: {  	s0 =	sadd.s32 s1, s0  }
0x14: {  	[tilespmem:s4], [sflag:$0x2] =	stream.linear.gather [hbm4b:s0+s4], $0x400, $0x38;
	[tilespmem:$0x8400] =	vst v63  }
0x15: {  	_ =	swait.ge [sflag:s9], $0x400  }
0x16: {  	[sflag:s9] =	ssyncset.done $0x0  }
0x17: {  	[sflag:s9] =	ssyncadd.s32 $0xFFFFFC00  }
0x18: {  	[tilespmem:s11], [sflag:$0x1] =	stream.indirect.gather [hbm4b:s5+s10], $0x10, s4, s10, $0xb8;
	[tilespmem:$0x8400] =	vst v63  }
0x19: {  	_ = 	snop  }
0x1a: {  	[tilespmem:s12], [sflag:$0x1] =	stream.indirect.gather [hbm4b:s5+s10], $0x10, s10, s10, $0xb8;
	[tilespmem:$0x8400] =	vst v63  }
0x1b: {  	_ = 	snop  }
0x1c: {  	[tilespmem:s14], [sflag:$0x1] =	stream.indirect.gather [hbm4b:s5+s10], $0x10, s13, s10, $0xb8;
	[tilespmem:$0x8400] =	vst v63  }
0x1d: {  	_ = 	snop  }
0x1e: {  	[tilespmem:s16], [sflag:$0x1] =	stream.indirect.gather [hbm4b:s5+s10], $0x10, s15, s10, $0xb8;
	[tilespmem:$0x8400] =	vst v63  }
0x1f: {  	_ = 	snop  }
0x20: {  	[tilespmem:s18], [sflag:$0x1] =	stream.indirect.gather [hbm4b:s5+s10], $0x10, s17, s10, $0xb8;
	[tilespmem:$0x8400] =	vst v63  }
0x21: {  	_ = 	snop  }
0x22: {  	[tilespmem:s20], [sflag:$0x1] =	stream.indirect.gather [hbm4b:s5+s10], $0x10, s19, s10, $0xb8;
	[tilespmem:$0x8400] =	vst v63  }
0x23: {  	_ = 	snop  }
0x24: {  	[tilespmem:s22], [sflag:$0x1] =	stream.indirect.gather [hbm4b:s5+s10], $0x10, s21, s10, $0xb8;
	[tilespmem:$0x8400] =	vst v63  }
0x25: {  	_ = 	snop  }
0x26: {  	[tilespmem:s24], [sflag:$0x1] =	stream.indirect.gather [hbm4b:s5+s10], $0x10, s23, s10, $0xb8;
	[tilespmem:$0x8400] =	vst v63  }
0x27: {  	_ =	swait.ge [sflag:s25], $0x800  }
0x28: {  	[sflag:s25] =	ssyncset.done $0x0  }
0x29: {  	[sflag:s25] =	ssyncadd.s32 $0xFFFFF800  }
0x2a: {  	_ =	swait.ge [sflag:s25], $0x800  }
0x2b: {  	[sflag:s25] =	ssyncset.done $0x0  }
0x2c: {  	[sflag:s25] =	ssyncadd.s32 $0xFFFFF800  }
0x2d: {  	_ =	swait.ge [sflag:s25], $0x800  }
0x2e: {  	[sflag:s25] =	ssyncset.done $0x0  }
0x2f: {  	[sflag:s25] =	ssyncadd.s32 $0xFFFFF800  }
0x30: {  	_ =	swait.ge [sflag:s25], $0x800  }
0x31: {  	[sflag:s25] =	ssyncset.done $0x0  }
0x32: {  	[sflag:s25] =	ssyncadd.s32 $0xFFFFF800  }
0x33: {  	_ =	swait.ge [sflag:s25], $0x800  }
0x34: {  	[sflag:s25] =	ssyncset.done $0x0  }
0x35: {  	[sflag:s25] =	ssyncadd.s32 $0xFFFFF800  }
0x36: {  	_ =	swait.ge [sflag:s25], $0x800  }
0x37: {  	s2 =	simm.s32 $0x0;
	[sflag:s25] =	ssyncset.done $0x0  }
0x38: {  	v1 =	vmov s2;
	[sflag:s25] =	ssyncadd.s32 $0xFFFFF800  }
0x39: {  	v1 =	vshll.u32 v1, $0x4;
	_ =	swait.ge [sflag:s25], $0x800  }
0x3a: {  	v1 =	vor.u32 v0, v1;
	[sflag:s25] =	ssyncset.done $0x0  }
0x3b: {  	[sflag:s25] =	ssyncadd.s32 $0xFFFFF800  }
0x3c: {  	_ =	swait.ge [sflag:s25], $0x800  }
0x3d: {  	s2 =	simm.s32 $0x10;
	[sflag:s25] =	ssyncset.done $0x0  }
0x3e: {  	v2 =	vmov s2;
	[sflag:s25] =	ssyncadd.s32 $0xFFFFF800  }
0x3f: {  	v2 =	vshll.u32 v2, $0x4;
	v3 =	vld.idx.msk [tilespmem:v1+s11+$0x0], $0xffff  }
0x40: {  	v2 =	vor.u32 v0, v2;
	_ =	sdelay $0x2  }
0x41: {  	s30 =	simm.s32 $0x4800;
	s2 =	simm.s32 $0x20  }
0x42: {  	[tilespmem:s30+$0xFFFFFC00] =	vst v3;
	v3 =	vmov s2  }
0x43: {  	v4 =	vld.idx.msk [tilespmem:v2+s11+$0x0], $0xffff;
	v3 =	vshll.u32 v3, $0x4  }
0x44: {  	v3 =	vor.u32 v0, v3;
	_ =	sdelay $0x2  }
0x45: {  	s2 =	simm.s32 $0x30  }
0x46: {  	v52 =	vmov s2;
	[tilespmem:s30+$0xFFFFFC10] =	vst v4  }
0x47: {  	v4 =	vshll.u32 v52, $0x4;
	v5 =	vld.idx.msk [tilespmem:v3+s11+$0x0], $0xffff  }
0x48: {  	v4 =	vor.u32 v0, v4;
	_ =	sdelay $0x2  }
0x49: {  	s2 =	simm.s32 $0x40  }
0x4a: {  	v53 =	vmov s2;
	[tilespmem:s30+$0xFFFFFC20] =	vst v5  }
0x4b: {  	v5 =	vshll.u32 v53, $0x4;
	v6 =	vld.idx.msk [tilespmem:v4+s11+$0x0], $0xffff  }
0x4c: {  	v5 =	vor.u32 v0, v5;
	_ =	sdelay $0x2  }
0x4d: {  	s2 =	simm.s32 $0x50  }
0x4e: {  	v54 =	vmov s2;
	[tilespmem:s30+$0xFFFFFC30] =	vst v6  }
0x4f: {  	v6 =	vshll.u32 v54, $0x4;
	v7 =	vld.idx.msk [tilespmem:v5+s11+$0x0], $0xffff  }
0x50: {  	v6 =	vor.u32 v0, v6;
	_ =	sdelay $0x2  }
0x51: {  	s2 =	simm.s32 $0x60  }
0x52: {  	v55 =	vmov s2;
	[tilespmem:s30+$0xFFFFFC40] =	vst v7  }
0x53: {  	v7 =	vshll.u32 v55, $0x4;
	v8 =	vld.idx.msk [tilespmem:v6+s11+$0x0], $0xffff  }
0x54: {  	v7 =	vor.u32 v0, v7;
	_ =	sdelay $0x2  }
0x55: {  	s2 =	simm.s32 $0x70  }
0x56: {  	v56 =	vmov s2;
	[tilespmem:s30+$0xFFFFFC50] =	vst v8  }
0x57: {  	v8 =	vshll.u32 v56, $0x4;
	v9 =	vld.idx.msk [tilespmem:v7+s11+$0x0], $0xffff  }
0x58: {  	v8 =	vor.u32 v0, v8;
	_ =	sdelay $0x3  }
0x59: {  	[tilespmem:s30+$0xFFFFFC60] =	vst v9  }
0x5a: {  	v9 =	vld.idx.msk [tilespmem:v8+s11+$0x0], $0xffff  }
0x5b: {  	v10 =	vor.u32 $0x1, v1;
	_ =	sdelay $0x3  }
0x5c: {  	[tilespmem:s30+$0xFFFFFC70] =	vst v9  }
0x5d: {  	v9 =	vld.idx.msk [tilespmem:v10+s11+$0x0], $0xffff  }
0x5e: {  	v57 =	vor.u32 $0x1, v2;
	_ =	sdelay $0x3  }
0x5f: {  	[tilespmem:s30+$0xFFFFFC80] =	vst v9  }
0x60: {  	v9 =	vld.idx.msk [tilespmem:v57+s11+$0x0], $0xffff  }
0x61: {  	v58 =	vor.u32 $0x1, v3;
	_ =	sdelay $0x3  }
0x62: {  	[tilespmem:s30+$0xFFFFFC90] =	vst v9  }
0x63: {  	v9 =	vld.idx.msk [tilespmem:v58+s11+$0x0], $0xffff  }
0x64: {  	v59 =	vor.u32 $0x1, v4;
	_ =	sdelay $0x3  }
0x65: {  	[tilespmem:s30+$0xFFFFFCA0] =	vst v9  }
0x66: {  	v9 =	vld.idx.msk [tilespmem:v59+s11+$0x0], $0xffff  }
0x67: {  	v60 =	vor.u32 $0x1, v5;
	_ =	sdelay $0x3  }
0x68: {  	[tilespmem:s30+$0xFFFFFCB0] =	vst v9  }
0x69: {  	v9 =	vld.idx.msk [tilespmem:v60+s11+$0x0], $0xffff  }
0x6a: {  	v61 =	vor.u32 $0x1, v6;
	_ =	sdelay $0x3  }
0x6b: {  	[tilespmem:s30+$0xFFFFFCC0] =	vst v9  }
0x6c: {  	v9 =	vld.idx.msk [tilespmem:v61+s11+$0x0], $0xffff  }
0x6d: {  	v62 =	vor.u32 $0x1, v7;
	_ =	sdelay $0x3  }
0x6e: {  	[tilespmem:s30+$0xFFFFFCD0] =	vst v9  }
0x6f: {  	v9 =	vld.idx.msk [tilespmem:v62+s11+$0x0], $0xffff  }
0x70: {  	v63 =	vor.u32 $0x1, v8;
	_ =	sdelay $0x3  }
0x71: {  	[tilespmem:s30+$0xFFFFFCE0] =	vst v9  }
0x72: {  	v9 =	vld.idx.msk [tilespmem:v63+s11+$0x0], $0xffff  }
0x73: {  	v12 =	vor.u32 $0x2, v1;
	_ =	sdelay $0x3  }
0x74: {  	[tilespmem:s30+$0xFFFFFCF0] =	vst v9  }
0x75: {  	v9 =	vld.idx.msk [tilespmem:v12+s11+$0x0], $0xffff  }
0x76: {  	v13 =	vor.u32 $0x2, v2;
	_ =	sdelay $0x3  }
0x77: {  	[tilespmem:s30+$0xFFFFFD00] =	vst v9  }
0x78: {  	v9 =	vld.idx.msk [tilespmem:v13+s11+$0x0], $0xffff  }
0x79: {  	v14 =	vor.u32 $0x2, v3;
	_ =	sdelay $0x3  }
0x7a: {  	[tilespmem:s30+$0xFFFFFD10] =	vst v9  }
0x7b: {  	v9 =	vld.idx.msk [tilespmem:v14+s11+$0x0], $0xffff  }
0x7c: {  	v15 =	vor.u32 $0x2, v4;
	_ =	sdelay $0x3  }
0x7d: {  	[tilespmem:s30+$0xFFFFFD20] =	vst v9  }
0x7e: {  	v9 =	vld.idx.msk [tilespmem:v15+s11+$0x0], $0xffff  }
0x7f: {  	v16 =	vor.u32 $0x2, v5;
	_ =	sdelay $0x3  }
0x80: {  	[tilespmem:s30+$0xFFFFFD30] =	vst v9  }
0x81: {  	v9 =	vld.idx.msk [tilespmem:v16+s11+$0x0], $0xffff  }
0x82: {  	v17 =	vor.u32 $0x2, v6;
	_ =	sdelay $0x3  }
0x83: {  	[tilespmem:s30+$0xFFFFFD40] =	vst v9  }
0x84: {  	v9 =	vld.idx.msk [tilespmem:v17+s11+$0x0], $0xffff  }
0x85: {  	v18 =	vor.u32 $0x2, v7;
	_ =	sdelay $0x3  }
0x86: {  	[tilespmem:s30+$0xFFFFFD50] =	vst v9  }
0x87: {  	v9 =	vld.idx.msk [tilespmem:v18+s11+$0x0], $0xffff  }
0x88: {  	v19 =	vor.u32 $0x2, v8;
	_ =	sdelay $0x3  }
0x89: {  	[tilespmem:s30+$0xFFFFFD60] =	vst v9  }
0x8a: {  	v9 =	vld.idx.msk [tilespmem:v19+s11+$0x0], $0xffff  }
0x8b: {  	v20 =	vor.u32 $0x3, v1;
	_ =	sdelay $0x3  }
0x8c: {  	[tilespmem:s30+$0xFFFFFD70] =	vst v9  }
0x8d: {  	v9 =	vld.idx.msk [tilespmem:v20+s11+$0x0], $0xffff  }
0x8e: {  	v21 =	vor.u32 $0x3, v2;
	_ =	sdelay $0x3  }
0x8f: {  	[tilespmem:s30+$0xFFFFFD80] =	vst v9  }
0x90: {  	v9 =	vld.idx.msk [tilespmem:v21+s11+$0x0], $0xffff  }
0x91: {  	v22 =	vor.u32 $0x3, v3;
	_ =	sdelay $0x3  }
0x92: {  	[tilespmem:s30+$0xFFFFFD90] =	vst v9  }
0x93: {  	v9 =	vld.idx.msk [tilespmem:v22+s11+$0x0], $0xffff  }
0x94: {  	v23 =	vor.u32 $0x3, v4;
	_ =	sdelay $0x3  }
0x95: {  	[tilespmem:s30+$0xFFFFFDA0] =	vst v9  }
0x96: {  	v9 =	vld.idx.msk [tilespmem:v23+s11+$0x0], $0xffff  }
0x97: {  	v24 =	vor.u32 $0x3, v5;
	_ =	sdelay $0x3  }
0x98: {  	[tilespmem:s30+$0xFFFFFDB0] =	vst v9  }
0x99: {  	v9 =	vld.idx.msk [tilespmem:v24+s11+$0x0], $0xffff  }
0x9a: {  	v25 =	vor.u32 $0x3, v6;
	_ =	sdelay $0x3  }
0x9b: {  	[tilespmem:s30+$0xFFFFFDC0] =	vst v9  }
0x9c: {  	v9 =	vld.idx.msk [tilespmem:v25+s11+$0x0], $0xffff  }
0x9d: {  	v26 =	vor.u32 $0x3, v7;
	_ =	sdelay $0x3  }
0x9e: {  	[tilespmem:s30+$0xFFFFFDD0] =	vst v9  }
0x9f: {  	v9 =	vld.idx.msk [tilespmem:v26+s11+$0x0], $0xffff  }
0xa0: {  	v27 =	vor.u32 $0x3, v8;
	_ =	sdelay $0x3  }
0xa1: {  	[tilespmem:s30+$0xFFFFFDE0] =	vst v9  }
0xa2: {  	v9 =	vld.idx.msk [tilespmem:v27+s11+$0x0], $0xffff  }
0xa3: {  	v28 =	vor.u32 $0x4, v1;
	_ =	sdelay $0x3  }
0xa4: {  	[tilespmem:s30+$0xFFFFFDF0] =	vst v9  }
0xa5: {  	v9 =	vld.idx.msk [tilespmem:v28+s11+$0x0], $0xffff  }
0xa6: {  	v29 =	vor.u32 $0x4, v2;
	_ =	sdelay $0x3  }
0xa7: {  	[tilespmem:s30+$0xFFFFFE00] =	vst v9  }
0xa8: {  	v9 =	vld.idx.msk [tilespmem:v29+s11+$0x0], $0xffff  }
0xa9: {  	v30 =	vor.u32 $0x4, v3;
	_ =	sdelay $0x3  }
0xaa: {  	[tilespmem:s30+$0xFFFFFE10] =	vst v9  }
0xab: {  	v9 =	vld.idx.msk [tilespmem:v30+s11+$0x0], $0xffff  }
0xac: {  	v31 =	vor.u32 $0x4, v4;
	_ =	sdelay $0x3  }
0xad: {  	[tilespmem:s30+$0xFFFFFE20] =	vst v9  }
0xae: {  	v9 =	vld.idx.msk [tilespmem:v31+s11+$0x0], $0xffff  }
0xaf: {  	v32 =	vor.u32 $0x4, v5;
	_ =	sdelay $0x3  }
0xb0: {  	[tilespmem:s30+$0xFFFFFE30] =	vst v9  }
0xb1: {  	v9 =	vld.idx.msk [tilespmem:v32+s11+$0x0], $0xffff  }
0xb2: {  	v33 =	vor.u32 $0x4, v6;
	_ =	sdelay $0x3  }
0xb3: {  	[tilespmem:s30+$0xFFFFFE40] =	vst v9  }
0xb4: {  	v9 =	vld.idx.msk [tilespmem:v33+s11+$0x0], $0xffff  }
0xb5: {  	v34 =	vor.u32 $0x4, v7;
	_ =	sdelay $0x3  }
0xb6: {  	[tilespmem:s30+$0xFFFFFE50] =	vst v9  }
0xb7: {  	v9 =	vld.idx.msk [tilespmem:v34+s11+$0x0], $0xffff  }
0xb8: {  	v35 =	vor.u32 $0x4, v8;
	_ =	sdelay $0x3  }
0xb9: {  	[tilespmem:s30+$0xFFFFFE60] =	vst v9  }
0xba: {  	v9 =	vld.idx.msk [tilespmem:v35+s11+$0x0], $0xffff  }
0xbb: {  	v36 =	vor.u32 $0x5, v1;
	_ =	sdelay $0x3  }
0xbc: {  	[tilespmem:s30+$0xFFFFFE70] =	vst v9  }
0xbd: {  	v9 =	vld.idx.msk [tilespmem:v36+s11+$0x0], $0xffff  }
0xbe: {  	v37 =	vor.u32 $0x5, v2;
	_ =	sdelay $0x3  }
0xbf: {  	[tilespmem:s30+$0xFFFFFE80] =	vst v9  }
0xc0: {  	v9 =	vld.idx.msk [tilespmem:v37+s11+$0x0], $0xffff  }
0xc1: {  	v38 =	vor.u32 $0x5, v3;
	_ =	sdelay $0x3  }
0xc2: {  	[tilespmem:s30+$0xFFFFFE90] =	vst v9  }
0xc3: {  	v9 =	vld.idx.msk [tilespmem:v38+s11+$0x0], $0xffff  }
0xc4: {  	v39 =	vor.u32 $0x5, v4;
	_ =	sdelay $0x3  }
0xc5: {  	[tilespmem:s30+$0xFFFFFEA0] =	vst v9  }
0xc6: {  	v9 =	vld.idx.msk [tilespmem:v39+s11+$0x0], $0xffff  }
0xc7: {  	v40 =	vor.u32 $0x5, v5;
	_ =	sdelay $0x3  }
0xc8: {  	[tilespmem:s30+$0xFFFFFEB0] =	vst v9  }
0xc9: {  	v9 =	vld.idx.msk [tilespmem:v40+s11+$0x0], $0xffff  }
0xca: {  	v41 =	vor.u32 $0x5, v6;
	_ =	sdelay $0x3  }
0xcb: {  	[tilespmem:s30+$0xFFFFFEC0] =	vst v9  }
0xcc: {  	v9 =	vld.idx.msk [tilespmem:v41+s11+$0x0], $0xffff  }
0xcd: {  	v42 =	vor.u32 $0x5, v7;
	_ =	sdelay $0x3  }
0xce: {  	[tilespmem:s30+$0xFFFFFED0] =	vst v9  }
0xcf: {  	v9 =	vld.idx.msk [tilespmem:v42+s11+$0x0], $0xffff  }
0xd0: {  	v43 =	vor.u32 $0x5, v8;
	_ =	sdelay $0x3  }
0xd1: {  	[tilespmem:s30+$0xFFFFFEE0] =	vst v9  }
0xd2: {  	v9 =	vld.idx.msk [tilespmem:v43+s11+$0x0], $0xffff  }
0xd3: {  	v44 =	vor.u32 $0x6, v1;
	_ =	sdelay $0x3  }
0xd4: {  	[tilespmem:s30+$0xFFFFFEF0] =	vst v9  }
0xd5: {  	v9 =	vld.idx.msk [tilespmem:v44+s11+$0x0], $0xffff  }
0xd6: {  	v45 =	vor.u32 $0x6, v2;
	_ =	sdelay $0x3  }
0xd7: {  	[tilespmem:s30+$0xFFFFFF00] =	vst v9  }
0xd8: {  	v9 =	vld.idx.msk [tilespmem:v45+s11+$0x0], $0xffff  }
0xd9: {  	v46 =	vor.u32 $0x6, v3;
	_ =	sdelay $0x3  }
0xda: {  	[tilespmem:s30+$0xFFFFFF10] =	vst v9  }
0xdb: {  	v9 =	vld.idx.msk [tilespmem:v46+s11+$0x0], $0xffff  }
0xdc: {  	v47 =	vor.u32 $0x6, v4;
	_ =	sdelay $0x3  }
0xdd: {  	[tilespmem:s30+$0xFFFFFF20] =	vst v9  }
0xde: {  	v9 =	vld.idx.msk [tilespmem:v47+s11+$0x0], $0xffff  }
0xdf: {  	v48 =	vor.u32 $0x6, v5;
	_ =	sdelay $0x3  }
0xe0: {  	[tilespmem:s30+$0xFFFFFF30] =	vst v9  }
0xe1: {  	v9 =	vld.idx.msk [tilespmem:v48+s11+$0x0], $0xffff  }
0xe2: {  	v49 =	vor.u32 $0x6, v6;
	_ =	sdelay $0x3  }
0xe3: {  	[tilespmem:s30+$0xFFFFFF40] =	vst v9  }
0xe4: {  	v9 =	vld.idx.msk [tilespmem:v49+s11+$0x0], $0xffff  }
0xe5: {  	v50 =	vor.u32 $0x6, v7;
	_ =	sdelay $0x3  }
0xe6: {  	[tilespmem:s30+$0xFFFFFF50] =	vst v9  }
0xe7: {  	v9 =	vld.idx.msk [tilespmem:v50+s11+$0x0], $0xffff  }
0xe8: {  	v51 =	vor.u32 $0x6, v8;
	_ =	sdelay $0x3  }
0xe9: {  	[tilespmem:s30+$0xFFFFFF60] =	vst v9  }
0xea: {  	v9 =	vld.idx.msk [tilespmem:v51+s11+$0x0], $0xffff  }
0xeb: {  	v52 =	vor.u32 $0x7, v1;
	_ =	sdelay $0x3  }
0xec: {  	[tilespmem:s30+$0xFFFFFF70] =	vst v9  }
0xed: {  	v9 =	vld.idx.msk [tilespmem:v52+s11+$0x0], $0xffff  }
0xee: {  	v53 =	vor.u32 $0x7, v2;
	_ =	sdelay $0x3  }
0xef: {  	[tilespmem:s30+$0xFFFFFF80] =	vst v9  }
0xf0: {  	v9 =	vld.idx.msk [tilespmem:v53+s11+$0x0], $0xffff  }
0xf1: {  	v54 =	vor.u32 $0x7, v3;
	_ =	sdelay $0x3  }
0xf2: {  	[tilespmem:s30+$0xFFFFFF90] =	vst v9  }
0xf3: {  	v9 =	vld.idx.msk [tilespmem:v54+s11+$0x0], $0xffff  }
0xf4: {  	v55 =	vor.u32 $0x7, v4;
	_ =	sdelay $0x3  }
0xf5: {  	[tilespmem:s30+$0xFFFFFFA0] =	vst v9  }
0xf6: {  	v9 =	vld.idx.msk [tilespmem:v55+s11+$0x0], $0xffff  }
0xf7: {  	v56 =	vor.u32 $0x7, v5;
	_ =	sdelay $0x3  }
0xf8: {  	[tilespmem:s30+$0xFFFFFFB0] =	vst v9  }
0xf9: {  	v9 =	vld.idx.msk [tilespmem:v56+s11+$0x0], $0xffff  }
0xfa: {  	v57 =	vor.u32 $0x7, v6;
	_ =	sdelay $0x3  }
0xfb: {  	[tilespmem:s30+$0xFFFFFFC0] =	vst v9  }
0xfc: {  	v9 =	vld.idx.msk [tilespmem:v57+s11+$0x0], $0xffff  }
0xfd: {  	v58 =	vor.u32 $0x7, v7;
	_ =	sdelay $0x3  }
0xfe: {  	[tilespmem:s30+$0xFFFFFFD0] =	vst v9  }
0xff: {  	v9 =	vld.idx.msk [tilespmem:v58+s11+$0x0], $0xffff  }
0x100: {  	v59 =	vor.u32 $0x7, v8;
	_ =	sdelay $0x3  }
0x101: {  	[tilespmem:s30+$0xFFFFFFE0] =	vst v9  }
0x102: {  	v9 =	vld.idx.msk [tilespmem:v59+s11+$0x0], $0xffff  }
0x103: {  	v60 =	vor.u32 $0x8, v1;
	_ =	sdelay $0x3  }
0x104: {  	[tilespmem:s30+$0xFFFFFFF0] =	vst v9  }
0x105: {  	v9 =	vld.idx.msk [tilespmem:v60+s11+$0x0], $0xffff  }
0x106: {  	v61 =	vor.u32 $0x8, v2;
	_ =	sdelay $0x3  }
0x107: {  	[tilespmem:s30+$0x0] =	vst v9  }
0x108: {  	v9 =	vld.idx.msk [tilespmem:v61+s11+$0x0], $0xffff  }
0x109: {  	v62 =	vor.u32 $0x8, v3;
	_ =	sdelay $0x3  }
0x10a: {  	[tilespmem:s30+$0x10] =	vst v9  }
0x10b: {  	v9 =	vld.idx.msk [tilespmem:v62+s11+$0x0], $0xffff  }
0x10c: {  	v63 =	vor.u32 $0x8, v4;
	_ =	sdelay $0x3  }
0x10d: {  	[tilespmem:s30+$0x20] =	vst v9  }
0x10e: {  	v9 =	vld.idx.msk [tilespmem:v63+s11+$0x0], $0xffff  }
0x10f: {  	v12 =	vor.u32 $0x8, v5;
	_ =	sdelay $0x3  }
0x110: {  	[tilespmem:s30+$0x30] =	vst v9  }
0x111: {  	v9 =	vld.idx.msk [tilespmem:v12+s11+$0x0], $0xffff  }
0x112: {  	v13 =	vor.u32 $0x8, v6;
	_ =	sdelay $0x3  }
0x113: {  	[tilespmem:s30+$0x40] =	vst v9  }
0x114: {  	v9 =	vld.idx.msk [tilespmem:v13+s11+$0x0], $0xffff  }
0x115: {  	v14 =	vor.u32 $0x8, v7;
	_ =	sdelay $0x3  }
0x116: {  	[tilespmem:s30+$0x50] =	vst v9  }
0x117: {  	v9 =	vld.idx.msk [tilespmem:v14+s11+$0x0], $0xffff  }
0x118: {  	v15 =	vor.u32 $0x8, v8;
	_ =	sdelay $0x3  }
0x119: {  	[tilespmem:s30+$0x60] =	vst v9  }
0x11a: {  	v9 =	vld.idx.msk [tilespmem:v15+s11+$0x0], $0xffff  }
0x11b: {  	v16 =	vor.u32 $0x9, v1;
	_ =	sdelay $0x3  }
0x11c: {  	[tilespmem:s30+$0x70] =	vst v9  }
0x11d: {  	v9 =	vld.idx.msk [tilespmem:v16+s11+$0x0], $0xffff  }
0x11e: {  	v17 =	vor.u32 $0x9, v2;
	_ =	sdelay $0x3  }
0x11f: {  	[tilespmem:s30+$0x80] =	vst v9  }
0x120: {  	v9 =	vld.idx.msk [tilespmem:v17+s11+$0x0], $0xffff  }
0x121: {  	v18 =	vor.u32 $0x9, v3;
	_ =	sdelay $0x3  }
0x122: {  	[tilespmem:s30+$0x90] =	vst v9  }
0x123: {  	v9 =	vld.idx.msk [tilespmem:v18+s11+$0x0], $0xffff  }
0x124: {  	v19 =	vor.u32 $0x9, v4;
	_ =	sdelay $0x3  }
0x125: {  	[tilespmem:s30+$0xA0] =	vst v9  }
0x126: {  	v9 =	vld.idx.msk [tilespmem:v19+s11+$0x0], $0xffff  }
0x127: {  	v20 =	vor.u32 $0x9, v5;
	_ =	sdelay $0x3  }
0x128: {  	[tilespmem:s30+$0xB0] =	vst v9  }
0x129: {  	v9 =	vld.idx.msk [tilespmem:v20+s11+$0x0], $0xffff  }
0x12a: {  	v21 =	vor.u32 $0x9, v6;
	_ =	sdelay $0x3  }
0x12b: {  	[tilespmem:s30+$0xC0] =	vst v9  }
0x12c: {  	v9 =	vld.idx.msk [tilespmem:v21+s11+$0x0], $0xffff  }
0x12d: {  	v22 =	vor.u32 $0x9, v7;
	_ =	sdelay $0x3  }
0x12e: {  	[tilespmem:s30+$0xD0] =	vst v9  }
0x12f: {  	v9 =	vld.idx.msk [tilespmem:v22+s11+$0x0], $0xffff  }
0x130: {  	v23 =	vor.u32 $0x9, v8;
	_ =	sdelay $0x3  }
0x131: {  	[tilespmem:s30+$0xE0] =	vst v9  }
0x132: {  	v9 =	vld.idx.msk [tilespmem:v23+s11+$0x0], $0xffff  }
0x133: {  	v24 =	vor.u32 $0xA, v1;
	_ =	sdelay $0x3  }
0x134: {  	[tilespmem:s30+$0xF0] =	vst v9  }
0x135: {  	v9 =	vld.idx.msk [tilespmem:v24+s11+$0x0], $0xffff  }
0x136: {  	v25 =	vor.u32 $0xA, v2;
	_ =	sdelay $0x3  }
0x137: {  	[tilespmem:s30+$0x100] =	vst v9  }
0x138: {  	v9 =	vld.idx.msk [tilespmem:v25+s11+$0x0], $0xffff  }
0x139: {  	v26 =	vor.u32 $0xA, v3;
	_ =	sdelay $0x3  }
0x13a: {  	[tilespmem:s30+$0x110] =	vst v9  }
0x13b: {  	v9 =	vld.idx.msk [tilespmem:v26+s11+$0x0], $0xffff  }
0x13c: {  	v27 =	vor.u32 $0xA, v4;
	_ =	sdelay $0x3  }
0x13d: {  	[tilespmem:s30+$0x120] =	vst v9  }
0x13e: {  	v9 =	vld.idx.msk [tilespmem:v27+s11+$0x0], $0xffff  }
0x13f: {  	v28 =	vor.u32 $0xA, v5;
	_ =	sdelay $0x3  }
0x140: {  	[tilespmem:s30+$0x130] =	vst v9  }
0x141: {  	v9 =	vld.idx.msk [tilespmem:v28+s11+$0x0], $0xffff  }
0x142: {  	v29 =	vor.u32 $0xA, v6;
	_ =	sdelay $0x3  }
0x143: {  	[tilespmem:s30+$0x140] =	vst v9  }
0x144: {  	v9 =	vld.idx.msk [tilespmem:v29+s11+$0x0], $0xffff  }
0x145: {  	v30 =	vor.u32 $0xA, v7;
	_ =	sdelay $0x3  }
0x146: {  	[tilespmem:s30+$0x150] =	vst v9  }
0x147: {  	v9 =	vld.idx.msk [tilespmem:v30+s11+$0x0], $0xffff  }
0x148: {  	v31 =	vor.u32 $0xA, v8;
	_ =	sdelay $0x3  }
0x149: {  	[tilespmem:s30+$0x160] =	vst v9  }
0x14a: {  	v9 =	vld.idx.msk [tilespmem:v31+s11+$0x0], $0xffff  }
0x14b: {  	v32 =	vor.u32 $0xB, v1;
	_ =	sdelay $0x3  }
0x14c: {  	[tilespmem:s30+$0x170] =	vst v9  }
0x14d: {  	v9 =	vld.idx.msk [tilespmem:v32+s11+$0x0], $0xffff  }
0x14e: {  	v33 =	vor.u32 $0xB, v2;
	_ =	sdelay $0x3  }
0x14f: {  	[tilespmem:s30+$0x180] =	vst v9  }
0x150: {  	v9 =	vld.idx.msk [tilespmem:v33+s11+$0x0], $0xffff  }
0x151: {  	v34 =	vor.u32 $0xB, v3;
	_ =	sdelay $0x3  }
0x152: {  	[tilespmem:s30+$0x190] =	vst v9  }
0x153: {  	v9 =	vld.idx.msk [tilespmem:v34+s11+$0x0], $0xffff  }
0x154: {  	v35 =	vor.u32 $0xB, v4;
	_ =	sdelay $0x3  }
0x155: {  	[tilespmem:s30+$0x1A0] =	vst v9  }
0x156: {  	v9 =	vld.idx.msk [tilespmem:v35+s11+$0x0], $0xffff  }
0x157: {  	v36 =	vor.u32 $0xB, v5;
	_ =	sdelay $0x3  }
0x158: {  	[tilespmem:s30+$0x1B0] =	vst v9  }
0x159: {  	v9 =	vld.idx.msk [tilespmem:v36+s11+$0x0], $0xffff  }
0x15a: {  	v37 =	vor.u32 $0xB, v6;
	_ =	sdelay $0x3  }
0x15b: {  	[tilespmem:s30+$0x1C0] =	vst v9  }
0x15c: {  	v9 =	vld.idx.msk [tilespmem:v37+s11+$0x0], $0xffff  }
0x15d: {  	v38 =	vor.u32 $0xB, v7;
	_ =	sdelay $0x3  }
0x15e: {  	[tilespmem:s30+$0x1D0] =	vst v9  }
0x15f: {  	v9 =	vld.idx.msk [tilespmem:v38+s11+$0x0], $0xffff  }
0x160: {  	v39 =	vor.u32 $0xB, v8;
	_ =	sdelay $0x3  }
0x161: {  	[tilespmem:s30+$0x1E0] =	vst v9  }
0x162: {  	v9 =	vld.idx.msk [tilespmem:v39+s11+$0x0], $0xffff  }
0x163: {  	v40 =	vor.u32 $0xC, v1;
	_ =	sdelay $0x3  }
0x164: {  	[tilespmem:s30+$0x1F0] =	vst v9  }
0x165: {  	v9 =	vld.idx.msk [tilespmem:v40+s11+$0x0], $0xffff  }
0x166: {  	v41 =	vor.u32 $0xC, v2;
	_ =	sdelay $0x3  }
0x167: {  	[tilespmem:s30+$0x200] =	vst v9  }
0x168: {  	v9 =	vld.idx.msk [tilespmem:v41+s11+$0x0], $0xffff  }
0x169: {  	v42 =	vor.u32 $0xC, v3;
	_ =	sdelay $0x3  }
0x16a: {  	[tilespmem:s30+$0x210] =	vst v9  }
0x16b: {  	v9 =	vld.idx.msk [tilespmem:v42+s11+$0x0], $0xffff  }
0x16c: {  	v43 =	vor.u32 $0xC, v4;
	_ =	sdelay $0x3  }
0x16d: {  	[tilespmem:s30+$0x220] =	vst v9  }
0x16e: {  	v9 =	vld.idx.msk [tilespmem:v43+s11+$0x0], $0xffff  }
0x16f: {  	v44 =	vor.u32 $0xC, v5;
	_ =	sdelay $0x3  }
0x170: {  	[tilespmem:s30+$0x230] =	vst v9  }
0x171: {  	v9 =	vld.idx.msk [tilespmem:v44+s11+$0x0], $0xffff  }
0x172: {  	v45 =	vor.u32 $0xC, v6;
	_ =	sdelay $0x3  }
0x173: {  	[tilespmem:s30+$0x240] =	vst v9  }
0x174: {  	v9 =	vld.idx.msk [tilespmem:v45+s11+$0x0], $0xffff  }
0x175: {  	v46 =	vor.u32 $0xC, v7;
	_ =	sdelay $0x3  }
0x176: {  	[tilespmem:s30+$0x250] =	vst v9  }
0x177: {  	v9 =	vld.idx.msk [tilespmem:v46+s11+$0x0], $0xffff  }
0x178: {  	v47 =	vor.u32 $0xC, v8;
	_ =	sdelay $0x3  }
0x179: {  	[tilespmem:s30+$0x260] =	vst v9  }
0x17a: {  	v9 =	vld.idx.msk [tilespmem:v47+s11+$0x0], $0xffff  }
0x17b: {  	v48 =	vor.u32 $0xD, v1;
	_ =	sdelay $0x3  }
0x17c: {  	[tilespmem:s30+$0x270] =	vst v9  }
0x17d: {  	v9 =	vld.idx.msk [tilespmem:v48+s11+$0x0], $0xffff  }
0x17e: {  	v49 =	vor.u32 $0xD, v2;
	_ =	sdelay $0x3  }
0x17f: {  	[tilespmem:s30+$0x280] =	vst v9  }
0x180: {  	v9 =	vld.idx.msk [tilespmem:v49+s11+$0x0], $0xffff  }
0x181: {  	v50 =	vor.u32 $0xD, v3;
	_ =	sdelay $0x3  }
0x182: {  	[tilespmem:s30+$0x290] =	vst v9  }
0x183: {  	v9 =	vld.idx.msk [tilespmem:v50+s11+$0x0], $0xffff  }
0x184: {  	v51 =	vor.u32 $0xD, v4;
	_ =	sdelay $0x3  }
0x185: {  	[tilespmem:s30+$0x2A0] =	vst v9  }
0x186: {  	v9 =	vld.idx.msk [tilespmem:v51+s11+$0x0], $0xffff  }
0x187: {  	v52 =	vor.u32 $0xD, v5;
	_ =	sdelay $0x3  }
0x188: {  	[tilespmem:s30+$0x2B0] =	vst v9  }
0x189: {  	v9 =	vld.idx.msk [tilespmem:v52+s11+$0x0], $0xffff  }
0x18a: {  	v53 =	vor.u32 $0xD, v6;
	_ =	sdelay $0x3  }
0x18b: {  	[tilespmem:s30+$0x2C0] =	vst v9  }
0x18c: {  	v9 =	vld.idx.msk [tilespmem:v53+s11+$0x0], $0xffff  }
0x18d: {  	v54 =	vor.u32 $0xD, v7;
	_ =	sdelay $0x3  }
0x18e: {  	[tilespmem:s30+$0x2D0] =	vst v9  }
0x18f: {  	v9 =	vld.idx.msk [tilespmem:v54+s11+$0x0], $0xffff  }
0x190: {  	v55 =	vor.u32 $0xD, v8;
	_ =	sdelay $0x3  }
0x191: {  	[tilespmem:s30+$0x2E0] =	vst v9  }
0x192: {  	v9 =	vld.idx.msk [tilespmem:v55+s11+$0x0], $0xffff  }
0x193: {  	v56 =	vor.u32 $0xE, v1;
	_ =	sdelay $0x3  }
0x194: {  	[tilespmem:s30+$0x2F0] =	vst v9  }
0x195: {  	v9 =	vld.idx.msk [tilespmem:v56+s11+$0x0], $0xffff  }
0x196: {  	v57 =	vor.u32 $0xE, v2;
	_ =	sdelay $0x3  }
0x197: {  	[tilespmem:s30+$0x300] =	vst v9  }
0x198: {  	v9 =	vld.idx.msk [tilespmem:v57+s11+$0x0], $0xffff  }
0x199: {  	v58 =	vor.u32 $0xE, v3;
	_ =	sdelay $0x3  }
0x19a: {  	[tilespmem:s30+$0x310] =	vst v9  }
0x19b: {  	v9 =	vld.idx.msk [tilespmem:v58+s11+$0x0], $0xffff  }
0x19c: {  	v59 =	vor.u32 $0xE, v4;
	_ =	sdelay $0x3  }
0x19d: {  	[tilespmem:s30+$0x320] =	vst v9  }
0x19e: {  	v9 =	vld.idx.msk [tilespmem:v59+s11+$0x0], $0xffff  }
0x19f: {  	v60 =	vor.u32 $0xE, v5;
	_ =	sdelay $0x3  }
0x1a0: {  	[tilespmem:s30+$0x330] =	vst v9  }
0x1a1: {  	v9 =	vld.idx.msk [tilespmem:v60+s11+$0x0], $0xffff  }
0x1a2: {  	v61 =	vor.u32 $0xE, v6;
	_ =	sdelay $0x3  }
0x1a3: {  	[tilespmem:s30+$0x340] =	vst v9  }
0x1a4: {  	v9 =	vld.idx.msk [tilespmem:v61+s11+$0x0], $0xffff  }
0x1a5: {  	v62 =	vor.u32 $0xE, v7;
	_ =	sdelay $0x3  }
0x1a6: {  	[tilespmem:s30+$0x350] =	vst v9  }
0x1a7: {  	v9 =	vld.idx.msk [tilespmem:v62+s11+$0x0], $0xffff  }
0x1a8: {  	v63 =	vor.u32 $0xE, v8;
	_ =	sdelay $0x3  }
0x1a9: {  	[tilespmem:s30+$0x360] =	vst v9  }
0x1aa: {  	v9 =	vld.idx.msk [tilespmem:v63+s11+$0x0], $0xffff  }
0x1ab: {  	v1 =	vor.u32 $0xF, v1;
	_ =	sdelay $0x3  }
0x1ac: {  	[tilespmem:s30+$0x370] =	vst v9  }
0x1ad: {  	v1 =	vld.idx.msk [tilespmem:v1+s11+$0x0], $0xffff  }
0x1ae: {  	v2 =	vor.u32 $0xF, v2;
	_ =	sdelay $0x3  }
0x1af: {  	[tilespmem:s30+$0x380] =	vst v1  }
0x1b0: {  	v1 =	vld.idx.msk [tilespmem:v2+s11+$0x0], $0xffff  }
0x1b1: {  	v2 =	vor.u32 $0xF, v3;
	_ =	sdelay $0x3  }
0x1b2: {  	[tilespmem:s30+$0x390] =	vst v1  }
0x1b3: {  	v1 =	vld.idx.msk [tilespmem:v2+s11+$0x0], $0xffff  }
0x1b4: {  	v2 =	vor.u32 $0xF, v4;
	_ =	sdelay $0x3  }
0x1b5: {  	[tilespmem:s30+$0x3A0] =	vst v1  }
0x1b6: {  	v1 =	vld.idx.msk [tilespmem:v2+s11+$0x0], $0xffff  }
0x1b7: {  	v2 =	vor.u32 $0xF, v5;
	_ =	sdelay $0x3  }
0x1b8: {  	[tilespmem:s30+$0x3B0] =	vst v1  }
0x1b9: {  	v1 =	vld.idx.msk [tilespmem:v2+s11+$0x0], $0xffff  }
0x1ba: {  	v2 =	vor.u32 $0xF, v6;
	_ =	sdelay $0x3  }
0x1bb: {  	[tilespmem:s30+$0x3C0] =	vst v1  }
0x1bc: {  	v1 =	vld.idx.msk [tilespmem:v2+s11+$0x0], $0xffff  }
0x1bd: {  	v2 =	vor.u32 $0xF, v7;
	_ =	sdelay $0x3  }
0x1be: {  	[tilespmem:s30+$0x3D0] =	vst v1  }
0x1bf: {  	v2 =	vld.idx.msk [tilespmem:v2+s11+$0x0], $0xffff  }
0x1c0: {  	v1 =	vor.u32 $0xF, v8;
	_ =	sdelay $0x3  }
0x1c1: {  	s31 =	simm.s32 $0xF0;
	s0 =	simm.s32 $0x170;
	s2 =	simm.s32 $0x80;
	[tilespmem:s30+$0x3E0] =	vst v2  }
.LBB2_3:
0x1c2: {  	p0 =	sne.s32 s0, $0x3F0;
	v2 =	vmov s2;
	v3 =	vld.idx.msk [tilespmem:v1+s11+$0x0], $0xffff  }
0x1c3: {  	v1 =	vshll.u32 v2, $0x4  }
0x1c4: {  	v1 =	vor.u32 v0, v1;
	_ =	sdelay $0x3  }
0x1c5: {  	s2 =	sadd.s32 $0xFFFFFFA0, s31;
	[tilespmem:s30+$0x3F0] =	vst v3  }
0x1c6: {  	v2 =	vmov s2;
	v3 =	vld.idx.msk [tilespmem:v1+s11+$0x0], $0xffff  }
0x1c7: {  	v2 =	vshll.u32 v2, $0x4  }
0x1c8: {  	v2 =	vor.u32 v0, v2;
	_ =	sdelay $0x2  }
0x1c9: {  	s30 =	sadd.s32 $0x800, s30  }
0x1ca: {  	s2 =	sadd.s32 $0xFFFFFFB0, s31;
	[tilespmem:s30+$0xFFFFFC00] =	vst v3  }
0x1cb: {  	v3 =	vmov s2;
	v4 =	vld.idx.msk [tilespmem:v2+s11+$0x0], $0xffff  }
0x1cc: {  	v3 =	vshll.u32 v3, $0x4  }
0x1cd: {  	v3 =	vor.u32 v0, v3;
	_ =	sdelay $0x3  }
0x1ce: {  	s2 =	sadd.s32 $0xFFFFFFC0, s31;
	[tilespmem:s30+$0xFFFFFC10] =	vst v4  }
0x1cf: {  	v4 =	vmov s2;
	v5 =	vld.idx.msk [tilespmem:v3+s11+$0x0], $0xffff  }
0x1d0: {  	v4 =	vshll.u32 v4, $0x4  }
0x1d1: {  	v4 =	vor.u32 v0, v4;
	_ =	sdelay $0x3  }
0x1d2: {  	s2 =	sadd.s32 $0xFFFFFFD0, s31;
	[tilespmem:s30+$0xFFFFFC20] =	vst v5  }
0x1d3: {  	v5 =	vmov s2;
	v6 =	vld.idx.msk [tilespmem:v4+s11+$0x0], $0xffff  }
0x1d4: {  	v5 =	vshll.u32 v5, $0x4  }
0x1d5: {  	v5 =	vor.u32 v0, v5;
	_ =	sdelay $0x3  }
0x1d6: {  	s2 =	sadd.s32 $0xFFFFFFE0, s31;
	[tilespmem:s30+$0xFFFFFC30] =	vst v6  }
0x1d7: {  	v6 =	vmov s2;
	v7 =	vld.idx.msk [tilespmem:v5+s11+$0x0], $0xffff  }
0x1d8: {  	v6 =	vshll.u32 v6, $0x4  }
0x1d9: {  	v6 =	vor.u32 v0, v6;
	_ =	sdelay $0x3  }
0x1da: {  	s2 =	sadd.s32 $0xFFFFFFF0, s31;
	[tilespmem:s30+$0xFFFFFC40] =	vst v7  }
0x1db: {  	v7 =	vmov s2;
	v8 =	vld.idx.msk [tilespmem:v6+s11+$0x0], $0xffff  }
0x1dc: {  	v7 =	vshll.u32 v7, $0x4  }
0x1dd: {  	v7 =	vor.u32 v0, v7;
	_ =	sdelay $0x3  }
0x1de: {  	[tilespmem:s30+$0xFFFFFC50] =	vst v8  }
0x1df: {  	v8 =	vmov s31;
	s31 =	smov.u32 s0;
	v9 =	vld.idx.msk [tilespmem:v7+s11+$0x0], $0xffff  }
0x1e0: {  	v8 =	vshll.u32 v8, $0x4  }
0x1e1: {  	v8 =	vor.u32 v0, v8;
	_ =	sdelay $0x3  }
0x1e2: {  	[tilespmem:s30+$0xFFFFFC60] =	vst v9  }
0x1e3: {  	v9 =	vld.idx.msk [tilespmem:v8+s11+$0x0], $0xffff;
	_ =	sdelay $0x1  }
0x1e4: {  	v10 =	vor.u32 $0x1, v1;
	_ =	sdelay $0x3  }
0x1e5: {  	[tilespmem:s30+$0xFFFFFC70] =	vst v9  }
0x1e6: {  	v9 =	vld.idx.msk [tilespmem:v10+s11+$0x0], $0xffff;
	_ =	sdelay $0x1  }
0x1e7: {  	v10 =	vor.u32 $0x1, v2;
	_ =	sdelay $0x3  }
0x1e8: {  	[tilespmem:s30+$0xFFFFFC80] =	vst v9  }
0x1e9: {  	v9 =	vld.idx.msk [tilespmem:v10+s11+$0x0], $0xffff;
	_ =	sdelay $0x1  }
0x1ea: {  	v10 =	vor.u32 $0x1, v3;
	_ =	sdelay $0x3  }
0x1eb: {  	[tilespmem:s30+$0xFFFFFC90] =	vst v9  }
0x1ec: {  	v9 =	vld.idx.msk [tilespmem:v10+s11+$0x0], $0xffff;
	_ =	sdelay $0x1  }
0x1ed: {  	v10 =	vor.u32 $0x1, v4;
	_ =	sdelay $0x3  }
0x1ee: {  	[tilespmem:s30+$0xFFFFFCA0] =	vst v9  }
0x1ef: {  	v9 =	vld.idx.msk [tilespmem:v10+s11+$0x0], $0xffff;
	_ =	sdelay $0x1  }
0x1f0: {  	v10 =	vor.u32 $0x1, v5;
	_ =	sdelay $0x3  }
0x1f1: {  	[tilespmem:s30+$0xFFFFFCB0] =	vst v9  }
0x1f2: {  	v9 =	vld.idx.msk [tilespmem:v10+s11+$0x0], $0xffff;
	_ =	sdelay $0x1  }
0x1f3: {  	v10 =	vor.u32 $0x1, v6;
	_ =	sdelay $0x3  }
0x1f4: {  	[tilespmem:s30+$0xFFFFFCC0] =	vst v9  }
0x1f5: {  	v9 =	vld.idx.msk [tilespmem:v10+s11+$0x0], $0xffff;
	_ =	sdelay $0x1  }
0x1f6: {  	v10 =	vor.u32 $0x1, v7;
	_ =	sdelay $0x3  }
0x1f7: {  	[tilespmem:s30+$0xFFFFFCD0] =	vst v9  }
0x1f8: {  	v9 =	vld.idx.msk [tilespmem:v10+s11+$0x0], $0xffff;
	_ =	sdelay $0x1  }
0x1f9: {  	v10 =	vor.u32 $0x1, v8;
	_ =	sdelay $0x3  }
0x1fa: {  	[tilespmem:s30+$0xFFFFFCE0] =	vst v9  }
0x1fb: {  	v9 =	vld.idx.msk [tilespmem:v10+s11+$0x0], $0xffff;
	_ =	sdelay $0x1  }
0x1fc: {  	v10 =	vor.u32 $0x2, v1;
	_ =	sdelay $0x3  }
0x1fd: {  	[tilespmem:s30+$0xFFFFFCF0] =	vst v9  }
0x1fe: {  	v9 =	vld.idx.msk [tilespmem:v10+s11+$0x0], $0xffff;
	_ =	sdelay $0x1  }
0x1ff: {  	v10 =	vor.u32 $0x2, v2;
	_ =	sdelay $0x3  }
0x200: {  	[tilespmem:s30+$0xFFFFFD00] =	vst v9  }
0x201: {  	v9 =	vld.idx.msk [tilespmem:v10+s11+$0x0], $0xffff;
	_ =	sdelay $0x1  }
0x202: {  	v10 =	vor.u32 $0x2, v3;
	_ =	sdelay $0x3  }
0x203: {  	[tilespmem:s30+$0xFFFFFD10] =	vst v9  }
0x204: {  	v9 =	vld.idx.msk [tilespmem:v10+s11+$0x0], $0xffff;
	_ =	sdelay $0x1  }
0x205: {  	v10 =	vor.u32 $0x2, v4;
	_ =	sdelay $0x3  }
0x206: {  	[tilespmem:s30+$0xFFFFFD20] =	vst v9  }
0x207: {  	v9 =	vld.idx.msk [tilespmem:v10+s11+$0x0], $0xffff;
	_ =	sdelay $0x1  }
0x208: {  	v10 =	vor.u32 $0x2, v5;
	_ =	sdelay $0x3  }
0x209: {  	[tilespmem:s30+$0xFFFFFD30] =	vst v9  }
0x20a: {  	v9 =	vld.idx.msk [tilespmem:v10+s11+$0x0], $0xffff;
	_ =	sdelay $0x1  }
0x20b: {  	v10 =	vor.u32 $0x2, v6;
	_ =	sdelay $0x3  }
0x20c: {  	[tilespmem:s30+$0xFFFFFD40] =	vst v9  }
0x20d: {  	v9 =	vld.idx.msk [tilespmem:v10+s11+$0x0], $0xffff;
	_ =	sdelay $0x1  }
0x20e: {  	v10 =	vor.u32 $0x2, v7;
	_ =	sdelay $0x3  }
0x20f: {  	[tilespmem:s30+$0xFFFFFD50] =	vst v9  }
0x210: {  	v9 =	vld.idx.msk [tilespmem:v10+s11+$0x0], $0xffff;
	_ =	sdelay $0x1  }
0x211: {  	v10 =	vor.u32 $0x2, v8;
	_ =	sdelay $0x3  }
0x212: {  	[tilespmem:s30+$0xFFFFFD60] =	vst v9  }
0x213: {  	v9 =	vld.idx.msk [tilespmem:v10+s11+$0x0], $0xffff;
	_ =	sdelay $0x1  }
0x214: {  	v10 =	vor.u32 $0x3, v1;
	_ =	sdelay $0x3  }
0x215: {  	[tilespmem:s30+$0xFFFFFD70] =	vst v9  }
0x216: {  	v9 =	vld.idx.msk [tilespmem:v10+s11+$0x0], $0xffff;
	_ =	sdelay $0x1  }
0x217: {  	v10 =	vor.u32 $0x3, v2;
	_ =	sdelay $0x3  }
0x218: {  	[tilespmem:s30+$0xFFFFFD80] =	vst v9  }
0x219: {  	v9 =	vld.idx.msk [tilespmem:v10+s11+$0x0], $0xffff;
	_ =	sdelay $0x1  }
0x21a: {  	v10 =	vor.u32 $0x3, v3;
	_ =	sdelay $0x3  }
0x21b: {  	[tilespmem:s30+$0xFFFFFD90] =	vst v9  }
0x21c: {  	v9 =	vld.idx.msk [tilespmem:v10+s11+$0x0], $0xffff;
	_ =	sdelay $0x1  }
0x21d: {  	v10 =	vor.u32 $0x3, v4;
	_ =	sdelay $0x3  }
0x21e: {  	[tilespmem:s30+$0xFFFFFDA0] =	vst v9  }
0x21f: {  	v9 =	vld.idx.msk [tilespmem:v10+s11+$0x0], $0xffff;
	_ =	sdelay $0x1  }
0x220: {  	v10 =	vor.u32 $0x3, v5;
	_ =	sdelay $0x3  }
0x221: {  	[tilespmem:s30+$0xFFFFFDB0] =	vst v9  }
0x222: {  	v9 =	vld.idx.msk [tilespmem:v10+s11+$0x0], $0xffff;
	_ =	sdelay $0x1  }
0x223: {  	v10 =	vor.u32 $0x3, v6;
	_ =	sdelay $0x3  }
0x224: {  	[tilespmem:s30+$0xFFFFFDC0] =	vst v9  }
0x225: {  	v9 =	vld.idx.msk [tilespmem:v10+s11+$0x0], $0xffff;
	_ =	sdelay $0x1  }
0x226: {  	v10 =	vor.u32 $0x3, v7;
	_ =	sdelay $0x3  }
0x227: {  	[tilespmem:s30+$0xFFFFFDD0] =	vst v9  }
0x228: {  	v9 =	vld.idx.msk [tilespmem:v10+s11+$0x0], $0xffff;
	_ =	sdelay $0x1  }
0x229: {  	v10 =	vor.u32 $0x3, v8;
	_ =	sdelay $0x3  }
0x22a: {  	[tilespmem:s30+$0xFFFFFDE0] =	vst v9  }
0x22b: {  	v9 =	vld.idx.msk [tilespmem:v10+s11+$0x0], $0xffff;
	_ =	sdelay $0x1  }
0x22c: {  	v10 =	vor.u32 $0x4, v1;
	_ =	sdelay $0x3  }
0x22d: {  	[tilespmem:s30+$0xFFFFFDF0] =	vst v9  }
0x22e: {  	v9 =	vld.idx.msk [tilespmem:v10+s11+$0x0], $0xffff;
	_ =	sdelay $0x1  }
0x22f: {  	v10 =	vor.u32 $0x4, v2;
	_ =	sdelay $0x3  }
0x230: {  	[tilespmem:s30+$0xFFFFFE00] =	vst v9  }
0x231: {  	v9 =	vld.idx.msk [tilespmem:v10+s11+$0x0], $0xffff;
	_ =	sdelay $0x1  }
0x232: {  	v10 =	vor.u32 $0x4, v3;
	_ =	sdelay $0x3  }
0x233: {  	[tilespmem:s30+$0xFFFFFE10] =	vst v9  }
0x234: {  	v9 =	vld.idx.msk [tilespmem:v10+s11+$0x0], $0xffff;
	_ =	sdelay $0x1  }
0x235: {  	v10 =	vor.u32 $0x4, v4;
	_ =	sdelay $0x3  }
0x236: {  	[tilespmem:s30+$0xFFFFFE20] =	vst v9  }
0x237: {  	v9 =	vld.idx.msk [tilespmem:v10+s11+$0x0], $0xffff;
	_ =	sdelay $0x1  }
0x238: {  	v10 =	vor.u32 $0x4, v5;
	_ =	sdelay $0x3  }
0x239: {  	[tilespmem:s30+$0xFFFFFE30] =	vst v9  }
0x23a: {  	v9 =	vld.idx.msk [tilespmem:v10+s11+$0x0], $0xffff;
	_ =	sdelay $0x1  }
0x23b: {  	v10 =	vor.u32 $0x4, v6;
	_ =	sdelay $0x3  }
0x23c: {  	[tilespmem:s30+$0xFFFFFE40] =	vst v9  }
0x23d: {  	v9 =	vld.idx.msk [tilespmem:v10+s11+$0x0], $0xffff;
	_ =	sdelay $0x1  }
0x23e: {  	v10 =	vor.u32 $0x4, v7;
	_ =	sdelay $0x3  }
0x23f: {  	[tilespmem:s30+$0xFFFFFE50] =	vst v9  }
0x240: {  	v9 =	vld.idx.msk [tilespmem:v10+s11+$0x0], $0xffff;
	_ =	sdelay $0x1  }
0x241: {  	v10 =	vor.u32 $0x4, v8;
	_ =	sdelay $0x3  }
0x242: {  	[tilespmem:s30+$0xFFFFFE60] =	vst v9  }
0x243: {  	v9 =	vld.idx.msk [tilespmem:v10+s11+$0x0], $0xffff;
	_ =	sdelay $0x1  }
0x244: {  	v10 =	vor.u32 $0x5, v1;
	_ =	sdelay $0x3  }
0x245: {  	[tilespmem:s30+$0xFFFFFE70] =	vst v9  }
0x246: {  	v9 =	vld.idx.msk [tilespmem:v10+s11+$0x0], $0xffff;
	_ =	sdelay $0x1  }
0x247: {  	v10 =	vor.u32 $0x5, v2;
	_ =	sdelay $0x3  }
0x248: {  	[tilespmem:s30+$0xFFFFFE80] =	vst v9  }
0x249: {  	v9 =	vld.idx.msk [tilespmem:v10+s11+$0x0], $0xffff;
	_ =	sdelay $0x1  }
0x24a: {  	v10 =	vor.u32 $0x5, v3;
	_ =	sdelay $0x3  }
0x24b: {  	[tilespmem:s30+$0xFFFFFE90] =	vst v9  }
0x24c: {  	v9 =	vld.idx.msk [tilespmem:v10+s11+$0x0], $0xffff;
	_ =	sdelay $0x1  }
0x24d: {  	v10 =	vor.u32 $0x5, v4;
	_ =	sdelay $0x3  }
0x24e: {  	[tilespmem:s30+$0xFFFFFEA0] =	vst v9  }
0x24f: {  	v9 =	vld.idx.msk [tilespmem:v10+s11+$0x0], $0xffff;
	_ =	sdelay $0x1  }
0x250: {  	v10 =	vor.u32 $0x5, v5;
	_ =	sdelay $0x3  }
0x251: {  	[tilespmem:s30+$0xFFFFFEB0] =	vst v9  }
0x252: {  	v9 =	vld.idx.msk [tilespmem:v10+s11+$0x0], $0xffff;
	_ =	sdelay $0x1  }
0x253: {  	v10 =	vor.u32 $0x5, v6;
	_ =	sdelay $0x3  }
0x254: {  	[tilespmem:s30+$0xFFFFFEC0] =	vst v9  }
0x255: {  	v9 =	vld.idx.msk [tilespmem:v10+s11+$0x0], $0xffff;
	_ =	sdelay $0x1  }
0x256: {  	v10 =	vor.u32 $0x5, v7;
	_ =	sdelay $0x3  }
0x257: {  	[tilespmem:s30+$0xFFFFFED0] =	vst v9  }
0x258: {  	v9 =	vld.idx.msk [tilespmem:v10+s11+$0x0], $0xffff;
	_ =	sdelay $0x1  }
0x259: {  	v10 =	vor.u32 $0x5, v8;
	_ =	sdelay $0x3  }
0x25a: {  	[tilespmem:s30+$0xFFFFFEE0] =	vst v9  }
0x25b: {  	v9 =	vld.idx.msk [tilespmem:v10+s11+$0x0], $0xffff;
	_ =	sdelay $0x1  }
0x25c: {  	v10 =	vor.u32 $0x6, v1;
	_ =	sdelay $0x3  }
0x25d: {  	[tilespmem:s30+$0xFFFFFEF0] =	vst v9  }
0x25e: {  	v9 =	vld.idx.msk [tilespmem:v10+s11+$0x0], $0xffff;
	_ =	sdelay $0x1  }
0x25f: {  	v10 =	vor.u32 $0x6, v2;
	_ =	sdelay $0x3  }
0x260: {  	[tilespmem:s30+$0xFFFFFF00] =	vst v9  }
0x261: {  	v9 =	vld.idx.msk [tilespmem:v10+s11+$0x0], $0xffff;
	_ =	sdelay $0x1  }
0x262: {  	v10 =	vor.u32 $0x6, v3;
	_ =	sdelay $0x3  }
0x263: {  	[tilespmem:s30+$0xFFFFFF10] =	vst v9  }
0x264: {  	v9 =	vld.idx.msk [tilespmem:v10+s11+$0x0], $0xffff;
	_ =	sdelay $0x1  }
0x265: {  	v10 =	vor.u32 $0x6, v4;
	_ =	sdelay $0x3  }
0x266: {  	[tilespmem:s30+$0xFFFFFF20] =	vst v9  }
0x267: {  	v9 =	vld.idx.msk [tilespmem:v10+s11+$0x0], $0xffff;
	_ =	sdelay $0x1  }
0x268: {  	v10 =	vor.u32 $0x6, v5;
	_ =	sdelay $0x3  }
0x269: {  	[tilespmem:s30+$0xFFFFFF30] =	vst v9  }
0x26a: {  	v9 =	vld.idx.msk [tilespmem:v10+s11+$0x0], $0xffff;
	_ =	sdelay $0x1  }
0x26b: {  	v10 =	vor.u32 $0x6, v6;
	_ =	sdelay $0x3  }
0x26c: {  	[tilespmem:s30+$0xFFFFFF40] =	vst v9  }
0x26d: {  	v9 =	vld.idx.msk [tilespmem:v10+s11+$0x0], $0xffff;
	_ =	sdelay $0x1  }
0x26e: {  	v10 =	vor.u32 $0x6, v7;
	_ =	sdelay $0x3  }
0x26f: {  	[tilespmem:s30+$0xFFFFFF50] =	vst v9  }
0x270: {  	v9 =	vld.idx.msk [tilespmem:v10+s11+$0x0], $0xffff;
	_ =	sdelay $0x1  }
0x271: {  	v10 =	vor.u32 $0x6, v8;
	_ =	sdelay $0x3  }
0x272: {  	[tilespmem:s30+$0xFFFFFF60] =	vst v9  }
0x273: {  	v9 =	vld.idx.msk [tilespmem:v10+s11+$0x0], $0xffff;
	_ =	sdelay $0x1  }
0x274: {  	v10 =	vor.u32 $0x7, v1;
	_ =	sdelay $0x3  }
0x275: {  	[tilespmem:s30+$0xFFFFFF70] =	vst v9  }
0x276: {  	v9 =	vld.idx.msk [tilespmem:v10+s11+$0x0], $0xffff;
	_ =	sdelay $0x1  }
0x277: {  	v10 =	vor.u32 $0x7, v2;
	_ =	sdelay $0x3  }
0x278: {  	[tilespmem:s30+$0xFFFFFF80] =	vst v9  }
0x279: {  	v9 =	vld.idx.msk [tilespmem:v10+s11+$0x0], $0xffff;
	_ =	sdelay $0x1  }
0x27a: {  	v10 =	vor.u32 $0x7, v3;
	_ =	sdelay $0x3  }
0x27b: {  	[tilespmem:s30+$0xFFFFFF90] =	vst v9  }
0x27c: {  	v9 =	vld.idx.msk [tilespmem:v10+s11+$0x0], $0xffff;
	_ =	sdelay $0x1  }
0x27d: {  	v10 =	vor.u32 $0x7, v4;
	_ =	sdelay $0x3  }
0x27e: {  	[tilespmem:s30+$0xFFFFFFA0] =	vst v9  }
0x27f: {  	v9 =	vld.idx.msk [tilespmem:v10+s11+$0x0], $0xffff;
	_ =	sdelay $0x1  }
0x280: {  	v10 =	vor.u32 $0x7, v5;
	_ =	sdelay $0x3  }
0x281: {  	[tilespmem:s30+$0xFFFFFFB0] =	vst v9  }
0x282: {  	v9 =	vld.idx.msk [tilespmem:v10+s11+$0x0], $0xffff;
	_ =	sdelay $0x1  }
0x283: {  	v10 =	vor.u32 $0x7, v6;
	_ =	sdelay $0x3  }
0x284: {  	[tilespmem:s30+$0xFFFFFFC0] =	vst v9  }
0x285: {  	v9 =	vld.idx.msk [tilespmem:v10+s11+$0x0], $0xffff;
	_ =	sdelay $0x1  }
0x286: {  	v10 =	vor.u32 $0x7, v7;
	_ =	sdelay $0x3  }
0x287: {  	[tilespmem:s30+$0xFFFFFFD0] =	vst v9  }
0x288: {  	v9 =	vld.idx.msk [tilespmem:v10+s11+$0x0], $0xffff;
	_ =	sdelay $0x1  }
0x289: {  	v10 =	vor.u32 $0x7, v8;
	_ =	sdelay $0x3  }
0x28a: {  	[tilespmem:s30+$0xFFFFFFE0] =	vst v9  }
0x28b: {  	v9 =	vld.idx.msk [tilespmem:v10+s11+$0x0], $0xffff;
	_ =	sdelay $0x1  }
0x28c: {  	v10 =	vor.u32 $0x8, v1;
	_ =	sdelay $0x3  }
0x28d: {  	[tilespmem:s30+$0xFFFFFFF0] =	vst v9  }
0x28e: {  	v9 =	vld.idx.msk [tilespmem:v10+s11+$0x0], $0xffff;
	_ =	sdelay $0x1  }
0x28f: {  	v10 =	vor.u32 $0x8, v2;
	_ =	sdelay $0x3  }
0x290: {  	[tilespmem:s30+$0x0] =	vst v9  }
0x291: {  	v9 =	vld.idx.msk [tilespmem:v10+s11+$0x0], $0xffff;
	_ =	sdelay $0x1  }
0x292: {  	v10 =	vor.u32 $0x8, v3;
	_ =	sdelay $0x3  }
0x293: {  	[tilespmem:s30+$0x10] =	vst v9  }
0x294: {  	v9 =	vld.idx.msk [tilespmem:v10+s11+$0x0], $0xffff;
	_ =	sdelay $0x1  }
0x295: {  	v10 =	vor.u32 $0x8, v4;
	_ =	sdelay $0x3  }
0x296: {  	[tilespmem:s30+$0x20] =	vst v9  }
0x297: {  	v9 =	vld.idx.msk [tilespmem:v10+s11+$0x0], $0xffff;
	_ =	sdelay $0x1  }
0x298: {  	v10 =	vor.u32 $0x8, v5;
	_ =	sdelay $0x3  }
0x299: {  	[tilespmem:s30+$0x30] =	vst v9  }
0x29a: {  	v9 =	vld.idx.msk [tilespmem:v10+s11+$0x0], $0xffff;
	_ =	sdelay $0x1  }
0x29b: {  	v10 =	vor.u32 $0x8, v6;
	_ =	sdelay $0x3  }
0x29c: {  	[tilespmem:s30+$0x40] =	vst v9  }
0x29d: {  	v9 =	vld.idx.msk [tilespmem:v10+s11+$0x0], $0xffff;
	_ =	sdelay $0x1  }
0x29e: {  	v10 =	vor.u32 $0x8, v7;
	_ =	sdelay $0x3  }
0x29f: {  	[tilespmem:s30+$0x50] =	vst v9  }
0x2a0: {  	v9 =	vld.idx.msk [tilespmem:v10+s11+$0x0], $0xffff;
	_ =	sdelay $0x1  }
0x2a1: {  	v10 =	vor.u32 $0x8, v8;
	_ =	sdelay $0x3  }
0x2a2: {  	[tilespmem:s30+$0x60] =	vst v9  }
0x2a3: {  	v9 =	vld.idx.msk [tilespmem:v10+s11+$0x0], $0xffff;
	_ =	sdelay $0x1  }
0x2a4: {  	v10 =	vor.u32 $0x9, v1;
	_ =	sdelay $0x3  }
0x2a5: {  	[tilespmem:s30+$0x70] =	vst v9  }
0x2a6: {  	v9 =	vld.idx.msk [tilespmem:v10+s11+$0x0], $0xffff;
	_ =	sdelay $0x1  }
0x2a7: {  	v10 =	vor.u32 $0x9, v2;
	_ =	sdelay $0x3  }
0x2a8: {  	[tilespmem:s30+$0x80] =	vst v9  }
0x2a9: {  	v9 =	vld.idx.msk [tilespmem:v10+s11+$0x0], $0xffff;
	_ =	sdelay $0x1  }
0x2aa: {  	v10 =	vor.u32 $0x9, v3;
	_ =	sdelay $0x3  }
0x2ab: {  	[tilespmem:s30+$0x90] =	vst v9  }
0x2ac: {  	v9 =	vld.idx.msk [tilespmem:v10+s11+$0x0], $0xffff;
	_ =	sdelay $0x1  }
0x2ad: {  	v10 =	vor.u32 $0x9, v4;
	_ =	sdelay $0x3  }
0x2ae: {  	[tilespmem:s30+$0xA0] =	vst v9  }
0x2af: {  	v9 =	vld.idx.msk [tilespmem:v10+s11+$0x0], $0xffff;
	_ =	sdelay $0x1  }
0x2b0: {  	v10 =	vor.u32 $0x9, v5;
	_ =	sdelay $0x3  }
0x2b1: {  	[tilespmem:s30+$0xB0] =	vst v9  }
0x2b2: {  	v9 =	vld.idx.msk [tilespmem:v10+s11+$0x0], $0xffff;
	_ =	sdelay $0x1  }
0x2b3: {  	v10 =	vor.u32 $0x9, v6;
	_ =	sdelay $0x3  }
0x2b4: {  	[tilespmem:s30+$0xC0] =	vst v9  }
0x2b5: {  	v9 =	vld.idx.msk [tilespmem:v10+s11+$0x0], $0xffff;
	_ =	sdelay $0x1  }
0x2b6: {  	v10 =	vor.u32 $0x9, v7;
	_ =	sdelay $0x3  }
0x2b7: {  	[tilespmem:s30+$0xD0] =	vst v9  }
0x2b8: {  	v9 =	vld.idx.msk [tilespmem:v10+s11+$0x0], $0xffff;
	_ =	sdelay $0x1  }
0x2b9: {  	v10 =	vor.u32 $0x9, v8;
	_ =	sdelay $0x3  }
0x2ba: {  	[tilespmem:s30+$0xE0] =	vst v9  }
0x2bb: {  	v9 =	vld.idx.msk [tilespmem:v10+s11+$0x0], $0xffff;
	_ =	sdelay $0x1  }
0x2bc: {  	v10 =	vor.u32 $0xA, v1;
	_ =	sdelay $0x3  }
0x2bd: {  	[tilespmem:s30+$0xF0] =	vst v9  }
0x2be: {  	v9 =	vld.idx.msk [tilespmem:v10+s11+$0x0], $0xffff;
	_ =	sdelay $0x1  }
0x2bf: {  	v10 =	vor.u32 $0xA, v2;
	_ =	sdelay $0x3  }
0x2c0: {  	[tilespmem:s30+$0x100] =	vst v9  }
0x2c1: {  	v9 =	vld.idx.msk [tilespmem:v10+s11+$0x0], $0xffff;
	_ =	sdelay $0x1  }
0x2c2: {  	v10 =	vor.u32 $0xA, v3;
	_ =	sdelay $0x3  }
0x2c3: {  	[tilespmem:s30+$0x110] =	vst v9  }
0x2c4: {  	v9 =	vld.idx.msk [tilespmem:v10+s11+$0x0], $0xffff;
	_ =	sdelay $0x1  }
0x2c5: {  	v10 =	vor.u32 $0xA, v4;
	_ =	sdelay $0x3  }
0x2c6: {  	[tilespmem:s30+$0x120] =	vst v9  }
0x2c7: {  	v9 =	vld.idx.msk [tilespmem:v10+s11+$0x0], $0xffff;
	_ =	sdelay $0x1  }
0x2c8: {  	v10 =	vor.u32 $0xA, v5;
	_ =	sdelay $0x3  }
0x2c9: {  	[tilespmem:s30+$0x130] =	vst v9  }
0x2ca: {  	v9 =	vld.idx.msk [tilespmem:v10+s11+$0x0], $0xffff;
	_ =	sdelay $0x1  }
0x2cb: {  	v10 =	vor.u32 $0xA, v6;
	_ =	sdelay $0x3  }
0x2cc: {  	[tilespmem:s30+$0x140] =	vst v9  }
0x2cd: {  	v9 =	vld.idx.msk [tilespmem:v10+s11+$0x0], $0xffff;
	_ =	sdelay $0x1  }
0x2ce: {  	v10 =	vor.u32 $0xA, v7;
	_ =	sdelay $0x3  }
0x2cf: {  	[tilespmem:s30+$0x150] =	vst v9  }
0x2d0: {  	v9 =	vld.idx.msk [tilespmem:v10+s11+$0x0], $0xffff;
	_ =	sdelay $0x1  }
0x2d1: {  	v10 =	vor.u32 $0xA, v8;
	_ =	sdelay $0x3  }
0x2d2: {  	[tilespmem:s30+$0x160] =	vst v9  }
0x2d3: {  	v9 =	vld.idx.msk [tilespmem:v10+s11+$0x0], $0xffff;
	_ =	sdelay $0x1  }
0x2d4: {  	v10 =	vor.u32 $0xB, v1;
	_ =	sdelay $0x3  }
0x2d5: {  	[tilespmem:s30+$0x170] =	vst v9  }
0x2d6: {  	v9 =	vld.idx.msk [tilespmem:v10+s11+$0x0], $0xffff;
	_ =	sdelay $0x1  }
0x2d7: {  	v10 =	vor.u32 $0xB, v2;
	_ =	sdelay $0x3  }
0x2d8: {  	[tilespmem:s30+$0x180] =	vst v9  }
0x2d9: {  	v9 =	vld.idx.msk [tilespmem:v10+s11+$0x0], $0xffff;
	_ =	sdelay $0x1  }
0x2da: {  	v10 =	vor.u32 $0xB, v3;
	_ =	sdelay $0x3  }
0x2db: {  	[tilespmem:s30+$0x190] =	vst v9  }
0x2dc: {  	v9 =	vld.idx.msk [tilespmem:v10+s11+$0x0], $0xffff;
	_ =	sdelay $0x1  }
0x2dd: {  	v10 =	vor.u32 $0xB, v4;
	_ =	sdelay $0x3  }
0x2de: {  	[tilespmem:s30+$0x1A0] =	vst v9  }
0x2df: {  	v9 =	vld.idx.msk [tilespmem:v10+s11+$0x0], $0xffff;
	_ =	sdelay $0x1  }
0x2e0: {  	v10 =	vor.u32 $0xB, v5;
	_ =	sdelay $0x3  }
0x2e1: {  	[tilespmem:s30+$0x1B0] =	vst v9  }
0x2e2: {  	v9 =	vld.idx.msk [tilespmem:v10+s11+$0x0], $0xffff;
	_ =	sdelay $0x1  }
0x2e3: {  	v10 =	vor.u32 $0xB, v6;
	_ =	sdelay $0x3  }
0x2e4: {  	[tilespmem:s30+$0x1C0] =	vst v9  }
0x2e5: {  	v9 =	vld.idx.msk [tilespmem:v10+s11+$0x0], $0xffff;
	_ =	sdelay $0x1  }
0x2e6: {  	v10 =	vor.u32 $0xB, v7;
	_ =	sdelay $0x3  }
0x2e7: {  	[tilespmem:s30+$0x1D0] =	vst v9  }
0x2e8: {  	v9 =	vld.idx.msk [tilespmem:v10+s11+$0x0], $0xffff;
	_ =	sdelay $0x1  }
0x2e9: {  	v10 =	vor.u32 $0xB, v8;
	_ =	sdelay $0x3  }
0x2ea: {  	[tilespmem:s30+$0x1E0] =	vst v9  }
0x2eb: {  	v9 =	vld.idx.msk [tilespmem:v10+s11+$0x0], $0xffff;
	_ =	sdelay $0x1  }
0x2ec: {  	v10 =	vor.u32 $0xC, v1;
	_ =	sdelay $0x3  }
0x2ed: {  	[tilespmem:s30+$0x1F0] =	vst v9  }
0x2ee: {  	v9 =	vld.idx.msk [tilespmem:v10+s11+$0x0], $0xffff;
	_ =	sdelay $0x1  }
0x2ef: {  	v10 =	vor.u32 $0xC, v2;
	_ =	sdelay $0x3  }
0x2f0: {  	[tilespmem:s30+$0x200] =	vst v9  }
0x2f1: {  	v9 =	vld.idx.msk [tilespmem:v10+s11+$0x0], $0xffff;
	_ =	sdelay $0x1  }
0x2f2: {  	v10 =	vor.u32 $0xC, v3;
	_ =	sdelay $0x3  }
0x2f3: {  	[tilespmem:s30+$0x210] =	vst v9  }
0x2f4: {  	v9 =	vld.idx.msk [tilespmem:v10+s11+$0x0], $0xffff;
	_ =	sdelay $0x1  }
0x2f5: {  	v10 =	vor.u32 $0xC, v4;
	_ =	sdelay $0x3  }
0x2f6: {  	[tilespmem:s30+$0x220] =	vst v9  }
0x2f7: {  	v9 =	vld.idx.msk [tilespmem:v10+s11+$0x0], $0xffff;
	_ =	sdelay $0x1  }
0x2f8: {  	v10 =	vor.u32 $0xC, v5;
	_ =	sdelay $0x3  }
0x2f9: {  	[tilespmem:s30+$0x230] =	vst v9  }
0x2fa: {  	v9 =	vld.idx.msk [tilespmem:v10+s11+$0x0], $0xffff;
	_ =	sdelay $0x1  }
0x2fb: {  	v10 =	vor.u32 $0xC, v6;
	_ =	sdelay $0x3  }
0x2fc: {  	[tilespmem:s30+$0x240] =	vst v9  }
0x2fd: {  	v9 =	vld.idx.msk [tilespmem:v10+s11+$0x0], $0xffff;
	_ =	sdelay $0x1  }
0x2fe: {  	v10 =	vor.u32 $0xC, v7;
	_ =	sdelay $0x3  }
0x2ff: {  	[tilespmem:s30+$0x250] =	vst v9  }
0x300: {  	v9 =	vld.idx.msk [tilespmem:v10+s11+$0x0], $0xffff;
	_ =	sdelay $0x1  }
0x301: {  	v10 =	vor.u32 $0xC, v8;
	_ =	sdelay $0x3  }
0x302: {  	[tilespmem:s30+$0x260] =	vst v9  }
0x303: {  	v9 =	vld.idx.msk [tilespmem:v10+s11+$0x0], $0xffff;
	_ =	sdelay $0x1  }
0x304: {  	v10 =	vor.u32 $0xD, v1;
	_ =	sdelay $0x3  }
0x305: {  	[tilespmem:s30+$0x270] =	vst v9  }
0x306: {  	v9 =	vld.idx.msk [tilespmem:v10+s11+$0x0], $0xffff;
	_ =	sdelay $0x1  }
0x307: {  	v10 =	vor.u32 $0xD, v2;
	_ =	sdelay $0x3  }
0x308: {  	[tilespmem:s30+$0x280] =	vst v9  }
0x309: {  	v9 =	vld.idx.msk [tilespmem:v10+s11+$0x0], $0xffff;
	_ =	sdelay $0x1  }
0x30a: {  	v10 =	vor.u32 $0xD, v3;
	_ =	sdelay $0x3  }
0x30b: {  	[tilespmem:s30+$0x290] =	vst v9  }
0x30c: {  	v9 =	vld.idx.msk [tilespmem:v10+s11+$0x0], $0xffff;
	_ =	sdelay $0x1  }
0x30d: {  	v10 =	vor.u32 $0xD, v4;
	_ =	sdelay $0x3  }
0x30e: {  	[tilespmem:s30+$0x2A0] =	vst v9  }
0x30f: {  	v9 =	vld.idx.msk [tilespmem:v10+s11+$0x0], $0xffff;
	_ =	sdelay $0x1  }
0x310: {  	v10 =	vor.u32 $0xD, v5;
	_ =	sdelay $0x3  }
0x311: {  	[tilespmem:s30+$0x2B0] =	vst v9  }
0x312: {  	v9 =	vld.idx.msk [tilespmem:v10+s11+$0x0], $0xffff;
	_ =	sdelay $0x1  }
0x313: {  	v10 =	vor.u32 $0xD, v6;
	_ =	sdelay $0x3  }
0x314: {  	[tilespmem:s30+$0x2C0] =	vst v9  }
0x315: {  	v9 =	vld.idx.msk [tilespmem:v10+s11+$0x0], $0xffff;
	_ =	sdelay $0x1  }
0x316: {  	v10 =	vor.u32 $0xD, v7;
	_ =	sdelay $0x3  }
0x317: {  	[tilespmem:s30+$0x2D0] =	vst v9  }
0x318: {  	v9 =	vld.idx.msk [tilespmem:v10+s11+$0x0], $0xffff;
	_ =	sdelay $0x1  }
0x319: {  	v10 =	vor.u32 $0xD, v8;
	_ =	sdelay $0x3  }
0x31a: {  	[tilespmem:s30+$0x2E0] =	vst v9  }
0x31b: {  	v9 =	vld.idx.msk [tilespmem:v10+s11+$0x0], $0xffff;
	_ =	sdelay $0x1  }
0x31c: {  	v10 =	vor.u32 $0xE, v1;
	_ =	sdelay $0x3  }
0x31d: {  	[tilespmem:s30+$0x2F0] =	vst v9  }
0x31e: {  	v9 =	vld.idx.msk [tilespmem:v10+s11+$0x0], $0xffff;
	_ =	sdelay $0x1  }
0x31f: {  	v10 =	vor.u32 $0xE, v2;
	_ =	sdelay $0x3  }
0x320: {  	[tilespmem:s30+$0x300] =	vst v9  }
0x321: {  	v9 =	vld.idx.msk [tilespmem:v10+s11+$0x0], $0xffff;
	_ =	sdelay $0x1  }
0x322: {  	v10 =	vor.u32 $0xE, v3;
	_ =	sdelay $0x3  }
0x323: {  	[tilespmem:s30+$0x310] =	vst v9  }
0x324: {  	v9 =	vld.idx.msk [tilespmem:v10+s11+$0x0], $0xffff;
	_ =	sdelay $0x1  }
0x325: {  	v10 =	vor.u32 $0xE, v4;
	_ =	sdelay $0x3  }
0x326: {  	[tilespmem:s30+$0x320] =	vst v9  }
0x327: {  	v9 =	vld.idx.msk [tilespmem:v10+s11+$0x0], $0xffff;
	_ =	sdelay $0x1  }
0x328: {  	v10 =	vor.u32 $0xE, v5;
	_ =	sdelay $0x3  }
0x329: {  	[tilespmem:s30+$0x330] =	vst v9  }
0x32a: {  	v9 =	vld.idx.msk [tilespmem:v10+s11+$0x0], $0xffff;
	_ =	sdelay $0x1  }
0x32b: {  	v10 =	vor.u32 $0xE, v6;
	_ =	sdelay $0x3  }
0x32c: {  	[tilespmem:s30+$0x340] =	vst v9  }
0x32d: {  	v9 =	vld.idx.msk [tilespmem:v10+s11+$0x0], $0xffff;
	_ =	sdelay $0x1  }
0x32e: {  	v10 =	vor.u32 $0xE, v7;
	_ =	sdelay $0x3  }
0x32f: {  	[tilespmem:s30+$0x350] =	vst v9  }
0x330: {  	v9 =	vld.idx.msk [tilespmem:v10+s11+$0x0], $0xffff;
	_ =	sdelay $0x1  }
0x331: {  	v10 =	vor.u32 $0xE, v8;
	_ =	sdelay $0x3  }
0x332: {  	[tilespmem:s30+$0x360] =	vst v9  }
0x333: {  	v9 =	vld.idx.msk [tilespmem:v10+s11+$0x0], $0xffff;
	_ =	sdelay $0x1  }
0x334: {  	v1 =	vor.u32 $0xF, v1;
	_ =	sdelay $0x3  }
0x335: {  	[tilespmem:s30+$0x370] =	vst v9  }
0x336: {  	v1 =	vld.idx.msk [tilespmem:v1+s11+$0x0], $0xffff;
	_ =	sdelay $0x1  }
0x337: {  	v2 =	vor.u32 $0xF, v2;
	_ =	sdelay $0x3  }
0x338: {  	[tilespmem:s30+$0x380] =	vst v1  }
0x339: {  	v1 =	vld.idx.msk [tilespmem:v2+s11+$0x0], $0xffff;
	_ =	sdelay $0x1  }
0x33a: {  	v2 =	vor.u32 $0xF, v3;
	_ =	sdelay $0x3  }
0x33b: {  	[tilespmem:s30+$0x390] =	vst v1  }
0x33c: {  	v1 =	vld.idx.msk [tilespmem:v2+s11+$0x0], $0xffff;
	_ =	sdelay $0x1  }
0x33d: {  	v2 =	vor.u32 $0xF, v4;
	_ =	sdelay $0x3  }
0x33e: {  	[tilespmem:s30+$0x3A0] =	vst v1  }
0x33f: {  	v1 =	vld.idx.msk [tilespmem:v2+s11+$0x0], $0xffff;
	_ =	sdelay $0x1  }
0x340: {  	v2 =	vor.u32 $0xF, v5;
	_ =	sdelay $0x3  }
0x341: {  	[tilespmem:s30+$0x3B0] =	vst v1  }
0x342: {  	v1 =	vld.idx.msk [tilespmem:v2+s11+$0x0], $0xffff;
	_ =	sdelay $0x1  }
0x343: {  	v2 =	vor.u32 $0xF, v6;
	_ =	sdelay $0x3  }
0x344: {  	[tilespmem:s30+$0x3C0] =	vst v1  }
0x345: {  	v1 =	vld.idx.msk [tilespmem:v2+s11+$0x0], $0xffff;
	_ =	sdelay $0x1  }
0x346: {  	v2 =	vor.u32 $0xF, v7;
	_ =	sdelay $0x3  }
0x347: {  	[tilespmem:s30+$0x3D0] =	vst v1  }
0x348: {  	v2 =	vld.idx.msk [tilespmem:v2+s11+$0x0], $0xffff;
	_ =	sdelay $0x1  }
.Ltmp0:
0x349: {  	v1 =	vor.u32 $0xF, v8;
	(pc) =	sbr.rel @p0 .LBB2_3-.Ltmp0, $2  }
0x34a: {  	_ =	sdelay $0x2  }
0x34b: {  	s0 =	sadd.s32 $0x80, s0;
	s2 =	sadd.s32 $0xFFFFFF90, s31;
	[tilespmem:s30+$0x3E0] =	vst v2  }
0x34c: {  	_ =	sdelay $0x2  }
0x34d: {  	v2 =	vmov s2  }
0x34e: {  	v3 =	vld.idx.msk [tilespmem:v1+s11+$0x0], $0xffff;
	v1 =	vshll.u32 v2, $0x4  }
0x34f: {  	v1 =	vor.u32 v0, v1;
	_ =	sdelay $0x2  }
0x350: {  	s0 =	sadd.s32 $0xFFFFFFA0, s31  }
0x351: {  	v2 =	vmov s0;
	[tilespmem:s30+$0x3F0] =	vst v3  }
0x352: {  	v2 =	vshll.u32 v2, $0x4;
	v3 =	vld.idx.msk [tilespmem:v1+s11+$0x0], $0xffff  }
0x353: {  	v2 =	vor.u32 v0, v2;
	_ =	sdelay $0x2  }
0x354: {  	s0 =	sadd.s32 $0x800, s30;
	s30 =	sadd.s32 $0xFFFFFFB0, s31  }
0x355: {  	[tilespmem:s0+$0xFFFFFC00] =	vst v3;
	v3 =	vmov s30  }
0x356: {  	v4 =	vld.idx.msk [tilespmem:v2+s11+$0x0], $0xffff;
	v3 =	vshll.u32 v3, $0x4  }
0x357: {  	v3 =	vor.u32 v0, v3;
	_ =	sdelay $0x2  }
0x358: {  	s30 =	sadd.s32 $0xFFFFFFC0, s31  }
0x359: {  	v52 =	vmov s30;
	[tilespmem:s0+$0xFFFFFC10] =	vst v4  }
0x35a: {  	v4 =	vshll.u32 v52, $0x4;
	v5 =	vld.idx.msk [tilespmem:v3+s11+$0x0], $0xffff  }
0x35b: {  	v4 =	vor.u32 v0, v4;
	_ =	sdelay $0x2  }
0x35c: {  	s30 =	sadd.s32 $0xFFFFFFD0, s31  }
0x35d: {  	v53 =	vmov s30;
	[tilespmem:s0+$0xFFFFFC20] =	vst v5  }
0x35e: {  	v5 =	vshll.u32 v53, $0x4;
	v6 =	vld.idx.msk [tilespmem:v4+s11+$0x0], $0xffff  }
0x35f: {  	v5 =	vor.u32 v0, v5;
	_ =	sdelay $0x2  }
0x360: {  	s30 =	sadd.s32 $0xFFFFFFE0, s31  }
0x361: {  	v54 =	vmov s30;
	[tilespmem:s0+$0xFFFFFC30] =	vst v6  }
0x362: {  	v6 =	vshll.u32 v54, $0x4;
	v7 =	vld.idx.msk [tilespmem:v5+s11+$0x0], $0xffff  }
0x363: {  	v6 =	vor.u32 v0, v6;
	_ =	sdelay $0x2  }
0x364: {  	s30 =	sadd.s32 $0xFFFFFFF0, s31  }
0x365: {  	v55 =	vmov s30;
	[tilespmem:s0+$0xFFFFFC40] =	vst v7  }
0x366: {  	v7 =	vshll.u32 v55, $0x4;
	v8 =	vld.idx.msk [tilespmem:v6+s11+$0x0], $0xffff  }
0x367: {  	v7 =	vor.u32 v0, v7;
	_ =	sdelay $0x3  }
0x368: {  	v56 =	vmov s31;
	[tilespmem:s0+$0xFFFFFC50] =	vst v8  }
0x369: {  	v8 =	vshll.u32 v56, $0x4;
	v9 =	vld.idx.msk [tilespmem:v7+s11+$0x0], $0xffff  }
0x36a: {  	v8 =	vor.u32 v0, v8;
	_ =	sdelay $0x3  }
0x36b: {  	[tilespmem:s0+$0xFFFFFC60] =	vst v9  }
0x36c: {  	v9 =	vld.idx.msk [tilespmem:v8+s11+$0x0], $0xffff  }
0x36d: {  	v10 =	vor.u32 $0x1, v1;
	_ =	sdelay $0x3  }
0x36e: {  	[tilespmem:s0+$0xFFFFFC70] =	vst v9  }
0x36f: {  	v9 =	vld.idx.msk [tilespmem:v10+s11+$0x0], $0xffff  }
0x370: {  	v57 =	vor.u32 $0x1, v2;
	_ =	sdelay $0x3  }
0x371: {  	[tilespmem:s0+$0xFFFFFC80] =	vst v9  }
0x372: {  	v9 =	vld.idx.msk [tilespmem:v57+s11+$0x0], $0xffff  }
0x373: {  	v58 =	vor.u32 $0x1, v3;
	_ =	sdelay $0x3  }
0x374: {  	[tilespmem:s0+$0xFFFFFC90] =	vst v9  }
0x375: {  	v9 =	vld.idx.msk [tilespmem:v58+s11+$0x0], $0xffff  }
0x376: {  	v59 =	vor.u32 $0x1, v4;
	_ =	sdelay $0x3  }
0x377: {  	[tilespmem:s0+$0xFFFFFCA0] =	vst v9  }
0x378: {  	v9 =	vld.idx.msk [tilespmem:v59+s11+$0x0], $0xffff  }
0x379: {  	v60 =	vor.u32 $0x1, v5;
	_ =	sdelay $0x3  }
0x37a: {  	[tilespmem:s0+$0xFFFFFCB0] =	vst v9  }
0x37b: {  	v9 =	vld.idx.msk [tilespmem:v60+s11+$0x0], $0xffff  }
0x37c: {  	v61 =	vor.u32 $0x1, v6;
	_ =	sdelay $0x3  }
0x37d: {  	[tilespmem:s0+$0xFFFFFCC0] =	vst v9  }
0x37e: {  	v9 =	vld.idx.msk [tilespmem:v61+s11+$0x0], $0xffff  }
0x37f: {  	v62 =	vor.u32 $0x1, v7;
	_ =	sdelay $0x3  }
0x380: {  	[tilespmem:s0+$0xFFFFFCD0] =	vst v9  }
0x381: {  	v9 =	vld.idx.msk [tilespmem:v62+s11+$0x0], $0xffff  }
0x382: {  	v63 =	vor.u32 $0x1, v8;
	_ =	sdelay $0x3  }
0x383: {  	[tilespmem:s0+$0xFFFFFCE0] =	vst v9  }
0x384: {  	v9 =	vld.idx.msk [tilespmem:v63+s11+$0x0], $0xffff  }
0x385: {  	v12 =	vor.u32 $0x2, v1;
	_ =	sdelay $0x3  }
0x386: {  	[tilespmem:s0+$0xFFFFFCF0] =	vst v9  }
0x387: {  	v9 =	vld.idx.msk [tilespmem:v12+s11+$0x0], $0xffff  }
0x388: {  	v13 =	vor.u32 $0x2, v2;
	_ =	sdelay $0x3  }
0x389: {  	[tilespmem:s0+$0xFFFFFD00] =	vst v9  }
0x38a: {  	v9 =	vld.idx.msk [tilespmem:v13+s11+$0x0], $0xffff  }
0x38b: {  	v14 =	vor.u32 $0x2, v3;
	_ =	sdelay $0x3  }
0x38c: {  	[tilespmem:s0+$0xFFFFFD10] =	vst v9  }
0x38d: {  	v9 =	vld.idx.msk [tilespmem:v14+s11+$0x0], $0xffff  }
0x38e: {  	v15 =	vor.u32 $0x2, v4;
	_ =	sdelay $0x3  }
0x38f: {  	[tilespmem:s0+$0xFFFFFD20] =	vst v9  }
0x390: {  	v9 =	vld.idx.msk [tilespmem:v15+s11+$0x0], $0xffff  }
0x391: {  	v16 =	vor.u32 $0x2, v5;
	_ =	sdelay $0x3  }
0x392: {  	[tilespmem:s0+$0xFFFFFD30] =	vst v9  }
0x393: {  	v9 =	vld.idx.msk [tilespmem:v16+s11+$0x0], $0xffff  }
0x394: {  	v17 =	vor.u32 $0x2, v6;
	_ =	sdelay $0x3  }
0x395: {  	[tilespmem:s0+$0xFFFFFD40] =	vst v9  }
0x396: {  	v9 =	vld.idx.msk [tilespmem:v17+s11+$0x0], $0xffff  }
0x397: {  	v18 =	vor.u32 $0x2, v7;
	_ =	sdelay $0x3  }
0x398: {  	[tilespmem:s0+$0xFFFFFD50] =	vst v9  }
0x399: {  	v9 =	vld.idx.msk [tilespmem:v18+s11+$0x0], $0xffff  }
0x39a: {  	v19 =	vor.u32 $0x2, v8;
	_ =	sdelay $0x3  }
0x39b: {  	[tilespmem:s0+$0xFFFFFD60] =	vst v9  }
0x39c: {  	v9 =	vld.idx.msk [tilespmem:v19+s11+$0x0], $0xffff  }
0x39d: {  	v20 =	vor.u32 $0x3, v1;
	_ =	sdelay $0x3  }
0x39e: {  	[tilespmem:s0+$0xFFFFFD70] =	vst v9  }
0x39f: {  	v9 =	vld.idx.msk [tilespmem:v20+s11+$0x0], $0xffff  }
0x3a0: {  	v21 =	vor.u32 $0x3, v2;
	_ =	sdelay $0x3  }
0x3a1: {  	[tilespmem:s0+$0xFFFFFD80] =	vst v9  }
0x3a2: {  	v9 =	vld.idx.msk [tilespmem:v21+s11+$0x0], $0xffff  }
0x3a3: {  	v22 =	vor.u32 $0x3, v3;
	_ =	sdelay $0x3  }
0x3a4: {  	[tilespmem:s0+$0xFFFFFD90] =	vst v9  }
0x3a5: {  	v9 =	vld.idx.msk [tilespmem:v22+s11+$0x0], $0xffff  }
0x3a6: {  	v23 =	vor.u32 $0x3, v4;
	_ =	sdelay $0x3  }
0x3a7: {  	[tilespmem:s0+$0xFFFFFDA0] =	vst v9  }
0x3a8: {  	v9 =	vld.idx.msk [tilespmem:v23+s11+$0x0], $0xffff  }
0x3a9: {  	v24 =	vor.u32 $0x3, v5;
	_ =	sdelay $0x3  }
0x3aa: {  	[tilespmem:s0+$0xFFFFFDB0] =	vst v9  }
0x3ab: {  	v9 =	vld.idx.msk [tilespmem:v24+s11+$0x0], $0xffff  }
0x3ac: {  	v25 =	vor.u32 $0x3, v6;
	_ =	sdelay $0x3  }
0x3ad: {  	[tilespmem:s0+$0xFFFFFDC0] =	vst v9  }
0x3ae: {  	v9 =	vld.idx.msk [tilespmem:v25+s11+$0x0], $0xffff  }
0x3af: {  	v26 =	vor.u32 $0x3, v7;
	_ =	sdelay $0x3  }
0x3b0: {  	[tilespmem:s0+$0xFFFFFDD0] =	vst v9  }
0x3b1: {  	v9 =	vld.idx.msk [tilespmem:v26+s11+$0x0], $0xffff  }
0x3b2: {  	v27 =	vor.u32 $0x3, v8;
	_ =	sdelay $0x3  }
0x3b3: {  	[tilespmem:s0+$0xFFFFFDE0] =	vst v9  }
0x3b4: {  	v9 =	vld.idx.msk [tilespmem:v27+s11+$0x0], $0xffff  }
0x3b5: {  	v28 =	vor.u32 $0x4, v1;
	_ =	sdelay $0x3  }
0x3b6: {  	[tilespmem:s0+$0xFFFFFDF0] =	vst v9  }
0x3b7: {  	v9 =	vld.idx.msk [tilespmem:v28+s11+$0x0], $0xffff  }
0x3b8: {  	v29 =	vor.u32 $0x4, v2;
	_ =	sdelay $0x3  }
0x3b9: {  	[tilespmem:s0+$0xFFFFFE00] =	vst v9  }
0x3ba: {  	v9 =	vld.idx.msk [tilespmem:v29+s11+$0x0], $0xffff  }
0x3bb: {  	v30 =	vor.u32 $0x4, v3;
	_ =	sdelay $0x3  }
0x3bc: {  	[tilespmem:s0+$0xFFFFFE10] =	vst v9  }
0x3bd: {  	v9 =	vld.idx.msk [tilespmem:v30+s11+$0x0], $0xffff  }
0x3be: {  	v31 =	vor.u32 $0x4, v4;
	_ =	sdelay $0x3  }
0x3bf: {  	[tilespmem:s0+$0xFFFFFE20] =	vst v9  }
0x3c0: {  	v9 =	vld.idx.msk [tilespmem:v31+s11+$0x0], $0xffff  }
0x3c1: {  	v32 =	vor.u32 $0x4, v5;
	_ =	sdelay $0x3  }
0x3c2: {  	[tilespmem:s0+$0xFFFFFE30] =	vst v9  }
0x3c3: {  	v9 =	vld.idx.msk [tilespmem:v32+s11+$0x0], $0xffff  }
0x3c4: {  	v33 =	vor.u32 $0x4, v6;
	_ =	sdelay $0x3  }
0x3c5: {  	[tilespmem:s0+$0xFFFFFE40] =	vst v9  }
0x3c6: {  	v9 =	vld.idx.msk [tilespmem:v33+s11+$0x0], $0xffff  }
0x3c7: {  	v34 =	vor.u32 $0x4, v7;
	_ =	sdelay $0x3  }
0x3c8: {  	[tilespmem:s0+$0xFFFFFE50] =	vst v9  }
0x3c9: {  	v9 =	vld.idx.msk [tilespmem:v34+s11+$0x0], $0xffff  }
0x3ca: {  	v35 =	vor.u32 $0x4, v8;
	_ =	sdelay $0x3  }
0x3cb: {  	[tilespmem:s0+$0xFFFFFE60] =	vst v9  }
0x3cc: {  	v9 =	vld.idx.msk [tilespmem:v35+s11+$0x0], $0xffff  }
0x3cd: {  	v36 =	vor.u32 $0x5, v1;
	_ =	sdelay $0x3  }
0x3ce: {  	[tilespmem:s0+$0xFFFFFE70] =	vst v9  }
0x3cf: {  	v9 =	vld.idx.msk [tilespmem:v36+s11+$0x0], $0xffff  }
0x3d0: {  	v37 =	vor.u32 $0x5, v2;
	_ =	sdelay $0x3  }
0x3d1: {  	[tilespmem:s0+$0xFFFFFE80] =	vst v9  }
0x3d2: {  	v9 =	vld.idx.msk [tilespmem:v37+s11+$0x0], $0xffff  }
0x3d3: {  	v38 =	vor.u32 $0x5, v3;
	_ =	sdelay $0x3  }
0x3d4: {  	[tilespmem:s0+$0xFFFFFE90] =	vst v9  }
0x3d5: {  	v9 =	vld.idx.msk [tilespmem:v38+s11+$0x0], $0xffff  }
0x3d6: {  	v39 =	vor.u32 $0x5, v4;
	_ =	sdelay $0x3  }
0x3d7: {  	[tilespmem:s0+$0xFFFFFEA0] =	vst v9  }
0x3d8: {  	v9 =	vld.idx.msk [tilespmem:v39+s11+$0x0], $0xffff  }
0x3d9: {  	v40 =	vor.u32 $0x5, v5;
	_ =	sdelay $0x3  }
0x3da: {  	[tilespmem:s0+$0xFFFFFEB0] =	vst v9  }
0x3db: {  	v9 =	vld.idx.msk [tilespmem:v40+s11+$0x0], $0xffff  }
0x3dc: {  	v41 =	vor.u32 $0x5, v6;
	_ =	sdelay $0x3  }
0x3dd: {  	[tilespmem:s0+$0xFFFFFEC0] =	vst v9  }
0x3de: {  	v9 =	vld.idx.msk [tilespmem:v41+s11+$0x0], $0xffff  }
0x3df: {  	v42 =	vor.u32 $0x5, v7;
	_ =	sdelay $0x3  }
0x3e0: {  	[tilespmem:s0+$0xFFFFFED0] =	vst v9  }
0x3e1: {  	v9 =	vld.idx.msk [tilespmem:v42+s11+$0x0], $0xffff  }
0x3e2: {  	v43 =	vor.u32 $0x5, v8;
	_ =	sdelay $0x3  }
0x3e3: {  	[tilespmem:s0+$0xFFFFFEE0] =	vst v9  }
0x3e4: {  	v9 =	vld.idx.msk [tilespmem:v43+s11+$0x0], $0xffff  }
0x3e5: {  	v44 =	vor.u32 $0x6, v1;
	_ =	sdelay $0x3  }
0x3e6: {  	[tilespmem:s0+$0xFFFFFEF0] =	vst v9  }
0x3e7: {  	v9 =	vld.idx.msk [tilespmem:v44+s11+$0x0], $0xffff  }
0x3e8: {  	v45 =	vor.u32 $0x6, v2;
	_ =	sdelay $0x3  }
0x3e9: {  	[tilespmem:s0+$0xFFFFFF00] =	vst v9  }
0x3ea: {  	v9 =	vld.idx.msk [tilespmem:v45+s11+$0x0], $0xffff  }
0x3eb: {  	v46 =	vor.u32 $0x6, v3;
	_ =	sdelay $0x3  }
0x3ec: {  	[tilespmem:s0+$0xFFFFFF10] =	vst v9  }
0x3ed: {  	v9 =	vld.idx.msk [tilespmem:v46+s11+$0x0], $0xffff  }
0x3ee: {  	v47 =	vor.u32 $0x6, v4;
	_ =	sdelay $0x3  }
0x3ef: {  	[tilespmem:s0+$0xFFFFFF20] =	vst v9  }
0x3f0: {  	v9 =	vld.idx.msk [tilespmem:v47+s11+$0x0], $0xffff  }
0x3f1: {  	v48 =	vor.u32 $0x6, v5;
	_ =	sdelay $0x3  }
0x3f2: {  	[tilespmem:s0+$0xFFFFFF30] =	vst v9  }
0x3f3: {  	v9 =	vld.idx.msk [tilespmem:v48+s11+$0x0], $0xffff  }
0x3f4: {  	v49 =	vor.u32 $0x6, v6;
	_ =	sdelay $0x3  }
0x3f5: {  	[tilespmem:s0+$0xFFFFFF40] =	vst v9  }
0x3f6: {  	v9 =	vld.idx.msk [tilespmem:v49+s11+$0x0], $0xffff  }
0x3f7: {  	v50 =	vor.u32 $0x6, v7;
	_ =	sdelay $0x3  }
0x3f8: {  	[tilespmem:s0+$0xFFFFFF50] =	vst v9  }
0x3f9: {  	v9 =	vld.idx.msk [tilespmem:v50+s11+$0x0], $0xffff  }
0x3fa: {  	v51 =	vor.u32 $0x6, v8;
	_ =	sdelay $0x3  }
0x3fb: {  	[tilespmem:s0+$0xFFFFFF60] =	vst v9  }
0x3fc: {  	v9 =	vld.idx.msk [tilespmem:v51+s11+$0x0], $0xffff  }
0x3fd: {  	v52 =	vor.u32 $0x7, v1;
	_ =	sdelay $0x3  }
0x3fe: {  	[tilespmem:s0+$0xFFFFFF70] =	vst v9  }
0x3ff: {  	v9 =	vld.idx.msk [tilespmem:v52+s11+$0x0], $0xffff  }
0x400: {  	v53 =	vor.u32 $0x7, v2;
	_ =	sdelay $0x3  }
0x401: {  	[tilespmem:s0+$0xFFFFFF80] =	vst v9  }
0x402: {  	v9 =	vld.idx.msk [tilespmem:v53+s11+$0x0], $0xffff  }
0x403: {  	v54 =	vor.u32 $0x7, v3;
	_ =	sdelay $0x3  }
0x404: {  	[tilespmem:s0+$0xFFFFFF90] =	vst v9  }
0x405: {  	v9 =	vld.idx.msk [tilespmem:v54+s11+$0x0], $0xffff  }
0x406: {  	v55 =	vor.u32 $0x7, v4;
	_ =	sdelay $0x3  }
0x407: {  	[tilespmem:s0+$0xFFFFFFA0] =	vst v9  }
0x408: {  	v9 =	vld.idx.msk [tilespmem:v55+s11+$0x0], $0xffff  }
0x409: {  	v56 =	vor.u32 $0x7, v5;
	_ =	sdelay $0x3  }
0x40a: {  	[tilespmem:s0+$0xFFFFFFB0] =	vst v9  }
0x40b: {  	v9 =	vld.idx.msk [tilespmem:v56+s11+$0x0], $0xffff  }
0x40c: {  	v57 =	vor.u32 $0x7, v6;
	_ =	sdelay $0x3  }
0x40d: {  	[tilespmem:s0+$0xFFFFFFC0] =	vst v9  }
0x40e: {  	v9 =	vld.idx.msk [tilespmem:v57+s11+$0x0], $0xffff  }
0x40f: {  	v58 =	vor.u32 $0x7, v7;
	_ =	sdelay $0x3  }
0x410: {  	[tilespmem:s0+$0xFFFFFFD0] =	vst v9  }
0x411: {  	v9 =	vld.idx.msk [tilespmem:v58+s11+$0x0], $0xffff  }
0x412: {  	v59 =	vor.u32 $0x7, v8;
	_ =	sdelay $0x3  }
0x413: {  	[tilespmem:s0+$0xFFFFFFE0] =	vst v9  }
0x414: {  	v9 =	vld.idx.msk [tilespmem:v59+s11+$0x0], $0xffff  }
0x415: {  	v60 =	vor.u32 $0x8, v1;
	_ =	sdelay $0x3  }
0x416: {  	[tilespmem:s0+$0xFFFFFFF0] =	vst v9  }
0x417: {  	v9 =	vld.idx.msk [tilespmem:v60+s11+$0x0], $0xffff  }
0x418: {  	v61 =	vor.u32 $0x8, v2;
	_ =	sdelay $0x3  }
0x419: {  	[tilespmem:s0+$0x0] =	vst v9  }
0x41a: {  	v9 =	vld.idx.msk [tilespmem:v61+s11+$0x0], $0xffff  }
0x41b: {  	v62 =	vor.u32 $0x8, v3;
	_ =	sdelay $0x3  }
0x41c: {  	[tilespmem:s0+$0x10] =	vst v9  }
0x41d: {  	v9 =	vld.idx.msk [tilespmem:v62+s11+$0x0], $0xffff  }
0x41e: {  	v63 =	vor.u32 $0x8, v4;
	_ =	sdelay $0x3  }
0x41f: {  	[tilespmem:s0+$0x20] =	vst v9  }
0x420: {  	v9 =	vld.idx.msk [tilespmem:v63+s11+$0x0], $0xffff  }
0x421: {  	v12 =	vor.u32 $0x8, v5;
	_ =	sdelay $0x3  }
0x422: {  	[tilespmem:s0+$0x30] =	vst v9  }
0x423: {  	v9 =	vld.idx.msk [tilespmem:v12+s11+$0x0], $0xffff  }
0x424: {  	v13 =	vor.u32 $0x8, v6;
	_ =	sdelay $0x3  }
0x425: {  	[tilespmem:s0+$0x40] =	vst v9  }
0x426: {  	v9 =	vld.idx.msk [tilespmem:v13+s11+$0x0], $0xffff  }
0x427: {  	v14 =	vor.u32 $0x8, v7;
	_ =	sdelay $0x3  }
0x428: {  	[tilespmem:s0+$0x50] =	vst v9  }
0x429: {  	v9 =	vld.idx.msk [tilespmem:v14+s11+$0x0], $0xffff  }
0x42a: {  	v15 =	vor.u32 $0x8, v8;
	_ =	sdelay $0x3  }
0x42b: {  	[tilespmem:s0+$0x60] =	vst v9  }
0x42c: {  	v9 =	vld.idx.msk [tilespmem:v15+s11+$0x0], $0xffff  }
0x42d: {  	v16 =	vor.u32 $0x9, v1;
	_ =	sdelay $0x3  }
0x42e: {  	[tilespmem:s0+$0x70] =	vst v9  }
0x42f: {  	v9 =	vld.idx.msk [tilespmem:v16+s11+$0x0], $0xffff  }
0x430: {  	v17 =	vor.u32 $0x9, v2;
	_ =	sdelay $0x3  }
0x431: {  	[tilespmem:s0+$0x80] =	vst v9  }
0x432: {  	v9 =	vld.idx.msk [tilespmem:v17+s11+$0x0], $0xffff  }
0x433: {  	v18 =	vor.u32 $0x9, v3;
	_ =	sdelay $0x3  }
0x434: {  	[tilespmem:s0+$0x90] =	vst v9  }
0x435: {  	v9 =	vld.idx.msk [tilespmem:v18+s11+$0x0], $0xffff  }
0x436: {  	v19 =	vor.u32 $0x9, v4;
	_ =	sdelay $0x3  }
0x437: {  	[tilespmem:s0+$0xA0] =	vst v9  }
0x438: {  	v9 =	vld.idx.msk [tilespmem:v19+s11+$0x0], $0xffff  }
0x439: {  	v20 =	vor.u32 $0x9, v5;
	_ =	sdelay $0x3  }
0x43a: {  	[tilespmem:s0+$0xB0] =	vst v9  }
0x43b: {  	v9 =	vld.idx.msk [tilespmem:v20+s11+$0x0], $0xffff  }
0x43c: {  	v21 =	vor.u32 $0x9, v6;
	_ =	sdelay $0x3  }
0x43d: {  	[tilespmem:s0+$0xC0] =	vst v9  }
0x43e: {  	v9 =	vld.idx.msk [tilespmem:v21+s11+$0x0], $0xffff  }
0x43f: {  	v22 =	vor.u32 $0x9, v7;
	_ =	sdelay $0x3  }
0x440: {  	[tilespmem:s0+$0xD0] =	vst v9  }
0x441: {  	v9 =	vld.idx.msk [tilespmem:v22+s11+$0x0], $0xffff  }
0x442: {  	v23 =	vor.u32 $0x9, v8;
	_ =	sdelay $0x3  }
0x443: {  	[tilespmem:s0+$0xE0] =	vst v9  }
0x444: {  	v9 =	vld.idx.msk [tilespmem:v23+s11+$0x0], $0xffff  }
0x445: {  	v24 =	vor.u32 $0xA, v1;
	_ =	sdelay $0x3  }
0x446: {  	[tilespmem:s0+$0xF0] =	vst v9  }
0x447: {  	v9 =	vld.idx.msk [tilespmem:v24+s11+$0x0], $0xffff  }
0x448: {  	v25 =	vor.u32 $0xA, v2;
	_ =	sdelay $0x3  }
0x449: {  	[tilespmem:s0+$0x100] =	vst v9  }
0x44a: {  	v9 =	vld.idx.msk [tilespmem:v25+s11+$0x0], $0xffff  }
0x44b: {  	v26 =	vor.u32 $0xA, v3;
	_ =	sdelay $0x3  }
0x44c: {  	[tilespmem:s0+$0x110] =	vst v9  }
0x44d: {  	v9 =	vld.idx.msk [tilespmem:v26+s11+$0x0], $0xffff  }
0x44e: {  	v27 =	vor.u32 $0xA, v4;
	_ =	sdelay $0x3  }
0x44f: {  	[tilespmem:s0+$0x120] =	vst v9  }
0x450: {  	v9 =	vld.idx.msk [tilespmem:v27+s11+$0x0], $0xffff  }
0x451: {  	v28 =	vor.u32 $0xA, v5;
	_ =	sdelay $0x3  }
0x452: {  	[tilespmem:s0+$0x130] =	vst v9  }
0x453: {  	v9 =	vld.idx.msk [tilespmem:v28+s11+$0x0], $0xffff  }
0x454: {  	v29 =	vor.u32 $0xA, v6;
	_ =	sdelay $0x3  }
0x455: {  	[tilespmem:s0+$0x140] =	vst v9  }
0x456: {  	v9 =	vld.idx.msk [tilespmem:v29+s11+$0x0], $0xffff  }
0x457: {  	v30 =	vor.u32 $0xA, v7;
	_ =	sdelay $0x3  }
0x458: {  	[tilespmem:s0+$0x150] =	vst v9  }
0x459: {  	v9 =	vld.idx.msk [tilespmem:v30+s11+$0x0], $0xffff  }
0x45a: {  	v31 =	vor.u32 $0xA, v8;
	_ =	sdelay $0x3  }
0x45b: {  	[tilespmem:s0+$0x160] =	vst v9  }
0x45c: {  	v9 =	vld.idx.msk [tilespmem:v31+s11+$0x0], $0xffff  }
0x45d: {  	v32 =	vor.u32 $0xB, v1;
	_ =	sdelay $0x3  }
0x45e: {  	[tilespmem:s0+$0x170] =	vst v9  }
0x45f: {  	v9 =	vld.idx.msk [tilespmem:v32+s11+$0x0], $0xffff  }
0x460: {  	v33 =	vor.u32 $0xB, v2;
	_ =	sdelay $0x3  }
0x461: {  	[tilespmem:s0+$0x180] =	vst v9  }
0x462: {  	v9 =	vld.idx.msk [tilespmem:v33+s11+$0x0], $0xffff  }
0x463: {  	v34 =	vor.u32 $0xB, v3;
	_ =	sdelay $0x3  }
0x464: {  	[tilespmem:s0+$0x190] =	vst v9  }
0x465: {  	v9 =	vld.idx.msk [tilespmem:v34+s11+$0x0], $0xffff  }
0x466: {  	v35 =	vor.u32 $0xB, v4;
	_ =	sdelay $0x3  }
0x467: {  	[tilespmem:s0+$0x1A0] =	vst v9  }
0x468: {  	v9 =	vld.idx.msk [tilespmem:v35+s11+$0x0], $0xffff  }
0x469: {  	v36 =	vor.u32 $0xB, v5;
	_ =	sdelay $0x3  }
0x46a: {  	[tilespmem:s0+$0x1B0] =	vst v9  }
0x46b: {  	v9 =	vld.idx.msk [tilespmem:v36+s11+$0x0], $0xffff  }
0x46c: {  	v37 =	vor.u32 $0xB, v6;
	_ =	sdelay $0x3  }
0x46d: {  	[tilespmem:s0+$0x1C0] =	vst v9  }
0x46e: {  	v9 =	vld.idx.msk [tilespmem:v37+s11+$0x0], $0xffff  }
0x46f: {  	v38 =	vor.u32 $0xB, v7;
	_ =	sdelay $0x3  }
0x470: {  	[tilespmem:s0+$0x1D0] =	vst v9  }
0x471: {  	v9 =	vld.idx.msk [tilespmem:v38+s11+$0x0], $0xffff  }
0x472: {  	v39 =	vor.u32 $0xB, v8;
	_ =	sdelay $0x3  }
0x473: {  	[tilespmem:s0+$0x1E0] =	vst v9  }
0x474: {  	v9 =	vld.idx.msk [tilespmem:v39+s11+$0x0], $0xffff  }
0x475: {  	v40 =	vor.u32 $0xC, v1;
	_ =	sdelay $0x3  }
0x476: {  	[tilespmem:s0+$0x1F0] =	vst v9  }
0x477: {  	v9 =	vld.idx.msk [tilespmem:v40+s11+$0x0], $0xffff  }
0x478: {  	v41 =	vor.u32 $0xC, v2;
	_ =	sdelay $0x3  }
0x479: {  	[tilespmem:s0+$0x200] =	vst v9  }
0x47a: {  	v9 =	vld.idx.msk [tilespmem:v41+s11+$0x0], $0xffff  }
0x47b: {  	v42 =	vor.u32 $0xC, v3;
	_ =	sdelay $0x3  }
0x47c: {  	[tilespmem:s0+$0x210] =	vst v9  }
0x47d: {  	v9 =	vld.idx.msk [tilespmem:v42+s11+$0x0], $0xffff  }
0x47e: {  	v43 =	vor.u32 $0xC, v4;
	_ =	sdelay $0x3  }
0x47f: {  	[tilespmem:s0+$0x220] =	vst v9  }
0x480: {  	v9 =	vld.idx.msk [tilespmem:v43+s11+$0x0], $0xffff  }
0x481: {  	v44 =	vor.u32 $0xC, v5;
	_ =	sdelay $0x3  }
0x482: {  	[tilespmem:s0+$0x230] =	vst v9  }
0x483: {  	v9 =	vld.idx.msk [tilespmem:v44+s11+$0x0], $0xffff  }
0x484: {  	v45 =	vor.u32 $0xC, v6;
	_ =	sdelay $0x3  }
0x485: {  	[tilespmem:s0+$0x240] =	vst v9  }
0x486: {  	v9 =	vld.idx.msk [tilespmem:v45+s11+$0x0], $0xffff  }
0x487: {  	v46 =	vor.u32 $0xC, v7;
	_ =	sdelay $0x3  }
0x488: {  	[tilespmem:s0+$0x250] =	vst v9  }
0x489: {  	v9 =	vld.idx.msk [tilespmem:v46+s11+$0x0], $0xffff  }
0x48a: {  	v47 =	vor.u32 $0xC, v8;
	_ =	sdelay $0x3  }
0x48b: {  	[tilespmem:s0+$0x260] =	vst v9  }
0x48c: {  	v9 =	vld.idx.msk [tilespmem:v47+s11+$0x0], $0xffff  }
0x48d: {  	v48 =	vor.u32 $0xD, v1;
	_ =	sdelay $0x3  }
0x48e: {  	[tilespmem:s0+$0x270] =	vst v9  }
0x48f: {  	v9 =	vld.idx.msk [tilespmem:v48+s11+$0x0], $0xffff  }
0x490: {  	v49 =	vor.u32 $0xD, v2;
	_ =	sdelay $0x3  }
0x491: {  	[tilespmem:s0+$0x280] =	vst v9  }
0x492: {  	v9 =	vld.idx.msk [tilespmem:v49+s11+$0x0], $0xffff  }
0x493: {  	v50 =	vor.u32 $0xD, v3;
	_ =	sdelay $0x3  }
0x494: {  	[tilespmem:s0+$0x290] =	vst v9  }
0x495: {  	v9 =	vld.idx.msk [tilespmem:v50+s11+$0x0], $0xffff  }
0x496: {  	v51 =	vor.u32 $0xD, v4;
	_ =	sdelay $0x3  }
0x497: {  	[tilespmem:s0+$0x2A0] =	vst v9  }
0x498: {  	v9 =	vld.idx.msk [tilespmem:v51+s11+$0x0], $0xffff  }
0x499: {  	v52 =	vor.u32 $0xD, v5;
	_ =	sdelay $0x3  }
0x49a: {  	[tilespmem:s0+$0x2B0] =	vst v9  }
0x49b: {  	v9 =	vld.idx.msk [tilespmem:v52+s11+$0x0], $0xffff  }
0x49c: {  	v53 =	vor.u32 $0xD, v6;
	_ =	sdelay $0x3  }
0x49d: {  	[tilespmem:s0+$0x2C0] =	vst v9  }
0x49e: {  	v9 =	vld.idx.msk [tilespmem:v53+s11+$0x0], $0xffff  }
0x49f: {  	v54 =	vor.u32 $0xD, v7;
	_ =	sdelay $0x3  }
0x4a0: {  	[tilespmem:s0+$0x2D0] =	vst v9  }
0x4a1: {  	v9 =	vld.idx.msk [tilespmem:v54+s11+$0x0], $0xffff  }
0x4a2: {  	v55 =	vor.u32 $0xD, v8;
	_ =	sdelay $0x3  }
0x4a3: {  	[tilespmem:s0+$0x2E0] =	vst v9  }
0x4a4: {  	v9 =	vld.idx.msk [tilespmem:v55+s11+$0x0], $0xffff  }
0x4a5: {  	v56 =	vor.u32 $0xE, v1;
	_ =	sdelay $0x3  }
0x4a6: {  	[tilespmem:s0+$0x2F0] =	vst v9  }
0x4a7: {  	v9 =	vld.idx.msk [tilespmem:v56+s11+$0x0], $0xffff  }
0x4a8: {  	v57 =	vor.u32 $0xE, v2;
	_ =	sdelay $0x3  }
0x4a9: {  	[tilespmem:s0+$0x300] =	vst v9  }
0x4aa: {  	v9 =	vld.idx.msk [tilespmem:v57+s11+$0x0], $0xffff  }
0x4ab: {  	v58 =	vor.u32 $0xE, v3;
	_ =	sdelay $0x3  }
0x4ac: {  	[tilespmem:s0+$0x310] =	vst v9  }
0x4ad: {  	v9 =	vld.idx.msk [tilespmem:v58+s11+$0x0], $0xffff  }
0x4ae: {  	v59 =	vor.u32 $0xE, v4;
	_ =	sdelay $0x3  }
0x4af: {  	[tilespmem:s0+$0x320] =	vst v9  }
0x4b0: {  	v9 =	vld.idx.msk [tilespmem:v59+s11+$0x0], $0xffff  }
0x4b1: {  	v60 =	vor.u32 $0xE, v5;
	_ =	sdelay $0x3  }
0x4b2: {  	[tilespmem:s0+$0x330] =	vst v9  }
0x4b3: {  	v9 =	vld.idx.msk [tilespmem:v60+s11+$0x0], $0xffff  }
0x4b4: {  	v61 =	vor.u32 $0xE, v6;
	_ =	sdelay $0x3  }
0x4b5: {  	[tilespmem:s0+$0x340] =	vst v9  }
0x4b6: {  	v9 =	vld.idx.msk [tilespmem:v61+s11+$0x0], $0xffff  }
0x4b7: {  	v62 =	vor.u32 $0xE, v7;
	_ =	sdelay $0x3  }
0x4b8: {  	[tilespmem:s0+$0x350] =	vst v9  }
0x4b9: {  	v9 =	vld.idx.msk [tilespmem:v62+s11+$0x0], $0xffff  }
0x4ba: {  	v63 =	vor.u32 $0xE, v8;
	_ =	sdelay $0x3  }
0x4bb: {  	[tilespmem:s0+$0x360] =	vst v9  }
0x4bc: {  	v9 =	vld.idx.msk [tilespmem:v63+s11+$0x0], $0xffff  }
0x4bd: {  	v1 =	vor.u32 $0xF, v1;
	_ =	sdelay $0x3  }
0x4be: {  	[tilespmem:s0+$0x370] =	vst v9  }
0x4bf: {  	v1 =	vld.idx.msk [tilespmem:v1+s11+$0x0], $0xffff  }
0x4c0: {  	v2 =	vor.u32 $0xF, v2;
	_ =	sdelay $0x3  }
0x4c1: {  	[tilespmem:s0+$0x380] =	vst v1  }
0x4c2: {  	v1 =	vld.idx.msk [tilespmem:v2+s11+$0x0], $0xffff  }
0x4c3: {  	v2 =	vor.u32 $0xF, v3;
	_ =	sdelay $0x3  }
0x4c4: {  	[tilespmem:s0+$0x390] =	vst v1  }
0x4c5: {  	v1 =	vld.idx.msk [tilespmem:v2+s11+$0x0], $0xffff  }
0x4c6: {  	v2 =	vor.u32 $0xF, v4;
	_ =	sdelay $0x3  }
0x4c7: {  	[tilespmem:s0+$0x3A0] =	vst v1  }
0x4c8: {  	v1 =	vld.idx.msk [tilespmem:v2+s11+$0x0], $0xffff  }
0x4c9: {  	v2 =	vor.u32 $0xF, v5;
	_ =	sdelay $0x3  }
0x4ca: {  	[tilespmem:s0+$0x3B0] =	vst v1  }
0x4cb: {  	v1 =	vld.idx.msk [tilespmem:v2+s11+$0x0], $0xffff  }
0x4cc: {  	v2 =	vor.u32 $0xF, v6;
	_ =	sdelay $0x3  }
0x4cd: {  	[tilespmem:s0+$0x3C0] =	vst v1  }
0x4ce: {  	v1 =	vld.idx.msk [tilespmem:v2+s11+$0x0], $0xffff  }
0x4cf: {  	v2 =	vor.u32 $0xF, v7;
	_ =	sdelay $0x3  }
0x4d0: {  	[tilespmem:s0+$0x3D0] =	vst v1  }
0x4d1: {  	v1 =	vld.idx.msk [tilespmem:v2+s11+$0x0], $0xffff  }
0x4d2: {  	v2 =	vor.u32 $0xF, v8;
	_ =	sdelay $0x3  }
0x4d3: {  	[tilespmem:s0+$0x3E0] =	vst v1  }
0x4d4: {  	v1 =	vld.idx.msk [tilespmem:v2+s11+$0x0], $0xffff;
	_ =	sdelay $0x1  }
0x4d5: {  	s30 =	sshll.u32 s29, $0xE  }
0x4d6: {  	s29 =	sadd.s32 $0x1, s29;
	s2 =	sadd.s32 s7, s30  }
0x4d7: {  	p0 =	sne.s32 s29, $0x19;
	s2 =	sshrl.u32 s2, $0x3  }
.Ltmp1:
0x4d8: {  	s31 =	sadd.s32 s3, s2;
	[tilespmem:s0+$0x3F0] =	vst v1;
	(pc) =	sbr.rel @p0 .LBB2_2-.Ltmp1, $4  }
0x4d9: {  	[hbm4b:s31+s4] =	stream.linear.scatter [tilespmem:s26], [sflag:$0x2], $0x4000, $0x38;
	[tilespmem:$0x8400] =	vst v63  }
0x4da: {  	_ =	swait.ge [sflag:s9], $0x4000  }
0x4db: {  	[sflag:s9] =	ssyncset.done $0x0  }
0x4dc: {  	[sflag:s9] =	ssyncadd.s32 $0xFFFFC000  }
0x4dd: {  	s28 =	sadd.s32 $0x1, s28  }
0x4de: {  	p0 =	sne.s32 s28, s8  }
.Ltmp2:
0x4df: {  	_ = 	snop;
	(pc) =	sbr.rel @p0 .LBB2_1-.Ltmp2, $1  }
0x4e0: {  	_ =	sdelay $0x3  }
0x4e1: {  	_ =	sfence.sel $0x180000  }
0x4e2: {  	[bflag:$0x0] =	sbarrier.arrive $0xFFFF  }
0x4e3: {  	_ =	strace $0x9000004A  }
0x4e4: {  	s0 =	stileid.u32;
	[bflag:$0x2] =	sbarrier.arrive $0xFFFF  }
0x4e5: {  	p0 =	sne.s32 s0, $0x0;
	s0 =	rddreg [dreg:$0x3]  }
0x4e6: {  	s0 =	sadd.s32 @!p0 $0x100000, s0  }
0x4e7: {  	[sflag:s0] =	ssyncadd.tile.s32 @!p0 $0x1;
	_ =	shalt  }
.Lfunc_end2:
_tile_overlayer_lowered:
.L_overlay_start_2:
0x4e8: {  	(tag) =	ssettag $0x2  }
0x4e9: {  	s0 =	rddreg [dreg:$0x0];
	s2 =	stileid.u32  }
0x4ea: {  	s1 =	rddreg [dreg:$0x1];
	p0 =	sne.s32 s2, $0x0  }
0x4eb: {  	s3 =	rddreg [dreg:$0x2];
	[bflag:$0x3] =	sbarrier.arrive $0xFFFF;
	s2 =	simm.s32 @!p0 $0x1C02  }
0x4ec: {  	[timem:s3], [sflag:s2] =	dma.local @!p0 [hbm:s0], s1  }
0x4ed: {  	s0 =	simm.s32 @!p0 $0x2  }
0x4ee: {  	_ =	swait.ge @!p0 [sflag:s0], s1  }
0x4ef: {  	s1 =	ssub.s32 @!p0 $0x0, s1;
	[sflag:s0] =	ssyncset.done @!p0 $0x0  }
0x4f0: {  	[sflag:s0] =	ssyncadd.s32 @!p0 s1  }
0x4f1: {  	[bflag:$0x3] =	sbarrier.arrive $0xFFFF  }
0x4f2: {  	_ =	shalt  }

</sc_bundles>
